<compile_context>
chip_gen: v7x
topology: tpu7x:2x2x1
jax: 0.10.2.dev20260603
libtpu: 0.0.44.dev20260713+nightly
codegen_flags: <defaults>
</compile_context>

<pallas_src>
import functools

import jax
import jax.numpy as jnp
from jax import lax
from jax.experimental import pallas as pl
from jax.experimental.pallas import tpu as pltpu
from jax.experimental.pallas import tpu_sc as plsc

_NC = 2
_NS = 16
_NW = _NC * _NS
_L = 16


def _silu(x):
    return x * lax.logistic(x)


def _split_body(e_ref, row_ref, col_ref):
    row_ref[...] = e_ref[0]
    col_ref[...] = e_ref[1]


def _proj_body(hq_ref, hkv_ref, w1_ref, be1_ref, aq_ref, ak_ref):
    d = hq_ref.shape[1]
    aq_ref[...] = jnp.dot(hq_ref[...], w1_ref[:d],
                          preferred_element_type=jnp.float32)
    ak_ref[...] = jnp.dot(hkv_ref[...], w1_ref[d:],
                          preferred_element_type=jnp.float32) + be1_ref[...]


_NBUF = 4
_GBUF = 5
_GLEAD = 3


@functools.lru_cache(maxsize=None)
def _make_gather_add(N, H, esz, eoff, C):
    epw = esz // _NW
    nch = epw // C
    ngrp = nch // _GBUF
    assert nch == ngrp * _GBUF
    mesh = plsc.VectorSubcoreMesh(core_axis_name="c", subcore_axis_name="s")

    @functools.partial(
        pl.kernel,
        out_type=jax.ShapeDtypeStruct((esz, H), jnp.float32),
        mesh=mesh,
        scratch_types=[
            pltpu.VMEM((epw,), jnp.int32),
            pltpu.VMEM((epw,), jnp.int32),
            [pltpu.VMEM((C, H), jnp.float32)] * _GBUF,
            [pltpu.VMEM((C, H), jnp.float32)] * _GBUF,
            [pltpu.SemaphoreType.DMA] * _GBUF,
            [pltpu.SemaphoreType.DMA] * _GBUF,
        ],
    )
    def gather_add(aq_hbm, ak_hbm, row_hbm, col_hbm, out_hbm,
                   ridx, cidx, bqs, bks, gsems, osems):
        wid = lax.axis_index("s") * _NC + lax.axis_index("c")
        base = wid * epw

        pltpu.sync_copy(row_hbm.at[pl.ds(eoff + base, epw)], ridx)
        pltpu.sync_copy(col_hbm.at[pl.ds(eoff + base, epw)], cidx)

        def issue_gather(k, b):
            pltpu.async_copy(aq_hbm.at[ridx.at[pl.ds(k * C, C)]], bqs[b],
                             gsems[b])
            pltpu.async_copy(ak_hbm.at[cidx.at[pl.ds(k * C, C)]], bks[b],
                             gsems[b])

        def wait_gather(k, b):
            pltpu.make_async_copy(aq_hbm.at[ridx.at[pl.ds(k * C, C)]],
                                  bqs[b], gsems[b]).wait()
            pltpu.make_async_copy(ak_hbm.at[cidx.at[pl.ds(k * C, C)]],
                                  bks[b], gsems[b]).wait()

        def add_and_out(k, b):
            bq, bk = bqs[b], bks[b]

            def add_row(e, c2):
                for j in range(H // _L):
                    sl = pl.ds(j * _L, _L)
                    plsc.addupdate(bq.at[e, sl], bk[e, sl])
                return c2

            lax.fori_loop(0, C, add_row, 0)
            pltpu.async_copy(bq, out_hbm.at[pl.ds(base + k * C, C)],
                             osems[b])

        def wait_out(b):
            pltpu.make_async_copy(bqs[b], out_hbm.at[pl.ds(base, C)],
                                  osems[b]).wait()

        for k0 in range(_GLEAD):
            issue_gather(k0, k0)

        def group(i, c):
            for p in range(_GBUF):
                k = _GBUF * i + p
                nk = k + _GLEAD
                nb = (p + _GLEAD) % _GBUF
                if p < _GLEAD - 1:
                    @pl.when(i > 0)
                    def _():
                        wait_out(nb)
                    issue_gather(nk, nb)
                else:
                    @pl.when(i < ngrp - 1)
                    def _():
                        wait_out(nb)
                        issue_gather(nk, nb)
                wait_gather(k, p)
                add_and_out(k, p)
            return c

        lax.fori_loop(0, ngrp, group, 0)
        for b in range(_GBUF):
            wait_out(b)

    return gather_add


def _edge_body(g_ref, w2_ref, b2_ref, out_ref):
    h1 = _silu(g_ref[...])
    out_ref[...] = _silu(jnp.dot(h1, w2_ref[...],
                                 preferred_element_type=jnp.float32)
                         + b2_ref[...])


def _edge_body_acc(prev_ref, g_ref, w2_ref, b2_ref, out_ref):
    del prev_ref
    _edge_body(g_ref, w2_ref, b2_ref, out_ref)


@functools.lru_cache(maxsize=None)
def _make_scatter_add(N, H, E):
    epw = E // _NW
    C = 80
    nch = epw // C
    n_pad = ((N + _NS * 8 - 1) // (_NS * 8)) * (_NS * 8)
    rpt = n_pad // _NS
    mesh = plsc.VectorSubcoreMesh(core_axis_name="c", subcore_axis_name="s")

    ngrp = (nch - 1) // _NBUF
    assert nch == 1 + ngrp * _NBUF

    @functools.partial(
        pl.kernel,
        out_type=jax.ShapeDtypeStruct((_NC, n_pad, H), jnp.float32),
        mesh=mesh,
        scratch_types=[
            [pltpu.VMEM((C,), jnp.int32)] * _NBUF,
            [pltpu.VMEM((C, H), jnp.float32)] * _NBUF,
            pltpu.VMEM_SHARED((n_pad, H), jnp.float32),
            [pltpu.SemaphoreType.DMA] * _NBUF,
            [pltpu.SemaphoreType.DMA] * _NBUF,
        ],
    )
    def scatter_add(mij_hbm, row_hbm, out_hbm, idxs, vals, acc,
                    vsems, ssems):
        cid = lax.axis_index("c")
        sid = lax.axis_index("s")
        wid = sid * _NC + cid
        base = wid * epw

        zero = jnp.zeros((_L,), jnp.float32)

        def zrow(r, c2):
            for j in range(H // _L):
                vals[0][r, pl.ds(j * _L, _L)] = zero
            return c2

        lax.fori_loop(0, C, zrow, 0)
        nz = (rpt + C - 1) // C

        def zcopy(t, c2):
            off = jnp.minimum(t * C, rpt - C)
            pltpu.sync_copy(vals[0], acc.at[pl.ds(sid * rpt + off, C)])
            return c2

        lax.fori_loop(0, nz, zcopy, 0)
        plsc.subcore_barrier()

        def issue_copies(k, b):
            off = base + k * C
            pltpu.async_copy(row_hbm.at[pl.ds(off, C)], idxs[b], vsems[b])
            pltpu.async_copy(mij_hbm.at[pl.ds(off, C)], vals[b], vsems[b])

        def wait_copies(k, b):
            off = base + k * C
            pltpu.make_async_copy(row_hbm.at[pl.ds(off, C)], idxs[b],
                                  vsems[b]).wait()
            pltpu.make_async_copy(mij_hbm.at[pl.ds(off, C)], vals[b],
                                  vsems[b]).wait()

        def issue_scatter(b):
            pltpu.async_copy(vals[b], acc.at[idxs[b]], ssems[b], add=True)

        def wait_scatter(b):
            pltpu.make_async_copy(vals[b], acc.at[idxs[b]],
                                  ssems[b]).wait()

        issue_copies(0, 0)
        issue_copies(1, 1)
        wait_copies(0, 0)
        issue_scatter(0)

        def group(i, c):
            for p in range(_NBUF):
                k = _NBUF * i + 1 + p
                b = (p + 1) % _NBUF
                nk = k + 1
                nb = (b + 1) % _NBUF
                if p == 2:
                    wait_scatter(nb)
                    issue_copies(nk, nb)
                elif p == 0 or p == 1:
                    @pl.when(i > 0)
                    def _():
                        wait_scatter(nb)
                    issue_copies(nk, nb)
                else:
                    @pl.when(i < ngrp - 1)
                    def _():
                        wait_scatter(nb)
                        issue_copies(nk, nb)
                wait_copies(k, b)
                issue_scatter(b)
            return c

        lax.fori_loop(0, ngrp, group, 0)
        for b in range(_NBUF):
            wait_scatter(b)
        plsc.subcore_barrier()

        pltpu.sync_copy(acc.at[pl.ds(sid * rpt, rpt)],
                        out_hbm.at[cid, pl.ds(sid * rpt, rpt)])

    return scatter_add


def _node_body(hq_ref, p_ref, wn1_ref, bn1_ref, wn2_ref, bn2_ref,
               out_ref):
    agg = p_ref[0] + p_ref[1]
    hq = hq_ref[...]
    d = hq_ref.shape[1]
    t = _silu(jnp.dot(hq, wn1_ref[:d], preferred_element_type=jnp.float32)
              + jnp.dot(agg, wn1_ref[d:], preferred_element_type=jnp.float32)
              + bn1_ref[...])
    out_ref[...] = hq + jnp.dot(t, wn2_ref[...],
                                preferred_element_type=jnp.float32) + bn2_ref[...]


def kernel(h_q, h_kv, edge_index, We1, be1, We2, be2, Wn1, bn1, Wn2, bn2):
    N, D = h_q.shape
    H = We2.shape[0]
    E = edge_index.shape[1]

    row, col = pl.pallas_call(
        _split_body,
        out_shape=[jax.ShapeDtypeStruct((E,), jnp.int32)] * 2,
    )(edge_index)

    BN = 2000
    grid_n = N // BN
    aq, ak = pl.pallas_call(
        _proj_body,
        grid=(grid_n,),
        in_specs=[
            pl.BlockSpec((BN, D), lambda i: (i, 0)),
            pl.BlockSpec((BN, D), lambda i: (i, 0)),
            pl.BlockSpec((2 * D, H), lambda i: (0, 0)),
            pl.BlockSpec((H,), lambda i: (0,)),
        ],
        out_specs=[
            pl.BlockSpec((BN, H), lambda i: (i, 0)),
            pl.BlockSpec((BN, H), lambda i: (i, 0)),
        ],
        out_shape=[jax.ShapeDtypeStruct((N, H), jnp.float32)] * 2,
    )(h_q, h_kv, We1, be1)

    E2 = E // 2
    g0 = _make_gather_add(N, H, E2, 0, 40)(aq, ak, row, col)
    g1 = _make_gather_add(N, H, E2, E2, 40)(aq, ak, row, col)

    BE = 16000
    nblk = E2 // BE
    mij0 = pl.pallas_call(
        _edge_body,
        grid=(nblk,),
        in_specs=[
            pl.BlockSpec((BE, H), lambda i: (i, 0)),
            pl.BlockSpec((H, H), lambda i: (0, 0)),
            pl.BlockSpec((H,), lambda i: (0,)),
        ],
        out_specs=pl.BlockSpec((BE, H), lambda i: (i, 0)),
        out_shape=jax.ShapeDtypeStruct((E, H), jnp.float32),
    )(g0, We2, be2)
    mij = pl.pallas_call(
        _edge_body_acc,
        grid=(nblk,),
        in_specs=[
            pl.BlockSpec(memory_space=pltpu.HBM),
            pl.BlockSpec((BE, H), lambda i: (i, 0)),
            pl.BlockSpec((H, H), lambda i: (0, 0)),
            pl.BlockSpec((H,), lambda i: (0,)),
        ],
        out_specs=pl.BlockSpec((BE, H), lambda i, _n=nblk: (i + _n, 0)),
        out_shape=jax.ShapeDtypeStruct((E, H), jnp.float32),
        input_output_aliases={0: 0},
    )(mij0, g1, We2, be2)

    partials = _make_scatter_add(N, H, E)(mij, row)

    h_new = pl.pallas_call(
        _node_body,
        grid=(grid_n,),
        in_specs=[
            pl.BlockSpec((BN, D), lambda i: (i, 0)),
            pl.BlockSpec((_NC, BN, H), lambda i: (0, i, 0)),
            pl.BlockSpec((2 * D, H), lambda i: (0, 0)),
            pl.BlockSpec((H,), lambda i: (0,)),
            pl.BlockSpec((H, D), lambda i: (0, 0)),
            pl.BlockSpec((D,), lambda i: (0,)),
        ],
        out_specs=pl.BlockSpec((BN, D), lambda i: (i, 0)),
        out_shape=jax.ShapeDtypeStruct((N, D), jnp.float32),
    )(h_q, partials, Wn1, bn1, Wn2, bn2)

    return (h_new, mij)

# --- scband reference (transcript-rebuilt; emitter-appended) ---
"""Pipeline reference for scband-cross-gcl-20306605376059 (READ-ONLY COPY).

The authoritative reference and input builder live on the scoring server;
editing this copy changes nothing except your own understanding.
"""

import jax, jax.numpy as jnp
import numpy as np

N = 10000
E = 320000
D = 128   # input_nf_q = input_nf_kv = output_nf
H = 128   # hidden_nf
NORM_FACTOR = 1.0


def _linear_params(key, fan_in, fan_out):
    kw, kb = jax.random.split(key)
    bound = 1.0 / np.sqrt(fan_in)
    W = jax.random.uniform(kw, (fan_in, fan_out), minval=-bound, maxval=bound, dtype=jnp.float32)
    b = jax.random.uniform(kb, (fan_out,), minval=-bound, maxval=bound, dtype=jnp.float32)
    return W, b


def setup_inputs(seed: int = 0) -> dict:
    key = jax.random.key(seed)
    ks = jax.random.split(key, 8)
    h_q = jax.random.normal(ks[0], (N, D), dtype=jnp.float32)
    h_kv = jax.random.normal(ks[1], (N, D), dtype=jnp.float32)
    edge_index = jax.random.randint(ks[2], (2, E), 0, N, dtype=jnp.int32)
    We1, be1 = _linear_params(ks[3], D + D, H)   # edge_mlp layer 1 (input_edge = 128+128)
    We2, be2 = _linear_params(ks[4], H, H)       # edge_mlp layer 2
    Wn1, bn1 = _linear_params(ks[5], H + D, H)   # node_mlp layer 1
    Wn2, bn2 = _linear_params(ks[6], H, D)       # node_mlp layer 2
    return {"h_q": h_q, "h_kv": h_kv, "edge_index": edge_index,
            "We1": We1, "be1": be1, "We2": We2, "be2": be2,
            "Wn1": Wn1, "bn1": bn1, "Wn2": Wn2, "bn2": bn2}


def reference(h_q, h_kv, edge_index, We1, be1, We2, be2, Wn1, bn1, Wn2, bn2):
    row = edge_index[0]
    col = edge_index[1]
    # edge_model: gather source_q / target_kv, concat, edge MLP (attention=False, masks None)
    source_q = jnp.take(h_q, row, axis=0)
    target_kv = jnp.take(h_kv, col, axis=0)
    out = jnp.concatenate([source_q, target_kv], axis=1)
    h1 = jax.nn.silu(out @ We1 + be1)
    mij = jax.nn.silu(h1 @ We2 + be2)
    edge_feat = mij
    # node_model: unsorted_segment_sum over row (dst) with 'sum' aggregation
    agg = jax.ops.segment_sum(edge_feat, row, num_segments=N)
    agg = agg / NORM_FACTOR
    agg_cat = jnp.concatenate([h_q, agg], axis=1)
    n1 = jax.nn.silu(agg_cat @ Wn1 + bn1)
    node_out = n1 @ Wn2 + bn2
    h_q_new = h_q + node_out
    return (h_q_new, mij)

if __name__ == "__main__":
    import jax
    _d = setup_inputs()
    print(jax.jit(kernel)(*tuple(_d.values())))

</pallas_src>

<mosaic_0001>
#map = affine_map<(d0, d1) -> (0, 0)>
#map1 = affine_map<(d0, d1) -> (0)>
module attributes {stable_mosaic.version = 14 : i64} {
  func.func @gather_add(%arg0: i32, %arg1: i32, %arg2: memref<10000x128xf32, #tpu.memory_space<hbm>>, %arg3: memref<10000x128xf32, #tpu.memory_space<hbm>>, %arg4: memref<320000xi32, #tpu.memory_space<hbm>>, %arg5: memref<320000xi32, #tpu.memory_space<hbm>>, %arg6: memref<160000x128xf32, #tpu.memory_space<hbm>>, %arg7: memref<5000xi32, #tpu.memory_space<vmem>>, %arg8: memref<5000xi32, #tpu.memory_space<vmem>>, %arg9: memref<40x128xf32, #tpu.memory_space<vmem>>, %arg10: memref<40x128xf32, #tpu.memory_space<vmem>>, %arg11: memref<40x128xf32, #tpu.memory_space<vmem>>, %arg12: memref<40x128xf32, #tpu.memory_space<vmem>>, %arg13: memref<40x128xf32, #tpu.memory_space<vmem>>, %arg14: memref<40x128xf32, #tpu.memory_space<vmem>>, %arg15: memref<40x128xf32, #tpu.memory_space<vmem>>, %arg16: memref<40x128xf32, #tpu.memory_space<vmem>>, %arg17: memref<40x128xf32, #tpu.memory_space<vmem>>, %arg18: memref<40x128xf32, #tpu.memory_space<vmem>>, %arg19: memref<!tpu.dma_semaphore, #tpu.memory_space<semaphore_mem>>, %arg20: memref<!tpu.dma_semaphore, #tpu.memory_space<semaphore_mem>>, %arg21: memref<!tpu.dma_semaphore, #tpu.memory_space<semaphore_mem>>, %arg22: memref<!tpu.dma_semaphore, #tpu.memory_space<semaphore_mem>>, %arg23: memref<!tpu.dma_semaphore, #tpu.memory_space<semaphore_mem>>, %arg24: memref<!tpu.dma_semaphore, #tpu.memory_space<semaphore_mem>>, %arg25: memref<!tpu.dma_semaphore, #tpu.memory_space<semaphore_mem>>, %arg26: memref<!tpu.dma_semaphore, #tpu.memory_space<semaphore_mem>>, %arg27: memref<!tpu.dma_semaphore, #tpu.memory_space<semaphore_mem>>, %arg28: memref<!tpu.dma_semaphore, #tpu.memory_space<semaphore_mem>>) attributes {dimension_semantics = [#tpu.dimension_semantics<core_parallel>, #tpu.dimension_semantics<subcore_parallel>], iteration_bounds = array<i64: 2, 16>, scalar_prefetch = 0 : i64, scratch_operands = 22 : i64, tpu.core_type = #tpu.core_type<sc_vector_subcore>, window_params = [{transform_indices = #map}, {transform_indices = #map}, {transform_indices = #map1}, {transform_indices = #map1}, {transform_indices = #map}]} {
    %mul3A = arith.constant 2 : i32
    %mul3A_0 = arith.muli %arg1, %mul3A : i32
    %add3A = arith.addi %mul3A_0, %arg0 : i32
    %mul3A_1 = arith.constant 5000 : i32
    %mul3A_2 = arith.muli %add3A, %mul3A_1 : i32
    %add3A_3 = arith.constant 0 : i32
    %add3A_4 = arith.addi %add3A_3, %mul3A_2 : i32
    "tpu.region"() ({
      %run_scoped3A = tpu.sem_alloc : memref<!tpu.dma_semaphore, #tpu.memory_space<semaphore_mem>>
      %dma_start3A_60 = tpu.memref_slice %arg4[%add3A_4] : memref<320000xi32, #tpu.memory_space<hbm>> -> memref<5000xi32, #tpu.memory_space<hbm>>
      %dma_start3A_61 = tpu.memref_slice %arg4[%add3A_4] : memref<320000xi32, #tpu.memory_space<hbm>> -> memref<5000xi32, #tpu.memory_space<hbm>>
      tpu.enqueue_dma source(%dma_start3A_61 : memref<5000xi32, #tpu.memory_space<hbm>>) target(%arg7 : memref<5000xi32, #tpu.memory_space<vmem>>) target_semaphore(%run_scoped3A : memref<!tpu.dma_semaphore, #tpu.memory_space<semaphore_mem>>)
      %dma_wait3A_62 = tpu.memref_slice %arg4[%add3A_4] : memref<320000xi32, #tpu.memory_space<hbm>> -> memref<5000xi32, #tpu.memory_space<hbm>>
      %dma_wait3A_63 = tpu.memref_slice %arg4[%add3A_4] : memref<320000xi32, #tpu.memory_space<hbm>> -> memref<5000xi32, #tpu.memory_space<hbm>>
      tpu.wait_dma2 semaphore(%run_scoped3A : memref<!tpu.dma_semaphore, #tpu.memory_space<semaphore_mem>>) src(%dma_wait3A_63 : memref<5000xi32, #tpu.memory_space<hbm>>) dst(%arg7 : memref<5000xi32, #tpu.memory_space<vmem>>)
      tpu.yield
    }) : () -> ()
    %add3A_5 = arith.constant 0 : i32
    %add3A_6 = arith.addi %add3A_5, %mul3A_2 : i32
    "tpu.region"() ({
      %run_scoped3A = tpu.sem_alloc : memref<!tpu.dma_semaphore, #tpu.memory_space<semaphore_mem>>
      %dma_start3A_60 = tpu.memref_slice %arg5[%add3A_6] : memref<320000xi32, #tpu.memory_space<hbm>> -> memref<5000xi32, #tpu.memory_space<hbm>>
      %dma_start3A_61 = tpu.memref_slice %arg5[%add3A_6] : memref<320000xi32, #tpu.memory_space<hbm>> -> memref<5000xi32, #tpu.memory_space<hbm>>
      tpu.enqueue_dma source(%dma_start3A_61 : memref<5000xi32, #tpu.memory_space<hbm>>) target(%arg8 : memref<5000xi32, #tpu.memory_space<vmem>>) target_semaphore(%run_scoped3A : memref<!tpu.dma_semaphore, #tpu.memory_space<semaphore_mem>>)
      %dma_wait3A_62 = tpu.memref_slice %arg5[%add3A_6] : memref<320000xi32, #tpu.memory_space<hbm>> -> memref<5000xi32, #tpu.memory_space<hbm>>
      %dma_wait3A_63 = tpu.memref_slice %arg5[%add3A_6] : memref<320000xi32, #tpu.memory_space<hbm>> -> memref<5000xi32, #tpu.memory_space<hbm>>
      tpu.wait_dma2 semaphore(%run_scoped3A : memref<!tpu.dma_semaphore, #tpu.memory_space<semaphore_mem>>) src(%dma_wait3A_63 : memref<5000xi32, #tpu.memory_space<hbm>>) dst(%arg8 : memref<5000xi32, #tpu.memory_space<vmem>>)
      tpu.yield
    }) : () -> ()
    %dma_start3A = arith.constant 0 : i32
    %dma_start3A_7 = tpu.memref_slice %arg7[%dma_start3A] : memref<5000xi32, #tpu.memory_space<vmem>> -> memref<40xi32, #tpu.memory_space<vmem>>
    %dma_start3A_8 = arith.constant 0 : i32
    %dma_start3A_9 = arith.constant 0 : i32
    %dma_start3A_10 = tpu.memref_slice %arg2[%dma_start3A_8, %dma_start3A_9] : memref<10000x128xf32, #tpu.memory_space<hbm>> -> memref<10000x128xf32, #tpu.memory_space<hbm>>
    tpu.enqueue_indirect_dma source(%dma_start3A_10 : memref<10000x128xf32, #tpu.memory_space<hbm>>) target(%arg9 : memref<40x128xf32, #tpu.memory_space<vmem>>) offsets(%dma_start3A_7 : memref<40xi32, #tpu.memory_space<vmem>>) semaphore(%arg19 : memref<!tpu.dma_semaphore, #tpu.memory_space<semaphore_mem>>)
    %dma_start3A_11 = arith.constant 0 : i32
    %dma_start3A_12 = tpu.memref_slice %arg8[%dma_start3A_11] : memref<5000xi32, #tpu.memory_space<vmem>> -> memref<40xi32, #tpu.memory_space<vmem>>
    %dma_start3A_13 = arith.constant 0 : i32
    %dma_start3A_14 = arith.constant 0 : i32
    %dma_start3A_15 = tpu.memref_slice %arg3[%dma_start3A_13, %dma_start3A_14] : memref<10000x128xf32, #tpu.memory_space<hbm>> -> memref<10000x128xf32, #tpu.memory_space<hbm>>
    tpu.enqueue_indirect_dma source(%dma_start3A_15 : memref<10000x128xf32, #tpu.memory_space<hbm>>) target(%arg14 : memref<40x128xf32, #tpu.memory_space<vmem>>) offsets(%dma_start3A_12 : memref<40xi32, #tpu.memory_space<vmem>>) semaphore(%arg19 : memref<!tpu.dma_semaphore, #tpu.memory_space<semaphore_mem>>)
    %dma_start3A_16 = arith.constant 40 : i32
    %dma_start3A_17 = tpu.memref_slice %arg7[%dma_start3A_16] : memref<5000xi32, #tpu.memory_space<vmem>> -> memref<40xi32, #tpu.memory_space<vmem>>
    %dma_start3A_18 = arith.constant 0 : i32
    %dma_start3A_19 = arith.constant 0 : i32
    %dma_start3A_20 = tpu.memref_slice %arg2[%dma_start3A_18, %dma_start3A_19] : memref<10000x128xf32, #tpu.memory_space<hbm>> -> memref<10000x128xf32, #tpu.memory_space<hbm>>
    tpu.enqueue_indirect_dma source(%dma_start3A_20 : memref<10000x128xf32, #tpu.memory_space<hbm>>) target(%arg10 : memref<40x128xf32, #tpu.memory_space<vmem>>) offsets(%dma_start3A_17 : memref<40xi32, #tpu.memory_space<vmem>>) semaphore(%arg20 : memref<!tpu.dma_semaphore, #tpu.memory_space<semaphore_mem>>)
    %dma_start3A_21 = arith.constant 40 : i32
    %dma_start3A_22 = tpu.memref_slice %arg8[%dma_start3A_21] : memref<5000xi32, #tpu.memory_space<vmem>> -> memref<40xi32, #tpu.memory_space<vmem>>
    %dma_start3A_23 = arith.constant 0 : i32
    %dma_start3A_24 = arith.constant 0 : i32
    %dma_start3A_25 = tpu.memref_slice %arg3[%dma_start3A_23, %dma_start3A_24] : memref<10000x128xf32, #tpu.memory_space<hbm>> -> memref<10000x128xf32, #tpu.memory_space<hbm>>
    tpu.enqueue_indirect_dma source(%dma_start3A_25 : memref<10000x128xf32, #tpu.memory_space<hbm>>) target(%arg15 : memref<40x128xf32, #tpu.memory_space<vmem>>) offsets(%dma_start3A_22 : memref<40xi32, #tpu.memory_space<vmem>>) semaphore(%arg20 : memref<!tpu.dma_semaphore, #tpu.memory_space<semaphore_mem>>)
    %dma_start3A_26 = arith.constant 80 : i32
    %dma_start3A_27 = tpu.memref_slice %arg7[%dma_start3A_26] : memref<5000xi32, #tpu.memory_space<vmem>> -> memref<40xi32, #tpu.memory_space<vmem>>
    %dma_start3A_28 = arith.constant 0 : i32
    %dma_start3A_29 = arith.constant 0 : i32
    %dma_start3A_30 = tpu.memref_slice %arg2[%dma_start3A_28, %dma_start3A_29] : memref<10000x128xf32, #tpu.memory_space<hbm>> -> memref<10000x128xf32, #tpu.memory_space<hbm>>
    tpu.enqueue_indirect_dma source(%dma_start3A_30 : memref<10000x128xf32, #tpu.memory_space<hbm>>) target(%arg11 : memref<40x128xf32, #tpu.memory_space<vmem>>) offsets(%dma_start3A_27 : memref<40xi32, #tpu.memory_space<vmem>>) semaphore(%arg21 : memref<!tpu.dma_semaphore, #tpu.memory_space<semaphore_mem>>)
    %dma_start3A_31 = arith.constant 80 : i32
    %dma_start3A_32 = tpu.memref_slice %arg8[%dma_start3A_31] : memref<5000xi32, #tpu.memory_space<vmem>> -> memref<40xi32, #tpu.memory_space<vmem>>
    %dma_start3A_33 = arith.constant 0 : i32
    %dma_start3A_34 = arith.constant 0 : i32
    %dma_start3A_35 = tpu.memref_slice %arg3[%dma_start3A_33, %dma_start3A_34] : memref<10000x128xf32, #tpu.memory_space<hbm>> -> memref<10000x128xf32, #tpu.memory_space<hbm>>
    tpu.enqueue_indirect_dma source(%dma_start3A_35 : memref<10000x128xf32, #tpu.memory_space<hbm>>) target(%arg16 : memref<40x128xf32, #tpu.memory_space<vmem>>) offsets(%dma_start3A_32 : memref<40xi32, #tpu.memory_space<vmem>>) semaphore(%arg21 : memref<!tpu.dma_semaphore, #tpu.memory_space<semaphore_mem>>)
    %scan3A = arith.constant 0 : i32
    %scan3A_36 = arith.constant 0 : i32
    %scan3A_37 = arith.constant 25 : i32
    %scan3A_38 = arith.addi %scan3A_36, %scan3A_37 : i32
    %scan3A_39 = arith.constant 1 : i32
    scf.for %scan3A_60 = %scan3A_36 to %scan3A_38 step %scan3A_39  : i32 {
      %mul3A_61 = arith.constant 5 : i32
      %mul3A_62 = arith.muli %mul3A_61, %scan3A_60 : i32
      %add3A_63 = arith.constant 0 : i32
      %add3A_64 = arith.addi %mul3A_62, %add3A_63 : i32
      %add3A_65 = arith.constant 3 : i32
      %add3A_66 = arith.addi %add3A_64, %add3A_65 : i32
      %gt3A = arith.constant 0 : i32
      %gt3A_67 = arith.cmpi sgt, %scan3A_60, %gt3A : i32
      %convert_element_type3A = arith.extui %gt3A_67 : i1 to i32
      %cond3A = arith.constant 0 : i32
      %cond3A_68 = arith.cmpi ne, %convert_element_type3A, %cond3A : i32
      scf.if %cond3A_68 {
        %dma_wait3A_261 = arith.constant 0 : i32
        %dma_wait3A_262 = tpu.memref_slice %arg6[%mul3A_2, %dma_wait3A_261] : memref<160000x128xf32, #tpu.memory_space<hbm>> -> memref<40x128xf32, #tpu.memory_space<hbm>>
        %dma_wait3A_263 = arith.constant 0 : i32
        %dma_wait3A_264 = tpu.memref_slice %arg6[%mul3A_2, %dma_wait3A_263] : memref<160000x128xf32, #tpu.memory_space<hbm>> -> memref<40x128xf32, #tpu.memory_space<hbm>>
        tpu.wait_dma2 semaphore(%arg27 : memref<!tpu.dma_semaphore, #tpu.memory_space<semaphore_mem>>) src(%arg12 : memref<40x128xf32, #tpu.memory_space<vmem>>) dst(%dma_wait3A_264 : memref<40x128xf32, #tpu.memory_space<hbm>>)
      } else {
      }
      %mul3A_69 = arith.constant 40 : i32
      %mul3A_70 = arith.muli %add3A_66, %mul3A_69 : i32
      %dma_start3A_71 = tpu.memref_slice %arg7[%mul3A_70] : memref<5000xi32, #tpu.memory_space<vmem>> -> memref<40xi32, #tpu.memory_space<vmem>>
      %dma_start3A_72 = arith.constant 0 : i32
      %dma_start3A_73 = arith.constant 0 : i32
      %dma_start3A_74 = tpu.memref_slice %arg2[%dma_start3A_72, %dma_start3A_73] : memref<10000x128xf32, #tpu.memory_space<hbm>> -> memref<10000x128xf32, #tpu.memory_space<hbm>>
      tpu.enqueue_indirect_dma source(%dma_start3A_74 : memref<10000x128xf32, #tpu.memory_space<hbm>>) target(%arg12 : memref<40x128xf32, #tpu.memory_space<vmem>>) offsets(%dma_start3A_71 : memref<40xi32, #tpu.memory_space<vmem>>) semaphore(%arg22 : memref<!tpu.dma_semaphore, #tpu.memory_space<semaphore_mem>>)
      %mul3A_75 = arith.constant 40 : i32
      %mul3A_76 = arith.muli %add3A_66, %mul3A_75 : i32
      %dma_start3A_77 = tpu.memref_slice %arg8[%mul3A_76] : memref<5000xi32, #tpu.memory_space<vmem>> -> memref<40xi32, #tpu.memory_space<vmem>>
      %dma_start3A_78 = arith.constant 0 : i32
      %dma_start3A_79 = arith.constant 0 : i32
      %dma_start3A_80 = tpu.memref_slice %arg3[%dma_start3A_78, %dma_start3A_79] : memref<10000x128xf32, #tpu.memory_space<hbm>> -> memref<10000x128xf32, #tpu.memory_space<hbm>>
      tpu.enqueue_indirect_dma source(%dma_start3A_80 : memref<10000x128xf32, #tpu.memory_space<hbm>>) target(%arg17 : memref<40x128xf32, #tpu.memory_space<vmem>>) offsets(%dma_start3A_77 : memref<40xi32, #tpu.memory_space<vmem>>) semaphore(%arg22 : memref<!tpu.dma_semaphore, #tpu.memory_space<semaphore_mem>>)
      %mul3A_81 = arith.constant 40 : i32
      %mul3A_82 = arith.muli %add3A_64, %mul3A_81 : i32
      %dma_wait3A_83 = tpu.memref_slice %arg7[%mul3A_82] : memref<5000xi32, #tpu.memory_space<vmem>> -> memref<40xi32, #tpu.memory_space<vmem>>
      %dma_wait3A_84 = arith.constant 0 : i32
      %dma_wait3A_85 = arith.constant 0 : i32
      %dma_wait3A_86 = tpu.memref_slice %arg2[%dma_wait3A_84, %dma_wait3A_85] : memref<10000x128xf32, #tpu.memory_space<hbm>> -> memref<10000x128xf32, #tpu.memory_space<hbm>>
      tpu.wait_indirect_dma semaphore(%arg19 : memref<!tpu.dma_semaphore, #tpu.memory_space<semaphore_mem>>) src(%dma_wait3A_86 : memref<10000x128xf32, #tpu.memory_space<hbm>>) dst(%arg9 : memref<40x128xf32, #tpu.memory_space<vmem>>)
      %mul3A_87 = arith.constant 40 : i32
      %mul3A_88 = arith.muli %add3A_64, %mul3A_87 : i32
      %dma_wait3A_89 = tpu.memref_slice %arg8[%mul3A_88] : memref<5000xi32, #tpu.memory_space<vmem>> -> memref<40xi32, #tpu.memory_space<vmem>>
      %dma_wait3A_90 = arith.constant 0 : i32
      %dma_wait3A_91 = arith.constant 0 : i32
      %dma_wait3A_92 = tpu.memref_slice %arg3[%dma_wait3A_90, %dma_wait3A_91] : memref<10000x128xf32, #tpu.memory_space<hbm>> -> memref<10000x128xf32, #tpu.memory_space<hbm>>
      tpu.wait_indirect_dma semaphore(%arg19 : memref<!tpu.dma_semaphore, #tpu.memory_space<semaphore_mem>>) src(%dma_wait3A_92 : memref<10000x128xf32, #tpu.memory_space<hbm>>) dst(%arg14 : memref<40x128xf32, #tpu.memory_space<vmem>>)
      %scan3A_93 = arith.constant 0 : i32
      %scan3A_94 = arith.constant 0 : i32
      %scan3A_95 = arith.constant 40 : i32
      %scan3A_96 = arith.addi %scan3A_94, %scan3A_95 : i32
      %scan3A_97 = arith.constant 1 : i32
      scf.for %scan3A_261 = %scan3A_94 to %scan3A_96 step %scan3A_97  : i32 {
        %get3A = arith.index_cast %scan3A_261 : i32 to index
        %get3A_262 = arith.constant 0 : index
        %get3A_263 = tpu.vector_load %arg14[%get3A, %get3A_262] {strides = array<i32>} : memref<40x128xf32, #tpu.memory_space<vmem>>, vector<1x16xf32>,
        %get3A_264 = vector.shape_cast %get3A_263 : vector<1x16xf32> to vector<16xf32>
        %swap3A = arith.index_cast %scan3A_261 : i32 to index
        %swap3A_265 = arith.constant 0 : index
        %swap3A_266 = tpu.vector_load %arg9[%swap3A, %swap3A_265] {strides = array<i32>} : memref<40x128xf32, #tpu.memory_space<vmem>>, vector<1x16xf32>,
        %swap3A_267 = vector.shape_cast %swap3A_266 : vector<1x16xf32> to vector<16xf32>
        %swap3A_268 = vector.shape_cast %get3A_264 : vector<16xf32> to vector<1x16xf32>
        tpu.vector_store %arg9[%swap3A, %swap3A_265], %swap3A_268 {add = true, strides = array<i32>} : memref<40x128xf32, #tpu.memory_space<vmem>>, vector<1x16xf32>,
        %get3A_269 = arith.index_cast %scan3A_261 : i32 to index
        %get3A_270 = arith.constant 16 : index
        %get3A_271 = tpu.vector_load %arg14[%get3A_269, %get3A_270] {strides = array<i32>} : memref<40x128xf32, #tpu.memory_space<vmem>>, vector<1x16xf32>,
        %get3A_272 = vector.shape_cast %get3A_271 : vector<1x16xf32> to vector<16xf32>
        %swap3A_273 = arith.index_cast %scan3A_261 : i32 to index
        %swap3A_274 = arith.constant 16 : index
        %swap3A_275 = tpu.vector_load %arg9[%swap3A_273, %swap3A_274] {strides = array<i32>} : memref<40x128xf32, #tpu.memory_space<vmem>>, vector<1x16xf32>,
        %swap3A_276 = vector.shape_cast %swap3A_275 : vector<1x16xf32> to vector<16xf32>
        %swap3A_277 = vector.shape_cast %get3A_272 : vector<16xf32> to vector<1x16xf32>
        tpu.vector_store %arg9[%swap3A_273, %swap3A_274], %swap3A_277 {add = true, strides = array<i32>} : memref<40x128xf32, #tpu.memory_space<vmem>>, vector<1x16xf32>,
        %get3A_278 = arith.index_cast %scan3A_261 : i32 to index
        %get3A_279 = arith.constant 32 : index
        %get3A_280 = tpu.vector_load %arg14[%get3A_278, %get3A_279] {strides = array<i32>} : memref<40x128xf32, #tpu.memory_space<vmem>>, vector<1x16xf32>,
        %get3A_281 = vector.shape_cast %get3A_280 : vector<1x16xf32> to vector<16xf32>
        %swap3A_282 = arith.index_cast %scan3A_261 : i32 to index
        %swap3A_283 = arith.constant 32 : index
        %swap3A_284 = tpu.vector_load %arg9[%swap3A_282, %swap3A_283] {strides = array<i32>} : memref<40x128xf32, #tpu.memory_space<vmem>>, vector<1x16xf32>,
        %swap3A_285 = vector.shape_cast %swap3A_284 : vector<1x16xf32> to vector<16xf32>
        %swap3A_286 = vector.shape_cast %get3A_281 : vector<16xf32> to vector<1x16xf32>
        tpu.vector_store %arg9[%swap3A_282, %swap3A_283], %swap3A_286 {add = true, strides = array<i32>} : memref<40x128xf32, #tpu.memory_space<vmem>>, vector<1x16xf32>,
        %get3A_287 = arith.index_cast %scan3A_261 : i32 to index
        %get3A_288 = arith.constant 48 : index
        %get3A_289 = tpu.vector_load %arg14[%get3A_287, %get3A_288] {strides = array<i32>} : memref<40x128xf32, #tpu.memory_space<vmem>>, vector<1x16xf32>,
        %get3A_290 = vector.shape_cast %get3A_289 : vector<1x16xf32> to vector<16xf32>
        %swap3A_291 = arith.index_cast %scan3A_261 : i32 to index
        %swap3A_292 = arith.constant 48 : index
        %swap3A_293 = tpu.vector_load %arg9[%swap3A_291, %swap3A_292] {strides = array<i32>} : memref<40x128xf32, #tpu.memory_space<vmem>>, vector<1x16xf32>,
        %swap3A_294 = vector.shape_cast %swap3A_293 : vector<1x16xf32> to vector<16xf32>
        %swap3A_295 = vector.shape_cast %get3A_290 : vector<16xf32> to vector<1x16xf32>
        tpu.vector_store %arg9[%swap3A_291, %swap3A_292], %swap3A_295 {add = true, strides = array<i32>} : memref<40x128xf32, #tpu.memory_space<vmem>>, vector<1x16xf32>,
        %get3A_296 = arith.index_cast %scan3A_261 : i32 to index
        %get3A_297 = arith.constant 64 : index
        %get3A_298 = tpu.vector_load %arg14[%get3A_296, %get3A_297] {strides = array<i32>} : memref<40x128xf32, #tpu.memory_space<vmem>>, vector<1x16xf32>,
        %get3A_299 = vector.shape_cast %get3A_298 : vector<1x16xf32> to vector<16xf32>
        %swap3A_300 = arith.index_cast %scan3A_261 : i32 to index
        %swap3A_301 = arith.constant 64 : index
        %swap3A_302 = tpu.vector_load %arg9[%swap3A_300, %swap3A_301] {strides = array<i32>} : memref<40x128xf32, #tpu.memory_space<vmem>>, vector<1x16xf32>,
        %swap3A_303 = vector.shape_cast %swap3A_302 : vector<1x16xf32> to vector<16xf32>
        %swap3A_304 = vector.shape_cast %get3A_299 : vector<16xf32> to vector<1x16xf32>
        tpu.vector_store %arg9[%swap3A_300, %swap3A_301], %swap3A_304 {add = true, strides = array<i32>} : memref<40x128xf32, #tpu.memory_space<vmem>>, vector<1x16xf32>,
        %get3A_305 = arith.index_cast %scan3A_261 : i32 to index
        %get3A_306 = arith.constant 80 : index
        %get3A_307 = tpu.vector_load %arg14[%get3A_305, %get3A_306] {strides = array<i32>} : memref<40x128xf32, #tpu.memory_space<vmem>>, vector<1x16xf32>,
        %get3A_308 = vector.shape_cast %get3A_307 : vector<1x16xf32> to vector<16xf32>
        %swap3A_309 = arith.index_cast %scan3A_261 : i32 to index
        %swap3A_310 = arith.constant 80 : index
        %swap3A_311 = tpu.vector_load %arg9[%swap3A_309, %swap3A_310] {strides = array<i32>} : memref<40x128xf32, #tpu.memory_space<vmem>>, vector<1x16xf32>,
        %swap3A_312 = vector.shape_cast %swap3A_311 : vector<1x16xf32> to vector<16xf32>
        %swap3A_313 = vector.shape_cast %get3A_308 : vector<16xf32> to vector<1x16xf32>
        tpu.vector_store %arg9[%swap3A_309, %swap3A_310], %swap3A_313 {add = true, strides = array<i32>} : memref<40x128xf32, #tpu.memory_space<vmem>>, vector<1x16xf32>,
        %get3A_314 = arith.index_cast %scan3A_261 : i32 to index
        %get3A_315 = arith.constant 96 : index
        %get3A_316 = tpu.vector_load %arg14[%get3A_314, %get3A_315] {strides = array<i32>} : memref<40x128xf32, #tpu.memory_space<vmem>>, vector<1x16xf32>,
        %get3A_317 = vector.shape_cast %get3A_316 : vector<1x16xf32> to vector<16xf32>
        %swap3A_318 = arith.index_cast %scan3A_261 : i32 to index
        %swap3A_319 = arith.constant 96 : index
        %swap3A_320 = tpu.vector_load %arg9[%swap3A_318, %swap3A_319] {strides = array<i32>} : memref<40x128xf32, #tpu.memory_space<vmem>>, vector<1x16xf32>,
        %swap3A_321 = vector.shape_cast %swap3A_320 : vector<1x16xf32> to vector<16xf32>
        %swap3A_322 = vector.shape_cast %get3A_317 : vector<16xf32> to vector<1x16xf32>
        tpu.vector_store %arg9[%swap3A_318, %swap3A_319], %swap3A_322 {add = true, strides = array<i32>} : memref<40x128xf32, #tpu.memory_space<vmem>>, vector<1x16xf32>,
        %get3A_323 = arith.index_cast %scan3A_261 : i32 to index
        %get3A_324 = arith.constant 112 : index
        %get3A_325 = tpu.vector_load %arg14[%get3A_323, %get3A_324] {strides = array<i32>} : memref<40x128xf32, #tpu.memory_space<vmem>>, vector<1x16xf32>,
        %get3A_326 = vector.shape_cast %get3A_325 : vector<1x16xf32> to vector<16xf32>
        %swap3A_327 = arith.index_cast %scan3A_261 : i32 to index
        %swap3A_328 = arith.constant 112 : index
        %swap3A_329 = tpu.vector_load %arg9[%swap3A_327, %swap3A_328] {strides = array<i32>} : memref<40x128xf32, #tpu.memory_space<vmem>>, vector<1x16xf32>,
        %swap3A_330 = vector.shape_cast %swap3A_329 : vector<1x16xf32> to vector<16xf32>
        %swap3A_331 = vector.shape_cast %get3A_326 : vector<16xf32> to vector<1x16xf32>
        tpu.vector_store %arg9[%swap3A_327, %swap3A_328], %swap3A_331 {add = true, strides = array<i32>} : memref<40x128xf32, #tpu.memory_space<vmem>>, vector<1x16xf32>,
      }
      %scan3A_98 = arith.constant 40 : i32
      %mul3A_99 = arith.constant 40 : i32
      %mul3A_100 = arith.muli %add3A_64, %mul3A_99 : i32
      %add3A_101 = arith.addi %mul3A_2, %mul3A_100 : i32
      %dma_start3A_102 = arith.constant 0 : i32
      %dma_start3A_103 = tpu.memref_slice %arg6[%add3A_101, %dma_start3A_102] : memref<160000x128xf32, #tpu.memory_space<hbm>> -> memref<40x128xf32, #tpu.memory_space<hbm>>
      %dma_start3A_104 = arith.constant 0 : i32
      %dma_start3A_105 = tpu.memref_slice %arg6[%add3A_101, %dma_start3A_104] : memref<160000x128xf32, #tpu.memory_space<hbm>> -> memref<40x128xf32, #tpu.memory_space<hbm>>
      tpu.enqueue_dma source(%arg9 : memref<40x128xf32, #tpu.memory_space<vmem>>) target(%dma_start3A_105 : memref<40x128xf32, #tpu.memory_space<hbm>>) target_semaphore(%arg24 : memref<!tpu.dma_semaphore, #tpu.memory_space<semaphore_mem>>)
      %mul3A_106 = arith.constant 5 : i32
      %mul3A_107 = arith.muli %mul3A_106, %scan3A_60 : i32
      %add3A_108 = arith.constant 1 : i32
      %add3A_109 = arith.addi %mul3A_107, %add3A_108 : i32
      %add3A_110 = arith.constant 3 : i32
      %add3A_111 = arith.addi %add3A_109, %add3A_110 : i32
      %gt3A_112 = arith.constant 0 : i32
      %gt3A_113 = arith.cmpi sgt, %scan3A_60, %gt3A_112 : i32
      %convert_element_type3A_114 = arith.extui %gt3A_113 : i1 to i32
      %cond3A_115 = arith.constant 0 : i32
      %cond3A_116 = arith.cmpi ne, %convert_element_type3A_114, %cond3A_115 : i32
      scf.if %cond3A_116 {
        %dma_wait3A_261 = arith.constant 0 : i32
        %dma_wait3A_262 = tpu.memref_slice %arg6[%mul3A_2, %dma_wait3A_261] : memref<160000x128xf32, #tpu.memory_space<hbm>> -> memref<40x128xf32, #tpu.memory_space<hbm>>
        %dma_wait3A_263 = arith.constant 0 : i32
        %dma_wait3A_264 = tpu.memref_slice %arg6[%mul3A_2, %dma_wait3A_263] : memref<160000x128xf32, #tpu.memory_space<hbm>> -> memref<40x128xf32, #tpu.memory_space<hbm>>
        tpu.wait_dma2 semaphore(%arg28 : memref<!tpu.dma_semaphore, #tpu.memory_space<semaphore_mem>>) src(%arg13 : memref<40x128xf32, #tpu.memory_space<vmem>>) dst(%dma_wait3A_264 : memref<40x128xf32, #tpu.memory_space<hbm>>)
      } else {
      }
      %mul3A_117 = arith.constant 40 : i32
      %mul3A_118 = arith.muli %add3A_111, %mul3A_117 : i32
      %dma_start3A_119 = tpu.memref_slice %arg7[%mul3A_118] : memref<5000xi32, #tpu.memory_space<vmem>> -> memref<40xi32, #tpu.memory_space<vmem>>
      %dma_start3A_120 = arith.constant 0 : i32
      %dma_start3A_121 = arith.constant 0 : i32
      %dma_start3A_122 = tpu.memref_slice %arg2[%dma_start3A_120, %dma_start3A_121] : memref<10000x128xf32, #tpu.memory_space<hbm>> -> memref<10000x128xf32, #tpu.memory_space<hbm>>
      tpu.enqueue_indirect_dma source(%dma_start3A_122 : memref<10000x128xf32, #tpu.memory_space<hbm>>) target(%arg13 : memref<40x128xf32, #tpu.memory_space<vmem>>) offsets(%dma_start3A_119 : memref<40xi32, #tpu.memory_space<vmem>>) semaphore(%arg23 : memref<!tpu.dma_semaphore, #tpu.memory_space<semaphore_mem>>)
      %mul3A_123 = arith.constant 40 : i32
      %mul3A_124 = arith.muli %add3A_111, %mul3A_123 : i32
      %dma_start3A_125 = tpu.memref_slice %arg8[%mul3A_124] : memref<5000xi32, #tpu.memory_space<vmem>> -> memref<40xi32, #tpu.memory_space<vmem>>
      %dma_start3A_126 = arith.constant 0 : i32
      %dma_start3A_127 = arith.constant 0 : i32
      %dma_start3A_128 = tpu.memref_slice %arg3[%dma_start3A_126, %dma_start3A_127] : memref<10000x128xf32, #tpu.memory_space<hbm>> -> memref<10000x128xf32, #tpu.memory_space<hbm>>
      tpu.enqueue_indirect_dma source(%dma_start3A_128 : memref<10000x128xf32, #tpu.memory_space<hbm>>) target(%arg18 : memref<40x128xf32, #tpu.memory_space<vmem>>) offsets(%dma_start3A_125 : memref<40xi32, #tpu.memory_space<vmem>>) semaphore(%arg23 : memref<!tpu.dma_semaphore, #tpu.memory_space<semaphore_mem>>)
      %mul3A_129 = arith.constant 40 : i32
      %mul3A_130 = arith.muli %add3A_109, %mul3A_129 : i32
      %dma_wait3A_131 = tpu.memref_slice %arg7[%mul3A_130] : memref<5000xi32, #tpu.memory_space<vmem>> -> memref<40xi32, #tpu.memory_space<vmem>>
      %dma_wait3A_132 = arith.constant 0 : i32
      %dma_wait3A_133 = arith.constant 0 : i32
      %dma_wait3A_134 = tpu.memref_slice %arg2[%dma_wait3A_132, %dma_wait3A_133] : memref<10000x128xf32, #tpu.memory_space<hbm>> -> memref<10000x128xf32, #tpu.memory_space<hbm>>
      tpu.wait_indirect_dma semaphore(%arg20 : memref<!tpu.dma_semaphore, #tpu.memory_space<semaphore_mem>>) src(%dma_wait3A_134 : memref<10000x128xf32, #tpu.memory_space<hbm>>) dst(%arg10 : memref<40x128xf32, #tpu.memory_space<vmem>>)
      %mul3A_135 = arith.constant 40 : i32
      %mul3A_136 = arith.muli %add3A_109, %mul3A_135 : i32
      %dma_wait3A_137 = tpu.memref_slice %arg8[%mul3A_136] : memref<5000xi32, #tpu.memory_space<vmem>> -> memref<40xi32, #tpu.memory_space<vmem>>
      %dma_wait3A_138 = arith.constant 0 : i32
      %dma_wait3A_139 = arith.constant 0 : i32
      %dma_wait3A_140 = tpu.memref_slice %arg3[%dma_wait3A_138, %dma_wait3A_139] : memref<10000x128xf32, #tpu.memory_space<hbm>> -> memref<10000x128xf32, #tpu.memory_space<hbm>>
      tpu.wait_indirect_dma semaphore(%arg20 : memref<!tpu.dma_semaphore, #tpu.memory_space<semaphore_mem>>) src(%dma_wait3A_140 : memref<10000x128xf32, #tpu.memory_space<hbm>>) dst(%arg15 : memref<40x128xf32, #tpu.memory_space<vmem>>)
      %scan3A_141 = arith.constant 0 : i32
      %scan3A_142 = arith.constant 0 : i32
      %scan3A_143 = arith.constant 40 : i32
      %scan3A_144 = arith.addi %scan3A_142, %scan3A_143 : i32
      %scan3A_145 = arith.constant 1 : i32
      scf.for %scan3A_261 = %scan3A_142 to %scan3A_144 step %scan3A_145  : i32 {
        %get3A = arith.index_cast %scan3A_261 : i32 to index
        %get3A_262 = arith.constant 0 : index
        %get3A_263 = tpu.vector_load %arg15[%get3A, %get3A_262] {strides = array<i32>} : memref<40x128xf32, #tpu.memory_space<vmem>>, vector<1x16xf32>,
        %get3A_264 = vector.shape_cast %get3A_263 : vector<1x16xf32> to vector<16xf32>
        %swap3A = arith.index_cast %scan3A_261 : i32 to index
        %swap3A_265 = arith.constant 0 : index
        %swap3A_266 = tpu.vector_load %arg10[%swap3A, %swap3A_265] {strides = array<i32>} : memref<40x128xf32, #tpu.memory_space<vmem>>, vector<1x16xf32>,
        %swap3A_267 = vector.shape_cast %swap3A_266 : vector<1x16xf32> to vector<16xf32>
        %swap3A_268 = vector.shape_cast %get3A_264 : vector<16xf32> to vector<1x16xf32>
        tpu.vector_store %arg10[%swap3A, %swap3A_265], %swap3A_268 {add = true, strides = array<i32>} : memref<40x128xf32, #tpu.memory_space<vmem>>, vector<1x16xf32>,
        %get3A_269 = arith.index_cast %scan3A_261 : i32 to index
        %get3A_270 = arith.constant 16 : index
        %get3A_271 = tpu.vector_load %arg15[%get3A_269, %get3A_270] {strides = array<i32>} : memref<40x128xf32, #tpu.memory_space<vmem>>, vector<1x16xf32>,
        %get3A_272 = vector.shape_cast %get3A_271 : vector<1x16xf32> to vector<16xf32>
        %swap3A_273 = arith.index_cast %scan3A_261 : i32 to index
        %swap3A_274 = arith.constant 16 : index
        %swap3A_275 = tpu.vector_load %arg10[%swap3A_273, %swap3A_274] {strides = array<i32>} : memref<40x128xf32, #tpu.memory_space<vmem>>, vector<1x16xf32>,
        %swap3A_276 = vector.shape_cast %swap3A_275 : vector<1x16xf32> to vector<16xf32>
        %swap3A_277 = vector.shape_cast %get3A_272 : vector<16xf32> to vector<1x16xf32>
        tpu.vector_store %arg10[%swap3A_273, %swap3A_274], %swap3A_277 {add = true, strides = array<i32>} : memref<40x128xf32, #tpu.memory_space<vmem>>, vector<1x16xf32>,
        %get3A_278 = arith.index_cast %scan3A_261 : i32 to index
        %get3A_279 = arith.constant 32 : index
        %get3A_280 = tpu.vector_load %arg15[%get3A_278, %get3A_279] {strides = array<i32>} : memref<40x128xf32, #tpu.memory_space<vmem>>, vector<1x16xf32>,
        %get3A_281 = vector.shape_cast %get3A_280 : vector<1x16xf32> to vector<16xf32>
        %swap3A_282 = arith.index_cast %scan3A_261 : i32 to index
        %swap3A_283 = arith.constant 32 : index
        %swap3A_284 = tpu.vector_load %arg10[%swap3A_282, %swap3A_283] {strides = array<i32>} : memref<40x128xf32, #tpu.memory_space<vmem>>, vector<1x16xf32>,
        %swap3A_285 = vector.shape_cast %swap3A_284 : vector<1x16xf32> to vector<16xf32>
        %swap3A_286 = vector.shape_cast %get3A_281 : vector<16xf32> to vector<1x16xf32>
        tpu.vector_store %arg10[%swap3A_282, %swap3A_283], %swap3A_286 {add = true, strides = array<i32>} : memref<40x128xf32, #tpu.memory_space<vmem>>, vector<1x16xf32>,
        %get3A_287 = arith.index_cast %scan3A_261 : i32 to index
        %get3A_288 = arith.constant 48 : index
        %get3A_289 = tpu.vector_load %arg15[%get3A_287, %get3A_288] {strides = array<i32>} : memref<40x128xf32, #tpu.memory_space<vmem>>, vector<1x16xf32>,
        %get3A_290 = vector.shape_cast %get3A_289 : vector<1x16xf32> to vector<16xf32>
        %swap3A_291 = arith.index_cast %scan3A_261 : i32 to index
        %swap3A_292 = arith.constant 48 : index
        %swap3A_293 = tpu.vector_load %arg10[%swap3A_291, %swap3A_292] {strides = array<i32>} : memref<40x128xf32, #tpu.memory_space<vmem>>, vector<1x16xf32>,
        %swap3A_294 = vector.shape_cast %swap3A_293 : vector<1x16xf32> to vector<16xf32>
        %swap3A_295 = vector.shape_cast %get3A_290 : vector<16xf32> to vector<1x16xf32>
        tpu.vector_store %arg10[%swap3A_291, %swap3A_292], %swap3A_295 {add = true, strides = array<i32>} : memref<40x128xf32, #tpu.memory_space<vmem>>, vector<1x16xf32>,
        %get3A_296 = arith.index_cast %scan3A_261 : i32 to index
        %get3A_297 = arith.constant 64 : index
        %get3A_298 = tpu.vector_load %arg15[%get3A_296, %get3A_297] {strides = array<i32>} : memref<40x128xf32, #tpu.memory_space<vmem>>, vector<1x16xf32>,
        %get3A_299 = vector.shape_cast %get3A_298 : vector<1x16xf32> to vector<16xf32>
        %swap3A_300 = arith.index_cast %scan3A_261 : i32 to index
        %swap3A_301 = arith.constant 64 : index
        %swap3A_302 = tpu.vector_load %arg10[%swap3A_300, %swap3A_301] {strides = array<i32>} : memref<40x128xf32, #tpu.memory_space<vmem>>, vector<1x16xf32>,
        %swap3A_303 = vector.shape_cast %swap3A_302 : vector<1x16xf32> to vector<16xf32>
        %swap3A_304 = vector.shape_cast %get3A_299 : vector<16xf32> to vector<1x16xf32>
        tpu.vector_store %arg10[%swap3A_300, %swap3A_301], %swap3A_304 {add = true, strides = array<i32>} : memref<40x128xf32, #tpu.memory_space<vmem>>, vector<1x16xf32>,
        %get3A_305 = arith.index_cast %scan3A_261 : i32 to index
        %get3A_306 = arith.constant 80 : index
        %get3A_307 = tpu.vector_load %arg15[%get3A_305, %get3A_306] {strides = array<i32>} : memref<40x128xf32, #tpu.memory_space<vmem>>, vector<1x16xf32>,
        %get3A_308 = vector.shape_cast %get3A_307 : vector<1x16xf32> to vector<16xf32>
        %swap3A_309 = arith.index_cast %scan3A_261 : i32 to index
        %swap3A_310 = arith.constant 80 : index
        %swap3A_311 = tpu.vector_load %arg10[%swap3A_309, %swap3A_310] {strides = array<i32>} : memref<40x128xf32, #tpu.memory_space<vmem>>, vector<1x16xf32>,
        %swap3A_312 = vector.shape_cast %swap3A_311 : vector<1x16xf32> to vector<16xf32>
        %swap3A_313 = vector.shape_cast %get3A_308 : vector<16xf32> to vector<1x16xf32>
        tpu.vector_store %arg10[%swap3A_309, %swap3A_310], %swap3A_313 {add = true, strides = array<i32>} : memref<40x128xf32, #tpu.memory_space<vmem>>, vector<1x16xf32>,
        %get3A_314 = arith.index_cast %scan3A_261 : i32 to index
        %get3A_315 = arith.constant 96 : index
        %get3A_316 = tpu.vector_load %arg15[%get3A_314, %get3A_315] {strides = array<i32>} : memref<40x128xf32, #tpu.memory_space<vmem>>, vector<1x16xf32>,
        %get3A_317 = vector.shape_cast %get3A_316 : vector<1x16xf32> to vector<16xf32>
        %swap3A_318 = arith.index_cast %scan3A_261 : i32 to index
        %swap3A_319 = arith.constant 96 : index
        %swap3A_320 = tpu.vector_load %arg10[%swap3A_318, %swap3A_319] {strides = array<i32>} : memref<40x128xf32, #tpu.memory_space<vmem>>, vector<1x16xf32>,
        %swap3A_321 = vector.shape_cast %swap3A_320 : vector<1x16xf32> to vector<16xf32>
        %swap3A_322 = vector.shape_cast %get3A_317 : vector<16xf32> to vector<1x16xf32>
        tpu.vector_store %arg10[%swap3A_318, %swap3A_319], %swap3A_322 {add = true, strides = array<i32>} : memref<40x128xf32, #tpu.memory_space<vmem>>, vector<1x16xf32>,
        %get3A_323 = arith.index_cast %scan3A_261 : i32 to index
        %get3A_324 = arith.constant 112 : index
        %get3A_325 = tpu.vector_load %arg15[%get3A_323, %get3A_324] {strides = array<i32>} : memref<40x128xf32, #tpu.memory_space<vmem>>, vector<1x16xf32>,
        %get3A_326 = vector.shape_cast %get3A_325 : vector<1x16xf32> to vector<16xf32>
        %swap3A_327 = arith.index_cast %scan3A_261 : i32 to index
        %swap3A_328 = arith.constant 112 : index
        %swap3A_329 = tpu.vector_load %arg10[%swap3A_327, %swap3A_328] {strides = array<i32>} : memref<40x128xf32, #tpu.memory_space<vmem>>, vector<1x16xf32>,
        %swap3A_330 = vector.shape_cast %swap3A_329 : vector<1x16xf32> to vector<16xf32>
        %swap3A_331 = vector.shape_cast %get3A_326 : vector<16xf32> to vector<1x16xf32>
        tpu.vector_store %arg10[%swap3A_327, %swap3A_328], %swap3A_331 {add = true, strides = array<i32>} : memref<40x128xf32, #tpu.memory_space<vmem>>, vector<1x16xf32>,
      }
      %scan3A_146 = arith.constant 40 : i32
      %mul3A_147 = arith.constant 40 : i32
      %mul3A_148 = arith.muli %add3A_109, %mul3A_147 : i32
      %add3A_149 = arith.addi %mul3A_2, %mul3A_148 : i32
      %dma_start3A_150 = arith.constant 0 : i32
      %dma_start3A_151 = tpu.memref_slice %arg6[%add3A_149, %dma_start3A_150] : memref<160000x128xf32, #tpu.memory_space<hbm>> -> memref<40x128xf32, #tpu.memory_space<hbm>>
      %dma_start3A_152 = arith.constant 0 : i32
      %dma_start3A_153 = tpu.memref_slice %arg6[%add3A_149, %dma_start3A_152] : memref<160000x128xf32, #tpu.memory_space<hbm>> -> memref<40x128xf32, #tpu.memory_space<hbm>>
      tpu.enqueue_dma source(%arg10 : memref<40x128xf32, #tpu.memory_space<vmem>>) target(%dma_start3A_153 : memref<40x128xf32, #tpu.memory_space<hbm>>) target_semaphore(%arg25 : memref<!tpu.dma_semaphore, #tpu.memory_space<semaphore_mem>>)
      %mul3A_154 = arith.constant 5 : i32
      %mul3A_155 = arith.muli %mul3A_154, %scan3A_60 : i32
      %add3A_156 = arith.constant 2 : i32
      %add3A_157 = arith.addi %mul3A_155, %add3A_156 : i32
      %add3A_158 = arith.constant 3 : i32
      %add3A_159 = arith.addi %add3A_157, %add3A_158 : i32
      %lt3A = arith.constant 24 : i32
      %lt3A_160 = arith.cmpi slt, %scan3A_60, %lt3A : i32
      %convert_element_type3A_161 = arith.extui %lt3A_160 : i1 to i32
      %cond3A_162 = arith.constant 0 : i32
      %cond3A_163 = arith.cmpi ne, %convert_element_type3A_161, %cond3A_162 : i32
      scf.if %cond3A_163 {
        %dma_wait3A_261 = arith.constant 0 : i32
        %dma_wait3A_262 = tpu.memref_slice %arg6[%mul3A_2, %dma_wait3A_261] : memref<160000x128xf32, #tpu.memory_space<hbm>> -> memref<40x128xf32, #tpu.memory_space<hbm>>
        %dma_wait3A_263 = arith.constant 0 : i32
        %dma_wait3A_264 = tpu.memref_slice %arg6[%mul3A_2, %dma_wait3A_263] : memref<160000x128xf32, #tpu.memory_space<hbm>> -> memref<40x128xf32, #tpu.memory_space<hbm>>
        tpu.wait_dma2 semaphore(%arg24 : memref<!tpu.dma_semaphore, #tpu.memory_space<semaphore_mem>>) src(%arg9 : memref<40x128xf32, #tpu.memory_space<vmem>>) dst(%dma_wait3A_264 : memref<40x128xf32, #tpu.memory_space<hbm>>)
        %mul3A_265 = arith.constant 40 : i32
        %mul3A_266 = arith.muli %add3A_159, %mul3A_265 : i32
        %dma_start3A_267 = tpu.memref_slice %arg7[%mul3A_266] : memref<5000xi32, #tpu.memory_space<vmem>> -> memref<40xi32, #tpu.memory_space<vmem>>
        %dma_start3A_268 = arith.constant 0 : i32
        %dma_start3A_269 = arith.constant 0 : i32
        %dma_start3A_270 = tpu.memref_slice %arg2[%dma_start3A_268, %dma_start3A_269] : memref<10000x128xf32, #tpu.memory_space<hbm>> -> memref<10000x128xf32, #tpu.memory_space<hbm>>
        tpu.enqueue_indirect_dma source(%dma_start3A_270 : memref<10000x128xf32, #tpu.memory_space<hbm>>) target(%arg9 : memref<40x128xf32, #tpu.memory_space<vmem>>) offsets(%dma_start3A_267 : memref<40xi32, #tpu.memory_space<vmem>>) semaphore(%arg19 : memref<!tpu.dma_semaphore, #tpu.memory_space<semaphore_mem>>)
        %mul3A_271 = arith.constant 40 : i32
        %mul3A_272 = arith.muli %add3A_159, %mul3A_271 : i32
        %dma_start3A_273 = tpu.memref_slice %arg8[%mul3A_272] : memref<5000xi32, #tpu.memory_space<vmem>> -> memref<40xi32, #tpu.memory_space<vmem>>
        %dma_start3A_274 = arith.constant 0 : i32
        %dma_start3A_275 = arith.constant 0 : i32
        %dma_start3A_276 = tpu.memref_slice %arg3[%dma_start3A_274, %dma_start3A_275] : memref<10000x128xf32, #tpu.memory_space<hbm>> -> memref<10000x128xf32, #tpu.memory_space<hbm>>
        tpu.enqueue_indirect_dma source(%dma_start3A_276 : memref<10000x128xf32, #tpu.memory_space<hbm>>) target(%arg14 : memref<40x128xf32, #tpu.memory_space<vmem>>) offsets(%dma_start3A_273 : memref<40xi32, #tpu.memory_space<vmem>>) semaphore(%arg19 : memref<!tpu.dma_semaphore, #tpu.memory_space<semaphore_mem>>)
      } else {
      }
      %mul3A_164 = arith.constant 40 : i32
      %mul3A_165 = arith.muli %add3A_157, %mul3A_164 : i32
      %dma_wait3A_166 = tpu.memref_slice %arg7[%mul3A_165] : memref<5000xi32, #tpu.memory_space<vmem>> -> memref<40xi32, #tpu.memory_space<vmem>>
      %dma_wait3A_167 = arith.constant 0 : i32
      %dma_wait3A_168 = arith.constant 0 : i32
      %dma_wait3A_169 = tpu.memref_slice %arg2[%dma_wait3A_167, %dma_wait3A_168] : memref<10000x128xf32, #tpu.memory_space<hbm>> -> memref<10000x128xf32, #tpu.memory_space<hbm>>
      tpu.wait_indirect_dma semaphore(%arg21 : memref<!tpu.dma_semaphore, #tpu.memory_space<semaphore_mem>>) src(%dma_wait3A_169 : memref<10000x128xf32, #tpu.memory_space<hbm>>) dst(%arg11 : memref<40x128xf32, #tpu.memory_space<vmem>>)
      %mul3A_170 = arith.constant 40 : i32
      %mul3A_171 = arith.muli %add3A_157, %mul3A_170 : i32
      %dma_wait3A_172 = tpu.memref_slice %arg8[%mul3A_171] : memref<5000xi32, #tpu.memory_space<vmem>> -> memref<40xi32, #tpu.memory_space<vmem>>
      %dma_wait3A_173 = arith.constant 0 : i32
      %dma_wait3A_174 = arith.constant 0 : i32
      %dma_wait3A_175 = tpu.memref_slice %arg3[%dma_wait3A_173, %dma_wait3A_174] : memref<10000x128xf32, #tpu.memory_space<hbm>> -> memref<10000x128xf32, #tpu.memory_space<hbm>>
      tpu.wait_indirect_dma semaphore(%arg21 : memref<!tpu.dma_semaphore, #tpu.memory_space<semaphore_mem>>) src(%dma_wait3A_175 : memref<10000x128xf32, #tpu.memory_space<hbm>>) dst(%arg16 : memref<40x128xf32, #tpu.memory_space<vmem>>)
      %scan3A_176 = arith.constant 0 : i32
      %scan3A_177 = arith.constant 0 : i32
      %scan3A_178 = arith.constant 40 : i32
      %scan3A_179 = arith.addi %scan3A_177, %scan3A_178 : i32
      %scan3A_180 = arith.constant 1 : i32
      scf.for %scan3A_261 = %scan3A_177 to %scan3A_179 step %scan3A_180  : i32 {
        %get3A = arith.index_cast %scan3A_261 : i32 to index
        %get3A_262 = arith.constant 0 : index
        %get3A_263 = tpu.vector_load %arg16[%get3A, %get3A_262] {strides = array<i32>} : memref<40x128xf32, #tpu.memory_space<vmem>>, vector<1x16xf32>,
        %get3A_264 = vector.shape_cast %get3A_263 : vector<1x16xf32> to vector<16xf32>
        %swap3A = arith.index_cast %scan3A_261 : i32 to index
        %swap3A_265 = arith.constant 0 : index
        %swap3A_266 = tpu.vector_load %arg11[%swap3A, %swap3A_265] {strides = array<i32>} : memref<40x128xf32, #tpu.memory_space<vmem>>, vector<1x16xf32>,
        %swap3A_267 = vector.shape_cast %swap3A_266 : vector<1x16xf32> to vector<16xf32>
        %swap3A_268 = vector.shape_cast %get3A_264 : vector<16xf32> to vector<1x16xf32>
        tpu.vector_store %arg11[%swap3A, %swap3A_265], %swap3A_268 {add = true, strides = array<i32>} : memref<40x128xf32, #tpu.memory_space<vmem>>, vector<1x16xf32>,
        %get3A_269 = arith.index_cast %scan3A_261 : i32 to index
        %get3A_270 = arith.constant 16 : index
        %get3A_271 = tpu.vector_load %arg16[%get3A_269, %get3A_270] {strides = array<i32>} : memref<40x128xf32, #tpu.memory_space<vmem>>, vector<1x16xf32>,
        %get3A_272 = vector.shape_cast %get3A_271 : vector<1x16xf32> to vector<16xf32>
        %swap3A_273 = arith.index_cast %scan3A_261 : i32 to index
        %swap3A_274 = arith.constant 16 : index
        %swap3A_275 = tpu.vector_load %arg11[%swap3A_273, %swap3A_274] {strides = array<i32>} : memref<40x128xf32, #tpu.memory_space<vmem>>, vector<1x16xf32>,
        %swap3A_276 = vector.shape_cast %swap3A_275 : vector<1x16xf32> to vector<16xf32>
        %swap3A_277 = vector.shape_cast %get3A_272 : vector<16xf32> to vector<1x16xf32>
        tpu.vector_store %arg11[%swap3A_273, %swap3A_274], %swap3A_277 {add = true, strides = array<i32>} : memref<40x128xf32, #tpu.memory_space<vmem>>, vector<1x16xf32>,
        %get3A_278 = arith.index_cast %scan3A_261 : i32 to index
        %get3A_279 = arith.constant 32 : index
        %get3A_280 = tpu.vector_load %arg16[%get3A_278, %get3A_279] {strides = array<i32>} : memref<40x128xf32, #tpu.memory_space<vmem>>, vector<1x16xf32>,
        %get3A_281 = vector.shape_cast %get3A_280 : vector<1x16xf32> to vector<16xf32>
        %swap3A_282 = arith.index_cast %scan3A_261 : i32 to index
        %swap3A_283 = arith.constant 32 : index
        %swap3A_284 = tpu.vector_load %arg11[%swap3A_282, %swap3A_283] {strides = array<i32>} : memref<40x128xf32, #tpu.memory_space<vmem>>, vector<1x16xf32>,
        %swap3A_285 = vector.shape_cast %swap3A_284 : vector<1x16xf32> to vector<16xf32>
        %swap3A_286 = vector.shape_cast %get3A_281 : vector<16xf32> to vector<1x16xf32>
        tpu.vector_store %arg11[%swap3A_282, %swap3A_283], %swap3A_286 {add = true, strides = array<i32>} : memref<40x128xf32, #tpu.memory_space<vmem>>, vector<1x16xf32>,
        %get3A_287 = arith.index_cast %scan3A_261 : i32 to index
        %get3A_288 = arith.constant 48 : index
        %get3A_289 = tpu.vector_load %arg16[%get3A_287, %get3A_288] {strides = array<i32>} : memref<40x128xf32, #tpu.memory_space<vmem>>, vector<1x16xf32>,
        %get3A_290 = vector.shape_cast %get3A_289 : vector<1x16xf32> to vector<16xf32>
        %swap3A_291 = arith.index_cast %scan3A_261 : i32 to index
        %swap3A_292 = arith.constant 48 : index
        %swap3A_293 = tpu.vector_load %arg11[%swap3A_291, %swap3A_292] {strides = array<i32>} : memref<40x128xf32, #tpu.memory_space<vmem>>, vector<1x16xf32>,
        %swap3A_294 = vector.shape_cast %swap3A_293 : vector<1x16xf32> to vector<16xf32>
        %swap3A_295 = vector.shape_cast %get3A_290 : vector<16xf32> to vector<1x16xf32>
        tpu.vector_store %arg11[%swap3A_291, %swap3A_292], %swap3A_295 {add = true, strides = array<i32>} : memref<40x128xf32, #tpu.memory_space<vmem>>, vector<1x16xf32>,
        %get3A_296 = arith.index_cast %scan3A_261 : i32 to index
        %get3A_297 = arith.constant 64 : index
        %get3A_298 = tpu.vector_load %arg16[%get3A_296, %get3A_297] {strides = array<i32>} : memref<40x128xf32, #tpu.memory_space<vmem>>, vector<1x16xf32>,
        %get3A_299 = vector.shape_cast %get3A_298 : vector<1x16xf32> to vector<16xf32>
        %swap3A_300 = arith.index_cast %scan3A_261 : i32 to index
        %swap3A_301 = arith.constant 64 : index
        %swap3A_302 = tpu.vector_load %arg11[%swap3A_300, %swap3A_301] {strides = array<i32>} : memref<40x128xf32, #tpu.memory_space<vmem>>, vector<1x16xf32>,
        %swap3A_303 = vector.shape_cast %swap3A_302 : vector<1x16xf32> to vector<16xf32>
        %swap3A_304 = vector.shape_cast %get3A_299 : vector<16xf32> to vector<1x16xf32>
        tpu.vector_store %arg11[%swap3A_300, %swap3A_301], %swap3A_304 {add = true, strides = array<i32>} : memref<40x128xf32, #tpu.memory_space<vmem>>, vector<1x16xf32>,
        %get3A_305 = arith.index_cast %scan3A_261 : i32 to index
        %get3A_306 = arith.constant 80 : index
        %get3A_307 = tpu.vector_load %arg16[%get3A_305, %get3A_306] {strides = array<i32>} : memref<40x128xf32, #tpu.memory_space<vmem>>, vector<1x16xf32>,
        %get3A_308 = vector.shape_cast %get3A_307 : vector<1x16xf32> to vector<16xf32>
        %swap3A_309 = arith.index_cast %scan3A_261 : i32 to index
        %swap3A_310 = arith.constant 80 : index
        %swap3A_311 = tpu.vector_load %arg11[%swap3A_309, %swap3A_310] {strides = array<i32>} : memref<40x128xf32, #tpu.memory_space<vmem>>, vector<1x16xf32>,
        %swap3A_312 = vector.shape_cast %swap3A_311 : vector<1x16xf32> to vector<16xf32>
        %swap3A_313 = vector.shape_cast %get3A_308 : vector<16xf32> to vector<1x16xf32>
        tpu.vector_store %arg11[%swap3A_309, %swap3A_310], %swap3A_313 {add = true, strides = array<i32>} : memref<40x128xf32, #tpu.memory_space<vmem>>, vector<1x16xf32>,
        %get3A_314 = arith.index_cast %scan3A_261 : i32 to index
        %get3A_315 = arith.constant 96 : index
        %get3A_316 = tpu.vector_load %arg16[%get3A_314, %get3A_315] {strides = array<i32>} : memref<40x128xf32, #tpu.memory_space<vmem>>, vector<1x16xf32>,
        %get3A_317 = vector.shape_cast %get3A_316 : vector<1x16xf32> to vector<16xf32>
        %swap3A_318 = arith.index_cast %scan3A_261 : i32 to index
        %swap3A_319 = arith.constant 96 : index
        %swap3A_320 = tpu.vector_load %arg11[%swap3A_318, %swap3A_319] {strides = array<i32>} : memref<40x128xf32, #tpu.memory_space<vmem>>, vector<1x16xf32>,
        %swap3A_321 = vector.shape_cast %swap3A_320 : vector<1x16xf32> to vector<16xf32>
        %swap3A_322 = vector.shape_cast %get3A_317 : vector<16xf32> to vector<1x16xf32>
        tpu.vector_store %arg11[%swap3A_318, %swap3A_319], %swap3A_322 {add = true, strides = array<i32>} : memref<40x128xf32, #tpu.memory_space<vmem>>, vector<1x16xf32>,
        %get3A_323 = arith.index_cast %scan3A_261 : i32 to index
        %get3A_324 = arith.constant 112 : index
        %get3A_325 = tpu.vector_load %arg16[%get3A_323, %get3A_324] {strides = array<i32>} : memref<40x128xf32, #tpu.memory_space<vmem>>, vector<1x16xf32>,
        %get3A_326 = vector.shape_cast %get3A_325 : vector<1x16xf32> to vector<16xf32>
        %swap3A_327 = arith.index_cast %scan3A_261 : i32 to index
        %swap3A_328 = arith.constant 112 : index
        %swap3A_329 = tpu.vector_load %arg11[%swap3A_327, %swap3A_328] {strides = array<i32>} : memref<40x128xf32, #tpu.memory_space<vmem>>, vector<1x16xf32>,
        %swap3A_330 = vector.shape_cast %swap3A_329 : vector<1x16xf32> to vector<16xf32>
        %swap3A_331 = vector.shape_cast %get3A_326 : vector<16xf32> to vector<1x16xf32>
        tpu.vector_store %arg11[%swap3A_327, %swap3A_328], %swap3A_331 {add = true, strides = array<i32>} : memref<40x128xf32, #tpu.memory_space<vmem>>, vector<1x16xf32>,
      }
      %scan3A_181 = arith.constant 40 : i32
      %mul3A_182 = arith.constant 40 : i32
      %mul3A_183 = arith.muli %add3A_157, %mul3A_182 : i32
      %add3A_184 = arith.addi %mul3A_2, %mul3A_183 : i32
      %dma_start3A_185 = arith.constant 0 : i32
      %dma_start3A_186 = tpu.memref_slice %arg6[%add3A_184, %dma_start3A_185] : memref<160000x128xf32, #tpu.memory_space<hbm>> -> memref<40x128xf32, #tpu.memory_space<hbm>>
      %dma_start3A_187 = arith.constant 0 : i32
      %dma_start3A_188 = tpu.memref_slice %arg6[%add3A_184, %dma_start3A_187] : memref<160000x128xf32, #tpu.memory_space<hbm>> -> memref<40x128xf32, #tpu.memory_space<hbm>>
      tpu.enqueue_dma source(%arg11 : memref<40x128xf32, #tpu.memory_space<vmem>>) target(%dma_start3A_188 : memref<40x128xf32, #tpu.memory_space<hbm>>) target_semaphore(%arg26 : memref<!tpu.dma_semaphore, #tpu.memory_space<semaphore_mem>>)
      %mul3A_189 = arith.constant 5 : i32
      %mul3A_190 = arith.muli %mul3A_189, %scan3A_60 : i32
      %add3A_191 = arith.constant 3 : i32
      %add3A_192 = arith.addi %mul3A_190, %add3A_191 : i32
      %add3A_193 = arith.constant 3 : i32
      %add3A_194 = arith.addi %add3A_192, %add3A_193 : i32
      %lt3A_195 = arith.constant 24 : i32
      %lt3A_196 = arith.cmpi slt, %scan3A_60, %lt3A_195 : i32
      %convert_element_type3A_197 = arith.extui %lt3A_196 : i1 to i32
      %cond3A_198 = arith.constant 0 : i32
      %cond3A_199 = arith.cmpi ne, %convert_element_type3A_197, %cond3A_198 : i32
      scf.if %cond3A_199 {
        %dma_wait3A_261 = arith.constant 0 : i32
        %dma_wait3A_262 = tpu.memref_slice %arg6[%mul3A_2, %dma_wait3A_261] : memref<160000x128xf32, #tpu.memory_space<hbm>> -> memref<40x128xf32, #tpu.memory_space<hbm>>
        %dma_wait3A_263 = arith.constant 0 : i32
        %dma_wait3A_264 = tpu.memref_slice %arg6[%mul3A_2, %dma_wait3A_263] : memref<160000x128xf32, #tpu.memory_space<hbm>> -> memref<40x128xf32, #tpu.memory_space<hbm>>
        tpu.wait_dma2 semaphore(%arg25 : memref<!tpu.dma_semaphore, #tpu.memory_space<semaphore_mem>>) src(%arg10 : memref<40x128xf32, #tpu.memory_space<vmem>>) dst(%dma_wait3A_264 : memref<40x128xf32, #tpu.memory_space<hbm>>)
        %mul3A_265 = arith.constant 40 : i32
        %mul3A_266 = arith.muli %add3A_194, %mul3A_265 : i32
        %dma_start3A_267 = tpu.memref_slice %arg7[%mul3A_266] : memref<5000xi32, #tpu.memory_space<vmem>> -> memref<40xi32, #tpu.memory_space<vmem>>
        %dma_start3A_268 = arith.constant 0 : i32
        %dma_start3A_269 = arith.constant 0 : i32
        %dma_start3A_270 = tpu.memref_slice %arg2[%dma_start3A_268, %dma_start3A_269] : memref<10000x128xf32, #tpu.memory_space<hbm>> -> memref<10000x128xf32, #tpu.memory_space<hbm>>
        tpu.enqueue_indirect_dma source(%dma_start3A_270 : memref<10000x128xf32, #tpu.memory_space<hbm>>) target(%arg10 : memref<40x128xf32, #tpu.memory_space<vmem>>) offsets(%dma_start3A_267 : memref<40xi32, #tpu.memory_space<vmem>>) semaphore(%arg20 : memref<!tpu.dma_semaphore, #tpu.memory_space<semaphore_mem>>)
        %mul3A_271 = arith.constant 40 : i32
        %mul3A_272 = arith.muli %add3A_194, %mul3A_271 : i32
        %dma_start3A_273 = tpu.memref_slice %arg8[%mul3A_272] : memref<5000xi32, #tpu.memory_space<vmem>> -> memref<40xi32, #tpu.memory_space<vmem>>
        %dma_start3A_274 = arith.constant 0 : i32
        %dma_start3A_275 = arith.constant 0 : i32
        %dma_start3A_276 = tpu.memref_slice %arg3[%dma_start3A_274, %dma_start3A_275] : memref<10000x128xf32, #tpu.memory_space<hbm>> -> memref<10000x128xf32, #tpu.memory_space<hbm>>
        tpu.enqueue_indirect_dma source(%dma_start3A_276 : memref<10000x128xf32, #tpu.memory_space<hbm>>) target(%arg15 : memref<40x128xf32, #tpu.memory_space<vmem>>) offsets(%dma_start3A_273 : memref<40xi32, #tpu.memory_space<vmem>>) semaphore(%arg20 : memref<!tpu.dma_semaphore, #tpu.memory_space<semaphore_mem>>)
      } else {
      }
      %mul3A_200 = arith.constant 40 : i32
      %mul3A_201 = arith.muli %add3A_192, %mul3A_200 : i32
      %dma_wait3A_202 = tpu.memref_slice %arg7[%mul3A_201] : memref<5000xi32, #tpu.memory_space<vmem>> -> memref<40xi32, #tpu.memory_space<vmem>>
      %dma_wait3A_203 = arith.constant 0 : i32
      %dma_wait3A_204 = arith.constant 0 : i32
      %dma_wait3A_205 = tpu.memref_slice %arg2[%dma_wait3A_203, %dma_wait3A_204] : memref<10000x128xf32, #tpu.memory_space<hbm>> -> memref<10000x128xf32, #tpu.memory_space<hbm>>
      tpu.wait_indirect_dma semaphore(%arg22 : memref<!tpu.dma_semaphore, #tpu.memory_space<semaphore_mem>>) src(%dma_wait3A_205 : memref<10000x128xf32, #tpu.memory_space<hbm>>) dst(%arg12 : memref<40x128xf32, #tpu.memory_space<vmem>>)
      %mul3A_206 = arith.constant 40 : i32
      %mul3A_207 = arith.muli %add3A_192, %mul3A_206 : i32
      %dma_wait3A_208 = tpu.memref_slice %arg8[%mul3A_207] : memref<5000xi32, #tpu.memory_space<vmem>> -> memref<40xi32, #tpu.memory_space<vmem>>
      %dma_wait3A_209 = arith.constant 0 : i32
      %dma_wait3A_210 = arith.constant 0 : i32
      %dma_wait3A_211 = tpu.memref_slice %arg3[%dma_wait3A_209, %dma_wait3A_210] : memref<10000x128xf32, #tpu.memory_space<hbm>> -> memref<10000x128xf32, #tpu.memory_space<hbm>>
      tpu.wait_indirect_dma semaphore(%arg22 : memref<!tpu.dma_semaphore, #tpu.memory_space<semaphore_mem>>) src(%dma_wait3A_211 : memref<10000x128xf32, #tpu.memory_space<hbm>>) dst(%arg17 : memref<40x128xf32, #tpu.memory_space<vmem>>)
      %scan3A_212 = arith.constant 0 : i32
      %scan3A_213 = arith.constant 0 : i32
      %scan3A_214 = arith.constant 40 : i32
      %scan3A_215 = arith.addi %scan3A_213, %scan3A_214 : i32
      %scan3A_216 = arith.constant 1 : i32
      scf.for %scan3A_261 = %scan3A_213 to %scan3A_215 step %scan3A_216  : i32 {
        %get3A = arith.index_cast %scan3A_261 : i32 to index
        %get3A_262 = arith.constant 0 : index
        %get3A_263 = tpu.vector_load %arg17[%get3A, %get3A_262] {strides = array<i32>} : memref<40x128xf32, #tpu.memory_space<vmem>>, vector<1x16xf32>,
        %get3A_264 = vector.shape_cast %get3A_263 : vector<1x16xf32> to vector<16xf32>
        %swap3A = arith.index_cast %scan3A_261 : i32 to index
        %swap3A_265 = arith.constant 0 : index
        %swap3A_266 = tpu.vector_load %arg12[%swap3A, %swap3A_265] {strides = array<i32>} : memref<40x128xf32, #tpu.memory_space<vmem>>, vector<1x16xf32>,
        %swap3A_267 = vector.shape_cast %swap3A_266 : vector<1x16xf32> to vector<16xf32>
        %swap3A_268 = vector.shape_cast %get3A_264 : vector<16xf32> to vector<1x16xf32>
        tpu.vector_store %arg12[%swap3A, %swap3A_265], %swap3A_268 {add = true, strides = array<i32>} : memref<40x128xf32, #tpu.memory_space<vmem>>, vector<1x16xf32>,
        %get3A_269 = arith.index_cast %scan3A_261 : i32 to index
        %get3A_270 = arith.constant 16 : index
        %get3A_271 = tpu.vector_load %arg17[%get3A_269, %get3A_270] {strides = array<i32>} : memref<40x128xf32, #tpu.memory_space<vmem>>, vector<1x16xf32>,
        %get3A_272 = vector.shape_cast %get3A_271 : vector<1x16xf32> to vector<16xf32>
        %swap3A_273 = arith.index_cast %scan3A_261 : i32 to index
        %swap3A_274 = arith.constant 16 : index
        %swap3A_275 = tpu.vector_load %arg12[%swap3A_273, %swap3A_274] {strides = array<i32>} : memref<40x128xf32, #tpu.memory_space<vmem>>, vector<1x16xf32>,
        %swap3A_276 = vector.shape_cast %swap3A_275 : vector<1x16xf32> to vector<16xf32>
        %swap3A_277 = vector.shape_cast %get3A_272 : vector<16xf32> to vector<1x16xf32>
        tpu.vector_store %arg12[%swap3A_273, %swap3A_274], %swap3A_277 {add = true, strides = array<i32>} : memref<40x128xf32, #tpu.memory_space<vmem>>, vector<1x16xf32>,
        %get3A_278 = arith.index_cast %scan3A_261 : i32 to index
        %get3A_279 = arith.constant 32 : index
        %get3A_280 = tpu.vector_load %arg17[%get3A_278, %get3A_279] {strides = array<i32>} : memref<40x128xf32, #tpu.memory_space<vmem>>, vector<1x16xf32>,
        %get3A_281 = vector.shape_cast %get3A_280 : vector<1x16xf32> to vector<16xf32>
        %swap3A_282 = arith.index_cast %scan3A_261 : i32 to index
        %swap3A_283 = arith.constant 32 : index
        %swap3A_284 = tpu.vector_load %arg12[%swap3A_282, %swap3A_283] {strides = array<i32>} : memref<40x128xf32, #tpu.memory_space<vmem>>, vector<1x16xf32>,
        %swap3A_285 = vector.shape_cast %swap3A_284 : vector<1x16xf32> to vector<16xf32>
        %swap3A_286 = vector.shape_cast %get3A_281 : vector<16xf32> to vector<1x16xf32>
        tpu.vector_store %arg12[%swap3A_282, %swap3A_283], %swap3A_286 {add = true, strides = array<i32>} : memref<40x128xf32, #tpu.memory_space<vmem>>, vector<1x16xf32>,
        %get3A_287 = arith.index_cast %scan3A_261 : i32 to index
        %get3A_288 = arith.constant 48 : index
        %get3A_289 = tpu.vector_load %arg17[%get3A_287, %get3A_288] {strides = array<i32>} : memref<40x128xf32, #tpu.memory_space<vmem>>, vector<1x16xf32>,
        %get3A_290 = vector.shape_cast %get3A_289 : vector<1x16xf32> to vector<16xf32>
        %swap3A_291 = arith.index_cast %scan3A_261 : i32 to index
        %swap3A_292 = arith.constant 48 : index
        %swap3A_293 = tpu.vector_load %arg12[%swap3A_291, %swap3A_292] {strides = array<i32>} : memref<40x128xf32, #tpu.memory_space<vmem>>, vector<1x16xf32>,
        %swap3A_294 = vector.shape_cast %swap3A_293 : vector<1x16xf32> to vector<16xf32>
        %swap3A_295 = vector.shape_cast %get3A_290 : vector<16xf32> to vector<1x16xf32>
        tpu.vector_store %arg12[%swap3A_291, %swap3A_292], %swap3A_295 {add = true, strides = array<i32>} : memref<40x128xf32, #tpu.memory_space<vmem>>, vector<1x16xf32>,
        %get3A_296 = arith.index_cast %scan3A_261 : i32 to index
        %get3A_297 = arith.constant 64 : index
        %get3A_298 = tpu.vector_load %arg17[%get3A_296, %get3A_297] {strides = array<i32>} : memref<40x128xf32, #tpu.memory_space<vmem>>, vector<1x16xf32>,
        %get3A_299 = vector.shape_cast %get3A_298 : vector<1x16xf32> to vector<16xf32>
        %swap3A_300 = arith.index_cast %scan3A_261 : i32 to index
        %swap3A_301 = arith.constant 64 : index
        %swap3A_302 = tpu.vector_load %arg12[%swap3A_300, %swap3A_301] {strides = array<i32>} : memref<40x128xf32, #tpu.memory_space<vmem>>, vector<1x16xf32>,
        %swap3A_303 = vector.shape_cast %swap3A_302 : vector<1x16xf32> to vector<16xf32>
        %swap3A_304 = vector.shape_cast %get3A_299 : vector<16xf32> to vector<1x16xf32>
        tpu.vector_store %arg12[%swap3A_300, %swap3A_301], %swap3A_304 {add = true, strides = array<i32>} : memref<40x128xf32, #tpu.memory_space<vmem>>, vector<1x16xf32>,
        %get3A_305 = arith.index_cast %scan3A_261 : i32 to index
        %get3A_306 = arith.constant 80 : index
        %get3A_307 = tpu.vector_load %arg17[%get3A_305, %get3A_306] {strides = array<i32>} : memref<40x128xf32, #tpu.memory_space<vmem>>, vector<1x16xf32>,
        %get3A_308 = vector.shape_cast %get3A_307 : vector<1x16xf32> to vector<16xf32>
        %swap3A_309 = arith.index_cast %scan3A_261 : i32 to index
        %swap3A_310 = arith.constant 80 : index
        %swap3A_311 = tpu.vector_load %arg12[%swap3A_309, %swap3A_310] {strides = array<i32>} : memref<40x128xf32, #tpu.memory_space<vmem>>, vector<1x16xf32>,
        %swap3A_312 = vector.shape_cast %swap3A_311 : vector<1x16xf32> to vector<16xf32>
        %swap3A_313 = vector.shape_cast %get3A_308 : vector<16xf32> to vector<1x16xf32>
        tpu.vector_store %arg12[%swap3A_309, %swap3A_310], %swap3A_313 {add = true, strides = array<i32>} : memref<40x128xf32, #tpu.memory_space<vmem>>, vector<1x16xf32>,
        %get3A_314 = arith.index_cast %scan3A_261 : i32 to index
        %get3A_315 = arith.constant 96 : index
        %get3A_316 = tpu.vector_load %arg17[%get3A_314, %get3A_315] {strides = array<i32>} : memref<40x128xf32, #tpu.memory_space<vmem>>, vector<1x16xf32>,
        %get3A_317 = vector.shape_cast %get3A_316 : vector<1x16xf32> to vector<16xf32>
        %swap3A_318 = arith.index_cast %scan3A_261 : i32 to index
        %swap3A_319 = arith.constant 96 : index
        %swap3A_320 = tpu.vector_load %arg12[%swap3A_318, %swap3A_319] {strides = array<i32>} : memref<40x128xf32, #tpu.memory_space<vmem>>, vector<1x16xf32>,
        %swap3A_321 = vector.shape_cast %swap3A_320 : vector<1x16xf32> to vector<16xf32>
        %swap3A_322 = vector.shape_cast %get3A_317 : vector<16xf32> to vector<1x16xf32>
        tpu.vector_store %arg12[%swap3A_318, %swap3A_319], %swap3A_322 {add = true, strides = array<i32>} : memref<40x128xf32, #tpu.memory_space<vmem>>, vector<1x16xf32>,
        %get3A_323 = arith.index_cast %scan3A_261 : i32 to index
        %get3A_324 = arith.constant 112 : index
        %get3A_325 = tpu.vector_load %arg17[%get3A_323, %get3A_324] {strides = array<i32>} : memref<40x128xf32, #tpu.memory_space<vmem>>, vector<1x16xf32>,
        %get3A_326 = vector.shape_cast %get3A_325 : vector<1x16xf32> to vector<16xf32>
        %swap3A_327 = arith.index_cast %scan3A_261 : i32 to index
        %swap3A_328 = arith.constant 112 : index
        %swap3A_329 = tpu.vector_load %arg12[%swap3A_327, %swap3A_328] {strides = array<i32>} : memref<40x128xf32, #tpu.memory_space<vmem>>, vector<1x16xf32>,
        %swap3A_330 = vector.shape_cast %swap3A_329 : vector<1x16xf32> to vector<16xf32>
        %swap3A_331 = vector.shape_cast %get3A_326 : vector<16xf32> to vector<1x16xf32>
        tpu.vector_store %arg12[%swap3A_327, %swap3A_328], %swap3A_331 {add = true, strides = array<i32>} : memref<40x128xf32, #tpu.memory_space<vmem>>, vector<1x16xf32>,
      }
      %scan3A_217 = arith.constant 40 : i32
      %mul3A_218 = arith.constant 40 : i32
      %mul3A_219 = arith.muli %add3A_192, %mul3A_218 : i32
      %add3A_220 = arith.addi %mul3A_2, %mul3A_219 : i32
      %dma_start3A_221 = arith.constant 0 : i32
      %dma_start3A_222 = tpu.memref_slice %arg6[%add3A_220, %dma_start3A_221] : memref<160000x128xf32, #tpu.memory_space<hbm>> -> memref<40x128xf32, #tpu.memory_space<hbm>>
      %dma_start3A_223 = arith.constant 0 : i32
      %dma_start3A_224 = tpu.memref_slice %arg6[%add3A_220, %dma_start3A_223] : memref<160000x128xf32, #tpu.memory_space<hbm>> -> memref<40x128xf32, #tpu.memory_space<hbm>>
      tpu.enqueue_dma source(%arg12 : memref<40x128xf32, #tpu.memory_space<vmem>>) target(%dma_start3A_224 : memref<40x128xf32, #tpu.memory_space<hbm>>) target_semaphore(%arg27 : memref<!tpu.dma_semaphore, #tpu.memory_space<semaphore_mem>>)
      %mul3A_225 = arith.constant 5 : i32
      %mul3A_226 = arith.muli %mul3A_225, %scan3A_60 : i32
      %add3A_227 = arith.constant 4 : i32
      %add3A_228 = arith.addi %mul3A_226, %add3A_227 : i32
      %add3A_229 = arith.constant 3 : i32
      %add3A_230 = arith.addi %add3A_228, %add3A_229 : i32
      %lt3A_231 = arith.constant 24 : i32
      %lt3A_232 = arith.cmpi slt, %scan3A_60, %lt3A_231 : i32
      %convert_element_type3A_233 = arith.extui %lt3A_232 : i1 to i32
      %cond3A_234 = arith.constant 0 : i32
      %cond3A_235 = arith.cmpi ne, %convert_element_type3A_233, %cond3A_234 : i32
      scf.if %cond3A_235 {
        %dma_wait3A_261 = arith.constant 0 : i32
        %dma_wait3A_262 = tpu.memref_slice %arg6[%mul3A_2, %dma_wait3A_261] : memref<160000x128xf32, #tpu.memory_space<hbm>> -> memref<40x128xf32, #tpu.memory_space<hbm>>
        %dma_wait3A_263 = arith.constant 0 : i32
        %dma_wait3A_264 = tpu.memref_slice %arg6[%mul3A_2, %dma_wait3A_263] : memref<160000x128xf32, #tpu.memory_space<hbm>> -> memref<40x128xf32, #tpu.memory_space<hbm>>
        tpu.wait_dma2 semaphore(%arg26 : memref<!tpu.dma_semaphore, #tpu.memory_space<semaphore_mem>>) src(%arg11 : memref<40x128xf32, #tpu.memory_space<vmem>>) dst(%dma_wait3A_264 : memref<40x128xf32, #tpu.memory_space<hbm>>)
        %mul3A_265 = arith.constant 40 : i32
        %mul3A_266 = arith.muli %add3A_230, %mul3A_265 : i32
        %dma_start3A_267 = tpu.memref_slice %arg7[%mul3A_266] : memref<5000xi32, #tpu.memory_space<vmem>> -> memref<40xi32, #tpu.memory_space<vmem>>
        %dma_start3A_268 = arith.constant 0 : i32
        %dma_start3A_269 = arith.constant 0 : i32
        %dma_start3A_270 = tpu.memref_slice %arg2[%dma_start3A_268, %dma_start3A_269] : memref<10000x128xf32, #tpu.memory_space<hbm>> -> memref<10000x128xf32, #tpu.memory_space<hbm>>
        tpu.enqueue_indirect_dma source(%dma_start3A_270 : memref<10000x128xf32, #tpu.memory_space<hbm>>) target(%arg11 : memref<40x128xf32, #tpu.memory_space<vmem>>) offsets(%dma_start3A_267 : memref<40xi32, #tpu.memory_space<vmem>>) semaphore(%arg21 : memref<!tpu.dma_semaphore, #tpu.memory_space<semaphore_mem>>)
        %mul3A_271 = arith.constant 40 : i32
        %mul3A_272 = arith.muli %add3A_230, %mul3A_271 : i32
        %dma_start3A_273 = tpu.memref_slice %arg8[%mul3A_272] : memref<5000xi32, #tpu.memory_space<vmem>> -> memref<40xi32, #tpu.memory_space<vmem>>
        %dma_start3A_274 = arith.constant 0 : i32
        %dma_start3A_275 = arith.constant 0 : i32
        %dma_start3A_276 = tpu.memref_slice %arg3[%dma_start3A_274, %dma_start3A_275] : memref<10000x128xf32, #tpu.memory_space<hbm>> -> memref<10000x128xf32, #tpu.memory_space<hbm>>
        tpu.enqueue_indirect_dma source(%dma_start3A_276 : memref<10000x128xf32, #tpu.memory_space<hbm>>) target(%arg16 : memref<40x128xf32, #tpu.memory_space<vmem>>) offsets(%dma_start3A_273 : memref<40xi32, #tpu.memory_space<vmem>>) semaphore(%arg21 : memref<!tpu.dma_semaphore, #tpu.memory_space<semaphore_mem>>)
      } else {
      }
      %mul3A_236 = arith.constant 40 : i32
      %mul3A_237 = arith.muli %add3A_228, %mul3A_236 : i32
      %dma_wait3A_238 = tpu.memref_slice %arg7[%mul3A_237] : memref<5000xi32, #tpu.memory_space<vmem>> -> memref<40xi32, #tpu.memory_space<vmem>>
      %dma_wait3A_239 = arith.constant 0 : i32
      %dma_wait3A_240 = arith.constant 0 : i32
      %dma_wait3A_241 = tpu.memref_slice %arg2[%dma_wait3A_239, %dma_wait3A_240] : memref<10000x128xf32, #tpu.memory_space<hbm>> -> memref<10000x128xf32, #tpu.memory_space<hbm>>
      tpu.wait_indirect_dma semaphore(%arg23 : memref<!tpu.dma_semaphore, #tpu.memory_space<semaphore_mem>>) src(%dma_wait3A_241 : memref<10000x128xf32, #tpu.memory_space<hbm>>) dst(%arg13 : memref<40x128xf32, #tpu.memory_space<vmem>>)
      %mul3A_242 = arith.constant 40 : i32
      %mul3A_243 = arith.muli %add3A_228, %mul3A_242 : i32
      %dma_wait3A_244 = tpu.memref_slice %arg8[%mul3A_243] : memref<5000xi32, #tpu.memory_space<vmem>> -> memref<40xi32, #tpu.memory_space<vmem>>
      %dma_wait3A_245 = arith.constant 0 : i32
      %dma_wait3A_246 = arith.constant 0 : i32
      %dma_wait3A_247 = tpu.memref_slice %arg3[%dma_wait3A_245, %dma_wait3A_246] : memref<10000x128xf32, #tpu.memory_space<hbm>> -> memref<10000x128xf32, #tpu.memory_space<hbm>>
      tpu.wait_indirect_dma semaphore(%arg23 : memref<!tpu.dma_semaphore, #tpu.memory_space<semaphore_mem>>) src(%dma_wait3A_247 : memref<10000x128xf32, #tpu.memory_space<hbm>>) dst(%arg18 : memref<40x128xf32, #tpu.memory_space<vmem>>)
      %scan3A_248 = arith.constant 0 : i32
      %scan3A_249 = arith.constant 0 : i32
      %scan3A_250 = arith.constant 40 : i32
      %scan3A_251 = arith.addi %scan3A_249, %scan3A_250 : i32
      %scan3A_252 = arith.constant 1 : i32
      scf.for %scan3A_261 = %scan3A_249 to %scan3A_251 step %scan3A_252  : i32 {
        %get3A = arith.index_cast %scan3A_261 : i32 to index
        %get3A_262 = arith.constant 0 : index
        %get3A_263 = tpu.vector_load %arg18[%get3A, %get3A_262] {strides = array<i32>} : memref<40x128xf32, #tpu.memory_space<vmem>>, vector<1x16xf32>,
        %get3A_264 = vector.shape_cast %get3A_263 : vector<1x16xf32> to vector<16xf32>
        %swap3A = arith.index_cast %scan3A_261 : i32 to index
        %swap3A_265 = arith.constant 0 : index
        %swap3A_266 = tpu.vector_load %arg13[%swap3A, %swap3A_265] {strides = array<i32>} : memref<40x128xf32, #tpu.memory_space<vmem>>, vector<1x16xf32>,
        %swap3A_267 = vector.shape_cast %swap3A_266 : vector<1x16xf32> to vector<16xf32>
        %swap3A_268 = vector.shape_cast %get3A_264 : vector<16xf32> to vector<1x16xf32>
        tpu.vector_store %arg13[%swap3A, %swap3A_265], %swap3A_268 {add = true, strides = array<i32>} : memref<40x128xf32, #tpu.memory_space<vmem>>, vector<1x16xf32>,
        %get3A_269 = arith.index_cast %scan3A_261 : i32 to index
        %get3A_270 = arith.constant 16 : index
        %get3A_271 = tpu.vector_load %arg18[%get3A_269, %get3A_270] {strides = array<i32>} : memref<40x128xf32, #tpu.memory_space<vmem>>, vector<1x16xf32>,
        %get3A_272 = vector.shape_cast %get3A_271 : vector<1x16xf32> to vector<16xf32>
        %swap3A_273 = arith.index_cast %scan3A_261 : i32 to index
        %swap3A_274 = arith.constant 16 : index
        %swap3A_275 = tpu.vector_load %arg13[%swap3A_273, %swap3A_274] {strides = array<i32>} : memref<40x128xf32, #tpu.memory_space<vmem>>, vector<1x16xf32>,
        %swap3A_276 = vector.shape_cast %swap3A_275 : vector<1x16xf32> to vector<16xf32>
        %swap3A_277 = vector.shape_cast %get3A_272 : vector<16xf32> to vector<1x16xf32>
        tpu.vector_store %arg13[%swap3A_273, %swap3A_274], %swap3A_277 {add = true, strides = array<i32>} : memref<40x128xf32, #tpu.memory_space<vmem>>, vector<1x16xf32>,
        %get3A_278 = arith.index_cast %scan3A_261 : i32 to index
        %get3A_279 = arith.constant 32 : index
        %get3A_280 = tpu.vector_load %arg18[%get3A_278, %get3A_279] {strides = array<i32>} : memref<40x128xf32, #tpu.memory_space<vmem>>, vector<1x16xf32>,
        %get3A_281 = vector.shape_cast %get3A_280 : vector<1x16xf32> to vector<16xf32>
        %swap3A_282 = arith.index_cast %scan3A_261 : i32 to index
        %swap3A_283 = arith.constant 32 : index
        %swap3A_284 = tpu.vector_load %arg13[%swap3A_282, %swap3A_283] {strides = array<i32>} : memref<40x128xf32, #tpu.memory_space<vmem>>, vector<1x16xf32>,
        %swap3A_285 = vector.shape_cast %swap3A_284 : vector<1x16xf32> to vector<16xf32>
        %swap3A_286 = vector.shape_cast %get3A_281 : vector<16xf32> to vector<1x16xf32>
        tpu.vector_store %arg13[%swap3A_282, %swap3A_283], %swap3A_286 {add = true, strides = array<i32>} : memref<40x128xf32, #tpu.memory_space<vmem>>, vector<1x16xf32>,
        %get3A_287 = arith.index_cast %scan3A_261 : i32 to index
        %get3A_288 = arith.constant 48 : index
        %get3A_289 = tpu.vector_load %arg18[%get3A_287, %get3A_288] {strides = array<i32>} : memref<40x128xf32, #tpu.memory_space<vmem>>, vector<1x16xf32>,
        %get3A_290 = vector.shape_cast %get3A_289 : vector<1x16xf32> to vector<16xf32>
        %swap3A_291 = arith.index_cast %scan3A_261 : i32 to index
        %swap3A_292 = arith.constant 48 : index
        %swap3A_293 = tpu.vector_load %arg13[%swap3A_291, %swap3A_292] {strides = array<i32>} : memref<40x128xf32, #tpu.memory_space<vmem>>, vector<1x16xf32>,
        %swap3A_294 = vector.shape_cast %swap3A_293 : vector<1x16xf32> to vector<16xf32>
        %swap3A_295 = vector.shape_cast %get3A_290 : vector<16xf32> to vector<1x16xf32>
        tpu.vector_store %arg13[%swap3A_291, %swap3A_292], %swap3A_295 {add = true, strides = array<i32>} : memref<40x128xf32, #tpu.memory_space<vmem>>, vector<1x16xf32>,
        %get3A_296 = arith.index_cast %scan3A_261 : i32 to index
        %get3A_297 = arith.constant 64 : index
        %get3A_298 = tpu.vector_load %arg18[%get3A_296, %get3A_297] {strides = array<i32>} : memref<40x128xf32, #tpu.memory_space<vmem>>, vector<1x16xf32>,
        %get3A_299 = vector.shape_cast %get3A_298 : vector<1x16xf32> to vector<16xf32>
        %swap3A_300 = arith.index_cast %scan3A_261 : i32 to index
        %swap3A_301 = arith.constant 64 : index
        %swap3A_302 = tpu.vector_load %arg13[%swap3A_300, %swap3A_301] {strides = array<i32>} : memref<40x128xf32, #tpu.memory_space<vmem>>, vector<1x16xf32>,
        %swap3A_303 = vector.shape_cast %swap3A_302 : vector<1x16xf32> to vector<16xf32>
        %swap3A_304 = vector.shape_cast %get3A_299 : vector<16xf32> to vector<1x16xf32>
        tpu.vector_store %arg13[%swap3A_300, %swap3A_301], %swap3A_304 {add = true, strides = array<i32>} : memref<40x128xf32, #tpu.memory_space<vmem>>, vector<1x16xf32>,
        %get3A_305 = arith.index_cast %scan3A_261 : i32 to index
        %get3A_306 = arith.constant 80 : index
        %get3A_307 = tpu.vector_load %arg18[%get3A_305, %get3A_306] {strides = array<i32>} : memref<40x128xf32, #tpu.memory_space<vmem>>, vector<1x16xf32>,
        %get3A_308 = vector.shape_cast %get3A_307 : vector<1x16xf32> to vector<16xf32>
        %swap3A_309 = arith.index_cast %scan3A_261 : i32 to index
        %swap3A_310 = arith.constant 80 : index
        %swap3A_311 = tpu.vector_load %arg13[%swap3A_309, %swap3A_310] {strides = array<i32>} : memref<40x128xf32, #tpu.memory_space<vmem>>, vector<1x16xf32>,
        %swap3A_312 = vector.shape_cast %swap3A_311 : vector<1x16xf32> to vector<16xf32>
        %swap3A_313 = vector.shape_cast %get3A_308 : vector<16xf32> to vector<1x16xf32>
        tpu.vector_store %arg13[%swap3A_309, %swap3A_310], %swap3A_313 {add = true, strides = array<i32>} : memref<40x128xf32, #tpu.memory_space<vmem>>, vector<1x16xf32>,
        %get3A_314 = arith.index_cast %scan3A_261 : i32 to index
        %get3A_315 = arith.constant 96 : index
        %get3A_316 = tpu.vector_load %arg18[%get3A_314, %get3A_315] {strides = array<i32>} : memref<40x128xf32, #tpu.memory_space<vmem>>, vector<1x16xf32>,
        %get3A_317 = vector.shape_cast %get3A_316 : vector<1x16xf32> to vector<16xf32>
        %swap3A_318 = arith.index_cast %scan3A_261 : i32 to index
        %swap3A_319 = arith.constant 96 : index
        %swap3A_320 = tpu.vector_load %arg13[%swap3A_318, %swap3A_319] {strides = array<i32>} : memref<40x128xf32, #tpu.memory_space<vmem>>, vector<1x16xf32>,
        %swap3A_321 = vector.shape_cast %swap3A_320 : vector<1x16xf32> to vector<16xf32>
        %swap3A_322 = vector.shape_cast %get3A_317 : vector<16xf32> to vector<1x16xf32>
        tpu.vector_store %arg13[%swap3A_318, %swap3A_319], %swap3A_322 {add = true, strides = array<i32>} : memref<40x128xf32, #tpu.memory_space<vmem>>, vector<1x16xf32>,
        %get3A_323 = arith.index_cast %scan3A_261 : i32 to index
        %get3A_324 = arith.constant 112 : index
        %get3A_325 = tpu.vector_load %arg18[%get3A_323, %get3A_324] {strides = array<i32>} : memref<40x128xf32, #tpu.memory_space<vmem>>, vector<1x16xf32>,
        %get3A_326 = vector.shape_cast %get3A_325 : vector<1x16xf32> to vector<16xf32>
        %swap3A_327 = arith.index_cast %scan3A_261 : i32 to index
        %swap3A_328 = arith.constant 112 : index
        %swap3A_329 = tpu.vector_load %arg13[%swap3A_327, %swap3A_328] {strides = array<i32>} : memref<40x128xf32, #tpu.memory_space<vmem>>, vector<1x16xf32>,
        %swap3A_330 = vector.shape_cast %swap3A_329 : vector<1x16xf32> to vector<16xf32>
        %swap3A_331 = vector.shape_cast %get3A_326 : vector<16xf32> to vector<1x16xf32>
        tpu.vector_store %arg13[%swap3A_327, %swap3A_328], %swap3A_331 {add = true, strides = array<i32>} : memref<40x128xf32, #tpu.memory_space<vmem>>, vector<1x16xf32>,
      }
      %scan3A_253 = arith.constant 40 : i32
      %mul3A_254 = arith.constant 40 : i32
      %mul3A_255 = arith.muli %add3A_228, %mul3A_254 : i32
      %add3A_256 = arith.addi %mul3A_2, %mul3A_255 : i32
      %dma_start3A_257 = arith.constant 0 : i32
      %dma_start3A_258 = tpu.memref_slice %arg6[%add3A_256, %dma_start3A_257] : memref<160000x128xf32, #tpu.memory_space<hbm>> -> memref<40x128xf32, #tpu.memory_space<hbm>>
      %dma_start3A_259 = arith.constant 0 : i32
      %dma_start3A_260 = tpu.memref_slice %arg6[%add3A_256, %dma_start3A_259] : memref<160000x128xf32, #tpu.memory_space<hbm>> -> memref<40x128xf32, #tpu.memory_space<hbm>>
      tpu.enqueue_dma source(%arg13 : memref<40x128xf32, #tpu.memory_space<vmem>>) target(%dma_start3A_260 : memref<40x128xf32, #tpu.memory_space<hbm>>) target_semaphore(%arg28 : memref<!tpu.dma_semaphore, #tpu.memory_space<semaphore_mem>>)
    }
    %scan3A_40 = arith.constant 25 : i32
    %dma_wait3A = arith.constant 0 : i32
    %dma_wait3A_41 = tpu.memref_slice %arg6[%mul3A_2, %dma_wait3A] : memref<160000x128xf32, #tpu.memory_space<hbm>> -> memref<40x128xf32, #tpu.memory_space<hbm>>
    %dma_wait3A_42 = arith.constant 0 : i32
    %dma_wait3A_43 = tpu.memref_slice %arg6[%mul3A_2, %dma_wait3A_42] : memref<160000x128xf32, #tpu.memory_space<hbm>> -> memref<40x128xf32, #tpu.memory_space<hbm>>
    tpu.wait_dma2 semaphore(%arg24 : memref<!tpu.dma_semaphore, #tpu.memory_space<semaphore_mem>>) src(%arg9 : memref<40x128xf32, #tpu.memory_space<vmem>>) dst(%dma_wait3A_43 : memref<40x128xf32, #tpu.memory_space<hbm>>)
    %dma_wait3A_44 = arith.constant 0 : i32
    %dma_wait3A_45 = tpu.memref_slice %arg6[%mul3A_2, %dma_wait3A_44] : memref<160000x128xf32, #tpu.memory_space<hbm>> -> memref<40x128xf32, #tpu.memory_space<hbm>>
    %dma_wait3A_46 = arith.constant 0 : i32
    %dma_wait3A_47 = tpu.memref_slice %arg6[%mul3A_2, %dma_wait3A_46] : memref<160000x128xf32, #tpu.memory_space<hbm>> -> memref<40x128xf32, #tpu.memory_space<hbm>>
    tpu.wait_dma2 semaphore(%arg25 : memref<!tpu.dma_semaphore, #tpu.memory_space<semaphore_mem>>) src(%arg10 : memref<40x128xf32, #tpu.memory_space<vmem>>) dst(%dma_wait3A_47 : memref<40x128xf32, #tpu.memory_space<hbm>>)
    %dma_wait3A_48 = arith.constant 0 : i32
    %dma_wait3A_49 = tpu.memref_slice %arg6[%mul3A_2, %dma_wait3A_48] : memref<160000x128xf32, #tpu.memory_space<hbm>> -> memref<40x128xf32, #tpu.memory_space<hbm>>
    %dma_wait3A_50 = arith.constant 0 : i32
    %dma_wait3A_51 = tpu.memref_slice %arg6[%mul3A_2, %dma_wait3A_50] : memref<160000x128xf32, #tpu.memory_space<hbm>> -> memref<40x128xf32, #tpu.memory_space<hbm>>
    tpu.wait_dma2 semaphore(%arg26 : memref<!tpu.dma_semaphore, #tpu.memory_space<semaphore_mem>>) src(%arg11 : memref<40x128xf32, #tpu.memory_space<vmem>>) dst(%dma_wait3A_51 : memref<40x128xf32, #tpu.memory_space<hbm>>)
    %dma_wait3A_52 = arith.constant 0 : i32
    %dma_wait3A_53 = tpu.memref_slice %arg6[%mul3A_2, %dma_wait3A_52] : memref<160000x128xf32, #tpu.memory_space<hbm>> -> memref<40x128xf32, #tpu.memory_space<hbm>>
    %dma_wait3A_54 = arith.constant 0 : i32
    %dma_wait3A_55 = tpu.memref_slice %arg6[%mul3A_2, %dma_wait3A_54] : memref<160000x128xf32, #tpu.memory_space<hbm>> -> memref<40x128xf32, #tpu.memory_space<hbm>>
    tpu.wait_dma2 semaphore(%arg27 : memref<!tpu.dma_semaphore, #tpu.memory_space<semaphore_mem>>) src(%arg12 : memref<40x128xf32, #tpu.memory_space<vmem>>) dst(%dma_wait3A_55 : memref<40x128xf32, #tpu.memory_space<hbm>>)
    %dma_wait3A_56 = arith.constant 0 : i32
    %dma_wait3A_57 = tpu.memref_slice %arg6[%mul3A_2, %dma_wait3A_56] : memref<160000x128xf32, #tpu.memory_space<hbm>> -> memref<40x128xf32, #tpu.memory_space<hbm>>
    %dma_wait3A_58 = arith.constant 0 : i32
    %dma_wait3A_59 = tpu.memref_slice %arg6[%mul3A_2, %dma_wait3A_58] : memref<160000x128xf32, #tpu.memory_space<hbm>> -> memref<40x128xf32, #tpu.memory_space<hbm>>
    tpu.wait_dma2 semaphore(%arg28 : memref<!tpu.dma_semaphore, #tpu.memory_space<semaphore_mem>>) src(%arg13 : memref<40x128xf32, #tpu.memory_space<vmem>>) dst(%dma_wait3A_59 : memref<40x128xf32, #tpu.memory_space<hbm>>)
    return
  }
}

#map = affine_map<(d0, d1) -> (0, 0)>
#map1 = affine_map<(d0, d1) -> (0)>
module attributes {stable_mosaic.version = 14 : i64} {
  func.func @gather_add(%arg0: i32, %arg1: i32, %arg2: memref<10000x128xf32, #tpu.memory_space<hbm>>, %arg3: memref<10000x128xf32, #tpu.memory_space<hbm>>, %arg4: memref<320000xi32, #tpu.memory_space<hbm>>, %arg5: memref<320000xi32, #tpu.memory_space<hbm>>, %arg6: memref<160000x128xf32, #tpu.memory_space<hbm>>, %arg7: memref<5000xi32, #tpu.memory_space<vmem>>, %arg8: memref<5000xi32, #tpu.memory_space<vmem>>, %arg9: memref<40x128xf32, #tpu.memory_space<vmem>>, %arg10: memref<40x128xf32, #tpu.memory_space<vmem>>, %arg11: memref<40x128xf32, #tpu.memory_space<vmem>>, %arg12: memref<40x128xf32, #tpu.memory_space<vmem>>, %arg13: memref<40x128xf32, #tpu.memory_space<vmem>>, %arg14: memref<40x128xf32, #tpu.memory_space<vmem>>, %arg15: memref<40x128xf32, #tpu.memory_space<vmem>>, %arg16: memref<40x128xf32, #tpu.memory_space<vmem>>, %arg17: memref<40x128xf32, #tpu.memory_space<vmem>>, %arg18: memref<40x128xf32, #tpu.memory_space<vmem>>, %arg19: memref<!tpu.dma_semaphore, #tpu.memory_space<semaphore_mem>>, %arg20: memref<!tpu.dma_semaphore, #tpu.memory_space<semaphore_mem>>, %arg21: memref<!tpu.dma_semaphore, #tpu.memory_space<semaphore_mem>>, %arg22: memref<!tpu.dma_semaphore, #tpu.memory_space<semaphore_mem>>, %arg23: memref<!tpu.dma_semaphore, #tpu.memory_space<semaphore_mem>>, %arg24: memref<!tpu.dma_semaphore, #tpu.memory_space<semaphore_mem>>, %arg25: memref<!tpu.dma_semaphore, #tpu.memory_space<semaphore_mem>>, %arg26: memref<!tpu.dma_semaphore, #tpu.memory_space<semaphore_mem>>, %arg27: memref<!tpu.dma_semaphore, #tpu.memory_space<semaphore_mem>>, %arg28: memref<!tpu.dma_semaphore, #tpu.memory_space<semaphore_mem>>) attributes {dimension_semantics = [#tpu.dimension_semantics<core_parallel>, #tpu.dimension_semantics<subcore_parallel>], iteration_bounds = array<i64: 2, 16>, scalar_prefetch = 0 : i64, scratch_operands = 22 : i64, tpu.core_type = #tpu.core_type<sc_vector_subcore>, window_params = [{transform_indices = #map}, {transform_indices = #map}, {transform_indices = #map1}, {transform_indices = #map1}, {transform_indices = #map}]} {
    %mul3A = arith.constant 2 : i32
    %mul3A_0 = arith.muli %arg1, %mul3A : i32
    %add3A = arith.addi %mul3A_0, %arg0 : i32
    %mul3A_1 = arith.constant 5000 : i32
    %mul3A_2 = arith.muli %add3A, %mul3A_1 : i32
    %add3A_3 = arith.constant 160000 : i32
    %add3A_4 = arith.addi %add3A_3, %mul3A_2 : i32
    "tpu.region"() ({
      %run_scoped3A = tpu.sem_alloc : memref<!tpu.dma_semaphore, #tpu.memory_space<semaphore_mem>>
      %dma_start3A_60 = tpu.memref_slice %arg4[%add3A_4] : memref<320000xi32, #tpu.memory_space<hbm>> -> memref<5000xi32, #tpu.memory_space<hbm>>
      %dma_start3A_61 = tpu.memref_slice %arg4[%add3A_4] : memref<320000xi32, #tpu.memory_space<hbm>> -> memref<5000xi32, #tpu.memory_space<hbm>>
      tpu.enqueue_dma source(%dma_start3A_61 : memref<5000xi32, #tpu.memory_space<hbm>>) target(%arg7 : memref<5000xi32, #tpu.memory_space<vmem>>) target_semaphore(%run_scoped3A : memref<!tpu.dma_semaphore, #tpu.memory_space<semaphore_mem>>)
      %dma_wait3A_62 = tpu.memref_slice %arg4[%add3A_4] : memref<320000xi32, #tpu.memory_space<hbm>> -> memref<5000xi32, #tpu.memory_space<hbm>>
      %dma_wait3A_63 = tpu.memref_slice %arg4[%add3A_4] : memref<320000xi32, #tpu.memory_space<hbm>> -> memref<5000xi32, #tpu.memory_space<hbm>>
      tpu.wait_dma2 semaphore(%run_scoped3A : memref<!tpu.dma_semaphore, #tpu.memory_space<semaphore_mem>>) src(%dma_wait3A_63 : memref<5000xi32, #tpu.memory_space<hbm>>) dst(%arg7 : memref<5000xi32, #tpu.memory_space<vmem>>)
      tpu.yield
    }) : () -> ()
    %add3A_5 = arith.constant 160000 : i32
    %add3A_6 = arith.addi %add3A_5, %mul3A_2 : i32
    "tpu.region"() ({
      %run_scoped3A = tpu.sem_alloc : memref<!tpu.dma_semaphore, #tpu.memory_space<semaphore_mem>>
      %dma_start3A_60 = tpu.memref_slice %arg5[%add3A_6] : memref<320000xi32, #tpu.memory_space<hbm>> -> memref<5000xi32, #tpu.memory_space<hbm>>
      %dma_start3A_61 = tpu.memref_slice %arg5[%add3A_6] : memref<320000xi32, #tpu.memory_space<hbm>> -> memref<5000xi32, #tpu.memory_space<hbm>>
      tpu.enqueue_dma source(%dma_start3A_61 : memref<5000xi32, #tpu.memory_space<hbm>>) target(%arg8 : memref<5000xi32, #tpu.memory_space<vmem>>) target_semaphore(%run_scoped3A : memref<!tpu.dma_semaphore, #tpu.memory_space<semaphore_mem>>)
      %dma_wait3A_62 = tpu.memref_slice %arg5[%add3A_6] : memref<320000xi32, #tpu.memory_space<hbm>> -> memref<5000xi32, #tpu.memory_space<hbm>>
      %dma_wait3A_63 = tpu.memref_slice %arg5[%add3A_6] : memref<320000xi32, #tpu.memory_space<hbm>> -> memref<5000xi32, #tpu.memory_space<hbm>>
      tpu.wait_dma2 semaphore(%run_scoped3A : memref<!tpu.dma_semaphore, #tpu.memory_space<semaphore_mem>>) src(%dma_wait3A_63 : memref<5000xi32, #tpu.memory_space<hbm>>) dst(%arg8 : memref<5000xi32, #tpu.memory_space<vmem>>)
      tpu.yield
    }) : () -> ()
    %dma_start3A = arith.constant 0 : i32
    %dma_start3A_7 = tpu.memref_slice %arg7[%dma_start3A] : memref<5000xi32, #tpu.memory_space<vmem>> -> memref<40xi32, #tpu.memory_space<vmem>>
    %dma_start3A_8 = arith.constant 0 : i32
    %dma_start3A_9 = arith.constant 0 : i32
    %dma_start3A_10 = tpu.memref_slice %arg2[%dma_start3A_8, %dma_start3A_9] : memref<10000x128xf32, #tpu.memory_space<hbm>> -> memref<10000x128xf32, #tpu.memory_space<hbm>>
    tpu.enqueue_indirect_dma source(%dma_start3A_10 : memref<10000x128xf32, #tpu.memory_space<hbm>>) target(%arg9 : memref<40x128xf32, #tpu.memory_space<vmem>>) offsets(%dma_start3A_7 : memref<40xi32, #tpu.memory_space<vmem>>) semaphore(%arg19 : memref<!tpu.dma_semaphore, #tpu.memory_space<semaphore_mem>>)
    %dma_start3A_11 = arith.constant 0 : i32
    %dma_start3A_12 = tpu.memref_slice %arg8[%dma_start3A_11] : memref<5000xi32, #tpu.memory_space<vmem>> -> memref<40xi32, #tpu.memory_space<vmem>>
    %dma_start3A_13 = arith.constant 0 : i32
    %dma_start3A_14 = arith.constant 0 : i32
    %dma_start3A_15 = tpu.memref_slice %arg3[%dma_start3A_13, %dma_start3A_14] : memref<10000x128xf32, #tpu.memory_space<hbm>> -> memref<10000x128xf32, #tpu.memory_space<hbm>>
    tpu.enqueue_indirect_dma source(%dma_start3A_15 : memref<10000x128xf32, #tpu.memory_space<hbm>>) target(%arg14 : memref<40x128xf32, #tpu.memory_space<vmem>>) offsets(%dma_start3A_12 : memref<40xi32, #tpu.memory_space<vmem>>) semaphore(%arg19 : memref<!tpu.dma_semaphore, #tpu.memory_space<semaphore_mem>>)
    %dma_start3A_16 = arith.constant 40 : i32
    %dma_start3A_17 = tpu.memref_slice %arg7[%dma_start3A_16] : memref<5000xi32, #tpu.memory_space<vmem>> -> memref<40xi32, #tpu.memory_space<vmem>>
    %dma_start3A_18 = arith.constant 0 : i32
    %dma_start3A_19 = arith.constant 0 : i32
    %dma_start3A_20 = tpu.memref_slice %arg2[%dma_start3A_18, %dma_start3A_19] : memref<10000x128xf32, #tpu.memory_space<hbm>> -> memref<10000x128xf32, #tpu.memory_space<hbm>>
    tpu.enqueue_indirect_dma source(%dma_start3A_20 : memref<10000x128xf32, #tpu.memory_space<hbm>>) target(%arg10 : memref<40x128xf32, #tpu.memory_space<vmem>>) offsets(%dma_start3A_17 : memref<40xi32, #tpu.memory_space<vmem>>) semaphore(%arg20 : memref<!tpu.dma_semaphore, #tpu.memory_space<semaphore_mem>>)
    %dma_start3A_21 = arith.constant 40 : i32
    %dma_start3A_22 = tpu.memref_slice %arg8[%dma_start3A_21] : memref<5000xi32, #tpu.memory_space<vmem>> -> memref<40xi32, #tpu.memory_space<vmem>>
    %dma_start3A_23 = arith.constant 0 : i32
    %dma_start3A_24 = arith.constant 0 : i32
    %dma_start3A_25 = tpu.memref_slice %arg3[%dma_start3A_23, %dma_start3A_24] : memref<10000x128xf32, #tpu.memory_space<hbm>> -> memref<10000x128xf32, #tpu.memory_space<hbm>>
    tpu.enqueue_indirect_dma source(%dma_start3A_25 : memref<10000x128xf32, #tpu.memory_space<hbm>>) target(%arg15 : memref<40x128xf32, #tpu.memory_space<vmem>>) offsets(%dma_start3A_22 : memref<40xi32, #tpu.memory_space<vmem>>) semaphore(%arg20 : memref<!tpu.dma_semaphore, #tpu.memory_space<semaphore_mem>>)
    %dma_start3A_26 = arith.constant 80 : i32
    %dma_start3A_27 = tpu.memref_slice %arg7[%dma_start3A_26] : memref<5000xi32, #tpu.memory_space<vmem>> -> memref<40xi32, #tpu.memory_space<vmem>>
    %dma_start3A_28 = arith.constant 0 : i32
    %dma_start3A_29 = arith.constant 0 : i32
    %dma_start3A_30 = tpu.memref_slice %arg2[%dma_start3A_28, %dma_start3A_29] : memref<10000x128xf32, #tpu.memory_space<hbm>> -> memref<10000x128xf32, #tpu.memory_space<hbm>>
    tpu.enqueue_indirect_dma source(%dma_start3A_30 : memref<10000x128xf32, #tpu.memory_space<hbm>>) target(%arg11 : memref<40x128xf32, #tpu.memory_space<vmem>>) offsets(%dma_start3A_27 : memref<40xi32, #tpu.memory_space<vmem>>) semaphore(%arg21 : memref<!tpu.dma_semaphore, #tpu.memory_space<semaphore_mem>>)
    %dma_start3A_31 = arith.constant 80 : i32
    %dma_start3A_32 = tpu.memref_slice %arg8[%dma_start3A_31] : memref<5000xi32, #tpu.memory_space<vmem>> -> memref<40xi32, #tpu.memory_space<vmem>>
    %dma_start3A_33 = arith.constant 0 : i32
    %dma_start3A_34 = arith.constant 0 : i32
    %dma_start3A_35 = tpu.memref_slice %arg3[%dma_start3A_33, %dma_start3A_34] : memref<10000x128xf32, #tpu.memory_space<hbm>> -> memref<10000x128xf32, #tpu.memory_space<hbm>>
    tpu.enqueue_indirect_dma source(%dma_start3A_35 : memref<10000x128xf32, #tpu.memory_space<hbm>>) target(%arg16 : memref<40x128xf32, #tpu.memory_space<vmem>>) offsets(%dma_start3A_32 : memref<40xi32, #tpu.memory_space<vmem>>) semaphore(%arg21 : memref<!tpu.dma_semaphore, #tpu.memory_space<semaphore_mem>>)
    %scan3A = arith.constant 0 : i32
    %scan3A_36 = arith.constant 0 : i32
    %scan3A_37 = arith.constant 25 : i32
    %scan3A_38 = arith.addi %scan3A_36, %scan3A_37 : i32
    %scan3A_39 = arith.constant 1 : i32
    scf.for %scan3A_60 = %scan3A_36 to %scan3A_38 step %scan3A_39  : i32 {
      %mul3A_61 = arith.constant 5 : i32
      %mul3A_62 = arith.muli %mul3A_61, %scan3A_60 : i32
      %add3A_63 = arith.constant 0 : i32
      %add3A_64 = arith.addi %mul3A_62, %add3A_63 : i32
      %add3A_65 = arith.constant 3 : i32
      %add3A_66 = arith.addi %add3A_64, %add3A_65 : i32
      %gt3A = arith.constant 0 : i32
      %gt3A_67 = arith.cmpi sgt, %scan3A_60, %gt3A : i32
      %convert_element_type3A = arith.extui %gt3A_67 : i1 to i32
      %cond3A = arith.constant 0 : i32
      %cond3A_68 = arith.cmpi ne, %convert_element_type3A, %cond3A : i32
      scf.if %cond3A_68 {
        %dma_wait3A_261 = arith.constant 0 : i32
        %dma_wait3A_262 = tpu.memref_slice %arg6[%mul3A_2, %dma_wait3A_261] : memref<160000x128xf32, #tpu.memory_space<hbm>> -> memref<40x128xf32, #tpu.memory_space<hbm>>
        %dma_wait3A_263 = arith.constant 0 : i32
        %dma_wait3A_264 = tpu.memref_slice %arg6[%mul3A_2, %dma_wait3A_263] : memref<160000x128xf32, #tpu.memory_space<hbm>> -> memref<40x128xf32, #tpu.memory_space<hbm>>
        tpu.wait_dma2 semaphore(%arg27 : memref<!tpu.dma_semaphore, #tpu.memory_space<semaphore_mem>>) src(%arg12 : memref<40x128xf32, #tpu.memory_space<vmem>>) dst(%dma_wait3A_264 : memref<40x128xf32, #tpu.memory_space<hbm>>)
      } else {
      }
      %mul3A_69 = arith.constant 40 : i32
      %mul3A_70 = arith.muli %add3A_66, %mul3A_69 : i32
      %dma_start3A_71 = tpu.memref_slice %arg7[%mul3A_70] : memref<5000xi32, #tpu.memory_space<vmem>> -> memref<40xi32, #tpu.memory_space<vmem>>
      %dma_start3A_72 = arith.constant 0 : i32
      %dma_start3A_73 = arith.constant 0 : i32
      %dma_start3A_74 = tpu.memref_slice %arg2[%dma_start3A_72, %dma_start3A_73] : memref<10000x128xf32, #tpu.memory_space<hbm>> -> memref<10000x128xf32, #tpu.memory_space<hbm>>
      tpu.enqueue_indirect_dma source(%dma_start3A_74 : memref<10000x128xf32, #tpu.memory_space<hbm>>) target(%arg12 : memref<40x128xf32, #tpu.memory_space<vmem>>) offsets(%dma_start3A_71 : memref<40xi32, #tpu.memory_space<vmem>>) semaphore(%arg22 : memref<!tpu.dma_semaphore, #tpu.memory_space<semaphore_mem>>)
      %mul3A_75 = arith.constant 40 : i32
      %mul3A_76 = arith.muli %add3A_66, %mul3A_75 : i32
      %dma_start3A_77 = tpu.memref_slice %arg8[%mul3A_76] : memref<5000xi32, #tpu.memory_space<vmem>> -> memref<40xi32, #tpu.memory_space<vmem>>
      %dma_start3A_78 = arith.constant 0 : i32
      %dma_start3A_79 = arith.constant 0 : i32
      %dma_start3A_80 = tpu.memref_slice %arg3[%dma_start3A_78, %dma_start3A_79] : memref<10000x128xf32, #tpu.memory_space<hbm>> -> memref<10000x128xf32, #tpu.memory_space<hbm>>
      tpu.enqueue_indirect_dma source(%dma_start3A_80 : memref<10000x128xf32, #tpu.memory_space<hbm>>) target(%arg17 : memref<40x128xf32, #tpu.memory_space<vmem>>) offsets(%dma_start3A_77 : memref<40xi32, #tpu.memory_space<vmem>>) semaphore(%arg22 : memref<!tpu.dma_semaphore, #tpu.memory_space<semaphore_mem>>)
      %mul3A_81 = arith.constant 40 : i32
      %mul3A_82 = arith.muli %add3A_64, %mul3A_81 : i32
      %dma_wait3A_83 = tpu.memref_slice %arg7[%mul3A_82] : memref<5000xi32, #tpu.memory_space<vmem>> -> memref<40xi32, #tpu.memory_space<vmem>>
      %dma_wait3A_84 = arith.constant 0 : i32
      %dma_wait3A_85 = arith.constant 0 : i32
      %dma_wait3A_86 = tpu.memref_slice %arg2[%dma_wait3A_84, %dma_wait3A_85] : memref<10000x128xf32, #tpu.memory_space<hbm>> -> memref<10000x128xf32, #tpu.memory_space<hbm>>
      tpu.wait_indirect_dma semaphore(%arg19 : memref<!tpu.dma_semaphore, #tpu.memory_space<semaphore_mem>>) src(%dma_wait3A_86 : memref<10000x128xf32, #tpu.memory_space<hbm>>) dst(%arg9 : memref<40x128xf32, #tpu.memory_space<vmem>>)
      %mul3A_87 = arith.constant 40 : i32
      %mul3A_88 = arith.muli %add3A_64, %mul3A_87 : i32
      %dma_wait3A_89 = tpu.memref_slice %arg8[%mul3A_88] : memref<5000xi32, #tpu.memory_space<vmem>> -> memref<40xi32, #tpu.memory_space<vmem>>
      %dma_wait3A_90 = arith.constant 0 : i32
      %dma_wait3A_91 = arith.constant 0 : i32
      %dma_wait3A_92 = tpu.memref_slice %arg3[%dma_wait3A_90, %dma_wait3A_91] : memref<10000x128xf32, #tpu.memory_space<hbm>> -> memref<10000x128xf32, #tpu.memory_space<hbm>>
      tpu.wait_indirect_dma semaphore(%arg19 : memref<!tpu.dma_semaphore, #tpu.memory_space<semaphore_mem>>) src(%dma_wait3A_92 : memref<10000x128xf32, #tpu.memory_space<hbm>>) dst(%arg14 : memref<40x128xf32, #tpu.memory_space<vmem>>)
      %scan3A_93 = arith.constant 0 : i32
      %scan3A_94 = arith.constant 0 : i32
      %scan3A_95 = arith.constant 40 : i32
      %scan3A_96 = arith.addi %scan3A_94, %scan3A_95 : i32
      %scan3A_97 = arith.constant 1 : i32
      scf.for %scan3A_261 = %scan3A_94 to %scan3A_96 step %scan3A_97  : i32 {
        %get3A = arith.index_cast %scan3A_261 : i32 to index
        %get3A_262 = arith.constant 0 : index
        %get3A_263 = tpu.vector_load %arg14[%get3A, %get3A_262] {strides = array<i32>} : memref<40x128xf32, #tpu.memory_space<vmem>>, vector<1x16xf32>,
        %get3A_264 = vector.shape_cast %get3A_263 : vector<1x16xf32> to vector<16xf32>
        %swap3A = arith.index_cast %scan3A_261 : i32 to index
        %swap3A_265 = arith.constant 0 : index
        %swap3A_266 = tpu.vector_load %arg9[%swap3A, %swap3A_265] {strides = array<i32>} : memref<40x128xf32, #tpu.memory_space<vmem>>, vector<1x16xf32>,
        %swap3A_267 = vector.shape_cast %swap3A_266 : vector<1x16xf32> to vector<16xf32>
        %swap3A_268 = vector.shape_cast %get3A_264 : vector<16xf32> to vector<1x16xf32>
        tpu.vector_store %arg9[%swap3A, %swap3A_265], %swap3A_268 {add = true, strides = array<i32>} : memref<40x128xf32, #tpu.memory_space<vmem>>, vector<1x16xf32>,
        %get3A_269 = arith.index_cast %scan3A_261 : i32 to index
        %get3A_270 = arith.constant 16 : index
        %get3A_271 = tpu.vector_load %arg14[%get3A_269, %get3A_270] {strides = array<i32>} : memref<40x128xf32, #tpu.memory_space<vmem>>, vector<1x16xf32>,
        %get3A_272 = vector.shape_cast %get3A_271 : vector<1x16xf32> to vector<16xf32>
        %swap3A_273 = arith.index_cast %scan3A_261 : i32 to index
        %swap3A_274 = arith.constant 16 : index
        %swap3A_275 = tpu.vector_load %arg9[%swap3A_273, %swap3A_274] {strides = array<i32>} : memref<40x128xf32, #tpu.memory_space<vmem>>, vector<1x16xf32>,
        %swap3A_276 = vector.shape_cast %swap3A_275 : vector<1x16xf32> to vector<16xf32>
        %swap3A_277 = vector.shape_cast %get3A_272 : vector<16xf32> to vector<1x16xf32>
        tpu.vector_store %arg9[%swap3A_273, %swap3A_274], %swap3A_277 {add = true, strides = array<i32>} : memref<40x128xf32, #tpu.memory_space<vmem>>, vector<1x16xf32>,
        %get3A_278 = arith.index_cast %scan3A_261 : i32 to index
        %get3A_279 = arith.constant 32 : index
        %get3A_280 = tpu.vector_load %arg14[%get3A_278, %get3A_279] {strides = array<i32>} : memref<40x128xf32, #tpu.memory_space<vmem>>, vector<1x16xf32>,
        %get3A_281 = vector.shape_cast %get3A_280 : vector<1x16xf32> to vector<16xf32>
        %swap3A_282 = arith.index_cast %scan3A_261 : i32 to index
        %swap3A_283 = arith.constant 32 : index
        %swap3A_284 = tpu.vector_load %arg9[%swap3A_282, %swap3A_283] {strides = array<i32>} : memref<40x128xf32, #tpu.memory_space<vmem>>, vector<1x16xf32>,
        %swap3A_285 = vector.shape_cast %swap3A_284 : vector<1x16xf32> to vector<16xf32>
        %swap3A_286 = vector.shape_cast %get3A_281 : vector<16xf32> to vector<1x16xf32>
        tpu.vector_store %arg9[%swap3A_282, %swap3A_283], %swap3A_286 {add = true, strides = array<i32>} : memref<40x128xf32, #tpu.memory_space<vmem>>, vector<1x16xf32>,
        %get3A_287 = arith.index_cast %scan3A_261 : i32 to index
        %get3A_288 = arith.constant 48 : index
        %get3A_289 = tpu.vector_load %arg14[%get3A_287, %get3A_288] {strides = array<i32>} : memref<40x128xf32, #tpu.memory_space<vmem>>, vector<1x16xf32>,
        %get3A_290 = vector.shape_cast %get3A_289 : vector<1x16xf32> to vector<16xf32>
        %swap3A_291 = arith.index_cast %scan3A_261 : i32 to index
        %swap3A_292 = arith.constant 48 : index
        %swap3A_293 = tpu.vector_load %arg9[%swap3A_291, %swap3A_292] {strides = array<i32>} : memref<40x128xf32, #tpu.memory_space<vmem>>, vector<1x16xf32>,
        %swap3A_294 = vector.shape_cast %swap3A_293 : vector<1x16xf32> to vector<16xf32>
        %swap3A_295 = vector.shape_cast %get3A_290 : vector<16xf32> to vector<1x16xf32>
        tpu.vector_store %arg9[%swap3A_291, %swap3A_292], %swap3A_295 {add = true, strides = array<i32>} : memref<40x128xf32, #tpu.memory_space<vmem>>, vector<1x16xf32>,
        %get3A_296 = arith.index_cast %scan3A_261 : i32 to index
        %get3A_297 = arith.constant 64 : index
        %get3A_298 = tpu.vector_load %arg14[%get3A_296, %get3A_297] {strides = array<i32>} : memref<40x128xf32, #tpu.memory_space<vmem>>, vector<1x16xf32>,
        %get3A_299 = vector.shape_cast %get3A_298 : vector<1x16xf32> to vector<16xf32>
        %swap3A_300 = arith.index_cast %scan3A_261 : i32 to index
        %swap3A_301 = arith.constant 64 : index
        %swap3A_302 = tpu.vector_load %arg9[%swap3A_300, %swap3A_301] {strides = array<i32>} : memref<40x128xf32, #tpu.memory_space<vmem>>, vector<1x16xf32>,
        %swap3A_303 = vector.shape_cast %swap3A_302 : vector<1x16xf32> to vector<16xf32>
        %swap3A_304 = vector.shape_cast %get3A_299 : vector<16xf32> to vector<1x16xf32>
        tpu.vector_store %arg9[%swap3A_300, %swap3A_301], %swap3A_304 {add = true, strides = array<i32>} : memref<40x128xf32, #tpu.memory_space<vmem>>, vector<1x16xf32>,
        %get3A_305 = arith.index_cast %scan3A_261 : i32 to index
        %get3A_306 = arith.constant 80 : index
        %get3A_307 = tpu.vector_load %arg14[%get3A_305, %get3A_306] {strides = array<i32>} : memref<40x128xf32, #tpu.memory_space<vmem>>, vector<1x16xf32>,
        %get3A_308 = vector.shape_cast %get3A_307 : vector<1x16xf32> to vector<16xf32>
        %swap3A_309 = arith.index_cast %scan3A_261 : i32 to index
        %swap3A_310 = arith.constant 80 : index
        %swap3A_311 = tpu.vector_load %arg9[%swap3A_309, %swap3A_310] {strides = array<i32>} : memref<40x128xf32, #tpu.memory_space<vmem>>, vector<1x16xf32>,
        %swap3A_312 = vector.shape_cast %swap3A_311 : vector<1x16xf32> to vector<16xf32>
        %swap3A_313 = vector.shape_cast %get3A_308 : vector<16xf32> to vector<1x16xf32>
        tpu.vector_store %arg9[%swap3A_309, %swap3A_310], %swap3A_313 {add = true, strides = array<i32>} : memref<40x128xf32, #tpu.memory_space<vmem>>, vector<1x16xf32>,
        %get3A_314 = arith.index_cast %scan3A_261 : i32 to index
        %get3A_315 = arith.constant 96 : index
        %get3A_316 = tpu.vector_load %arg14[%get3A_314, %get3A_315] {strides = array<i32>} : memref<40x128xf32, #tpu.memory_space<vmem>>, vector<1x16xf32>,
        %get3A_317 = vector.shape_cast %get3A_316 : vector<1x16xf32> to vector<16xf32>
        %swap3A_318 = arith.index_cast %scan3A_261 : i32 to index
        %swap3A_319 = arith.constant 96 : index
        %swap3A_320 = tpu.vector_load %arg9[%swap3A_318, %swap3A_319] {strides = array<i32>} : memref<40x128xf32, #tpu.memory_space<vmem>>, vector<1x16xf32>,
        %swap3A_321 = vector.shape_cast %swap3A_320 : vector<1x16xf32> to vector<16xf32>
        %swap3A_322 = vector.shape_cast %get3A_317 : vector<16xf32> to vector<1x16xf32>
        tpu.vector_store %arg9[%swap3A_318, %swap3A_319], %swap3A_322 {add = true, strides = array<i32>} : memref<40x128xf32, #tpu.memory_space<vmem>>, vector<1x16xf32>,
        %get3A_323 = arith.index_cast %scan3A_261 : i32 to index
        %get3A_324 = arith.constant 112 : index
        %get3A_325 = tpu.vector_load %arg14[%get3A_323, %get3A_324] {strides = array<i32>} : memref<40x128xf32, #tpu.memory_space<vmem>>, vector<1x16xf32>,
        %get3A_326 = vector.shape_cast %get3A_325 : vector<1x16xf32> to vector<16xf32>
        %swap3A_327 = arith.index_cast %scan3A_261 : i32 to index
        %swap3A_328 = arith.constant 112 : index
        %swap3A_329 = tpu.vector_load %arg9[%swap3A_327, %swap3A_328] {strides = array<i32>} : memref<40x128xf32, #tpu.memory_space<vmem>>, vector<1x16xf32>,
        %swap3A_330 = vector.shape_cast %swap3A_329 : vector<1x16xf32> to vector<16xf32>
        %swap3A_331 = vector.shape_cast %get3A_326 : vector<16xf32> to vector<1x16xf32>
        tpu.vector_store %arg9[%swap3A_327, %swap3A_328], %swap3A_331 {add = true, strides = array<i32>} : memref<40x128xf32, #tpu.memory_space<vmem>>, vector<1x16xf32>,
      }
      %scan3A_98 = arith.constant 40 : i32
      %mul3A_99 = arith.constant 40 : i32
      %mul3A_100 = arith.muli %add3A_64, %mul3A_99 : i32
      %add3A_101 = arith.addi %mul3A_2, %mul3A_100 : i32
      %dma_start3A_102 = arith.constant 0 : i32
      %dma_start3A_103 = tpu.memref_slice %arg6[%add3A_101, %dma_start3A_102] : memref<160000x128xf32, #tpu.memory_space<hbm>> -> memref<40x128xf32, #tpu.memory_space<hbm>>
      %dma_start3A_104 = arith.constant 0 : i32
      %dma_start3A_105 = tpu.memref_slice %arg6[%add3A_101, %dma_start3A_104] : memref<160000x128xf32, #tpu.memory_space<hbm>> -> memref<40x128xf32, #tpu.memory_space<hbm>>
      tpu.enqueue_dma source(%arg9 : memref<40x128xf32, #tpu.memory_space<vmem>>) target(%dma_start3A_105 : memref<40x128xf32, #tpu.memory_space<hbm>>) target_semaphore(%arg24 : memref<!tpu.dma_semaphore, #tpu.memory_space<semaphore_mem>>)
      %mul3A_106 = arith.constant 5 : i32
      %mul3A_107 = arith.muli %mul3A_106, %scan3A_60 : i32
      %add3A_108 = arith.constant 1 : i32
      %add3A_109 = arith.addi %mul3A_107, %add3A_108 : i32
      %add3A_110 = arith.constant 3 : i32
      %add3A_111 = arith.addi %add3A_109, %add3A_110 : i32
      %gt3A_112 = arith.constant 0 : i32
      %gt3A_113 = arith.cmpi sgt, %scan3A_60, %gt3A_112 : i32
      %convert_element_type3A_114 = arith.extui %gt3A_113 : i1 to i32
      %cond3A_115 = arith.constant 0 : i32
      %cond3A_116 = arith.cmpi ne, %convert_element_type3A_114, %cond3A_115 : i32
      scf.if %cond3A_116 {
        %dma_wait3A_261 = arith.constant 0 : i32
        %dma_wait3A_262 = tpu.memref_slice %arg6[%mul3A_2, %dma_wait3A_261] : memref<160000x128xf32, #tpu.memory_space<hbm>> -> memref<40x128xf32, #tpu.memory_space<hbm>>
        %dma_wait3A_263 = arith.constant 0 : i32
        %dma_wait3A_264 = tpu.memref_slice %arg6[%mul3A_2, %dma_wait3A_263] : memref<160000x128xf32, #tpu.memory_space<hbm>> -> memref<40x128xf32, #tpu.memory_space<hbm>>
        tpu.wait_dma2 semaphore(%arg28 : memref<!tpu.dma_semaphore, #tpu.memory_space<semaphore_mem>>) src(%arg13 : memref<40x128xf32, #tpu.memory_space<vmem>>) dst(%dma_wait3A_264 : memref<40x128xf32, #tpu.memory_space<hbm>>)
      } else {
      }
      %mul3A_117 = arith.constant 40 : i32
      %mul3A_118 = arith.muli %add3A_111, %mul3A_117 : i32
      %dma_start3A_119 = tpu.memref_slice %arg7[%mul3A_118] : memref<5000xi32, #tpu.memory_space<vmem>> -> memref<40xi32, #tpu.memory_space<vmem>>
      %dma_start3A_120 = arith.constant 0 : i32
      %dma_start3A_121 = arith.constant 0 : i32
      %dma_start3A_122 = tpu.memref_slice %arg2[%dma_start3A_120, %dma_start3A_121] : memref<10000x128xf32, #tpu.memory_space<hbm>> -> memref<10000x128xf32, #tpu.memory_space<hbm>>
      tpu.enqueue_indirect_dma source(%dma_start3A_122 : memref<10000x128xf32, #tpu.memory_space<hbm>>) target(%arg13 : memref<40x128xf32, #tpu.memory_space<vmem>>) offsets(%dma_start3A_119 : memref<40xi32, #tpu.memory_space<vmem>>) semaphore(%arg23 : memref<!tpu.dma_semaphore, #tpu.memory_space<semaphore_mem>>)
      %mul3A_123 = arith.constant 40 : i32
      %mul3A_124 = arith.muli %add3A_111, %mul3A_123 : i32
      %dma_start3A_125 = tpu.memref_slice %arg8[%mul3A_124] : memref<5000xi32, #tpu.memory_space<vmem>> -> memref<40xi32, #tpu.memory_space<vmem>>
      %dma_start3A_126 = arith.constant 0 : i32
      %dma_start3A_127 = arith.constant 0 : i32
      %dma_start3A_128 = tpu.memref_slice %arg3[%dma_start3A_126, %dma_start3A_127] : memref<10000x128xf32, #tpu.memory_space<hbm>> -> memref<10000x128xf32, #tpu.memory_space<hbm>>
      tpu.enqueue_indirect_dma source(%dma_start3A_128 : memref<10000x128xf32, #tpu.memory_space<hbm>>) target(%arg18 : memref<40x128xf32, #tpu.memory_space<vmem>>) offsets(%dma_start3A_125 : memref<40xi32, #tpu.memory_space<vmem>>) semaphore(%arg23 : memref<!tpu.dma_semaphore, #tpu.memory_space<semaphore_mem>>)
      %mul3A_129 = arith.constant 40 : i32
      %mul3A_130 = arith.muli %add3A_109, %mul3A_129 : i32
      %dma_wait3A_131 = tpu.memref_slice %arg7[%mul3A_130] : memref<5000xi32, #tpu.memory_space<vmem>> -> memref<40xi32, #tpu.memory_space<vmem>>
      %dma_wait3A_132 = arith.constant 0 : i32
      %dma_wait3A_133 = arith.constant 0 : i32
      %dma_wait3A_134 = tpu.memref_slice %arg2[%dma_wait3A_132, %dma_wait3A_133] : memref<10000x128xf32, #tpu.memory_space<hbm>> -> memref<10000x128xf32, #tpu.memory_space<hbm>>
      tpu.wait_indirect_dma semaphore(%arg20 : memref<!tpu.dma_semaphore, #tpu.memory_space<semaphore_mem>>) src(%dma_wait3A_134 : memref<10000x128xf32, #tpu.memory_space<hbm>>) dst(%arg10 : memref<40x128xf32, #tpu.memory_space<vmem>>)
      %mul3A_135 = arith.constant 40 : i32
      %mul3A_136 = arith.muli %add3A_109, %mul3A_135 : i32
      %dma_wait3A_137 = tpu.memref_slice %arg8[%mul3A_136] : memref<5000xi32, #tpu.memory_space<vmem>> -> memref<40xi32, #tpu.memory_space<vmem>>
      %dma_wait3A_138 = arith.constant 0 : i32
      %dma_wait3A_139 = arith.constant 0 : i32
      %dma_wait3A_140 = tpu.memref_slice %arg3[%dma_wait3A_138, %dma_wait3A_139] : memref<10000x128xf32, #tpu.memory_space<hbm>> -> memref<10000x128xf32, #tpu.memory_space<hbm>>
      tpu.wait_indirect_dma semaphore(%arg20 : memref<!tpu.dma_semaphore, #tpu.memory_space<semaphore_mem>>) src(%dma_wait3A_140 : memref<10000x128xf32, #tpu.memory_space<hbm>>) dst(%arg15 : memref<40x128xf32, #tpu.memory_space<vmem>>)
      %scan3A_141 = arith.constant 0 : i32
      %scan3A_142 = arith.constant 0 : i32
      %scan3A_143 = arith.constant 40 : i32
      %scan3A_144 = arith.addi %scan3A_142, %scan3A_143 : i32
      %scan3A_145 = arith.constant 1 : i32
      scf.for %scan3A_261 = %scan3A_142 to %scan3A_144 step %scan3A_145  : i32 {
        %get3A = arith.index_cast %scan3A_261 : i32 to index
        %get3A_262 = arith.constant 0 : index
        %get3A_263 = tpu.vector_load %arg15[%get3A, %get3A_262] {strides = array<i32>} : memref<40x128xf32, #tpu.memory_space<vmem>>, vector<1x16xf32>,
        %get3A_264 = vector.shape_cast %get3A_263 : vector<1x16xf32> to vector<16xf32>
        %swap3A = arith.index_cast %scan3A_261 : i32 to index
        %swap3A_265 = arith.constant 0 : index
        %swap3A_266 = tpu.vector_load %arg10[%swap3A, %swap3A_265] {strides = array<i32>} : memref<40x128xf32, #tpu.memory_space<vmem>>, vector<1x16xf32>,
        %swap3A_267 = vector.shape_cast %swap3A_266 : vector<1x16xf32> to vector<16xf32>
        %swap3A_268 = vector.shape_cast %get3A_264 : vector<16xf32> to vector<1x16xf32>
        tpu.vector_store %arg10[%swap3A, %swap3A_265], %swap3A_268 {add = true, strides = array<i32>} : memref<40x128xf32, #tpu.memory_space<vmem>>, vector<1x16xf32>,
        %get3A_269 = arith.index_cast %scan3A_261 : i32 to index
        %get3A_270 = arith.constant 16 : index
        %get3A_271 = tpu.vector_load %arg15[%get3A_269, %get3A_270] {strides = array<i32>} : memref<40x128xf32, #tpu.memory_space<vmem>>, vector<1x16xf32>,
        %get3A_272 = vector.shape_cast %get3A_271 : vector<1x16xf32> to vector<16xf32>
        %swap3A_273 = arith.index_cast %scan3A_261 : i32 to index
        %swap3A_274 = arith.constant 16 : index
        %swap3A_275 = tpu.vector_load %arg10[%swap3A_273, %swap3A_274] {strides = array<i32>} : memref<40x128xf32, #tpu.memory_space<vmem>>, vector<1x16xf32>,
        %swap3A_276 = vector.shape_cast %swap3A_275 : vector<1x16xf32> to vector<16xf32>
        %swap3A_277 = vector.shape_cast %get3A_272 : vector<16xf32> to vector<1x16xf32>
        tpu.vector_store %arg10[%swap3A_273, %swap3A_274], %swap3A_277 {add = true, strides = array<i32>} : memref<40x128xf32, #tpu.memory_space<vmem>>, vector<1x16xf32>,
        %get3A_278 = arith.index_cast %scan3A_261 : i32 to index
        %get3A_279 = arith.constant 32 : index
        %get3A_280 = tpu.vector_load %arg15[%get3A_278, %get3A_279] {strides = array<i32>} : memref<40x128xf32, #tpu.memory_space<vmem>>, vector<1x16xf32>,
        %get3A_281 = vector.shape_cast %get3A_280 : vector<1x16xf32> to vector<16xf32>
        %swap3A_282 = arith.index_cast %scan3A_261 : i32 to index
        %swap3A_283 = arith.constant 32 : index
        %swap3A_284 = tpu.vector_load %arg10[%swap3A_282, %swap3A_283] {strides = array<i32>} : memref<40x128xf32, #tpu.memory_space<vmem>>, vector<1x16xf32>,
        %swap3A_285 = vector.shape_cast %swap3A_284 : vector<1x16xf32> to vector<16xf32>
        %swap3A_286 = vector.shape_cast %get3A_281 : vector<16xf32> to vector<1x16xf32>
        tpu.vector_store %arg10[%swap3A_282, %swap3A_283], %swap3A_286 {add = true, strides = array<i32>} : memref<40x128xf32, #tpu.memory_space<vmem>>, vector<1x16xf32>,
        %get3A_287 = arith.index_cast %scan3A_261 : i32 to index
        %get3A_288 = arith.constant 48 : index
        %get3A_289 = tpu.vector_load %arg15[%get3A_287, %get3A_288] {strides = array<i32>} : memref<40x128xf32, #tpu.memory_space<vmem>>, vector<1x16xf32>,
        %get3A_290 = vector.shape_cast %get3A_289 : vector<1x16xf32> to vector<16xf32>
        %swap3A_291 = arith.index_cast %scan3A_261 : i32 to index
        %swap3A_292 = arith.constant 48 : index
        %swap3A_293 = tpu.vector_load %arg10[%swap3A_291, %swap3A_292] {strides = array<i32>} : memref<40x128xf32, #tpu.memory_space<vmem>>, vector<1x16xf32>,
        %swap3A_294 = vector.shape_cast %swap3A_293 : vector<1x16xf32> to vector<16xf32>
        %swap3A_295 = vector.shape_cast %get3A_290 : vector<16xf32> to vector<1x16xf32>
        tpu.vector_store %arg10[%swap3A_291, %swap3A_292], %swap3A_295 {add = true, strides = array<i32>} : memref<40x128xf32, #tpu.memory_space<vmem>>, vector<1x16xf32>,
        %get3A_296 = arith.index_cast %scan3A_261 : i32 to index
        %get3A_297 = arith.constant 64 : index
        %get3A_298 = tpu.vector_load %arg15[%get3A_296, %get3A_297] {strides = array<i32>} : memref<40x128xf32, #tpu.memory_space<vmem>>, vector<1x16xf32>,
        %get3A_299 = vector.shape_cast %get3A_298 : vector<1x16xf32> to vector<16xf32>
        %swap3A_300 = arith.index_cast %scan3A_261 : i32 to index
        %swap3A_301 = arith.constant 64 : index
        %swap3A_302 = tpu.vector_load %arg10[%swap3A_300, %swap3A_301] {strides = array<i32>} : memref<40x128xf32, #tpu.memory_space<vmem>>, vector<1x16xf32>,
        %swap3A_303 = vector.shape_cast %swap3A_302 : vector<1x16xf32> to vector<16xf32>
        %swap3A_304 = vector.shape_cast %get3A_299 : vector<16xf32> to vector<1x16xf32>
        tpu.vector_store %arg10[%swap3A_300, %swap3A_301], %swap3A_304 {add = true, strides = array<i32>} : memref<40x128xf32, #tpu.memory_space<vmem>>, vector<1x16xf32>,
        %get3A_305 = arith.index_cast %scan3A_261 : i32 to index
        %get3A_306 = arith.constant 80 : index
        %get3A_307 = tpu.vector_load %arg15[%get3A_305, %get3A_306] {strides = array<i32>} : memref<40x128xf32, #tpu.memory_space<vmem>>, vector<1x16xf32>,
        %get3A_308 = vector.shape_cast %get3A_307 : vector<1x16xf32> to vector<16xf32>
        %swap3A_309 = arith.index_cast %scan3A_261 : i32 to index
        %swap3A_310 = arith.constant 80 : index
        %swap3A_311 = tpu.vector_load %arg10[%swap3A_309, %swap3A_310] {strides = array<i32>} : memref<40x128xf32, #tpu.memory_space<vmem>>, vector<1x16xf32>,
        %swap3A_312 = vector.shape_cast %swap3A_311 : vector<1x16xf32> to vector<16xf32>
        %swap3A_313 = vector.shape_cast %get3A_308 : vector<16xf32> to vector<1x16xf32>
        tpu.vector_store %arg10[%swap3A_309, %swap3A_310], %swap3A_313 {add = true, strides = array<i32>} : memref<40x128xf32, #tpu.memory_space<vmem>>, vector<1x16xf32>,
        %get3A_314 = arith.index_cast %scan3A_261 : i32 to index
        %get3A_315 = arith.constant 96 : index
        %get3A_316 = tpu.vector_load %arg15[%get3A_314, %get3A_315] {strides = array<i32>} : memref<40x128xf32, #tpu.memory_space<vmem>>, vector<1x16xf32>,
        %get3A_317 = vector.shape_cast %get3A_316 : vector<1x16xf32> to vector<16xf32>
        %swap3A_318 = arith.index_cast %scan3A_261 : i32 to index
        %swap3A_319 = arith.constant 96 : index
        %swap3A_320 = tpu.vector_load %arg10[%swap3A_318, %swap3A_319] {strides = array<i32>} : memref<40x128xf32, #tpu.memory_space<vmem>>, vector<1x16xf32>,
        %swap3A_321 = vector.shape_cast %swap3A_320 : vector<1x16xf32> to vector<16xf32>
        %swap3A_322 = vector.shape_cast %get3A_317 : vector<16xf32> to vector<1x16xf32>
        tpu.vector_store %arg10[%swap3A_318, %swap3A_319], %swap3A_322 {add = true, strides = array<i32>} : memref<40x128xf32, #tpu.memory_space<vmem>>, vector<1x16xf32>,
        %get3A_323 = arith.index_cast %scan3A_261 : i32 to index
        %get3A_324 = arith.constant 112 : index
        %get3A_325 = tpu.vector_load %arg15[%get3A_323, %get3A_324] {strides = array<i32>} : memref<40x128xf32, #tpu.memory_space<vmem>>, vector<1x16xf32>,
        %get3A_326 = vector.shape_cast %get3A_325 : vector<1x16xf32> to vector<16xf32>
        %swap3A_327 = arith.index_cast %scan3A_261 : i32 to index
        %swap3A_328 = arith.constant 112 : index
        %swap3A_329 = tpu.vector_load %arg10[%swap3A_327, %swap3A_328] {strides = array<i32>} : memref<40x128xf32, #tpu.memory_space<vmem>>, vector<1x16xf32>,
        %swap3A_330 = vector.shape_cast %swap3A_329 : vector<1x16xf32> to vector<16xf32>
        %swap3A_331 = vector.shape_cast %get3A_326 : vector<16xf32> to vector<1x16xf32>
        tpu.vector_store %arg10[%swap3A_327, %swap3A_328], %swap3A_331 {add = true, strides = array<i32>} : memref<40x128xf32, #tpu.memory_space<vmem>>, vector<1x16xf32>,
      }
      %scan3A_146 = arith.constant 40 : i32
      %mul3A_147 = arith.constant 40 : i32
      %mul3A_148 = arith.muli %add3A_109, %mul3A_147 : i32
      %add3A_149 = arith.addi %mul3A_2, %mul3A_148 : i32
      %dma_start3A_150 = arith.constant 0 : i32
      %dma_start3A_151 = tpu.memref_slice %arg6[%add3A_149, %dma_start3A_150] : memref<160000x128xf32, #tpu.memory_space<hbm>> -> memref<40x128xf32, #tpu.memory_space<hbm>>
      %dma_start3A_152 = arith.constant 0 : i32
      %dma_start3A_153 = tpu.memref_slice %arg6[%add3A_149, %dma_start3A_152] : memref<160000x128xf32, #tpu.memory_space<hbm>> -> memref<40x128xf32, #tpu.memory_space<hbm>>
      tpu.enqueue_dma source(%arg10 : memref<40x128xf32, #tpu.memory_space<vmem>>) target(%dma_start3A_153 : memref<40x128xf32, #tpu.memory_space<hbm>>) target_semaphore(%arg25 : memref<!tpu.dma_semaphore, #tpu.memory_space<semaphore_mem>>)
      %mul3A_154 = arith.constant 5 : i32
      %mul3A_155 = arith.muli %mul3A_154, %scan3A_60 : i32
      %add3A_156 = arith.constant 2 : i32
      %add3A_157 = arith.addi %mul3A_155, %add3A_156 : i32
      %add3A_158 = arith.constant 3 : i32
      %add3A_159 = arith.addi %add3A_157, %add3A_158 : i32
      %lt3A = arith.constant 24 : i32
      %lt3A_160 = arith.cmpi slt, %scan3A_60, %lt3A : i32
      %convert_element_type3A_161 = arith.extui %lt3A_160 : i1 to i32
      %cond3A_162 = arith.constant 0 : i32
      %cond3A_163 = arith.cmpi ne, %convert_element_type3A_161, %cond3A_162 : i32
      scf.if %cond3A_163 {
        %dma_wait3A_261 = arith.constant 0 : i32
        %dma_wait3A_262 = tpu.memref_slice %arg6[%mul3A_2, %dma_wait3A_261] : memref<160000x128xf32, #tpu.memory_space<hbm>> -> memref<40x128xf32, #tpu.memory_space<hbm>>
        %dma_wait3A_263 = arith.constant 0 : i32
        %dma_wait3A_264 = tpu.memref_slice %arg6[%mul3A_2, %dma_wait3A_263] : memref<160000x128xf32, #tpu.memory_space<hbm>> -> memref<40x128xf32, #tpu.memory_space<hbm>>
        tpu.wait_dma2 semaphore(%arg24 : memref<!tpu.dma_semaphore, #tpu.memory_space<semaphore_mem>>) src(%arg9 : memref<40x128xf32, #tpu.memory_space<vmem>>) dst(%dma_wait3A_264 : memref<40x128xf32, #tpu.memory_space<hbm>>)
        %mul3A_265 = arith.constant 40 : i32
        %mul3A_266 = arith.muli %add3A_159, %mul3A_265 : i32
        %dma_start3A_267 = tpu.memref_slice %arg7[%mul3A_266] : memref<5000xi32, #tpu.memory_space<vmem>> -> memref<40xi32, #tpu.memory_space<vmem>>
        %dma_start3A_268 = arith.constant 0 : i32
        %dma_start3A_269 = arith.constant 0 : i32
        %dma_start3A_270 = tpu.memref_slice %arg2[%dma_start3A_268, %dma_start3A_269] : memref<10000x128xf32, #tpu.memory_space<hbm>> -> memref<10000x128xf32, #tpu.memory_space<hbm>>
        tpu.enqueue_indirect_dma source(%dma_start3A_270 : memref<10000x128xf32, #tpu.memory_space<hbm>>) target(%arg9 : memref<40x128xf32, #tpu.memory_space<vmem>>) offsets(%dma_start3A_267 : memref<40xi32, #tpu.memory_space<vmem>>) semaphore(%arg19 : memref<!tpu.dma_semaphore, #tpu.memory_space<semaphore_mem>>)
        %mul3A_271 = arith.constant 40 : i32
        %mul3A_272 = arith.muli %add3A_159, %mul3A_271 : i32
        %dma_start3A_273 = tpu.memref_slice %arg8[%mul3A_272] : memref<5000xi32, #tpu.memory_space<vmem>> -> memref<40xi32, #tpu.memory_space<vmem>>
        %dma_start3A_274 = arith.constant 0 : i32
        %dma_start3A_275 = arith.constant 0 : i32
        %dma_start3A_276 = tpu.memref_slice %arg3[%dma_start3A_274, %dma_start3A_275] : memref<10000x128xf32, #tpu.memory_space<hbm>> -> memref<10000x128xf32, #tpu.memory_space<hbm>>
        tpu.enqueue_indirect_dma source(%dma_start3A_276 : memref<10000x128xf32, #tpu.memory_space<hbm>>) target(%arg14 : memref<40x128xf32, #tpu.memory_space<vmem>>) offsets(%dma_start3A_273 : memref<40xi32, #tpu.memory_space<vmem>>) semaphore(%arg19 : memref<!tpu.dma_semaphore, #tpu.memory_space<semaphore_mem>>)
      } else {
      }
      %mul3A_164 = arith.constant 40 : i32
      %mul3A_165 = arith.muli %add3A_157, %mul3A_164 : i32
      %dma_wait3A_166 = tpu.memref_slice %arg7[%mul3A_165] : memref<5000xi32, #tpu.memory_space<vmem>> -> memref<40xi32, #tpu.memory_space<vmem>>
      %dma_wait3A_167 = arith.constant 0 : i32
      %dma_wait3A_168 = arith.constant 0 : i32
      %dma_wait3A_169 = tpu.memref_slice %arg2[%dma_wait3A_167, %dma_wait3A_168] : memref<10000x128xf32, #tpu.memory_space<hbm>> -> memref<10000x128xf32, #tpu.memory_space<hbm>>
      tpu.wait_indirect_dma semaphore(%arg21 : memref<!tpu.dma_semaphore, #tpu.memory_space<semaphore_mem>>) src(%dma_wait3A_169 : memref<10000x128xf32, #tpu.memory_space<hbm>>) dst(%arg11 : memref<40x128xf32, #tpu.memory_space<vmem>>)
      %mul3A_170 = arith.constant 40 : i32
      %mul3A_171 = arith.muli %add3A_157, %mul3A_170 : i32
      %dma_wait3A_172 = tpu.memref_slice %arg8[%mul3A_171] : memref<5000xi32, #tpu.memory_space<vmem>> -> memref<40xi32, #tpu.memory_space<vmem>>
      %dma_wait3A_173 = arith.constant 0 : i32
      %dma_wait3A_174 = arith.constant 0 : i32
      %dma_wait3A_175 = tpu.memref_slice %arg3[%dma_wait3A_173, %dma_wait3A_174] : memref<10000x128xf32, #tpu.memory_space<hbm>> -> memref<10000x128xf32, #tpu.memory_space<hbm>>
      tpu.wait_indirect_dma semaphore(%arg21 : memref<!tpu.dma_semaphore, #tpu.memory_space<semaphore_mem>>) src(%dma_wait3A_175 : memref<10000x128xf32, #tpu.memory_space<hbm>>) dst(%arg16 : memref<40x128xf32, #tpu.memory_space<vmem>>)
      %scan3A_176 = arith.constant 0 : i32
      %scan3A_177 = arith.constant 0 : i32
      %scan3A_178 = arith.constant 40 : i32
      %scan3A_179 = arith.addi %scan3A_177, %scan3A_178 : i32
      %scan3A_180 = arith.constant 1 : i32
      scf.for %scan3A_261 = %scan3A_177 to %scan3A_179 step %scan3A_180  : i32 {
        %get3A = arith.index_cast %scan3A_261 : i32 to index
        %get3A_262 = arith.constant 0 : index
        %get3A_263 = tpu.vector_load %arg16[%get3A, %get3A_262] {strides = array<i32>} : memref<40x128xf32, #tpu.memory_space<vmem>>, vector<1x16xf32>,
        %get3A_264 = vector.shape_cast %get3A_263 : vector<1x16xf32> to vector<16xf32>
        %swap3A = arith.index_cast %scan3A_261 : i32 to index
        %swap3A_265 = arith.constant 0 : index
        %swap3A_266 = tpu.vector_load %arg11[%swap3A, %swap3A_265] {strides = array<i32>} : memref<40x128xf32, #tpu.memory_space<vmem>>, vector<1x16xf32>,
        %swap3A_267 = vector.shape_cast %swap3A_266 : vector<1x16xf32> to vector<16xf32>
        %swap3A_268 = vector.shape_cast %get3A_264 : vector<16xf32> to vector<1x16xf32>
        tpu.vector_store %arg11[%swap3A, %swap3A_265], %swap3A_268 {add = true, strides = array<i32>} : memref<40x128xf32, #tpu.memory_space<vmem>>, vector<1x16xf32>,
        %get3A_269 = arith.index_cast %scan3A_261 : i32 to index
        %get3A_270 = arith.constant 16 : index
        %get3A_271 = tpu.vector_load %arg16[%get3A_269, %get3A_270] {strides = array<i32>} : memref<40x128xf32, #tpu.memory_space<vmem>>, vector<1x16xf32>,
        %get3A_272 = vector.shape_cast %get3A_271 : vector<1x16xf32> to vector<16xf32>
        %swap3A_273 = arith.index_cast %scan3A_261 : i32 to index
        %swap3A_274 = arith.constant 16 : index
        %swap3A_275 = tpu.vector_load %arg11[%swap3A_273, %swap3A_274] {strides = array<i32>} : memref<40x128xf32, #tpu.memory_space<vmem>>, vector<1x16xf32>,
        %swap3A_276 = vector.shape_cast %swap3A_275 : vector<1x16xf32> to vector<16xf32>
        %swap3A_277 = vector.shape_cast %get3A_272 : vector<16xf32> to vector<1x16xf32>
        tpu.vector_store %arg11[%swap3A_273, %swap3A_274], %swap3A_277 {add = true, strides = array<i32>} : memref<40x128xf32, #tpu.memory_space<vmem>>, vector<1x16xf32>,
        %get3A_278 = arith.index_cast %scan3A_261 : i32 to index
        %get3A_279 = arith.constant 32 : index
        %get3A_280 = tpu.vector_load %arg16[%get3A_278, %get3A_279] {strides = array<i32>} : memref<40x128xf32, #tpu.memory_space<vmem>>, vector<1x16xf32>,
        %get3A_281 = vector.shape_cast %get3A_280 : vector<1x16xf32> to vector<16xf32>
        %swap3A_282 = arith.index_cast %scan3A_261 : i32 to index
        %swap3A_283 = arith.constant 32 : index
        %swap3A_284 = tpu.vector_load %arg11[%swap3A_282, %swap3A_283] {strides = array<i32>} : memref<40x128xf32, #tpu.memory_space<vmem>>, vector<1x16xf32>,
        %swap3A_285 = vector.shape_cast %swap3A_284 : vector<1x16xf32> to vector<16xf32>
        %swap3A_286 = vector.shape_cast %get3A_281 : vector<16xf32> to vector<1x16xf32>
        tpu.vector_store %arg11[%swap3A_282, %swap3A_283], %swap3A_286 {add = true, strides = array<i32>} : memref<40x128xf32, #tpu.memory_space<vmem>>, vector<1x16xf32>,
        %get3A_287 = arith.index_cast %scan3A_261 : i32 to index
        %get3A_288 = arith.constant 48 : index
        %get3A_289 = tpu.vector_load %arg16[%get3A_287, %get3A_288] {strides = array<i32>} : memref<40x128xf32, #tpu.memory_space<vmem>>, vector<1x16xf32>,
        %get3A_290 = vector.shape_cast %get3A_289 : vector<1x16xf32> to vector<16xf32>
        %swap3A_291 = arith.index_cast %scan3A_261 : i32 to index
        %swap3A_292 = arith.constant 48 : index
        %swap3A_293 = tpu.vector_load %arg11[%swap3A_291, %swap3A_292] {strides = array<i32>} : memref<40x128xf32, #tpu.memory_space<vmem>>, vector<1x16xf32>,
        %swap3A_294 = vector.shape_cast %swap3A_293 : vector<1x16xf32> to vector<16xf32>
        %swap3A_295 = vector.shape_cast %get3A_290 : vector<16xf32> to vector<1x16xf32>
        tpu.vector_store %arg11[%swap3A_291, %swap3A_292], %swap3A_295 {add = true, strides = array<i32>} : memref<40x128xf32, #tpu.memory_space<vmem>>, vector<1x16xf32>,
        %get3A_296 = arith.index_cast %scan3A_261 : i32 to index
        %get3A_297 = arith.constant 64 : index
        %get3A_298 = tpu.vector_load %arg16[%get3A_296, %get3A_297] {strides = array<i32>} : memref<40x128xf32, #tpu.memory_space<vmem>>, vector<1x16xf32>,
        %get3A_299 = vector.shape_cast %get3A_298 : vector<1x16xf32> to vector<16xf32>
        %swap3A_300 = arith.index_cast %scan3A_261 : i32 to index
        %swap3A_301 = arith.constant 64 : index
        %swap3A_302 = tpu.vector_load %arg11[%swap3A_300, %swap3A_301] {strides = array<i32>} : memref<40x128xf32, #tpu.memory_space<vmem>>, vector<1x16xf32>,
        %swap3A_303 = vector.shape_cast %swap3A_302 : vector<1x16xf32> to vector<16xf32>
        %swap3A_304 = vector.shape_cast %get3A_299 : vector<16xf32> to vector<1x16xf32>
        tpu.vector_store %arg11[%swap3A_300, %swap3A_301], %swap3A_304 {add = true, strides = array<i32>} : memref<40x128xf32, #tpu.memory_space<vmem>>, vector<1x16xf32>,
        %get3A_305 = arith.index_cast %scan3A_261 : i32 to index
        %get3A_306 = arith.constant 80 : index
        %get3A_307 = tpu.vector_load %arg16[%get3A_305, %get3A_306] {strides = array<i32>} : memref<40x128xf32, #tpu.memory_space<vmem>>, vector<1x16xf32>,
        %get3A_308 = vector.shape_cast %get3A_307 : vector<1x16xf32> to vector<16xf32>
        %swap3A_309 = arith.index_cast %scan3A_261 : i32 to index
        %swap3A_310 = arith.constant 80 : index
        %swap3A_311 = tpu.vector_load %arg11[%swap3A_309, %swap3A_310] {strides = array<i32>} : memref<40x128xf32, #tpu.memory_space<vmem>>, vector<1x16xf32>,
        %swap3A_312 = vector.shape_cast %swap3A_311 : vector<1x16xf32> to vector<16xf32>
        %swap3A_313 = vector.shape_cast %get3A_308 : vector<16xf32> to vector<1x16xf32>
        tpu.vector_store %arg11[%swap3A_309, %swap3A_310], %swap3A_313 {add = true, strides = array<i32>} : memref<40x128xf32, #tpu.memory_space<vmem>>, vector<1x16xf32>,
        %get3A_314 = arith.index_cast %scan3A_261 : i32 to index
        %get3A_315 = arith.constant 96 : index
        %get3A_316 = tpu.vector_load %arg16[%get3A_314, %get3A_315] {strides = array<i32>} : memref<40x128xf32, #tpu.memory_space<vmem>>, vector<1x16xf32>,
        %get3A_317 = vector.shape_cast %get3A_316 : vector<1x16xf32> to vector<16xf32>
        %swap3A_318 = arith.index_cast %scan3A_261 : i32 to index
        %swap3A_319 = arith.constant 96 : index
        %swap3A_320 = tpu.vector_load %arg11[%swap3A_318, %swap3A_319] {strides = array<i32>} : memref<40x128xf32, #tpu.memory_space<vmem>>, vector<1x16xf32>,
        %swap3A_321 = vector.shape_cast %swap3A_320 : vector<1x16xf32> to vector<16xf32>
        %swap3A_322 = vector.shape_cast %get3A_317 : vector<16xf32> to vector<1x16xf32>
        tpu.vector_store %arg11[%swap3A_318, %swap3A_319], %swap3A_322 {add = true, strides = array<i32>} : memref<40x128xf32, #tpu.memory_space<vmem>>, vector<1x16xf32>,
        %get3A_323 = arith.index_cast %scan3A_261 : i32 to index
        %get3A_324 = arith.constant 112 : index
        %get3A_325 = tpu.vector_load %arg16[%get3A_323, %get3A_324] {strides = array<i32>} : memref<40x128xf32, #tpu.memory_space<vmem>>, vector<1x16xf32>,
        %get3A_326 = vector.shape_cast %get3A_325 : vector<1x16xf32> to vector<16xf32>
        %swap3A_327 = arith.index_cast %scan3A_261 : i32 to index
        %swap3A_328 = arith.constant 112 : index
        %swap3A_329 = tpu.vector_load %arg11[%swap3A_327, %swap3A_328] {strides = array<i32>} : memref<40x128xf32, #tpu.memory_space<vmem>>, vector<1x16xf32>,
        %swap3A_330 = vector.shape_cast %swap3A_329 : vector<1x16xf32> to vector<16xf32>
        %swap3A_331 = vector.shape_cast %get3A_326 : vector<16xf32> to vector<1x16xf32>
        tpu.vector_store %arg11[%swap3A_327, %swap3A_328], %swap3A_331 {add = true, strides = array<i32>} : memref<40x128xf32, #tpu.memory_space<vmem>>, vector<1x16xf32>,
      }
      %scan3A_181 = arith.constant 40 : i32
      %mul3A_182 = arith.constant 40 : i32
      %mul3A_183 = arith.muli %add3A_157, %mul3A_182 : i32
      %add3A_184 = arith.addi %mul3A_2, %mul3A_183 : i32
      %dma_start3A_185 = arith.constant 0 : i32
      %dma_start3A_186 = tpu.memref_slice %arg6[%add3A_184, %dma_start3A_185] : memref<160000x128xf32, #tpu.memory_space<hbm>> -> memref<40x128xf32, #tpu.memory_space<hbm>>
      %dma_start3A_187 = arith.constant 0 : i32
      %dma_start3A_188 = tpu.memref_slice %arg6[%add3A_184, %dma_start3A_187] : memref<160000x128xf32, #tpu.memory_space<hbm>> -> memref<40x128xf32, #tpu.memory_space<hbm>>
      tpu.enqueue_dma source(%arg11 : memref<40x128xf32, #tpu.memory_space<vmem>>) target(%dma_start3A_188 : memref<40x128xf32, #tpu.memory_space<hbm>>) target_semaphore(%arg26 : memref<!tpu.dma_semaphore, #tpu.memory_space<semaphore_mem>>)
      %mul3A_189 = arith.constant 5 : i32
      %mul3A_190 = arith.muli %mul3A_189, %scan3A_60 : i32
      %add3A_191 = arith.constant 3 : i32
      %add3A_192 = arith.addi %mul3A_190, %add3A_191 : i32
      %add3A_193 = arith.constant 3 : i32
      %add3A_194 = arith.addi %add3A_192, %add3A_193 : i32
      %lt3A_195 = arith.constant 24 : i32
      %lt3A_196 = arith.cmpi slt, %scan3A_60, %lt3A_195 : i32
      %convert_element_type3A_197 = arith.extui %lt3A_196 : i1 to i32
      %cond3A_198 = arith.constant 0 : i32
      %cond3A_199 = arith.cmpi ne, %convert_element_type3A_197, %cond3A_198 : i32
      scf.if %cond3A_199 {
        %dma_wait3A_261 = arith.constant 0 : i32
        %dma_wait3A_262 = tpu.memref_slice %arg6[%mul3A_2, %dma_wait3A_261] : memref<160000x128xf32, #tpu.memory_space<hbm>> -> memref<40x128xf32, #tpu.memory_space<hbm>>
        %dma_wait3A_263 = arith.constant 0 : i32
        %dma_wait3A_264 = tpu.memref_slice %arg6[%mul3A_2, %dma_wait3A_263] : memref<160000x128xf32, #tpu.memory_space<hbm>> -> memref<40x128xf32, #tpu.memory_space<hbm>>
        tpu.wait_dma2 semaphore(%arg25 : memref<!tpu.dma_semaphore, #tpu.memory_space<semaphore_mem>>) src(%arg10 : memref<40x128xf32, #tpu.memory_space<vmem>>) dst(%dma_wait3A_264 : memref<40x128xf32, #tpu.memory_space<hbm>>)
        %mul3A_265 = arith.constant 40 : i32
        %mul3A_266 = arith.muli %add3A_194, %mul3A_265 : i32
        %dma_start3A_267 = tpu.memref_slice %arg7[%mul3A_266] : memref<5000xi32, #tpu.memory_space<vmem>> -> memref<40xi32, #tpu.memory_space<vmem>>
        %dma_start3A_268 = arith.constant 0 : i32
        %dma_start3A_269 = arith.constant 0 : i32
        %dma_start3A_270 = tpu.memref_slice %arg2[%dma_start3A_268, %dma_start3A_269] : memref<10000x128xf32, #tpu.memory_space<hbm>> -> memref<10000x128xf32, #tpu.memory_space<hbm>>
        tpu.enqueue_indirect_dma source(%dma_start3A_270 : memref<10000x128xf32, #tpu.memory_space<hbm>>) target(%arg10 : memref<40x128xf32, #tpu.memory_space<vmem>>) offsets(%dma_start3A_267 : memref<40xi32, #tpu.memory_space<vmem>>) semaphore(%arg20 : memref<!tpu.dma_semaphore, #tpu.memory_space<semaphore_mem>>)
        %mul3A_271 = arith.constant 40 : i32
        %mul3A_272 = arith.muli %add3A_194, %mul3A_271 : i32
        %dma_start3A_273 = tpu.memref_slice %arg8[%mul3A_272] : memref<5000xi32, #tpu.memory_space<vmem>> -> memref<40xi32, #tpu.memory_space<vmem>>
        %dma_start3A_274 = arith.constant 0 : i32
        %dma_start3A_275 = arith.constant 0 : i32
        %dma_start3A_276 = tpu.memref_slice %arg3[%dma_start3A_274, %dma_start3A_275] : memref<10000x128xf32, #tpu.memory_space<hbm>> -> memref<10000x128xf32, #tpu.memory_space<hbm>>
        tpu.enqueue_indirect_dma source(%dma_start3A_276 : memref<10000x128xf32, #tpu.memory_space<hbm>>) target(%arg15 : memref<40x128xf32, #tpu.memory_space<vmem>>) offsets(%dma_start3A_273 : memref<40xi32, #tpu.memory_space<vmem>>) semaphore(%arg20 : memref<!tpu.dma_semaphore, #tpu.memory_space<semaphore_mem>>)
      } else {
      }
      %mul3A_200 = arith.constant 40 : i32
      %mul3A_201 = arith.muli %add3A_192, %mul3A_200 : i32
      %dma_wait3A_202 = tpu.memref_slice %arg7[%mul3A_201] : memref<5000xi32, #tpu.memory_space<vmem>> -> memref<40xi32, #tpu.memory_space<vmem>>
      %dma_wait3A_203 = arith.constant 0 : i32
      %dma_wait3A_204 = arith.constant 0 : i32
      %dma_wait3A_205 = tpu.memref_slice %arg2[%dma_wait3A_203, %dma_wait3A_204] : memref<10000x128xf32, #tpu.memory_space<hbm>> -> memref<10000x128xf32, #tpu.memory_space<hbm>>
      tpu.wait_indirect_dma semaphore(%arg22 : memref<!tpu.dma_semaphore, #tpu.memory_space<semaphore_mem>>) src(%dma_wait3A_205 : memref<10000x128xf32, #tpu.memory_space<hbm>>) dst(%arg12 : memref<40x128xf32, #tpu.memory_space<vmem>>)
      %mul3A_206 = arith.constant 40 : i32
      %mul3A_207 = arith.muli %add3A_192, %mul3A_206 : i32
      %dma_wait3A_208 = tpu.memref_slice %arg8[%mul3A_207] : memref<5000xi32, #tpu.memory_space<vmem>> -> memref<40xi32, #tpu.memory_space<vmem>>
      %dma_wait3A_209 = arith.constant 0 : i32
      %dma_wait3A_210 = arith.constant 0 : i32
      %dma_wait3A_211 = tpu.memref_slice %arg3[%dma_wait3A_209, %dma_wait3A_210] : memref<10000x128xf32, #tpu.memory_space<hbm>> -> memref<10000x128xf32, #tpu.memory_space<hbm>>
      tpu.wait_indirect_dma semaphore(%arg22 : memref<!tpu.dma_semaphore, #tpu.memory_space<semaphore_mem>>) src(%dma_wait3A_211 : memref<10000x128xf32, #tpu.memory_space<hbm>>) dst(%arg17 : memref<40x128xf32, #tpu.memory_space<vmem>>)
      %scan3A_212 = arith.constant 0 : i32
      %scan3A_213 = arith.constant 0 : i32
      %scan3A_214 = arith.constant 40 : i32
      %scan3A_215 = arith.addi %scan3A_213, %scan3A_214 : i32
      %scan3A_216 = arith.constant 1 : i32
      scf.for %scan3A_261 = %scan3A_213 to %scan3A_215 step %scan3A_216  : i32 {
        %get3A = arith.index_cast %scan3A_261 : i32 to index
        %get3A_262 = arith.constant 0 : index
        %get3A_263 = tpu.vector_load %arg17[%get3A, %get3A_262] {strides = array<i32>} : memref<40x128xf32, #tpu.memory_space<vmem>>, vector<1x16xf32>,
        %get3A_264 = vector.shape_cast %get3A_263 : vector<1x16xf32> to vector<16xf32>
        %swap3A = arith.index_cast %scan3A_261 : i32 to index
        %swap3A_265 = arith.constant 0 : index
        %swap3A_266 = tpu.vector_load %arg12[%swap3A, %swap3A_265] {strides = array<i32>} : memref<40x128xf32, #tpu.memory_space<vmem>>, vector<1x16xf32>,
        %swap3A_267 = vector.shape_cast %swap3A_266 : vector<1x16xf32> to vector<16xf32>
        %swap3A_268 = vector.shape_cast %get3A_264 : vector<16xf32> to vector<1x16xf32>
        tpu.vector_store %arg12[%swap3A, %swap3A_265], %swap3A_268 {add = true, strides = array<i32>} : memref<40x128xf32, #tpu.memory_space<vmem>>, vector<1x16xf32>,
        %get3A_269 = arith.index_cast %scan3A_261 : i32 to index
        %get3A_270 = arith.constant 16 : index
        %get3A_271 = tpu.vector_load %arg17[%get3A_269, %get3A_270] {strides = array<i32>} : memref<40x128xf32, #tpu.memory_space<vmem>>, vector<1x16xf32>,
        %get3A_272 = vector.shape_cast %get3A_271 : vector<1x16xf32> to vector<16xf32>
        %swap3A_273 = arith.index_cast %scan3A_261 : i32 to index
        %swap3A_274 = arith.constant 16 : index
        %swap3A_275 = tpu.vector_load %arg12[%swap3A_273, %swap3A_274] {strides = array<i32>} : memref<40x128xf32, #tpu.memory_space<vmem>>, vector<1x16xf32>,
        %swap3A_276 = vector.shape_cast %swap3A_275 : vector<1x16xf32> to vector<16xf32>
        %swap3A_277 = vector.shape_cast %get3A_272 : vector<16xf32> to vector<1x16xf32>
        tpu.vector_store %arg12[%swap3A_273, %swap3A_274], %swap3A_277 {add = true, strides = array<i32>} : memref<40x128xf32, #tpu.memory_space<vmem>>, vector<1x16xf32>,
        %get3A_278 = arith.index_cast %scan3A_261 : i32 to index
        %get3A_279 = arith.constant 32 : index
        %get3A_280 = tpu.vector_load %arg17[%get3A_278, %get3A_279] {strides = array<i32>} : memref<40x128xf32, #tpu.memory_space<vmem>>, vector<1x16xf32>,
        %get3A_281 = vector.shape_cast %get3A_280 : vector<1x16xf32> to vector<16xf32>
        %swap3A_282 = arith.index_cast %scan3A_261 : i32 to index
        %swap3A_283 = arith.constant 32 : index
        %swap3A_284 = tpu.vector_load %arg12[%swap3A_282, %swap3A_283] {strides = array<i32>} : memref<40x128xf32, #tpu.memory_space<vmem>>, vector<1x16xf32>,
        %swap3A_285 = vector.shape_cast %swap3A_284 : vector<1x16xf32> to vector<16xf32>
        %swap3A_286 = vector.shape_cast %get3A_281 : vector<16xf32> to vector<1x16xf32>
        tpu.vector_store %arg12[%swap3A_282, %swap3A_283], %swap3A_286 {add = true, strides = array<i32>} : memref<40x128xf32, #tpu.memory_space<vmem>>, vector<1x16xf32>,
        %get3A_287 = arith.index_cast %scan3A_261 : i32 to index
        %get3A_288 = arith.constant 48 : index
        %get3A_289 = tpu.vector_load %arg17[%get3A_287, %get3A_288] {strides = array<i32>} : memref<40x128xf32, #tpu.memory_space<vmem>>, vector<1x16xf32>,
        %get3A_290 = vector.shape_cast %get3A_289 : vector<1x16xf32> to vector<16xf32>
        %swap3A_291 = arith.index_cast %scan3A_261 : i32 to index
        %swap3A_292 = arith.constant 48 : index
        %swap3A_293 = tpu.vector_load %arg12[%swap3A_291, %swap3A_292] {strides = array<i32>} : memref<40x128xf32, #tpu.memory_space<vmem>>, vector<1x16xf32>,
        %swap3A_294 = vector.shape_cast %swap3A_293 : vector<1x16xf32> to vector<16xf32>
        %swap3A_295 = vector.shape_cast %get3A_290 : vector<16xf32> to vector<1x16xf32>
        tpu.vector_store %arg12[%swap3A_291, %swap3A_292], %swap3A_295 {add = true, strides = array<i32>} : memref<40x128xf32, #tpu.memory_space<vmem>>, vector<1x16xf32>,
        %get3A_296 = arith.index_cast %scan3A_261 : i32 to index
        %get3A_297 = arith.constant 64 : index
        %get3A_298 = tpu.vector_load %arg17[%get3A_296, %get3A_297] {strides = array<i32>} : memref<40x128xf32, #tpu.memory_space<vmem>>, vector<1x16xf32>,
        %get3A_299 = vector.shape_cast %get3A_298 : vector<1x16xf32> to vector<16xf32>
        %swap3A_300 = arith.index_cast %scan3A_261 : i32 to index
        %swap3A_301 = arith.constant 64 : index
        %swap3A_302 = tpu.vector_load %arg12[%swap3A_300, %swap3A_301] {strides = array<i32>} : memref<40x128xf32, #tpu.memory_space<vmem>>, vector<1x16xf32>,
        %swap3A_303 = vector.shape_cast %swap3A_302 : vector<1x16xf32> to vector<16xf32>
        %swap3A_304 = vector.shape_cast %get3A_299 : vector<16xf32> to vector<1x16xf32>
        tpu.vector_store %arg12[%swap3A_300, %swap3A_301], %swap3A_304 {add = true, strides = array<i32>} : memref<40x128xf32, #tpu.memory_space<vmem>>, vector<1x16xf32>,
        %get3A_305 = arith.index_cast %scan3A_261 : i32 to index
        %get3A_306 = arith.constant 80 : index
        %get3A_307 = tpu.vector_load %arg17[%get3A_305, %get3A_306] {strides = array<i32>} : memref<40x128xf32, #tpu.memory_space<vmem>>, vector<1x16xf32>,
        %get3A_308 = vector.shape_cast %get3A_307 : vector<1x16xf32> to vector<16xf32>
        %swap3A_309 = arith.index_cast %scan3A_261 : i32 to index
        %swap3A_310 = arith.constant 80 : index
        %swap3A_311 = tpu.vector_load %arg12[%swap3A_309, %swap3A_310] {strides = array<i32>} : memref<40x128xf32, #tpu.memory_space<vmem>>, vector<1x16xf32>,
        %swap3A_312 = vector.shape_cast %swap3A_311 : vector<1x16xf32> to vector<16xf32>
        %swap3A_313 = vector.shape_cast %get3A_308 : vector<16xf32> to vector<1x16xf32>
        tpu.vector_store %arg12[%swap3A_309, %swap3A_310], %swap3A_313 {add = true, strides = array<i32>} : memref<40x128xf32, #tpu.memory_space<vmem>>, vector<1x16xf32>,
        %get3A_314 = arith.index_cast %scan3A_261 : i32 to index
        %get3A_315 = arith.constant 96 : index
        %get3A_316 = tpu.vector_load %arg17[%get3A_314, %get3A_315] {strides = array<i32>} : memref<40x128xf32, #tpu.memory_space<vmem>>, vector<1x16xf32>,
        %get3A_317 = vector.shape_cast %get3A_316 : vector<1x16xf32> to vector<16xf32>
        %swap3A_318 = arith.index_cast %scan3A_261 : i32 to index
        %swap3A_319 = arith.constant 96 : index
        %swap3A_320 = tpu.vector_load %arg12[%swap3A_318, %swap3A_319] {strides = array<i32>} : memref<40x128xf32, #tpu.memory_space<vmem>>, vector<1x16xf32>,
        %swap3A_321 = vector.shape_cast %swap3A_320 : vector<1x16xf32> to vector<16xf32>
        %swap3A_322 = vector.shape_cast %get3A_317 : vector<16xf32> to vector<1x16xf32>
        tpu.vector_store %arg12[%swap3A_318, %swap3A_319], %swap3A_322 {add = true, strides = array<i32>} : memref<40x128xf32, #tpu.memory_space<vmem>>, vector<1x16xf32>,
        %get3A_323 = arith.index_cast %scan3A_261 : i32 to index
        %get3A_324 = arith.constant 112 : index
        %get3A_325 = tpu.vector_load %arg17[%get3A_323, %get3A_324] {strides = array<i32>} : memref<40x128xf32, #tpu.memory_space<vmem>>, vector<1x16xf32>,
        %get3A_326 = vector.shape_cast %get3A_325 : vector<1x16xf32> to vector<16xf32>
        %swap3A_327 = arith.index_cast %scan3A_261 : i32 to index
        %swap3A_328 = arith.constant 112 : index
        %swap3A_329 = tpu.vector_load %arg12[%swap3A_327, %swap3A_328] {strides = array<i32>} : memref<40x128xf32, #tpu.memory_space<vmem>>, vector<1x16xf32>,
        %swap3A_330 = vector.shape_cast %swap3A_329 : vector<1x16xf32> to vector<16xf32>
        %swap3A_331 = vector.shape_cast %get3A_326 : vector<16xf32> to vector<1x16xf32>
        tpu.vector_store %arg12[%swap3A_327, %swap3A_328], %swap3A_331 {add = true, strides = array<i32>} : memref<40x128xf32, #tpu.memory_space<vmem>>, vector<1x16xf32>,
      }
      %scan3A_217 = arith.constant 40 : i32
      %mul3A_218 = arith.constant 40 : i32
      %mul3A_219 = arith.muli %add3A_192, %mul3A_218 : i32
      %add3A_220 = arith.addi %mul3A_2, %mul3A_219 : i32
      %dma_start3A_221 = arith.constant 0 : i32
      %dma_start3A_222 = tpu.memref_slice %arg6[%add3A_220, %dma_start3A_221] : memref<160000x128xf32, #tpu.memory_space<hbm>> -> memref<40x128xf32, #tpu.memory_space<hbm>>
      %dma_start3A_223 = arith.constant 0 : i32
      %dma_start3A_224 = tpu.memref_slice %arg6[%add3A_220, %dma_start3A_223] : memref<160000x128xf32, #tpu.memory_space<hbm>> -> memref<40x128xf32, #tpu.memory_space<hbm>>
      tpu.enqueue_dma source(%arg12 : memref<40x128xf32, #tpu.memory_space<vmem>>) target(%dma_start3A_224 : memref<40x128xf32, #tpu.memory_space<hbm>>) target_semaphore(%arg27 : memref<!tpu.dma_semaphore, #tpu.memory_space<semaphore_mem>>)
      %mul3A_225 = arith.constant 5 : i32
      %mul3A_226 = arith.muli %mul3A_225, %scan3A_60 : i32
      %add3A_227 = arith.constant 4 : i32
      %add3A_228 = arith.addi %mul3A_226, %add3A_227 : i32
      %add3A_229 = arith.constant 3 : i32
      %add3A_230 = arith.addi %add3A_228, %add3A_229 : i32
      %lt3A_231 = arith.constant 24 : i32
      %lt3A_232 = arith.cmpi slt, %scan3A_60, %lt3A_231 : i32
      %convert_element_type3A_233 = arith.extui %lt3A_232 : i1 to i32
      %cond3A_234 = arith.constant 0 : i32
      %cond3A_235 = arith.cmpi ne, %convert_element_type3A_233, %cond3A_234 : i32
      scf.if %cond3A_235 {
        %dma_wait3A_261 = arith.constant 0 : i32
        %dma_wait3A_262 = tpu.memref_slice %arg6[%mul3A_2, %dma_wait3A_261] : memref<160000x128xf32, #tpu.memory_space<hbm>> -> memref<40x128xf32, #tpu.memory_space<hbm>>
        %dma_wait3A_263 = arith.constant 0 : i32
        %dma_wait3A_264 = tpu.memref_slice %arg6[%mul3A_2, %dma_wait3A_263] : memref<160000x128xf32, #tpu.memory_space<hbm>> -> memref<40x128xf32, #tpu.memory_space<hbm>>
        tpu.wait_dma2 semaphore(%arg26 : memref<!tpu.dma_semaphore, #tpu.memory_space<semaphore_mem>>) src(%arg11 : memref<40x128xf32, #tpu.memory_space<vmem>>) dst(%dma_wait3A_264 : memref<40x128xf32, #tpu.memory_space<hbm>>)
        %mul3A_265 = arith.constant 40 : i32
        %mul3A_266 = arith.muli %add3A_230, %mul3A_265 : i32
        %dma_start3A_267 = tpu.memref_slice %arg7[%mul3A_266] : memref<5000xi32, #tpu.memory_space<vmem>> -> memref<40xi32, #tpu.memory_space<vmem>>
        %dma_start3A_268 = arith.constant 0 : i32
        %dma_start3A_269 = arith.constant 0 : i32
        %dma_start3A_270 = tpu.memref_slice %arg2[%dma_start3A_268, %dma_start3A_269] : memref<10000x128xf32, #tpu.memory_space<hbm>> -> memref<10000x128xf32, #tpu.memory_space<hbm>>
        tpu.enqueue_indirect_dma source(%dma_start3A_270 : memref<10000x128xf32, #tpu.memory_space<hbm>>) target(%arg11 : memref<40x128xf32, #tpu.memory_space<vmem>>) offsets(%dma_start3A_267 : memref<40xi32, #tpu.memory_space<vmem>>) semaphore(%arg21 : memref<!tpu.dma_semaphore, #tpu.memory_space<semaphore_mem>>)
        %mul3A_271 = arith.constant 40 : i32
        %mul3A_272 = arith.muli %add3A_230, %mul3A_271 : i32
        %dma_start3A_273 = tpu.memref_slice %arg8[%mul3A_272] : memref<5000xi32, #tpu.memory_space<vmem>> -> memref<40xi32, #tpu.memory_space<vmem>>
        %dma_start3A_274 = arith.constant 0 : i32
        %dma_start3A_275 = arith.constant 0 : i32
        %dma_start3A_276 = tpu.memref_slice %arg3[%dma_start3A_274, %dma_start3A_275] : memref<10000x128xf32, #tpu.memory_space<hbm>> -> memref<10000x128xf32, #tpu.memory_space<hbm>>
        tpu.enqueue_indirect_dma source(%dma_start3A_276 : memref<10000x128xf32, #tpu.memory_space<hbm>>) target(%arg16 : memref<40x128xf32, #tpu.memory_space<vmem>>) offsets(%dma_start3A_273 : memref<40xi32, #tpu.memory_space<vmem>>) semaphore(%arg21 : memref<!tpu.dma_semaphore, #tpu.memory_space<semaphore_mem>>)
      } else {
      }
      %mul3A_236 = arith.constant 40 : i32
      %mul3A_237 = arith.muli %add3A_228, %mul3A_236 : i32
      %dma_wait3A_238 = tpu.memref_slice %arg7[%mul3A_237] : memref<5000xi32, #tpu.memory_space<vmem>> -> memref<40xi32, #tpu.memory_space<vmem>>
      %dma_wait3A_239 = arith.constant 0 : i32
      %dma_wait3A_240 = arith.constant 0 : i32
      %dma_wait3A_241 = tpu.memref_slice %arg2[%dma_wait3A_239, %dma_wait3A_240] : memref<10000x128xf32, #tpu.memory_space<hbm>> -> memref<10000x128xf32, #tpu.memory_space<hbm>>
      tpu.wait_indirect_dma semaphore(%arg23 : memref<!tpu.dma_semaphore, #tpu.memory_space<semaphore_mem>>) src(%dma_wait3A_241 : memref<10000x128xf32, #tpu.memory_space<hbm>>) dst(%arg13 : memref<40x128xf32, #tpu.memory_space<vmem>>)
      %mul3A_242 = arith.constant 40 : i32
      %mul3A_243 = arith.muli %add3A_228, %mul3A_242 : i32
      %dma_wait3A_244 = tpu.memref_slice %arg8[%mul3A_243] : memref<5000xi32, #tpu.memory_space<vmem>> -> memref<40xi32, #tpu.memory_space<vmem>>
      %dma_wait3A_245 = arith.constant 0 : i32
      %dma_wait3A_246 = arith.constant 0 : i32
      %dma_wait3A_247 = tpu.memref_slice %arg3[%dma_wait3A_245, %dma_wait3A_246] : memref<10000x128xf32, #tpu.memory_space<hbm>> -> memref<10000x128xf32, #tpu.memory_space<hbm>>
      tpu.wait_indirect_dma semaphore(%arg23 : memref<!tpu.dma_semaphore, #tpu.memory_space<semaphore_mem>>) src(%dma_wait3A_247 : memref<10000x128xf32, #tpu.memory_space<hbm>>) dst(%arg18 : memref<40x128xf32, #tpu.memory_space<vmem>>)
      %scan3A_248 = arith.constant 0 : i32
      %scan3A_249 = arith.constant 0 : i32
      %scan3A_250 = arith.constant 40 : i32
      %scan3A_251 = arith.addi %scan3A_249, %scan3A_250 : i32
      %scan3A_252 = arith.constant 1 : i32
      scf.for %scan3A_261 = %scan3A_249 to %scan3A_251 step %scan3A_252  : i32 {
        %get3A = arith.index_cast %scan3A_261 : i32 to index
        %get3A_262 = arith.constant 0 : index
        %get3A_263 = tpu.vector_load %arg18[%get3A, %get3A_262] {strides = array<i32>} : memref<40x128xf32, #tpu.memory_space<vmem>>, vector<1x16xf32>,
        %get3A_264 = vector.shape_cast %get3A_263 : vector<1x16xf32> to vector<16xf32>
        %swap3A = arith.index_cast %scan3A_261 : i32 to index
        %swap3A_265 = arith.constant 0 : index
        %swap3A_266 = tpu.vector_load %arg13[%swap3A, %swap3A_265] {strides = array<i32>} : memref<40x128xf32, #tpu.memory_space<vmem>>, vector<1x16xf32>,
        %swap3A_267 = vector.shape_cast %swap3A_266 : vector<1x16xf32> to vector<16xf32>
        %swap3A_268 = vector.shape_cast %get3A_264 : vector<16xf32> to vector<1x16xf32>
        tpu.vector_store %arg13[%swap3A, %swap3A_265], %swap3A_268 {add = true, strides = array<i32>} : memref<40x128xf32, #tpu.memory_space<vmem>>, vector<1x16xf32>,
        %get3A_269 = arith.index_cast %scan3A_261 : i32 to index
        %get3A_270 = arith.constant 16 : index
        %get3A_271 = tpu.vector_load %arg18[%get3A_269, %get3A_270] {strides = array<i32>} : memref<40x128xf32, #tpu.memory_space<vmem>>, vector<1x16xf32>,
        %get3A_272 = vector.shape_cast %get3A_271 : vector<1x16xf32> to vector<16xf32>
        %swap3A_273 = arith.index_cast %scan3A_261 : i32 to index
        %swap3A_274 = arith.constant 16 : index
        %swap3A_275 = tpu.vector_load %arg13[%swap3A_273, %swap3A_274] {strides = array<i32>} : memref<40x128xf32, #tpu.memory_space<vmem>>, vector<1x16xf32>,
        %swap3A_276 = vector.shape_cast %swap3A_275 : vector<1x16xf32> to vector<16xf32>
        %swap3A_277 = vector.shape_cast %get3A_272 : vector<16xf32> to vector<1x16xf32>
        tpu.vector_store %arg13[%swap3A_273, %swap3A_274], %swap3A_277 {add = true, strides = array<i32>} : memref<40x128xf32, #tpu.memory_space<vmem>>, vector<1x16xf32>,
        %get3A_278 = arith.index_cast %scan3A_261 : i32 to index
        %get3A_279 = arith.constant 32 : index
        %get3A_280 = tpu.vector_load %arg18[%get3A_278, %get3A_279] {strides = array<i32>} : memref<40x128xf32, #tpu.memory_space<vmem>>, vector<1x16xf32>,
        %get3A_281 = vector.shape_cast %get3A_280 : vector<1x16xf32> to vector<16xf32>
        %swap3A_282 = arith.index_cast %scan3A_261 : i32 to index
        %swap3A_283 = arith.constant 32 : index
        %swap3A_284 = tpu.vector_load %arg13[%swap3A_282, %swap3A_283] {strides = array<i32>} : memref<40x128xf32, #tpu.memory_space<vmem>>, vector<1x16xf32>,
        %swap3A_285 = vector.shape_cast %swap3A_284 : vector<1x16xf32> to vector<16xf32>
        %swap3A_286 = vector.shape_cast %get3A_281 : vector<16xf32> to vector<1x16xf32>
        tpu.vector_store %arg13[%swap3A_282, %swap3A_283], %swap3A_286 {add = true, strides = array<i32>} : memref<40x128xf32, #tpu.memory_space<vmem>>, vector<1x16xf32>,
        %get3A_287 = arith.index_cast %scan3A_261 : i32 to index
        %get3A_288 = arith.constant 48 : index
        %get3A_289 = tpu.vector_load %arg18[%get3A_287, %get3A_288] {strides = array<i32>} : memref<40x128xf32, #tpu.memory_space<vmem>>, vector<1x16xf32>,
        %get3A_290 = vector.shape_cast %get3A_289 : vector<1x16xf32> to vector<16xf32>
        %swap3A_291 = arith.index_cast %scan3A_261 : i32 to index
        %swap3A_292 = arith.constant 48 : index
        %swap3A_293 = tpu.vector_load %arg13[%swap3A_291, %swap3A_292] {strides = array<i32>} : memref<40x128xf32, #tpu.memory_space<vmem>>, vector<1x16xf32>,
        %swap3A_294 = vector.shape_cast %swap3A_293 : vector<1x16xf32> to vector<16xf32>
        %swap3A_295 = vector.shape_cast %get3A_290 : vector<16xf32> to vector<1x16xf32>
        tpu.vector_store %arg13[%swap3A_291, %swap3A_292], %swap3A_295 {add = true, strides = array<i32>} : memref<40x128xf32, #tpu.memory_space<vmem>>, vector<1x16xf32>,
        %get3A_296 = arith.index_cast %scan3A_261 : i32 to index
        %get3A_297 = arith.constant 64 : index
        %get3A_298 = tpu.vector_load %arg18[%get3A_296, %get3A_297] {strides = array<i32>} : memref<40x128xf32, #tpu.memory_space<vmem>>, vector<1x16xf32>,
        %get3A_299 = vector.shape_cast %get3A_298 : vector<1x16xf32> to vector<16xf32>
        %swap3A_300 = arith.index_cast %scan3A_261 : i32 to index
        %swap3A_301 = arith.constant 64 : index
        %swap3A_302 = tpu.vector_load %arg13[%swap3A_300, %swap3A_301] {strides = array<i32>} : memref<40x128xf32, #tpu.memory_space<vmem>>, vector<1x16xf32>,
        %swap3A_303 = vector.shape_cast %swap3A_302 : vector<1x16xf32> to vector<16xf32>
        %swap3A_304 = vector.shape_cast %get3A_299 : vector<16xf32> to vector<1x16xf32>
        tpu.vector_store %arg13[%swap3A_300, %swap3A_301], %swap3A_304 {add = true, strides = array<i32>} : memref<40x128xf32, #tpu.memory_space<vmem>>, vector<1x16xf32>,
        %get3A_305 = arith.index_cast %scan3A_261 : i32 to index
        %get3A_306 = arith.constant 80 : index
        %get3A_307 = tpu.vector_load %arg18[%get3A_305, %get3A_306] {strides = array<i32>} : memref<40x128xf32, #tpu.memory_space<vmem>>, vector<1x16xf32>,
        %get3A_308 = vector.shape_cast %get3A_307 : vector<1x16xf32> to vector<16xf32>
        %swap3A_309 = arith.index_cast %scan3A_261 : i32 to index
        %swap3A_310 = arith.constant 80 : index
        %swap3A_311 = tpu.vector_load %arg13[%swap3A_309, %swap3A_310] {strides = array<i32>} : memref<40x128xf32, #tpu.memory_space<vmem>>, vector<1x16xf32>,
        %swap3A_312 = vector.shape_cast %swap3A_311 : vector<1x16xf32> to vector<16xf32>
        %swap3A_313 = vector.shape_cast %get3A_308 : vector<16xf32> to vector<1x16xf32>
        tpu.vector_store %arg13[%swap3A_309, %swap3A_310], %swap3A_313 {add = true, strides = array<i32>} : memref<40x128xf32, #tpu.memory_space<vmem>>, vector<1x16xf32>,
        %get3A_314 = arith.index_cast %scan3A_261 : i32 to index
        %get3A_315 = arith.constant 96 : index
        %get3A_316 = tpu.vector_load %arg18[%get3A_314, %get3A_315] {strides = array<i32>} : memref<40x128xf32, #tpu.memory_space<vmem>>, vector<1x16xf32>,
        %get3A_317 = vector.shape_cast %get3A_316 : vector<1x16xf32> to vector<16xf32>
        %swap3A_318 = arith.index_cast %scan3A_261 : i32 to index
        %swap3A_319 = arith.constant 96 : index
        %swap3A_320 = tpu.vector_load %arg13[%swap3A_318, %swap3A_319] {strides = array<i32>} : memref<40x128xf32, #tpu.memory_space<vmem>>, vector<1x16xf32>,
        %swap3A_321 = vector.shape_cast %swap3A_320 : vector<1x16xf32> to vector<16xf32>
        %swap3A_322 = vector.shape_cast %get3A_317 : vector<16xf32> to vector<1x16xf32>
        tpu.vector_store %arg13[%swap3A_318, %swap3A_319], %swap3A_322 {add = true, strides = array<i32>} : memref<40x128xf32, #tpu.memory_space<vmem>>, vector<1x16xf32>,
        %get3A_323 = arith.index_cast %scan3A_261 : i32 to index
        %get3A_324 = arith.constant 112 : index
        %get3A_325 = tpu.vector_load %arg18[%get3A_323, %get3A_324] {strides = array<i32>} : memref<40x128xf32, #tpu.memory_space<vmem>>, vector<1x16xf32>,
        %get3A_326 = vector.shape_cast %get3A_325 : vector<1x16xf32> to vector<16xf32>
        %swap3A_327 = arith.index_cast %scan3A_261 : i32 to index
        %swap3A_328 = arith.constant 112 : index
        %swap3A_329 = tpu.vector_load %arg13[%swap3A_327, %swap3A_328] {strides = array<i32>} : memref<40x128xf32, #tpu.memory_space<vmem>>, vector<1x16xf32>,
        %swap3A_330 = vector.shape_cast %swap3A_329 : vector<1x16xf32> to vector<16xf32>
        %swap3A_331 = vector.shape_cast %get3A_326 : vector<16xf32> to vector<1x16xf32>
        tpu.vector_store %arg13[%swap3A_327, %swap3A_328], %swap3A_331 {add = true, strides = array<i32>} : memref<40x128xf32, #tpu.memory_space<vmem>>, vector<1x16xf32>,
      }
      %scan3A_253 = arith.constant 40 : i32
      %mul3A_254 = arith.constant 40 : i32
      %mul3A_255 = arith.muli %add3A_228, %mul3A_254 : i32
      %add3A_256 = arith.addi %mul3A_2, %mul3A_255 : i32
      %dma_start3A_257 = arith.constant 0 : i32
      %dma_start3A_258 = tpu.memref_slice %arg6[%add3A_256, %dma_start3A_257] : memref<160000x128xf32, #tpu.memory_space<hbm>> -> memref<40x128xf32, #tpu.memory_space<hbm>>
      %dma_start3A_259 = arith.constant 0 : i32
      %dma_start3A_260 = tpu.memref_slice %arg6[%add3A_256, %dma_start3A_259] : memref<160000x128xf32, #tpu.memory_space<hbm>> -> memref<40x128xf32, #tpu.memory_space<hbm>>
      tpu.enqueue_dma source(%arg13 : memref<40x128xf32, #tpu.memory_space<vmem>>) target(%dma_start3A_260 : memref<40x128xf32, #tpu.memory_space<hbm>>) target_semaphore(%arg28 : memref<!tpu.dma_semaphore, #tpu.memory_space<semaphore_mem>>)
    }
    %scan3A_40 = arith.constant 25 : i32
    %dma_wait3A = arith.constant 0 : i32
    %dma_wait3A_41 = tpu.memref_slice %arg6[%mul3A_2, %dma_wait3A] : memref<160000x128xf32, #tpu.memory_space<hbm>> -> memref<40x128xf32, #tpu.memory_space<hbm>>
    %dma_wait3A_42 = arith.constant 0 : i32
    %dma_wait3A_43 = tpu.memref_slice %arg6[%mul3A_2, %dma_wait3A_42] : memref<160000x128xf32, #tpu.memory_space<hbm>> -> memref<40x128xf32, #tpu.memory_space<hbm>>
    tpu.wait_dma2 semaphore(%arg24 : memref<!tpu.dma_semaphore, #tpu.memory_space<semaphore_mem>>) src(%arg9 : memref<40x128xf32, #tpu.memory_space<vmem>>) dst(%dma_wait3A_43 : memref<40x128xf32, #tpu.memory_space<hbm>>)
    %dma_wait3A_44 = arith.constant 0 : i32
    %dma_wait3A_45 = tpu.memref_slice %arg6[%mul3A_2, %dma_wait3A_44] : memref<160000x128xf32, #tpu.memory_space<hbm>> -> memref<40x128xf32, #tpu.memory_space<hbm>>
    %dma_wait3A_46 = arith.constant 0 : i32
    %dma_wait3A_47 = tpu.memref_slice %arg6[%mul3A_2, %dma_wait3A_46] : memref<160000x128xf32, #tpu.memory_space<hbm>> -> memref<40x128xf32, #tpu.memory_space<hbm>>
    tpu.wait_dma2 semaphore(%arg25 : memref<!tpu.dma_semaphore, #tpu.memory_space<semaphore_mem>>) src(%arg10 : memref<40x128xf32, #tpu.memory_space<vmem>>) dst(%dma_wait3A_47 : memref<40x128xf32, #tpu.memory_space<hbm>>)
    %dma_wait3A_48 = arith.constant 0 : i32
    %dma_wait3A_49 = tpu.memref_slice %arg6[%mul3A_2, %dma_wait3A_48] : memref<160000x128xf32, #tpu.memory_space<hbm>> -> memref<40x128xf32, #tpu.memory_space<hbm>>
    %dma_wait3A_50 = arith.constant 0 : i32
    %dma_wait3A_51 = tpu.memref_slice %arg6[%mul3A_2, %dma_wait3A_50] : memref<160000x128xf32, #tpu.memory_space<hbm>> -> memref<40x128xf32, #tpu.memory_space<hbm>>
    tpu.wait_dma2 semaphore(%arg26 : memref<!tpu.dma_semaphore, #tpu.memory_space<semaphore_mem>>) src(%arg11 : memref<40x128xf32, #tpu.memory_space<vmem>>) dst(%dma_wait3A_51 : memref<40x128xf32, #tpu.memory_space<hbm>>)
    %dma_wait3A_52 = arith.constant 0 : i32
    %dma_wait3A_53 = tpu.memref_slice %arg6[%mul3A_2, %dma_wait3A_52] : memref<160000x128xf32, #tpu.memory_space<hbm>> -> memref<40x128xf32, #tpu.memory_space<hbm>>
    %dma_wait3A_54 = arith.constant 0 : i32
    %dma_wait3A_55 = tpu.memref_slice %arg6[%mul3A_2, %dma_wait3A_54] : memref<160000x128xf32, #tpu.memory_space<hbm>> -> memref<40x128xf32, #tpu.memory_space<hbm>>
    tpu.wait_dma2 semaphore(%arg27 : memref<!tpu.dma_semaphore, #tpu.memory_space<semaphore_mem>>) src(%arg12 : memref<40x128xf32, #tpu.memory_space<vmem>>) dst(%dma_wait3A_55 : memref<40x128xf32, #tpu.memory_space<hbm>>)
    %dma_wait3A_56 = arith.constant 0 : i32
    %dma_wait3A_57 = tpu.memref_slice %arg6[%mul3A_2, %dma_wait3A_56] : memref<160000x128xf32, #tpu.memory_space<hbm>> -> memref<40x128xf32, #tpu.memory_space<hbm>>
    %dma_wait3A_58 = arith.constant 0 : i32
    %dma_wait3A_59 = tpu.memref_slice %arg6[%mul3A_2, %dma_wait3A_58] : memref<160000x128xf32, #tpu.memory_space<hbm>> -> memref<40x128xf32, #tpu.memory_space<hbm>>
    tpu.wait_dma2 semaphore(%arg28 : memref<!tpu.dma_semaphore, #tpu.memory_space<semaphore_mem>>) src(%arg13 : memref<40x128xf32, #tpu.memory_space<vmem>>) dst(%dma_wait3A_59 : memref<40x128xf32, #tpu.memory_space<hbm>>)
    return
  }
}

#map = affine_map<(d0, d1) -> (0, 0)>
#map1 = affine_map<(d0, d1) -> (0)>
#map2 = affine_map<(d0, d1) -> (0, 0, 0)>
module attributes {stable_mosaic.version = 14 : i64} {
  func.func @scatter_add(%arg0: i32, %arg1: i32, %arg2: memref<320000x128xf32, #tpu.memory_space<hbm>>, %arg3: memref<320000xi32, #tpu.memory_space<hbm>>, %arg4: memref<2x10112x128xf32, #tpu.memory_space<hbm>>, %arg5: memref<80xi32, #tpu.memory_space<vmem>>, %arg6: memref<80xi32, #tpu.memory_space<vmem>>, %arg7: memref<80xi32, #tpu.memory_space<vmem>>, %arg8: memref<80xi32, #tpu.memory_space<vmem>>, %arg9: memref<80x128xf32, #tpu.memory_space<vmem>>, %arg10: memref<80x128xf32, #tpu.memory_space<vmem>>, %arg11: memref<80x128xf32, #tpu.memory_space<vmem>>, %arg12: memref<80x128xf32, #tpu.memory_space<vmem>>, %arg13: memref<10112x128xf32, #tpu.memory_space<vmem_shared>>, %arg14: memref<!tpu.dma_semaphore, #tpu.memory_space<semaphore_mem>>, %arg15: memref<!tpu.dma_semaphore, #tpu.memory_space<semaphore_mem>>, %arg16: memref<!tpu.dma_semaphore, #tpu.memory_space<semaphore_mem>>, %arg17: memref<!tpu.dma_semaphore, #tpu.memory_space<semaphore_mem>>, %arg18: memref<!tpu.dma_semaphore, #tpu.memory_space<semaphore_mem>>, %arg19: memref<!tpu.dma_semaphore, #tpu.memory_space<semaphore_mem>>, %arg20: memref<!tpu.dma_semaphore, #tpu.memory_space<semaphore_mem>>, %arg21: memref<!tpu.dma_semaphore, #tpu.memory_space<semaphore_mem>>) attributes {dimension_semantics = [#tpu.dimension_semantics<core_parallel>, #tpu.dimension_semantics<subcore_parallel>], iteration_bounds = array<i64: 2, 16>, scalar_prefetch = 0 : i64, scratch_operands = 17 : i64, tpu.core_type = #tpu.core_type<sc_vector_subcore>, window_params = [{transform_indices = #map}, {transform_indices = #map1}, {transform_indices = #map2}]} {
    %mul3A = arith.constant 2 : i32
    %mul3A_0 = arith.muli %arg1, %mul3A : i32
    %add3A = arith.addi %mul3A_0, %arg0 : i32
    %mul3A_1 = arith.constant 10000 : i32
    %mul3A_2 = arith.muli %add3A, %mul3A_1 : i32
    %broadcast_in_dim3A = arith.constant 0.000000e+00 : f32
    %broadcast_in_dim3A_3 = vector.broadcast %broadcast_in_dim3A : f32 to vector<16xf32>
    %scan3A = arith.constant 0 : i32
    %scan3A_4 = arith.constant 0 : i32
    %scan3A_5 = arith.constant 80 : i32
    %scan3A_6 = arith.addi %scan3A_4, %scan3A_5 : i32
    %scan3A_7 = arith.constant 1 : i32
    scf.for %scan3A_63 = %scan3A_4 to %scan3A_6 step %scan3A_7  : i32 {
      %swap3A = arith.index_cast %scan3A_63 : i32 to index
      %swap3A_64 = arith.constant 0 : index
      %swap3A_65 = tpu.vector_load %arg9[%swap3A, %swap3A_64] {strides = array<i32>} : memref<80x128xf32, #tpu.memory_space<vmem>>, vector<1x16xf32>,
      %swap3A_66 = vector.shape_cast %swap3A_65 : vector<1x16xf32> to vector<16xf32>
      %swap3A_67 = vector.shape_cast %broadcast_in_dim3A_3 : vector<16xf32> to vector<1x16xf32>
      tpu.vector_store %arg9[%swap3A, %swap3A_64], %swap3A_67 {strides = array<i32>} : memref<80x128xf32, #tpu.memory_space<vmem>>, vector<1x16xf32>,
      %swap3A_68 = arith.index_cast %scan3A_63 : i32 to index
      %swap3A_69 = arith.constant 16 : index
      %swap3A_70 = tpu.vector_load %arg9[%swap3A_68, %swap3A_69] {strides = array<i32>} : memref<80x128xf32, #tpu.memory_space<vmem>>, vector<1x16xf32>,
      %swap3A_71 = vector.shape_cast %swap3A_70 : vector<1x16xf32> to vector<16xf32>
      %swap3A_72 = vector.shape_cast %broadcast_in_dim3A_3 : vector<16xf32> to vector<1x16xf32>
      tpu.vector_store %arg9[%swap3A_68, %swap3A_69], %swap3A_72 {strides = array<i32>} : memref<80x128xf32, #tpu.memory_space<vmem>>, vector<1x16xf32>,
      %swap3A_73 = arith.index_cast %scan3A_63 : i32 to index
      %swap3A_74 = arith.constant 32 : index
      %swap3A_75 = tpu.vector_load %arg9[%swap3A_73, %swap3A_74] {strides = array<i32>} : memref<80x128xf32, #tpu.memory_space<vmem>>, vector<1x16xf32>,
      %swap3A_76 = vector.shape_cast %swap3A_75 : vector<1x16xf32> to vector<16xf32>
      %swap3A_77 = vector.shape_cast %broadcast_in_dim3A_3 : vector<16xf32> to vector<1x16xf32>
      tpu.vector_store %arg9[%swap3A_73, %swap3A_74], %swap3A_77 {strides = array<i32>} : memref<80x128xf32, #tpu.memory_space<vmem>>, vector<1x16xf32>,
      %swap3A_78 = arith.index_cast %scan3A_63 : i32 to index
      %swap3A_79 = arith.constant 48 : index
      %swap3A_80 = tpu.vector_load %arg9[%swap3A_78, %swap3A_79] {strides = array<i32>} : memref<80x128xf32, #tpu.memory_space<vmem>>, vector<1x16xf32>,
      %swap3A_81 = vector.shape_cast %swap3A_80 : vector<1x16xf32> to vector<16xf32>
      %swap3A_82 = vector.shape_cast %broadcast_in_dim3A_3 : vector<16xf32> to vector<1x16xf32>
      tpu.vector_store %arg9[%swap3A_78, %swap3A_79], %swap3A_82 {strides = array<i32>} : memref<80x128xf32, #tpu.memory_space<vmem>>, vector<1x16xf32>,
      %swap3A_83 = arith.index_cast %scan3A_63 : i32 to index
      %swap3A_84 = arith.constant 64 : index
      %swap3A_85 = tpu.vector_load %arg9[%swap3A_83, %swap3A_84] {strides = array<i32>} : memref<80x128xf32, #tpu.memory_space<vmem>>, vector<1x16xf32>,
      %swap3A_86 = vector.shape_cast %swap3A_85 : vector<1x16xf32> to vector<16xf32>
      %swap3A_87 = vector.shape_cast %broadcast_in_dim3A_3 : vector<16xf32> to vector<1x16xf32>
      tpu.vector_store %arg9[%swap3A_83, %swap3A_84], %swap3A_87 {strides = array<i32>} : memref<80x128xf32, #tpu.memory_space<vmem>>, vector<1x16xf32>,
      %swap3A_88 = arith.index_cast %scan3A_63 : i32 to index
      %swap3A_89 = arith.constant 80 : index
      %swap3A_90 = tpu.vector_load %arg9[%swap3A_88, %swap3A_89] {strides = array<i32>} : memref<80x128xf32, #tpu.memory_space<vmem>>, vector<1x16xf32>,
      %swap3A_91 = vector.shape_cast %swap3A_90 : vector<1x16xf32> to vector<16xf32>
      %swap3A_92 = vector.shape_cast %broadcast_in_dim3A_3 : vector<16xf32> to vector<1x16xf32>
      tpu.vector_store %arg9[%swap3A_88, %swap3A_89], %swap3A_92 {strides = array<i32>} : memref<80x128xf32, #tpu.memory_space<vmem>>, vector<1x16xf32>,
      %swap3A_93 = arith.index_cast %scan3A_63 : i32 to index
      %swap3A_94 = arith.constant 96 : index
      %swap3A_95 = tpu.vector_load %arg9[%swap3A_93, %swap3A_94] {strides = array<i32>} : memref<80x128xf32, #tpu.memory_space<vmem>>, vector<1x16xf32>,
      %swap3A_96 = vector.shape_cast %swap3A_95 : vector<1x16xf32> to vector<16xf32>
      %swap3A_97 = vector.shape_cast %broadcast_in_dim3A_3 : vector<16xf32> to vector<1x16xf32>
      tpu.vector_store %arg9[%swap3A_93, %swap3A_94], %swap3A_97 {strides = array<i32>} : memref<80x128xf32, #tpu.memory_space<vmem>>, vector<1x16xf32>,
      %swap3A_98 = arith.index_cast %scan3A_63 : i32 to index
      %swap3A_99 = arith.constant 112 : index
      %swap3A_100 = tpu.vector_load %arg9[%swap3A_98, %swap3A_99] {strides = array<i32>} : memref<80x128xf32, #tpu.memory_space<vmem>>, vector<1x16xf32>,
      %swap3A_101 = vector.shape_cast %swap3A_100 : vector<1x16xf32> to vector<16xf32>
      %swap3A_102 = vector.shape_cast %broadcast_in_dim3A_3 : vector<16xf32> to vector<1x16xf32>
      tpu.vector_store %arg9[%swap3A_98, %swap3A_99], %swap3A_102 {strides = array<i32>} : memref<80x128xf32, #tpu.memory_space<vmem>>, vector<1x16xf32>,
    }
    %scan3A_8 = arith.constant 80 : i32
    %scan3A_9 = arith.constant 0 : i32
    %scan3A_10 = arith.constant 0 : i32
    %scan3A_11 = arith.constant 8 : i32
    %scan3A_12 = arith.addi %scan3A_10, %scan3A_11 : i32
    %scan3A_13 = arith.constant 1 : i32
    scf.for %scan3A_63 = %scan3A_10 to %scan3A_12 step %scan3A_13  : i32 {
      %mul3A_64 = arith.constant 80 : i32
      %mul3A_65 = arith.muli %scan3A_63, %mul3A_64 : i32
      %min3A = arith.constant 552 : i32
      %min3A_66 = arith.minsi %mul3A_65, %min3A : i32
      %mul3A_67 = arith.constant 632 : i32
      %mul3A_68 = arith.muli %arg1, %mul3A_67 : i32
      %add3A_69 = arith.addi %mul3A_68, %min3A_66 : i32
      "tpu.region"() ({
        %run_scoped3A = tpu.sem_alloc : memref<!tpu.dma_semaphore, #tpu.memory_space<semaphore_mem>>
        %dma_start3A_70 = arith.constant 0 : i32
        %dma_start3A_71 = tpu.memref_slice %arg13[%add3A_69, %dma_start3A_70] : memref<10112x128xf32, #tpu.memory_space<vmem_shared>> -> memref<80x128xf32, #tpu.memory_space<vmem_shared>>
        %dma_start3A_72 = arith.constant 0 : i32
        %dma_start3A_73 = tpu.memref_slice %arg13[%add3A_69, %dma_start3A_72] : memref<10112x128xf32, #tpu.memory_space<vmem_shared>> -> memref<80x128xf32, #tpu.memory_space<vmem_shared>>
        tpu.enqueue_dma source(%arg9 : memref<80x128xf32, #tpu.memory_space<vmem>>) target(%dma_start3A_73 : memref<80x128xf32, #tpu.memory_space<vmem_shared>>) target_semaphore(%run_scoped3A : memref<!tpu.dma_semaphore, #tpu.memory_space<semaphore_mem>>)
        %dma_wait3A_74 = arith.constant 0 : i32
        %dma_wait3A_75 = tpu.memref_slice %arg13[%add3A_69, %dma_wait3A_74] : memref<10112x128xf32, #tpu.memory_space<vmem_shared>> -> memref<80x128xf32, #tpu.memory_space<vmem_shared>>
        %dma_wait3A_76 = arith.constant 0 : i32
        %dma_wait3A_77 = tpu.memref_slice %arg13[%add3A_69, %dma_wait3A_76] : memref<10112x128xf32, #tpu.memory_space<vmem_shared>> -> memref<80x128xf32, #tpu.memory_space<vmem_shared>>
        tpu.wait_dma2 semaphore(%run_scoped3A : memref<!tpu.dma_semaphore, #tpu.memory_space<semaphore_mem>>) src(%arg9 : memref<80x128xf32, #tpu.memory_space<vmem>>) dst(%dma_wait3A_77 : memref<80x128xf32, #tpu.memory_space<vmem_shared>>)
        tpu.yield
      }) : () -> ()
    }
    %scan3A_14 = arith.constant 8 : i32
    %barrier3A = arith.constant 0 : index
    tpu.barrier barrier_id(%barrier3A)
    %add3A_15 = arith.constant 0 : i32
    %add3A_16 = arith.addi %mul3A_2, %add3A_15 : i32
    %dma_start3A = tpu.memref_slice %arg3[%add3A_16] : memref<320000xi32, #tpu.memory_space<hbm>> -> memref<80xi32, #tpu.memory_space<hbm>>
    %dma_start3A_17 = tpu.memref_slice %arg3[%add3A_16] : memref<320000xi32, #tpu.memory_space<hbm>> -> memref<80xi32, #tpu.memory_space<hbm>>
    tpu.enqueue_dma source(%dma_start3A_17 : memref<80xi32, #tpu.memory_space<hbm>>) target(%arg5 : memref<80xi32, #tpu.memory_space<vmem>>) target_semaphore(%arg14 : memref<!tpu.dma_semaphore, #tpu.memory_space<semaphore_mem>>)
    %dma_start3A_18 = arith.constant 0 : i32
    %dma_start3A_19 = tpu.memref_slice %arg2[%add3A_16, %dma_start3A_18] : memref<320000x128xf32, #tpu.memory_space<hbm>> -> memref<80x128xf32, #tpu.memory_space<hbm>>
    %dma_start3A_20 = arith.constant 0 : i32
    %dma_start3A_21 = tpu.memref_slice %arg2[%add3A_16, %dma_start3A_20] : memref<320000x128xf32, #tpu.memory_space<hbm>> -> memref<80x128xf32, #tpu.memory_space<hbm>>
    tpu.enqueue_dma source(%dma_start3A_21 : memref<80x128xf32, #tpu.memory_space<hbm>>) target(%arg9 : memref<80x128xf32, #tpu.memory_space<vmem>>) target_semaphore(%arg14 : memref<!tpu.dma_semaphore, #tpu.memory_space<semaphore_mem>>)
    %add3A_22 = arith.constant 80 : i32
    %add3A_23 = arith.addi %mul3A_2, %add3A_22 : i32
    %dma_start3A_24 = tpu.memref_slice %arg3[%add3A_23] : memref<320000xi32, #tpu.memory_space<hbm>> -> memref<80xi32, #tpu.memory_space<hbm>>
    %dma_start3A_25 = tpu.memref_slice %arg3[%add3A_23] : memref<320000xi32, #tpu.memory_space<hbm>> -> memref<80xi32, #tpu.memory_space<hbm>>
    tpu.enqueue_dma source(%dma_start3A_25 : memref<80xi32, #tpu.memory_space<hbm>>) target(%arg6 : memref<80xi32, #tpu.memory_space<vmem>>) target_semaphore(%arg15 : memref<!tpu.dma_semaphore, #tpu.memory_space<semaphore_mem>>)
    %dma_start3A_26 = arith.constant 0 : i32
    %dma_start3A_27 = tpu.memref_slice %arg2[%add3A_23, %dma_start3A_26] : memref<320000x128xf32, #tpu.memory_space<hbm>> -> memref<80x128xf32, #tpu.memory_space<hbm>>
    %dma_start3A_28 = arith.constant 0 : i32
    %dma_start3A_29 = tpu.memref_slice %arg2[%add3A_23, %dma_start3A_28] : memref<320000x128xf32, #tpu.memory_space<hbm>> -> memref<80x128xf32, #tpu.memory_space<hbm>>
    tpu.enqueue_dma source(%dma_start3A_29 : memref<80x128xf32, #tpu.memory_space<hbm>>) target(%arg10 : memref<80x128xf32, #tpu.memory_space<vmem>>) target_semaphore(%arg15 : memref<!tpu.dma_semaphore, #tpu.memory_space<semaphore_mem>>)
    %add3A_30 = arith.constant 0 : i32
    %add3A_31 = arith.addi %mul3A_2, %add3A_30 : i32
    %dma_wait3A = tpu.memref_slice %arg3[%add3A_31] : memref<320000xi32, #tpu.memory_space<hbm>> -> memref<80xi32, #tpu.memory_space<hbm>>
    %dma_wait3A_32 = tpu.memref_slice %arg3[%add3A_31] : memref<320000xi32, #tpu.memory_space<hbm>> -> memref<80xi32, #tpu.memory_space<hbm>>
    tpu.wait_dma2 semaphore(%arg14 : memref<!tpu.dma_semaphore, #tpu.memory_space<semaphore_mem>>) src(%dma_wait3A_32 : memref<80xi32, #tpu.memory_space<hbm>>) dst(%arg5 : memref<80xi32, #tpu.memory_space<vmem>>)
    %dma_wait3A_33 = arith.constant 0 : i32
    %dma_wait3A_34 = tpu.memref_slice %arg2[%add3A_31, %dma_wait3A_33] : memref<320000x128xf32, #tpu.memory_space<hbm>> -> memref<80x128xf32, #tpu.memory_space<hbm>>
    %dma_wait3A_35 = arith.constant 0 : i32
    %dma_wait3A_36 = tpu.memref_slice %arg2[%add3A_31, %dma_wait3A_35] : memref<320000x128xf32, #tpu.memory_space<hbm>> -> memref<80x128xf32, #tpu.memory_space<hbm>>
    tpu.wait_dma2 semaphore(%arg14 : memref<!tpu.dma_semaphore, #tpu.memory_space<semaphore_mem>>) src(%dma_wait3A_36 : memref<80x128xf32, #tpu.memory_space<hbm>>) dst(%arg9 : memref<80x128xf32, #tpu.memory_space<vmem>>)
    %dma_start3A_37 = arith.constant 0 : i32
    %dma_start3A_38 = arith.constant 0 : i32
    %dma_start3A_39 = tpu.memref_slice %arg13[%dma_start3A_37, %dma_start3A_38] : memref<10112x128xf32, #tpu.memory_space<vmem_shared>> -> memref<10112x128xf32, #tpu.memory_space<vmem_shared>>
    tpu.enqueue_indirect_dma source(%arg9 : memref<80x128xf32, #tpu.memory_space<vmem>>) target(%dma_start3A_39 : memref<10112x128xf32, #tpu.memory_space<vmem_shared>>) offsets(%arg5 : memref<80xi32, #tpu.memory_space<vmem>>) semaphore(%arg18 : memref<!tpu.dma_semaphore, #tpu.memory_space<semaphore_mem>>) {add = true}
    %scan3A_40 = arith.constant 0 : i32
    %scan3A_41 = arith.constant 0 : i32
    %scan3A_42 = arith.constant 31 : i32
    %scan3A_43 = arith.addi %scan3A_41, %scan3A_42 : i32
    %scan3A_44 = arith.constant 1 : i32
    scf.for %scan3A_63 = %scan3A_41 to %scan3A_43 step %scan3A_44  : i32 {
      %mul3A_64 = arith.constant 4 : i32
      %mul3A_65 = arith.muli %mul3A_64, %scan3A_63 : i32
      %add3A_66 = arith.constant 1 : i32
      %add3A_67 = arith.addi %mul3A_65, %add3A_66 : i32
      %add3A_68 = arith.constant 0 : i32
      %add3A_69 = arith.addi %add3A_67, %add3A_68 : i32
      %add3A_70 = arith.constant 1 : i32
      %add3A_71 = arith.addi %add3A_69, %add3A_70 : i32
      %gt3A = arith.constant 0 : i32
      %gt3A_72 = arith.cmpi sgt, %scan3A_63, %gt3A : i32
      %convert_element_type3A = arith.extui %gt3A_72 : i1 to i32
      %cond3A = arith.constant 0 : i32
      %cond3A_73 = arith.cmpi ne, %convert_element_type3A, %cond3A : i32
      scf.if %cond3A_73 {
        %dma_wait3A_185 = arith.constant 0 : i32
        %dma_wait3A_186 = arith.constant 0 : i32
        %dma_wait3A_187 = tpu.memref_slice %arg13[%dma_wait3A_185, %dma_wait3A_186] : memref<10112x128xf32, #tpu.memory_space<vmem_shared>> -> memref<10112x128xf32, #tpu.memory_space<vmem_shared>>
        tpu.wait_indirect_dma semaphore(%arg20 : memref<!tpu.dma_semaphore, #tpu.memory_space<semaphore_mem>>) src(%arg11 : memref<80x128xf32, #tpu.memory_space<vmem>>) dst(%dma_wait3A_187 : memref<10112x128xf32, #tpu.memory_space<vmem_shared>>)
      } else {
      }
      %mul3A_74 = arith.constant 80 : i32
      %mul3A_75 = arith.muli %add3A_71, %mul3A_74 : i32
      %add3A_76 = arith.addi %mul3A_2, %mul3A_75 : i32
      %dma_start3A_77 = tpu.memref_slice %arg3[%add3A_76] : memref<320000xi32, #tpu.memory_space<hbm>> -> memref<80xi32, #tpu.memory_space<hbm>>
      %dma_start3A_78 = tpu.memref_slice %arg3[%add3A_76] : memref<320000xi32, #tpu.memory_space<hbm>> -> memref<80xi32, #tpu.memory_space<hbm>>
      tpu.enqueue_dma source(%dma_start3A_78 : memref<80xi32, #tpu.memory_space<hbm>>) target(%arg7 : memref<80xi32, #tpu.memory_space<vmem>>) target_semaphore(%arg16 : memref<!tpu.dma_semaphore, #tpu.memory_space<semaphore_mem>>)
      %dma_start3A_79 = arith.constant 0 : i32
      %dma_start3A_80 = tpu.memref_slice %arg2[%add3A_76, %dma_start3A_79] : memref<320000x128xf32, #tpu.memory_space<hbm>> -> memref<80x128xf32, #tpu.memory_space<hbm>>
      %dma_start3A_81 = arith.constant 0 : i32
      %dma_start3A_82 = tpu.memref_slice %arg2[%add3A_76, %dma_start3A_81] : memref<320000x128xf32, #tpu.memory_space<hbm>> -> memref<80x128xf32, #tpu.memory_space<hbm>>
      tpu.enqueue_dma source(%dma_start3A_82 : memref<80x128xf32, #tpu.memory_space<hbm>>) target(%arg11 : memref<80x128xf32, #tpu.memory_space<vmem>>) target_semaphore(%arg16 : memref<!tpu.dma_semaphore, #tpu.memory_space<semaphore_mem>>)
      %mul3A_83 = arith.constant 80 : i32
      %mul3A_84 = arith.muli %add3A_69, %mul3A_83 : i32
      %add3A_85 = arith.addi %mul3A_2, %mul3A_84 : i32
      %dma_wait3A_86 = tpu.memref_slice %arg3[%add3A_85] : memref<320000xi32, #tpu.memory_space<hbm>> -> memref<80xi32, #tpu.memory_space<hbm>>
      %dma_wait3A_87 = tpu.memref_slice %arg3[%add3A_85] : memref<320000xi32, #tpu.memory_space<hbm>> -> memref<80xi32, #tpu.memory_space<hbm>>
      tpu.wait_dma2 semaphore(%arg15 : memref<!tpu.dma_semaphore, #tpu.memory_space<semaphore_mem>>) src(%dma_wait3A_87 : memref<80xi32, #tpu.memory_space<hbm>>) dst(%arg6 : memref<80xi32, #tpu.memory_space<vmem>>)
      %dma_wait3A_88 = arith.constant 0 : i32
      %dma_wait3A_89 = tpu.memref_slice %arg2[%add3A_85, %dma_wait3A_88] : memref<320000x128xf32, #tpu.memory_space<hbm>> -> memref<80x128xf32, #tpu.memory_space<hbm>>
      %dma_wait3A_90 = arith.constant 0 : i32
      %dma_wait3A_91 = tpu.memref_slice %arg2[%add3A_85, %dma_wait3A_90] : memref<320000x128xf32, #tpu.memory_space<hbm>> -> memref<80x128xf32, #tpu.memory_space<hbm>>
      tpu.wait_dma2 semaphore(%arg15 : memref<!tpu.dma_semaphore, #tpu.memory_space<semaphore_mem>>) src(%dma_wait3A_91 : memref<80x128xf32, #tpu.memory_space<hbm>>) dst(%arg10 : memref<80x128xf32, #tpu.memory_space<vmem>>)
      %dma_start3A_92 = arith.constant 0 : i32
      %dma_start3A_93 = arith.constant 0 : i32
      %dma_start3A_94 = tpu.memref_slice %arg13[%dma_start3A_92, %dma_start3A_93] : memref<10112x128xf32, #tpu.memory_space<vmem_shared>> -> memref<10112x128xf32, #tpu.memory_space<vmem_shared>>
      tpu.enqueue_indirect_dma source(%arg10 : memref<80x128xf32, #tpu.memory_space<vmem>>) target(%dma_start3A_94 : memref<10112x128xf32, #tpu.memory_space<vmem_shared>>) offsets(%arg6 : memref<80xi32, #tpu.memory_space<vmem>>) semaphore(%arg19 : memref<!tpu.dma_semaphore, #tpu.memory_space<semaphore_mem>>) {add = true}
      %mul3A_95 = arith.constant 4 : i32
      %mul3A_96 = arith.muli %mul3A_95, %scan3A_63 : i32
      %add3A_97 = arith.constant 1 : i32
      %add3A_98 = arith.addi %mul3A_96, %add3A_97 : i32
      %add3A_99 = arith.constant 1 : i32
      %add3A_100 = arith.addi %add3A_98, %add3A_99 : i32
      %add3A_101 = arith.constant 1 : i32
      %add3A_102 = arith.addi %add3A_100, %add3A_101 : i32
      %gt3A_103 = arith.constant 0 : i32
      %gt3A_104 = arith.cmpi sgt, %scan3A_63, %gt3A_103 : i32
      %convert_element_type3A_105 = arith.extui %gt3A_104 : i1 to i32
      %cond3A_106 = arith.constant 0 : i32
      %cond3A_107 = arith.cmpi ne, %convert_element_type3A_105, %cond3A_106 : i32
      scf.if %cond3A_107 {
        %dma_wait3A_185 = arith.constant 0 : i32
        %dma_wait3A_186 = arith.constant 0 : i32
        %dma_wait3A_187 = tpu.memref_slice %arg13[%dma_wait3A_185, %dma_wait3A_186] : memref<10112x128xf32, #tpu.memory_space<vmem_shared>> -> memref<10112x128xf32, #tpu.memory_space<vmem_shared>>
        tpu.wait_indirect_dma semaphore(%arg21 : memref<!tpu.dma_semaphore, #tpu.memory_space<semaphore_mem>>) src(%arg12 : memref<80x128xf32, #tpu.memory_space<vmem>>) dst(%dma_wait3A_187 : memref<10112x128xf32, #tpu.memory_space<vmem_shared>>)
      } else {
      }
      %mul3A_108 = arith.constant 80 : i32
      %mul3A_109 = arith.muli %add3A_102, %mul3A_108 : i32
      %add3A_110 = arith.addi %mul3A_2, %mul3A_109 : i32
      %dma_start3A_111 = tpu.memref_slice %arg3[%add3A_110] : memref<320000xi32, #tpu.memory_space<hbm>> -> memref<80xi32, #tpu.memory_space<hbm>>
      %dma_start3A_112 = tpu.memref_slice %arg3[%add3A_110] : memref<320000xi32, #tpu.memory_space<hbm>> -> memref<80xi32, #tpu.memory_space<hbm>>
      tpu.enqueue_dma source(%dma_start3A_112 : memref<80xi32, #tpu.memory_space<hbm>>) target(%arg8 : memref<80xi32, #tpu.memory_space<vmem>>) target_semaphore(%arg17 : memref<!tpu.dma_semaphore, #tpu.memory_space<semaphore_mem>>)
      %dma_start3A_113 = arith.constant 0 : i32
      %dma_start3A_114 = tpu.memref_slice %arg2[%add3A_110, %dma_start3A_113] : memref<320000x128xf32, #tpu.memory_space<hbm>> -> memref<80x128xf32, #tpu.memory_space<hbm>>
      %dma_start3A_115 = arith.constant 0 : i32
      %dma_start3A_116 = tpu.memref_slice %arg2[%add3A_110, %dma_start3A_115] : memref<320000x128xf32, #tpu.memory_space<hbm>> -> memref<80x128xf32, #tpu.memory_space<hbm>>
      tpu.enqueue_dma source(%dma_start3A_116 : memref<80x128xf32, #tpu.memory_space<hbm>>) target(%arg12 : memref<80x128xf32, #tpu.memory_space<vmem>>) target_semaphore(%arg17 : memref<!tpu.dma_semaphore, #tpu.memory_space<semaphore_mem>>)
      %mul3A_117 = arith.constant 80 : i32
      %mul3A_118 = arith.muli %add3A_100, %mul3A_117 : i32
      %add3A_119 = arith.addi %mul3A_2, %mul3A_118 : i32
      %dma_wait3A_120 = tpu.memref_slice %arg3[%add3A_119] : memref<320000xi32, #tpu.memory_space<hbm>> -> memref<80xi32, #tpu.memory_space<hbm>>
      %dma_wait3A_121 = tpu.memref_slice %arg3[%add3A_119] : memref<320000xi32, #tpu.memory_space<hbm>> -> memref<80xi32, #tpu.memory_space<hbm>>
      tpu.wait_dma2 semaphore(%arg16 : memref<!tpu.dma_semaphore, #tpu.memory_space<semaphore_mem>>) src(%dma_wait3A_121 : memref<80xi32, #tpu.memory_space<hbm>>) dst(%arg7 : memref<80xi32, #tpu.memory_space<vmem>>)
      %dma_wait3A_122 = arith.constant 0 : i32
      %dma_wait3A_123 = tpu.memref_slice %arg2[%add3A_119, %dma_wait3A_122] : memref<320000x128xf32, #tpu.memory_space<hbm>> -> memref<80x128xf32, #tpu.memory_space<hbm>>
      %dma_wait3A_124 = arith.constant 0 : i32
      %dma_wait3A_125 = tpu.memref_slice %arg2[%add3A_119, %dma_wait3A_124] : memref<320000x128xf32, #tpu.memory_space<hbm>> -> memref<80x128xf32, #tpu.memory_space<hbm>>
      tpu.wait_dma2 semaphore(%arg16 : memref<!tpu.dma_semaphore, #tpu.memory_space<semaphore_mem>>) src(%dma_wait3A_125 : memref<80x128xf32, #tpu.memory_space<hbm>>) dst(%arg11 : memref<80x128xf32, #tpu.memory_space<vmem>>)
      %dma_start3A_126 = arith.constant 0 : i32
      %dma_start3A_127 = arith.constant 0 : i32
      %dma_start3A_128 = tpu.memref_slice %arg13[%dma_start3A_126, %dma_start3A_127] : memref<10112x128xf32, #tpu.memory_space<vmem_shared>> -> memref<10112x128xf32, #tpu.memory_space<vmem_shared>>
      tpu.enqueue_indirect_dma source(%arg11 : memref<80x128xf32, #tpu.memory_space<vmem>>) target(%dma_start3A_128 : memref<10112x128xf32, #tpu.memory_space<vmem_shared>>) offsets(%arg7 : memref<80xi32, #tpu.memory_space<vmem>>) semaphore(%arg20 : memref<!tpu.dma_semaphore, #tpu.memory_space<semaphore_mem>>) {add = true}
      %mul3A_129 = arith.constant 4 : i32
      %mul3A_130 = arith.muli %mul3A_129, %scan3A_63 : i32
      %add3A_131 = arith.constant 1 : i32
      %add3A_132 = arith.addi %mul3A_130, %add3A_131 : i32
      %add3A_133 = arith.constant 2 : i32
      %add3A_134 = arith.addi %add3A_132, %add3A_133 : i32
      %add3A_135 = arith.constant 1 : i32
      %add3A_136 = arith.addi %add3A_134, %add3A_135 : i32
      %dma_wait3A_137 = arith.constant 0 : i32
      %dma_wait3A_138 = arith.constant 0 : i32
      %dma_wait3A_139 = tpu.memref_slice %arg13[%dma_wait3A_137, %dma_wait3A_138] : memref<10112x128xf32, #tpu.memory_space<vmem_shared>> -> memref<10112x128xf32, #tpu.memory_space<vmem_shared>>
      tpu.wait_indirect_dma semaphore(%arg18 : memref<!tpu.dma_semaphore, #tpu.memory_space<semaphore_mem>>) src(%arg9 : memref<80x128xf32, #tpu.memory_space<vmem>>) dst(%dma_wait3A_139 : memref<10112x128xf32, #tpu.memory_space<vmem_shared>>)
      %mul3A_140 = arith.constant 80 : i32
      %mul3A_141 = arith.muli %add3A_136, %mul3A_140 : i32
      %add3A_142 = arith.addi %mul3A_2, %mul3A_141 : i32
      %dma_start3A_143 = tpu.memref_slice %arg3[%add3A_142] : memref<320000xi32, #tpu.memory_space<hbm>> -> memref<80xi32, #tpu.memory_space<hbm>>
      %dma_start3A_144 = tpu.memref_slice %arg3[%add3A_142] : memref<320000xi32, #tpu.memory_space<hbm>> -> memref<80xi32, #tpu.memory_space<hbm>>
      tpu.enqueue_dma source(%dma_start3A_144 : memref<80xi32, #tpu.memory_space<hbm>>) target(%arg5 : memref<80xi32, #tpu.memory_space<vmem>>) target_semaphore(%arg14 : memref<!tpu.dma_semaphore, #tpu.memory_space<semaphore_mem>>)
      %dma_start3A_145 = arith.constant 0 : i32
      %dma_start3A_146 = tpu.memref_slice %arg2[%add3A_142, %dma_start3A_145] : memref<320000x128xf32, #tpu.memory_space<hbm>> -> memref<80x128xf32, #tpu.memory_space<hbm>>
      %dma_start3A_147 = arith.constant 0 : i32
      %dma_start3A_148 = tpu.memref_slice %arg2[%add3A_142, %dma_start3A_147] : memref<320000x128xf32, #tpu.memory_space<hbm>> -> memref<80x128xf32, #tpu.memory_space<hbm>>
      tpu.enqueue_dma source(%dma_start3A_148 : memref<80x128xf32, #tpu.memory_space<hbm>>) target(%arg9 : memref<80x128xf32, #tpu.memory_space<vmem>>) target_semaphore(%arg14 : memref<!tpu.dma_semaphore, #tpu.memory_space<semaphore_mem>>)
      %mul3A_149 = arith.constant 80 : i32
      %mul3A_150 = arith.muli %add3A_134, %mul3A_149 : i32
      %add3A_151 = arith.addi %mul3A_2, %mul3A_150 : i32
      %dma_wait3A_152 = tpu.memref_slice %arg3[%add3A_151] : memref<320000xi32, #tpu.memory_space<hbm>> -> memref<80xi32, #tpu.memory_space<hbm>>
      %dma_wait3A_153 = tpu.memref_slice %arg3[%add3A_151] : memref<320000xi32, #tpu.memory_space<hbm>> -> memref<80xi32, #tpu.memory_space<hbm>>
      tpu.wait_dma2 semaphore(%arg17 : memref<!tpu.dma_semaphore, #tpu.memory_space<semaphore_mem>>) src(%dma_wait3A_153 : memref<80xi32, #tpu.memory_space<hbm>>) dst(%arg8 : memref<80xi32, #tpu.memory_space<vmem>>)
      %dma_wait3A_154 = arith.constant 0 : i32
      %dma_wait3A_155 = tpu.memref_slice %arg2[%add3A_151, %dma_wait3A_154] : memref<320000x128xf32, #tpu.memory_space<hbm>> -> memref<80x128xf32, #tpu.memory_space<hbm>>
      %dma_wait3A_156 = arith.constant 0 : i32
      %dma_wait3A_157 = tpu.memref_slice %arg2[%add3A_151, %dma_wait3A_156] : memref<320000x128xf32, #tpu.memory_space<hbm>> -> memref<80x128xf32, #tpu.memory_space<hbm>>
      tpu.wait_dma2 semaphore(%arg17 : memref<!tpu.dma_semaphore, #tpu.memory_space<semaphore_mem>>) src(%dma_wait3A_157 : memref<80x128xf32, #tpu.memory_space<hbm>>) dst(%arg12 : memref<80x128xf32, #tpu.memory_space<vmem>>)
      %dma_start3A_158 = arith.constant 0 : i32
      %dma_start3A_159 = arith.constant 0 : i32
      %dma_start3A_160 = tpu.memref_slice %arg13[%dma_start3A_158, %dma_start3A_159] : memref<10112x128xf32, #tpu.memory_space<vmem_shared>> -> memref<10112x128xf32, #tpu.memory_space<vmem_shared>>
      tpu.enqueue_indirect_dma source(%arg12 : memref<80x128xf32, #tpu.memory_space<vmem>>) target(%dma_start3A_160 : memref<10112x128xf32, #tpu.memory_space<vmem_shared>>) offsets(%arg8 : memref<80xi32, #tpu.memory_space<vmem>>) semaphore(%arg21 : memref<!tpu.dma_semaphore, #tpu.memory_space<semaphore_mem>>) {add = true}
      %mul3A_161 = arith.constant 4 : i32
      %mul3A_162 = arith.muli %mul3A_161, %scan3A_63 : i32
      %add3A_163 = arith.constant 1 : i32
      %add3A_164 = arith.addi %mul3A_162, %add3A_163 : i32
      %add3A_165 = arith.constant 3 : i32
      %add3A_166 = arith.addi %add3A_164, %add3A_165 : i32
      %add3A_167 = arith.constant 1 : i32
      %add3A_168 = arith.addi %add3A_166, %add3A_167 : i32
      %lt3A = arith.constant 30 : i32
      %lt3A_169 = arith.cmpi slt, %scan3A_63, %lt3A : i32
      %convert_element_type3A_170 = arith.extui %lt3A_169 : i1 to i32
      %cond3A_171 = arith.constant 0 : i32
      %cond3A_172 = arith.cmpi ne, %convert_element_type3A_170, %cond3A_171 : i32
      scf.if %cond3A_172 {
        %dma_wait3A_185 = arith.constant 0 : i32
        %dma_wait3A_186 = arith.constant 0 : i32
        %dma_wait3A_187 = tpu.memref_slice %arg13[%dma_wait3A_185, %dma_wait3A_186] : memref<10112x128xf32, #tpu.memory_space<vmem_shared>> -> memref<10112x128xf32, #tpu.memory_space<vmem_shared>>
        tpu.wait_indirect_dma semaphore(%arg19 : memref<!tpu.dma_semaphore, #tpu.memory_space<semaphore_mem>>) src(%arg10 : memref<80x128xf32, #tpu.memory_space<vmem>>) dst(%dma_wait3A_187 : memref<10112x128xf32, #tpu.memory_space<vmem_shared>>)
        %mul3A_188 = arith.constant 80 : i32
        %mul3A_189 = arith.muli %add3A_168, %mul3A_188 : i32
        %add3A_190 = arith.addi %mul3A_2, %mul3A_189 : i32
        %dma_start3A_191 = tpu.memref_slice %arg3[%add3A_190] : memref<320000xi32, #tpu.memory_space<hbm>> -> memref<80xi32, #tpu.memory_space<hbm>>
        %dma_start3A_192 = tpu.memref_slice %arg3[%add3A_190] : memref<320000xi32, #tpu.memory_space<hbm>> -> memref<80xi32, #tpu.memory_space<hbm>>
        tpu.enqueue_dma source(%dma_start3A_192 : memref<80xi32, #tpu.memory_space<hbm>>) target(%arg6 : memref<80xi32, #tpu.memory_space<vmem>>) target_semaphore(%arg15 : memref<!tpu.dma_semaphore, #tpu.memory_space<semaphore_mem>>)
        %dma_start3A_193 = arith.constant 0 : i32
        %dma_start3A_194 = tpu.memref_slice %arg2[%add3A_190, %dma_start3A_193] : memref<320000x128xf32, #tpu.memory_space<hbm>> -> memref<80x128xf32, #tpu.memory_space<hbm>>
        %dma_start3A_195 = arith.constant 0 : i32
        %dma_start3A_196 = tpu.memref_slice %arg2[%add3A_190, %dma_start3A_195] : memref<320000x128xf32, #tpu.memory_space<hbm>> -> memref<80x128xf32, #tpu.memory_space<hbm>>
        tpu.enqueue_dma source(%dma_start3A_196 : memref<80x128xf32, #tpu.memory_space<hbm>>) target(%arg10 : memref<80x128xf32, #tpu.memory_space<vmem>>) target_semaphore(%arg15 : memref<!tpu.dma_semaphore, #tpu.memory_space<semaphore_mem>>)
      } else {
      }
      %mul3A_173 = arith.constant 80 : i32
      %mul3A_174 = arith.muli %add3A_166, %mul3A_173 : i32
      %add3A_175 = arith.addi %mul3A_2, %mul3A_174 : i32
      %dma_wait3A_176 = tpu.memref_slice %arg3[%add3A_175] : memref<320000xi32, #tpu.memory_space<hbm>> -> memref<80xi32, #tpu.memory_space<hbm>>
      %dma_wait3A_177 = tpu.memref_slice %arg3[%add3A_175] : memref<320000xi32, #tpu.memory_space<hbm>> -> memref<80xi32, #tpu.memory_space<hbm>>
      tpu.wait_dma2 semaphore(%arg14 : memref<!tpu.dma_semaphore, #tpu.memory_space<semaphore_mem>>) src(%dma_wait3A_177 : memref<80xi32, #tpu.memory_space<hbm>>) dst(%arg5 : memref<80xi32, #tpu.memory_space<vmem>>)
      %dma_wait3A_178 = arith.constant 0 : i32
      %dma_wait3A_179 = tpu.memref_slice %arg2[%add3A_175, %dma_wait3A_178] : memref<320000x128xf32, #tpu.memory_space<hbm>> -> memref<80x128xf32, #tpu.memory_space<hbm>>
      %dma_wait3A_180 = arith.constant 0 : i32
      %dma_wait3A_181 = tpu.memref_slice %arg2[%add3A_175, %dma_wait3A_180] : memref<320000x128xf32, #tpu.memory_space<hbm>> -> memref<80x128xf32, #tpu.memory_space<hbm>>
      tpu.wait_dma2 semaphore(%arg14 : memref<!tpu.dma_semaphore, #tpu.memory_space<semaphore_mem>>) src(%dma_wait3A_181 : memref<80x128xf32, #tpu.memory_space<hbm>>) dst(%arg9 : memref<80x128xf32, #tpu.memory_space<vmem>>)
      %dma_start3A_182 = arith.constant 0 : i32
      %dma_start3A_183 = arith.constant 0 : i32
      %dma_start3A_184 = tpu.memref_slice %arg13[%dma_start3A_182, %dma_start3A_183] : memref<10112x128xf32, #tpu.memory_space<vmem_shared>> -> memref<10112x128xf32, #tpu.memory_space<vmem_shared>>
      tpu.enqueue_indirect_dma source(%arg9 : memref<80x128xf32, #tpu.memory_space<vmem>>) target(%dma_start3A_184 : memref<10112x128xf32, #tpu.memory_space<vmem_shared>>) offsets(%arg5 : memref<80xi32, #tpu.memory_space<vmem>>) semaphore(%arg18 : memref<!tpu.dma_semaphore, #tpu.memory_space<semaphore_mem>>) {add = true}
    }
    %scan3A_45 = arith.constant 31 : i32
    %dma_wait3A_46 = arith.constant 0 : i32
    %dma_wait3A_47 = arith.constant 0 : i32
    %dma_wait3A_48 = tpu.memref_slice %arg13[%dma_wait3A_46, %dma_wait3A_47] : memref<10112x128xf32, #tpu.memory_space<vmem_shared>> -> memref<10112x128xf32, #tpu.memory_space<vmem_shared>>
    tpu.wait_indirect_dma semaphore(%arg18 : memref<!tpu.dma_semaphore, #tpu.memory_space<semaphore_mem>>) src(%arg9 : memref<80x128xf32, #tpu.memory_space<vmem>>) dst(%dma_wait3A_48 : memref<10112x128xf32, #tpu.memory_space<vmem_shared>>)
    %dma_wait3A_49 = arith.constant 0 : i32
    %dma_wait3A_50 = arith.constant 0 : i32
    %dma_wait3A_51 = tpu.memref_slice %arg13[%dma_wait3A_49, %dma_wait3A_50] : memref<10112x128xf32, #tpu.memory_space<vmem_shared>> -> memref<10112x128xf32, #tpu.memory_space<vmem_shared>>
    tpu.wait_indirect_dma semaphore(%arg19 : memref<!tpu.dma_semaphore, #tpu.memory_space<semaphore_mem>>) src(%arg10 : memref<80x128xf32, #tpu.memory_space<vmem>>) dst(%dma_wait3A_51 : memref<10112x128xf32, #tpu.memory_space<vmem_shared>>)
    %dma_wait3A_52 = arith.constant 0 : i32
    %dma_wait3A_53 = arith.constant 0 : i32
    %dma_wait3A_54 = tpu.memref_slice %arg13[%dma_wait3A_52, %dma_wait3A_53] : memref<10112x128xf32, #tpu.memory_space<vmem_shared>> -> memref<10112x128xf32, #tpu.memory_space<vmem_shared>>
    tpu.wait_indirect_dma semaphore(%arg20 : memref<!tpu.dma_semaphore, #tpu.memory_space<semaphore_mem>>) src(%arg11 : memref<80x128xf32, #tpu.memory_space<vmem>>) dst(%dma_wait3A_54 : memref<10112x128xf32, #tpu.memory_space<vmem_shared>>)
    %dma_wait3A_55 = arith.constant 0 : i32
    %dma_wait3A_56 = arith.constant 0 : i32
    %dma_wait3A_57 = tpu.memref_slice %arg13[%dma_wait3A_55, %dma_wait3A_56] : memref<10112x128xf32, #tpu.memory_space<vmem_shared>> -> memref<10112x128xf32, #tpu.memory_space<vmem_shared>>
    tpu.wait_indirect_dma semaphore(%arg21 : memref<!tpu.dma_semaphore, #tpu.memory_space<semaphore_mem>>) src(%arg12 : memref<80x128xf32, #tpu.memory_space<vmem>>) dst(%dma_wait3A_57 : memref<10112x128xf32, #tpu.memory_space<vmem_shared>>)
    %barrier3A_58 = arith.constant 0 : index
    tpu.barrier barrier_id(%barrier3A_58)
    %mul3A_59 = arith.constant 632 : i32
    %mul3A_60 = arith.muli %arg1, %mul3A_59 : i32
    %mul3A_61 = arith.constant 632 : i32
    %mul3A_62 = arith.muli %arg1, %mul3A_61 : i32
    "tpu.region"() ({
      %run_scoped3A = tpu.sem_alloc : memref<!tpu.dma_semaphore, #tpu.memory_space<semaphore_mem>>
      %dma_start3A_63 = arith.constant 0 : i32
      %dma_start3A_64 = tpu.memref_slice %arg4[%arg0, %mul3A_62, %dma_start3A_63] : memref<2x10112x128xf32, #tpu.memory_space<hbm>> -> memref<1x632x128xf32, #tpu.memory_space<hbm>>
      %dma_start3A_65 = tpu.memref_squeeze %dma_start3A_64 : memref<1x632x128xf32, #tpu.memory_space<hbm>> -> memref<632x128xf32, #tpu.memory_space<hbm>>
      %dma_start3A_66 = arith.constant 0 : i32
      %dma_start3A_67 = tpu.memref_slice %arg13[%mul3A_60, %dma_start3A_66] : memref<10112x128xf32, #tpu.memory_space<vmem_shared>> -> memref<632x128xf32, #tpu.memory_space<vmem_shared>>
      tpu.enqueue_dma source(%dma_start3A_67 : memref<632x128xf32, #tpu.memory_space<vmem_shared>>) target(%dma_start3A_65 : memref<632x128xf32, #tpu.memory_space<hbm>>) target_semaphore(%run_scoped3A : memref<!tpu.dma_semaphore, #tpu.memory_space<semaphore_mem>>)
      %dma_wait3A_68 = arith.constant 0 : i32
      %dma_wait3A_69 = tpu.memref_slice %arg4[%arg0, %mul3A_62, %dma_wait3A_68] : memref<2x10112x128xf32, #tpu.memory_space<hbm>> -> memref<1x632x128xf32, #tpu.memory_space<hbm>>
      %dma_wait3A_70 = tpu.memref_squeeze %dma_wait3A_69 : memref<1x632x128xf32, #tpu.memory_space<hbm>> -> memref<632x128xf32, #tpu.memory_space<hbm>>
      %dma_wait3A_71 = arith.constant 0 : i32
      %dma_wait3A_72 = tpu.memref_slice %arg13[%mul3A_60, %dma_wait3A_71] : memref<10112x128xf32, #tpu.memory_space<vmem_shared>> -> memref<632x128xf32, #tpu.memory_space<vmem_shared>>
      tpu.wait_dma2 semaphore(%run_scoped3A : memref<!tpu.dma_semaphore, #tpu.memory_space<semaphore_mem>>) src(%dma_wait3A_72 : memref<632x128xf32, #tpu.memory_space<vmem_shared>>) dst(%dma_wait3A_70 : memref<632x128xf32, #tpu.memory_space<hbm>>)
      tpu.yield
    }) : () -> ()
    return
  }
}

module attributes {stable_mosaic.version = 14 : i64} {
  func.func @_proj_body(%arg0: i32, %arg1: memref<2000x128xf32, #tpu.memory_space<vmem>>, %arg2: memref<2000x128xf32, #tpu.memory_space<vmem>>, %arg3: memref<256x128xf32, #tpu.memory_space<vmem>>, %arg4: memref<128xf32, #tpu.memory_space<vmem>>, %arg5: memref<2000x128xf32, #tpu.memory_space<vmem>>, %arg6: memref<2000x128xf32, #tpu.memory_space<vmem>>) attributes {dimension_semantics = [#tpu.dimension_semantics<arbitrary>], iteration_bounds = array<i64: 5>, scalar_prefetch = 0 : i64, scratch_operands = 0 : i64, tpu.core_type = #tpu.core_type<tc>, window_params = [{transform_indices = @transform_0, window_bounds = array<i64: 2000, 128>}, {transform_indices = @transform_1, window_bounds = array<i64: 2000, 128>}, {pipeline_mode = #tpu.pipeline_mode<synchronous>, transform_indices = @transform_2, window_bounds = array<i64: 256, 128>}, {pipeline_mode = #tpu.pipeline_mode<synchronous>, transform_indices = @transform_3, window_bounds = array<i64: 128>}, {transform_indices = @transform_4, window_bounds = array<i64: 2000, 128>}, {transform_indices = @transform_5, window_bounds = array<i64: 2000, 128>}]} {
    %get3A = arith.constant 0 : index
    %get3A_0 = arith.constant 0 : index
    %get3A_1 = vector.load %arg1[%get3A, %get3A_0] : memref<2000x128xf32, #tpu.memory_space<vmem>>, vector<2000x128xf32>
    %get3A_2 = arith.constant 0 : index
    %get3A_3 = arith.constant 0 : index
    %get3A_4 = vector.load %arg3[%get3A_2, %get3A_3] : memref<256x128xf32, #tpu.memory_space<vmem>>, vector<128x128xf32>
    %dot_general3A = arith.constant dense<0.000000e+00> : vector<2000x128xf32>
    %dot_general3A_5 = tpu.matmul %get3A_1, %get3A_4, %dot_general3A {dimension_numbers = #tpu.dot_dimension_numbers<[1], [0], [0], [1], [0, 0, 1, 1], [], []>, transpose_lhs_hint = false} : vector<2000x128xf32>, vector<128x128xf32>, vector<2000x128xf32> -> vector<2000x128xf32>
    %swap3A = arith.constant 0 : index
    %swap3A_6 = arith.constant 0 : index
    %swap3A_7 = vector.load %arg5[%swap3A, %swap3A_6] : memref<2000x128xf32, #tpu.memory_space<vmem>>, vector<2000x128xf32>
    tpu.vector_store %arg5[%swap3A, %swap3A_6], %dot_general3A_5 {strides = array<i32>} : memref<2000x128xf32, #tpu.memory_space<vmem>>, vector<2000x128xf32>,
    %get3A_8 = arith.constant 0 : index
    %get3A_9 = arith.constant 0 : index
    %get3A_10 = vector.load %arg2[%get3A_8, %get3A_9] : memref<2000x128xf32, #tpu.memory_space<vmem>>, vector<2000x128xf32>
    %get3A_11 = arith.constant 128 : index
    %get3A_12 = arith.constant 0 : index
    %get3A_13 = vector.load %arg3[%get3A_11, %get3A_12] : memref<256x128xf32, #tpu.memory_space<vmem>>, vector<128x128xf32>
    %dot_general3A_14 = arith.constant dense<0.000000e+00> : vector<2000x128xf32>
    %dot_general3A_15 = tpu.matmul %get3A_10, %get3A_13, %dot_general3A_14 {dimension_numbers = #tpu.dot_dimension_numbers<[1], [0], [0], [1], [0, 0, 1, 1], [], []>, transpose_lhs_hint = false} : vector<2000x128xf32>, vector<128x128xf32>, vector<2000x128xf32> -> vector<2000x128xf32>
    %get3A_16 = arith.constant 0 : index
    %get3A_17 = vector.load %arg4[%get3A_16] : memref<128xf32, #tpu.memory_space<vmem>>, vector<128xf32>
    %broadcast_in_dim3A = vector.shape_cast %get3A_17 : vector<128xf32> to vector<1x128xf32>
    %add3A = vector.broadcast %broadcast_in_dim3A : vector<1x128xf32> to vector<2000x128xf32>
    %add3A_18 = arith.addf %dot_general3A_15, %add3A : vector<2000x128xf32>
    %swap3A_19 = arith.constant 0 : index
    %swap3A_20 = arith.constant 0 : index
    %swap3A_21 = vector.load %arg6[%swap3A_19, %swap3A_20] : memref<2000x128xf32, #tpu.memory_space<vmem>>, vector<2000x128xf32>
    tpu.vector_store %arg6[%swap3A_19, %swap3A_20], %add3A_18 {strides = array<i32>} : memref<2000x128xf32, #tpu.memory_space<vmem>>, vector<2000x128xf32>,
    return
  }
  func.func @transform_0(%arg0: i32) -> (i32, i32) {
    %c0_i32 = arith.constant 0 : i32
    %c0_i32_0 = arith.constant 0 : i32
    return %arg0, %c0_i32 : i32, i32
  }
  func.func @transform_1(%arg0: i32) -> (i32, i32) {
    %c0_i32 = arith.constant 0 : i32
    %c0_i32_0 = arith.constant 0 : i32
    return %arg0, %c0_i32 : i32, i32
  }
  func.func @transform_2(%arg0: i32) -> (i32, i32) {
    %c0_i32 = arith.constant 0 : i32
    %c0_i32_0 = arith.constant 0 : i32
    %c0_i32_1 = arith.constant 0 : i32
    return %c0_i32, %c0_i32_0 : i32, i32
  }
  func.func @transform_3(%arg0: i32) -> i32 {
    %c0_i32 = arith.constant 0 : i32
    %c0_i32_0 = arith.constant 0 : i32
    return %c0_i32 : i32
  }
  func.func @transform_4(%arg0: i32) -> (i32, i32) {
    %c0_i32 = arith.constant 0 : i32
    %c0_i32_0 = arith.constant 0 : i32
    return %arg0, %c0_i32 : i32, i32
  }
  func.func @transform_5(%arg0: i32) -> (i32, i32) {
    %c0_i32 = arith.constant 0 : i32
    %c0_i32_0 = arith.constant 0 : i32
    return %arg0, %c0_i32 : i32, i32
  }
}

module attributes {stable_mosaic.version = 14 : i64} {
  func.func @_split_body(%arg0: memref<2x320000xi32, #tpu.memory_space<vmem>>, %arg1: memref<320000xi32, #tpu.memory_space<vmem>>, %arg2: memref<320000xi32, #tpu.memory_space<vmem>>) attributes {dimension_semantics = [], scalar_prefetch = 0 : i64, scratch_operands = 0 : i64, tpu.core_type = #tpu.core_type<tc>} {
    %get3A = arith.constant 0 : index
    %get3A_0 = arith.constant 0 : index
    %get3A_1 = vector.load %arg0[%get3A, %get3A_0] : memref<2x320000xi32, #tpu.memory_space<vmem>>, vector<1x320000xi32>
    %get3A_2 = vector.shape_cast %get3A_1 : vector<1x320000xi32> to vector<320000xi32>
    %swap3A = arith.constant 0 : index
    %swap3A_3 = vector.load %arg1[%swap3A] : memref<320000xi32, #tpu.memory_space<vmem>>, vector<320000xi32>
    tpu.vector_store %arg1[%swap3A], %get3A_2 {strides = array<i32>} : memref<320000xi32, #tpu.memory_space<vmem>>, vector<320000xi32>,
    %get3A_4 = arith.constant 1 : index
    %get3A_5 = arith.constant 0 : index
    %get3A_6 = vector.load %arg0[%get3A_4, %get3A_5] : memref<2x320000xi32, #tpu.memory_space<vmem>>, vector<1x320000xi32>
    %get3A_7 = vector.shape_cast %get3A_6 : vector<1x320000xi32> to vector<320000xi32>
    %swap3A_8 = arith.constant 0 : index
    %swap3A_9 = vector.load %arg2[%swap3A_8] : memref<320000xi32, #tpu.memory_space<vmem>>, vector<320000xi32>
    tpu.vector_store %arg2[%swap3A_8], %get3A_7 {strides = array<i32>} : memref<320000xi32, #tpu.memory_space<vmem>>, vector<320000xi32>,
    return
  }
}

module attributes {stable_mosaic.version = 14 : i64} {
  func.func @_edge_body(%arg0: i32, %arg1: memref<16000x128xf32, #tpu.memory_space<vmem>>, %arg2: memref<128x128xf32, #tpu.memory_space<vmem>>, %arg3: memref<128xf32, #tpu.memory_space<vmem>>, %arg4: memref<16000x128xf32, #tpu.memory_space<vmem>>) attributes {dimension_semantics = [#tpu.dimension_semantics<arbitrary>], iteration_bounds = array<i64: 10>, scalar_prefetch = 0 : i64, scratch_operands = 0 : i64, tpu.core_type = #tpu.core_type<tc>, window_params = [{transform_indices = @transform_0, window_bounds = array<i64: 16000, 128>}, {pipeline_mode = #tpu.pipeline_mode<synchronous>, transform_indices = @transform_1, window_bounds = array<i64: 128, 128>}, {pipeline_mode = #tpu.pipeline_mode<synchronous>, transform_indices = @transform_2, window_bounds = array<i64: 128>}, {transform_indices = @transform_3, window_bounds = array<i64: 16000, 128>}]} {
    %get3A = arith.constant 0 : index
    %get3A_0 = arith.constant 0 : index
    %get3A_1 = vector.load %arg1[%get3A, %get3A_0] : memref<16000x128xf32, #tpu.memory_space<vmem>>, vector<16000x128xf32>
    %logistic3A = arith.negf %get3A_1 : vector<16000x128xf32>
    %logistic3A_2 = math.exp %logistic3A : vector<16000x128xf32>
    %logistic3A_3 = arith.constant 1.000000e+00 : f32
    %logistic3A_4 = vector.broadcast %logistic3A_3 : f32 to vector<16000x128xf32>
    %logistic3A_5 = arith.addf %logistic3A_4, %logistic3A_2 : vector<16000x128xf32>
    %logistic3A_6 = arith.divf %logistic3A_4, %logistic3A_5 : vector<16000x128xf32>
    %mul3A = arith.mulf %get3A_1, %logistic3A_6 : vector<16000x128xf32>
    %get3A_7 = arith.constant 0 : index
    %get3A_8 = arith.constant 0 : index
    %get3A_9 = vector.load %arg2[%get3A_7, %get3A_8] : memref<128x128xf32, #tpu.memory_space<vmem>>, vector<128x128xf32>
    %dot_general3A = arith.constant dense<0.000000e+00> : vector<16000x128xf32>
    %dot_general3A_10 = tpu.matmul %mul3A, %get3A_9, %dot_general3A {dimension_numbers = #tpu.dot_dimension_numbers<[1], [0], [0], [1], [0, 0, 1, 1], [], []>, transpose_lhs_hint = false} : vector<16000x128xf32>, vector<128x128xf32>, vector<16000x128xf32> -> vector<16000x128xf32>
    %get3A_11 = arith.constant 0 : index
    %get3A_12 = vector.load %arg3[%get3A_11] : memref<128xf32, #tpu.memory_space<vmem>>, vector<128xf32>
    %broadcast_in_dim3A = vector.shape_cast %get3A_12 : vector<128xf32> to vector<1x128xf32>
    %add3A = vector.broadcast %broadcast_in_dim3A : vector<1x128xf32> to vector<16000x128xf32>
    %add3A_13 = arith.addf %dot_general3A_10, %add3A : vector<16000x128xf32>
    %logistic3A_14 = arith.negf %add3A_13 : vector<16000x128xf32>
    %logistic3A_15 = math.exp %logistic3A_14 : vector<16000x128xf32>
    %logistic3A_16 = arith.constant 1.000000e+00 : f32
    %logistic3A_17 = vector.broadcast %logistic3A_16 : f32 to vector<16000x128xf32>
    %logistic3A_18 = arith.addf %logistic3A_17, %logistic3A_15 : vector<16000x128xf32>
    %logistic3A_19 = arith.divf %logistic3A_17, %logistic3A_18 : vector<16000x128xf32>
    %mul3A_20 = arith.mulf %add3A_13, %logistic3A_19 : vector<16000x128xf32>
    %swap3A = arith.constant 0 : index
    %swap3A_21 = arith.constant 0 : index
    %swap3A_22 = vector.load %arg4[%swap3A, %swap3A_21] : memref<16000x128xf32, #tpu.memory_space<vmem>>, vector<16000x128xf32>
    tpu.vector_store %arg4[%swap3A, %swap3A_21], %mul3A_20 {strides = array<i32>} : memref<16000x128xf32, #tpu.memory_space<vmem>>, vector<16000x128xf32>,
    return
  }
  func.func @transform_0(%arg0: i32) -> (i32, i32) {
    %c0_i32 = arith.constant 0 : i32
    %c0_i32_0 = arith.constant 0 : i32
    return %arg0, %c0_i32 : i32, i32
  }
  func.func @transform_1(%arg0: i32) -> (i32, i32) {
    %c0_i32 = arith.constant 0 : i32
    %c0_i32_0 = arith.constant 0 : i32
    %c0_i32_1 = arith.constant 0 : i32
    return %c0_i32, %c0_i32_0 : i32, i32
  }
  func.func @transform_2(%arg0: i32) -> i32 {
    %c0_i32 = arith.constant 0 : i32
    %c0_i32_0 = arith.constant 0 : i32
    return %c0_i32 : i32
  }
  func.func @transform_3(%arg0: i32) -> (i32, i32) {
    %c0_i32 = arith.constant 0 : i32
    %c0_i32_0 = arith.constant 0 : i32
    return %arg0, %c0_i32 : i32, i32
  }
}

module attributes {stable_mosaic.version = 14 : i64} {
  func.func @_edge_body_acc(%arg0: i32, %arg1: memref<320000x128xf32, #tpu.memory_space<hbm>>, %arg2: memref<16000x128xf32, #tpu.memory_space<vmem>>, %arg3: memref<128x128xf32, #tpu.memory_space<vmem>>, %arg4: memref<128xf32, #tpu.memory_space<vmem>>, %arg5: memref<16000x128xf32, #tpu.memory_space<vmem>>) attributes {dimension_semantics = [#tpu.dimension_semantics<arbitrary>], iteration_bounds = array<i64: 10>, scalar_prefetch = 0 : i64, scratch_operands = 0 : i64, tpu.core_type = #tpu.core_type<tc>, window_params = [{}, {transform_indices = @transform_1, window_bounds = array<i64: 16000, 128>}, {pipeline_mode = #tpu.pipeline_mode<synchronous>, transform_indices = @transform_2, window_bounds = array<i64: 128, 128>}, {pipeline_mode = #tpu.pipeline_mode<synchronous>, transform_indices = @transform_3, window_bounds = array<i64: 128>}, {transform_indices = @transform_4, window_bounds = array<i64: 16000, 128>}]} {
    %get3A = arith.constant 0 : index
    %get3A_0 = arith.constant 0 : index
    %get3A_1 = vector.load %arg2[%get3A, %get3A_0] : memref<16000x128xf32, #tpu.memory_space<vmem>>, vector<16000x128xf32>
    %logistic3A = arith.negf %get3A_1 : vector<16000x128xf32>
    %logistic3A_2 = math.exp %logistic3A : vector<16000x128xf32>
    %logistic3A_3 = arith.constant 1.000000e+00 : f32
    %logistic3A_4 = vector.broadcast %logistic3A_3 : f32 to vector<16000x128xf32>
    %logistic3A_5 = arith.addf %logistic3A_4, %logistic3A_2 : vector<16000x128xf32>
    %logistic3A_6 = arith.divf %logistic3A_4, %logistic3A_5 : vector<16000x128xf32>
    %mul3A = arith.mulf %get3A_1, %logistic3A_6 : vector<16000x128xf32>
    %get3A_7 = arith.constant 0 : index
    %get3A_8 = arith.constant 0 : index
    %get3A_9 = vector.load %arg3[%get3A_7, %get3A_8] : memref<128x128xf32, #tpu.memory_space<vmem>>, vector<128x128xf32>
    %dot_general3A = arith.constant dense<0.000000e+00> : vector<16000x128xf32>
    %dot_general3A_10 = tpu.matmul %mul3A, %get3A_9, %dot_general3A {dimension_numbers = #tpu.dot_dimension_numbers<[1], [0], [0], [1], [0, 0, 1, 1], [], []>, transpose_lhs_hint = false} : vector<16000x128xf32>, vector<128x128xf32>, vector<16000x128xf32> -> vector<16000x128xf32>
    %get3A_11 = arith.constant 0 : index
    %get3A_12 = vector.load %arg4[%get3A_11] : memref<128xf32, #tpu.memory_space<vmem>>, vector<128xf32>
    %broadcast_in_dim3A = vector.shape_cast %get3A_12 : vector<128xf32> to vector<1x128xf32>
    %add3A = vector.broadcast %broadcast_in_dim3A : vector<1x128xf32> to vector<16000x128xf32>
    %add3A_13 = arith.addf %dot_general3A_10, %add3A : vector<16000x128xf32>
    %logistic3A_14 = arith.negf %add3A_13 : vector<16000x128xf32>
    %logistic3A_15 = math.exp %logistic3A_14 : vector<16000x128xf32>
    %logistic3A_16 = arith.constant 1.000000e+00 : f32
    %logistic3A_17 = vector.broadcast %logistic3A_16 : f32 to vector<16000x128xf32>
    %logistic3A_18 = arith.addf %logistic3A_17, %logistic3A_15 : vector<16000x128xf32>
    %logistic3A_19 = arith.divf %logistic3A_17, %logistic3A_18 : vector<16000x128xf32>
    %mul3A_20 = arith.mulf %add3A_13, %logistic3A_19 : vector<16000x128xf32>
    %swap3A = arith.constant 0 : index
    %swap3A_21 = arith.constant 0 : index
    %swap3A_22 = vector.load %arg5[%swap3A, %swap3A_21] : memref<16000x128xf32, #tpu.memory_space<vmem>>, vector<16000x128xf32>
    tpu.vector_store %arg5[%swap3A, %swap3A_21], %mul3A_20 {strides = array<i32>} : memref<16000x128xf32, #tpu.memory_space<vmem>>, vector<16000x128xf32>,
    return
  }
  func.func @transform_1(%arg0: i32) -> (i32, i32) {
    %c0_i32 = arith.constant 0 : i32
    %c0_i32_0 = arith.constant 0 : i32
    return %arg0, %c0_i32 : i32, i32
  }
  func.func @transform_2(%arg0: i32) -> (i32, i32) {
    %c0_i32 = arith.constant 0 : i32
    %c0_i32_0 = arith.constant 0 : i32
    %c0_i32_1 = arith.constant 0 : i32
    return %c0_i32, %c0_i32_0 : i32, i32
  }
  func.func @transform_3(%arg0: i32) -> i32 {
    %c0_i32 = arith.constant 0 : i32
    %c0_i32_0 = arith.constant 0 : i32
    return %c0_i32 : i32
  }
  func.func @transform_4(%arg0: i32) -> (i32, i32) {
    %add3A = arith.constant 10 : i32
    %add3A_0 = arith.addi %arg0, %add3A : i32
    %c0_i32 = arith.constant 0 : i32
    %c0_i32_1 = arith.constant 0 : i32
    return %add3A_0, %c0_i32 : i32, i32
  }
}

module attributes {stable_mosaic.version = 14 : i64} {
  func.func @_node_body(%arg0: i32, %arg1: memref<2000x128xf32, #tpu.memory_space<vmem>>, %arg2: memref<2x2000x128xf32, #tpu.memory_space<vmem>>, %arg3: memref<256x128xf32, #tpu.memory_space<vmem>>, %arg4: memref<128xf32, #tpu.memory_space<vmem>>, %arg5: memref<128x128xf32, #tpu.memory_space<vmem>>, %arg6: memref<128xf32, #tpu.memory_space<vmem>>, %arg7: memref<2000x128xf32, #tpu.memory_space<vmem>>) attributes {dimension_semantics = [#tpu.dimension_semantics<arbitrary>], iteration_bounds = array<i64: 5>, scalar_prefetch = 0 : i64, scratch_operands = 0 : i64, tpu.core_type = #tpu.core_type<tc>, window_params = [{transform_indices = @transform_0, window_bounds = array<i64: 2000, 128>}, {transform_indices = @transform_1, window_bounds = array<i64: 2, 2000, 128>}, {pipeline_mode = #tpu.pipeline_mode<synchronous>, transform_indices = @transform_2, window_bounds = array<i64: 256, 128>}, {pipeline_mode = #tpu.pipeline_mode<synchronous>, transform_indices = @transform_3, window_bounds = array<i64: 128>}, {pipeline_mode = #tpu.pipeline_mode<synchronous>, transform_indices = @transform_4, window_bounds = array<i64: 128, 128>}, {pipeline_mode = #tpu.pipeline_mode<synchronous>, transform_indices = @transform_5, window_bounds = array<i64: 128>}, {transform_indices = @transform_6, window_bounds = array<i64: 2000, 128>}]} {
    %get3A = arith.constant 0 : index
    %get3A_0 = arith.constant 0 : index
    %get3A_1 = arith.constant 0 : index
    %get3A_2 = vector.load %arg2[%get3A, %get3A_0, %get3A_1] : memref<2x2000x128xf32, #tpu.memory_space<vmem>>, vector<1x2000x128xf32>
    %get3A_3 = vector.shape_cast %get3A_2 : vector<1x2000x128xf32> to vector<2000x128xf32>
    %get3A_4 = arith.constant 1 : index
    %get3A_5 = arith.constant 0 : index
    %get3A_6 = arith.constant 0 : index
    %get3A_7 = vector.load %arg2[%get3A_4, %get3A_5, %get3A_6] : memref<2x2000x128xf32, #tpu.memory_space<vmem>>, vector<1x2000x128xf32>
    %get3A_8 = vector.shape_cast %get3A_7 : vector<1x2000x128xf32> to vector<2000x128xf32>
    %add3A = arith.addf %get3A_3, %get3A_8 : vector<2000x128xf32>
    %get3A_9 = arith.constant 0 : index
    %get3A_10 = arith.constant 0 : index
    %get3A_11 = vector.load %arg1[%get3A_9, %get3A_10] : memref<2000x128xf32, #tpu.memory_space<vmem>>, vector<2000x128xf32>
    %get3A_12 = arith.constant 0 : index
    %get3A_13 = arith.constant 0 : index
    %get3A_14 = vector.load %arg3[%get3A_12, %get3A_13] : memref<256x128xf32, #tpu.memory_space<vmem>>, vector<128x128xf32>
    %dot_general3A = arith.constant dense<0.000000e+00> : vector<2000x128xf32>
    %dot_general3A_15 = tpu.matmul %get3A_11, %get3A_14, %dot_general3A {dimension_numbers = #tpu.dot_dimension_numbers<[1], [0], [0], [1], [0, 0, 1, 1], [], []>, transpose_lhs_hint = false} : vector<2000x128xf32>, vector<128x128xf32>, vector<2000x128xf32> -> vector<2000x128xf32>
    %get3A_16 = arith.constant 128 : index
    %get3A_17 = arith.constant 0 : index
    %get3A_18 = vector.load %arg3[%get3A_16, %get3A_17] : memref<256x128xf32, #tpu.memory_space<vmem>>, vector<128x128xf32>
    %dot_general3A_19 = arith.constant dense<0.000000e+00> : vector<2000x128xf32>
    %dot_general3A_20 = tpu.matmul %add3A, %get3A_18, %dot_general3A_19 {dimension_numbers = #tpu.dot_dimension_numbers<[1], [0], [0], [1], [0, 0, 1, 1], [], []>, transpose_lhs_hint = false} : vector<2000x128xf32>, vector<128x128xf32>, vector<2000x128xf32> -> vector<2000x128xf32>
    %add3A_21 = arith.addf %dot_general3A_15, %dot_general3A_20 : vector<2000x128xf32>
    %get3A_22 = arith.constant 0 : index
    %get3A_23 = vector.load %arg4[%get3A_22] : memref<128xf32, #tpu.memory_space<vmem>>, vector<128xf32>
    %broadcast_in_dim3A = vector.shape_cast %get3A_23 : vector<128xf32> to vector<1x128xf32>
    %add3A_24 = vector.broadcast %broadcast_in_dim3A : vector<1x128xf32> to vector<2000x128xf32>
    %add3A_25 = arith.addf %add3A_21, %add3A_24 : vector<2000x128xf32>
    %logistic3A = arith.negf %add3A_25 : vector<2000x128xf32>
    %logistic3A_26 = math.exp %logistic3A : vector<2000x128xf32>
    %logistic3A_27 = arith.constant 1.000000e+00 : f32
    %logistic3A_28 = vector.broadcast %logistic3A_27 : f32 to vector<2000x128xf32>
    %logistic3A_29 = arith.addf %logistic3A_28, %logistic3A_26 : vector<2000x128xf32>
    %logistic3A_30 = arith.divf %logistic3A_28, %logistic3A_29 : vector<2000x128xf32>
    %mul3A = arith.mulf %add3A_25, %logistic3A_30 : vector<2000x128xf32>
    %get3A_31 = arith.constant 0 : index
    %get3A_32 = arith.constant 0 : index
    %get3A_33 = vector.load %arg5[%get3A_31, %get3A_32] : memref<128x128xf32, #tpu.memory_space<vmem>>, vector<128x128xf32>
    %dot_general3A_34 = arith.constant dense<0.000000e+00> : vector<2000x128xf32>
    %dot_general3A_35 = tpu.matmul %mul3A, %get3A_33, %dot_general3A_34 {dimension_numbers = #tpu.dot_dimension_numbers<[1], [0], [0], [1], [0, 0, 1, 1], [], []>, transpose_lhs_hint = false} : vector<2000x128xf32>, vector<128x128xf32>, vector<2000x128xf32> -> vector<2000x128xf32>
    %add3A_36 = arith.addf %get3A_11, %dot_general3A_35 : vector<2000x128xf32>
    %get3A_37 = arith.constant 0 : index
    %get3A_38 = vector.load %arg6[%get3A_37] : memref<128xf32, #tpu.memory_space<vmem>>, vector<128xf32>
    %broadcast_in_dim3A_39 = vector.shape_cast %get3A_38 : vector<128xf32> to vector<1x128xf32>
    %add3A_40 = vector.broadcast %broadcast_in_dim3A_39 : vector<1x128xf32> to vector<2000x128xf32>
    %add3A_41 = arith.addf %add3A_36, %add3A_40 : vector<2000x128xf32>
    %swap3A = arith.constant 0 : index
    %swap3A_42 = arith.constant 0 : index
    %swap3A_43 = vector.load %arg7[%swap3A, %swap3A_42] : memref<2000x128xf32, #tpu.memory_space<vmem>>, vector<2000x128xf32>
    tpu.vector_store %arg7[%swap3A, %swap3A_42], %add3A_41 {strides = array<i32>} : memref<2000x128xf32, #tpu.memory_space<vmem>>, vector<2000x128xf32>,
    return
  }
  func.func @transform_0(%arg0: i32) -> (i32, i32) {
    %c0_i32 = arith.constant 0 : i32
    %c0_i32_0 = arith.constant 0 : i32
    return %arg0, %c0_i32 : i32, i32
  }
  func.func @transform_1(%arg0: i32) -> (i32, i32, i32) {
    %c0_i32 = arith.constant 0 : i32
    %c0_i32_0 = arith.constant 0 : i32
    %c0_i32_1 = arith.constant 0 : i32
    return %c0_i32, %arg0, %c0_i32_0 : i32, i32, i32
  }
  func.func @transform_2(%arg0: i32) -> (i32, i32) {
    %c0_i32 = arith.constant 0 : i32
    %c0_i32_0 = arith.constant 0 : i32
    %c0_i32_1 = arith.constant 0 : i32
    return %c0_i32, %c0_i32_0 : i32, i32
  }
  func.func @transform_3(%arg0: i32) -> i32 {
    %c0_i32 = arith.constant 0 : i32
    %c0_i32_0 = arith.constant 0 : i32
    return %c0_i32 : i32
  }
  func.func @transform_4(%arg0: i32) -> (i32, i32) {
    %c0_i32 = arith.constant 0 : i32
    %c0_i32_0 = arith.constant 0 : i32
    %c0_i32_1 = arith.constant 0 : i32
    return %c0_i32, %c0_i32_0 : i32, i32
  }
  func.func @transform_5(%arg0: i32) -> i32 {
    %c0_i32 = arith.constant 0 : i32
    %c0_i32_0 = arith.constant 0 : i32
    return %c0_i32 : i32
  }
  func.func @transform_6(%arg0: i32) -> (i32, i32) {
    %c0_i32 = arith.constant 0 : i32
    %c0_i32_0 = arith.constant 0 : i32
    return %arg0, %c0_i32 : i32, i32
  }
}

</mosaic_0001>

<sc_bundles>
// kernel: kernel.10.cloned.1.call-start
scs
__scs_entry_jumppad:
0x0: {  	(pc) =	sbr.rel $0x88, $3  }
0x1: {  	(tag) =	ssettag $0x0;
	lr =	simm.s32 $0x1  }
0x2: {  	[smem:$0x3F96] =	sst lr;
	_ =	strace $0xD0000000  }
0x3: {  	_ = 	snop  }
0x4: {  	_ = 	snop  }
0x5: {  	_ = 	snop  }
0x6: {  	_ = 	snop  }
0x7: {  	_ = 	snop  }
__scs_overlays_trampoline_lowered:
0x8: {  	[smem:$0x3FA5] =	sst s0  }
0x9: {  	[smem:$0x3FA6] =	sst s1  }
0xa: {  	[smem:$0x3FA7] =	sst s2  }
0xb: {  	[smem:$0x3FA8] =	sst s3  }
0xc: {  	[smem:$0x3FA9] =	sst s4  }
0xd: {  	[smem:$0x3FAA] =	sst s5  }
0xe: {  	[smem:$0x3FAB] =	sst s6  }
0xf: {  	[smem:$0x3FAC] =	sst s7  }
0x10: {  	[smem:$0x3FAD] =	sst s8  }
0x11: {  	[smem:$0x3FAE] =	sst s9;
	s0 =	simm.s32 @!p0 $0x0  }
0x12: {  	s1 =	sld [smem:$0x3F94];
	s0 =	simm.s32 @p0 $0x1  }
0x13: {  	[smem:$0x3FAF] =	sst s0;
	s0 =	simm.s32 @!p1 $0x0  }
0x14: {  	s2 =	sld [smem:$0x3F93];
	s0 =	simm.s32 @p1 $0x1  }
0x15: {  	[smem:$0x3FB0] =	sst s0;
	s0 =	simm.s32 @!p2 $0x0  }
0x16: {  	s3 =	sld [smem:$0x3FDB];
	s0 =	simm.s32 @p2 $0x1  }
0x17: {  	s4 =	simm.s32 $0x1BF5;
	[smem:$0x3FB2] =	sst s0  }
0x18: {  	s0 =	sld [smem:$0x3F95];
	_ =	swait.ge [sflag:s4], $0x0  }
0x19: {  	s7 =	sld [smem:$0x3F96]  }
0x1a: {  	s8 =	sadd.s32 $0xFFFFE003, lr  }
0x1b: {  	s9 =	sadd.s32 $0xFFFFFEF7, lr;
	s5 =	simm.s32 $0xFFFFFFFF;
	p2 =	slt.u32 s8, $0xFFFFF086  }
0x1c: {  	p1 =	slt.u32 s9, $0xF7A;
	s5 =	simm.s32 @!p2 $0x0  }
0x1d: {  	s5 =	simm.s32 @p1 $0x1;
	p0 =	seq.s32 s7, s2  }
0x1e: {  	s7 =	smul.u32 @!p0 $0xF7A, s2;
	p2 =	seq.s32 @!p0 s5, $0x0  }
0x1f: {  	s9 =	smul.u32 $0xF7A, s1;
	s8 =	simm.s32 @!p0 $0x1BF5;
	p2 =	por !p2, p0  }
0x20: {  	[sflag:s8] =	ssyncset.s32 @!p0 $0xFFFFF086;
	s6 =	sadd.s32 @!p0 s3, s7;
	s7 =	simm.s32 @!p0 $0x108  }
0x21: {  	s3 =	sadd.s32 s3, s9;
	s6 =	sadd.s32 @!p0 $0x88, s6;
	s7 =	simm.s32 @p2 $0x1082  }
0x22: {  	[simem:s7], [sflag:s8] =	dma.local @!p0 [hbm:s6], $0xF7A  }
0x23: {  	s9 =	sor.u32 $0xD0000000, s2;
	s6 =	simm.s32 $0x108;
	_ =	swait.ge @!p0 [sflag:s8], $0x0  }
0x24: {  	s3 =	sadd.s32 $0x88, s3;
	s6 =	simm.s32 @!p1 $0x1082;
	[sflag:s4] =	ssyncset.s32 $0xFFFFF086  }
0x25: {  	[simem:s6], [sflag:s4] =	dma.local [hbm:s3], $0xF7A  }
0x26: {  	[smem:$0x3F96] =	sst s1;
	(tag) =	ssettag s2;
	_ =	strace s9  }
0x27: {  	s1 =	sld [smem:$0x3FA6]  }
0x28: {  	s2 =	sld [smem:$0x3FA7]  }
0x29: {  	s4 =	sld [smem:$0x3FA9]  }
0x2a: {  	p0 =	seq.s32 s5, $0x0;
	s5 =	sld [smem:$0x3FAA]  }
0x2b: {  	s6 =	sld [smem:$0x3FAB]  }
0x2c: {  	s7 =	sld [smem:$0x3FAC]  }
0x2d: {  	s3 =	simm.s32 $0x108;
	s8 =	sld [smem:$0x3FAD]  }
0x2e: {  	s3 =	simm.s32 @!p0 $0x1082;
	s9 =	sld [smem:$0x3FAE]  }
0x2f: {  	lr =	sadd.s32 s0, s3;
	s0 =	sld [smem:$0x3FA5]  }
0x30: {  	s3 =	sld [smem:$0x3FA8]  }
0x31: {  	[smem:$0x3FB1] =	sst s10  }
0x32: {  	s10 =	sld [smem:$0x3FAF];
	_ =	sdelay $0x3  }
0x33: {  	p0 =	seq.s32 s10, $0x1;
	s10 =	sld [smem:$0x3FB1];
	_ =	sdelay $0x3  }
0x34: {  	[smem:$0x3FB1] =	sst s10  }
0x35: {  	s10 =	sld [smem:$0x3FB0];
	_ =	sdelay $0x3  }
0x36: {  	p1 =	seq.s32 s10, $0x1;
	s10 =	sld [smem:$0x3FB1];
	_ =	sdelay $0x3  }
0x37: {  	[smem:$0x3FB1] =	sst s10  }
0x38: {  	s10 =	sld [smem:$0x3FB2]  }
0x39: {  	_ = 	snop;
	(pc) =	sbr.ind lr, $3  }
0x3a: {  	_ = 	snop  }
0x3b: {  	_ = 	snop  }
0x3c: {  	p2 =	seq.s32 s10, $0x1;
	s10 =	sld [smem:$0x3FB1]  }
0x3d: {  	_ =	shalt  }
0x3e: {  	_ =	shalt  }
0x3f: {  	_ =	shalt  }
0x40: {  	_ =	shalt  }
0x41: {  	_ =	shalt  }
0x42: {  	_ =	shalt  }
0x43: {  	_ =	shalt  }
0x44: {  	_ =	shalt  }
0x45: {  	_ =	shalt  }
0x46: {  	_ =	shalt  }
0x47: {  	_ =	shalt  }
0x48: {  	_ =	shalt  }
0x49: {  	_ =	shalt  }
0x4a: {  	_ =	shalt  }
0x4b: {  	_ =	shalt  }
0x4c: {  	_ =	shalt  }
0x4d: {  	_ =	shalt  }
0x4e: {  	_ =	shalt  }
0x4f: {  	_ =	shalt  }
0x50: {  	_ =	shalt  }
0x51: {  	_ =	shalt  }
0x52: {  	_ =	shalt  }
0x53: {  	_ =	shalt  }
0x54: {  	_ =	shalt  }
0x55: {  	_ =	shalt  }
0x56: {  	_ =	shalt  }
0x57: {  	_ =	shalt  }
0x58: {  	_ =	shalt  }
0x59: {  	_ =	shalt  }
0x5a: {  	_ =	shalt  }
0x5b: {  	_ =	shalt  }
0x5c: {  	_ =	shalt  }
0x5d: {  	_ =	shalt  }
0x5e: {  	_ =	shalt  }
0x5f: {  	_ =	shalt  }
0x60: {  	_ =	shalt  }
0x61: {  	_ =	shalt  }
0x62: {  	_ =	shalt  }
0x63: {  	_ =	shalt  }
0x64: {  	_ =	shalt  }
0x65: {  	_ =	shalt  }
0x66: {  	_ =	shalt  }
0x67: {  	_ =	shalt  }
0x68: {  	_ =	shalt  }
0x69: {  	_ =	shalt  }
0x6a: {  	_ =	shalt  }
0x6b: {  	_ =	shalt  }
0x6c: {  	_ =	shalt  }
0x6d: {  	_ =	shalt  }
0x6e: {  	_ =	shalt  }
0x6f: {  	_ =	shalt  }
0x70: {  	_ =	shalt  }
0x71: {  	_ =	shalt  }
0x72: {  	_ =	shalt  }
0x73: {  	_ =	shalt  }
0x74: {  	_ =	shalt  }
0x75: {  	_ =	shalt  }
0x76: {  	_ =	shalt  }
0x77: {  	_ =	shalt  }
0x78: {  	_ =	shalt  }
0x79: {  	_ =	shalt  }
0x7a: {  	_ =	shalt  }
0x7b: {  	_ =	shalt  }
0x7c: {  	_ =	shalt  }
0x7d: {  	_ =	shalt  }
0x7e: {  	_ =	shalt  }
0x7f: {  	_ =	shalt  }
0x80: {  	_ =	shalt  }
0x81: {  	_ =	shalt  }
0x82: {  	_ =	shalt  }
0x83: {  	_ =	shalt  }
0x84: {  	_ =	shalt  }
0x85: {  	_ =	shalt  }
0x86: {  	_ =	shalt  }
0x87: {  	_ =	shalt  }
.Lfunc_end0:
.L_simem_size_0:
called_computation_lowered:
.L_overlay_start_0:
0x88: {  	s2 =	sld [smem:$0x3FD9]  }
0x89: {  	s3 =	sld [smem:$0x3FFE];
	_ =	sdelay $0x1  }
0x8a: {  	s1 =	srdreg.scid  }
0x8b: {  	s0 =	sand.u32 $0x1, s1  }
0x8c: {  	s14 =	sshll.u32 s0, $0xA;
	s2 =	sadd.s32 s3, s2  }
0x8d: {  	s2 =	sadd.s32 s2, s14  }
0x8e: {  	[smem:$0x3FBD] =	sst s2  }
0x8f: {  	_ = 	snop  }
0x90: {  	s2 =	sld [smem:$0x3FD0];
	_ =	sdelay $0x2  }
0x91: {  	s15 =	simm.s32 $0xB;
	s4 =	simm.s32 $0x10  }
0x92: {  	[smem:s4], [sflag:s15] =	dma.local [hbm:s2], $0x1  }
0x93: {  	_ =	swait.eq [sflag:s15], $0x1  }
0x94: {  	[sflag:s15] =	ssyncset.done $0x0  }
0x95: {  	[sflag:s15] =	ssyncadd.s32 $0xFFFFFFFF  }
0x96: {  	s16 =	sld [smem:$0x10];
	(tm) =	ssettm $0x1  }
0x97: {  	s17 =	sld [smem:$0x3FFB];
	_ =	sdelay $0x3  }
0x98: {  	_ =	strace s17  }
0x99: {  	s3 =	sld [smem:$0x3FFC];
	_ =	sdelay $0x3  }
0x9a: {  	_ =	strace s3  }
0x9b: {  	s3 =	sld [smem:$0x3FFD];
	_ =	sdelay $0x3  }
0x9c: {  	_ =	strace s3  }
0x9d: {  	_ =	strace $0x8FFFFFFF  }
0x9e: {  	s18 =	sld [smem:$0x3FDB];
	_ =	sdelay $0x1  }
0x9f: {  	s19 =	simm.s32 $_scs_section_size  }
0xa0: {  	s5 =	simm.s32 $_size__tile_overlayer_lowered;
	s6 =	simm.s32 $_tile_overlayer_lowered  }
0xa1: {  	s22 =	simm.s32 $0x1BFF;
	s21 =	sshll.u32 s6, $0x1;
	s3 =	sadd.s32 s19, s18  }
0xa2: {  	s7 =	simm.s32 $0x0;
	s20 =	sshll.u32 s5, $0x1;
	s5 =	sadd.s32 s21, s3  }
0xa3: {  	[timem:s7], [sflag:s22] =	dma.local [hbm:s5], s20  }
0xa4: {  	_ =	swait.ge [sflag:s22], s20  }
0xa5: {  	s4 =	ssub.s32 $0x0, s20;
	[sflag:s22] =	ssyncset.done $0x0  }
0xa6: {  	[sflag:s22] =	ssyncadd.s32 s4;
	_ =	sdelay $0x1  }
0xa7: {  	s23 =	simm.s32 $0x1B8B  }
0xa8: {  	_ =	swait.ge [sflag:s23], $0x1  }
0xa9: {  	[sflag:s23] =	ssyncset.done $0x0  }
0xaa: {  	s25 =	simm.s32 $0x1B8E;
	s24 =	sld [smem:$0x3FFE];
	[sflag:s23] =	ssyncadd.s32 $0xFFFFFFFF  }
0xab: {  	s26 =	simm.s32 $execute0_lowered;
	[smem:$0x3FD2] =	sst s25  }
0xac: {  	s5 =	sshll.u32 s26, $0x1;
	_ =	strace $0x80000046;
	[dreg:$0x1] =	wrdreg $0xFFFFFFFF  }
0xad: {  	s28 =	simm.s32 $_size_execute0_lowered;
	s3 =	sadd.s32 s3, s5;
	[dreg:$0x0] =	wrdreg $0x0  }
0xae: {  	s5 =	sshll.u32 s28, $0x1;
	[dreg:$0x2] =	wrdreg s3  }
0xaf: {  	[dreg:$0x3] =	wrdreg s5  }
0xb0: {  	[dreg:$0x4] =	wrdreg $0xC0  }
0xb1: {  	_ =	task [dreg:s7], $0x5FFFF  }
0xb2: {  	[dreg:$0x1] =	wrdreg $0xFFFFFFFF  }
0xb3: {  	[dreg:$0x0] =	wrdreg $0x60  }
0xb4: {  	[dreg:$0x2] =	wrdreg s16  }
0xb5: {  	[dreg:$0x3] =	wrdreg s24  }
0xb6: {  	[dreg:$0x4] =	wrdreg $0x9  }
0xb7: {  	_ =	task.clear_ibuf [dreg:s7], $0x5FFFF;
	_ =	strace $0x90000046  }
0xb8: {  	s29 =	simm.s32 $0x9;
	_ =	strace $0x80000048  }
0xb9: {  	_ =	swait.ge [sflag:s29], $0x1  }
0xba: {  	[sflag:s29] =	ssyncadd.s32 $0xFFFFFFFF  }
0xbb: {  	_ =	strace $0x90000048  }
0xbc: {  	_ =	sfence  }
0xbd: {  	s30 =	sld [smem:$0x0];
	_ =	sdelay $0x2  }
0xbe: {  	s31 =	sshll.u32 s1, $0xD;
	s1 =	sshrl.u32 s1, $0x2  }
0xbf: {  	s3 =	sand.u32 $0x4000, s31;
	s1 =	sadd.s32 s1, s30  }
0xc0: {  	s0 =	sor.u32 s3, s0;
	s1 =	sshll.u32 s1, $0x11  }
0xc1: {  	s0 =	sor.u32 s1, s0  }
0xc2: {  	s0 =	sadd.s32 $0x8F2B, s0  }
0xc3: {  	[sflag:s0] =	ssyncadd.remote.s32 $0x1  }
0xc4: {  	_ =	sfence.sel $0xFFFF  }
0xc5: {  	[dreg:$0x0] =	wrdreg $0xFFFFFFFF;
	(pc) =	sbr.abs _section_cstart, $3  }
0xc6: {  	[dreg:$0x1] =	wrdreg $0xFFFFFFFF  }
0xc7: {  	_ =	task.clear_ibuf [dreg:s7], $0x2FFFF;
	_ =	strace $0x9FFFFFFF  }
0xc8: {  	(tm) =	ssettm $0x7FFFFFFF  }
0xc9: {  	_ =	shalt  }
tec
execute0_lowered:
.L_overlay_start_1:
0x0: {  	(tag) =	ssettag $0x1  }
0x1: {  	s2 =	rddreg [dreg:$0x0];
	s0 =	srdreg.scid  }
0x2: {  	s3 =	stileid.u32;
	s1 =	rddreg [dreg:$0x1]  }
0x3: {  	s12 =	simm.s32 $0xB;
	s14 =	simm.s32 $0x28;
	s15 =	simm.s32 $0x2800  }
0x4: {  	s17 =	simm.s32 $0x3C00;
	s21 =	simm.s32 $0x5000;
	s28 =	simm.s32 $0x7800  }
0x5: {  	s29 =	simm.s32 $0xDC00;
	s30 =	simm.s32 $0x2;
	s31 =	simm.s32 $0x3  }
0x6: {  	s20 =	simm.s32 $0x9;
	s22 =	simm.s32 $0xA;
	s23 =	simm.s32 $0x0  }
0x7: {  	s0 =	sand.u32 $0x1, s0;
	s4 =	sshll.u32 s3, $0x1;
	s3 =	simm.s32 $0x0  }
0x8: {  	s5 =	sadd.s32 $0x16E00, s1;
	s4 =	sor.u32 s0, s4;
	s0 =	ssub.s32 $0x2, s0  }
0x9: {  	[smem:$0x7FF] =	sst s3;
	s4 =	smul.u32 $0x1388, s4;
	s24 =	sshrl.u32 s0, $0x1  }
0xa: {  	_ =	strace $0x80000047;
	s0 =	ssub.s32 s0, s24;
	s24 =	simm.s32 $0x6400  }
0xb: {  	s6 =	sshrl.u32 s4, $0x3;
	s9 =	sadd.s32 $0x28, s4;
	s10 =	sadd.s32 $0x50, s4  }
0xc: {  	s0 =	smax.u32 s0, $0x1;
	s7 =	sadd.s32 s6, s1;
	s6 =	sadd.s32 $0x3E000, s1  }
0xd: {  	[dreg:$0x5] =	wrdreg s0;
	s1 =	simm.s32 $0x4;
	s25 =	sadd.s32 $0x3200, s7  }
0xe: {  	s0 =	simm.s32 $0x5;
	s26 =	sadd.s32 $0xD000, s7;
	[dreg:$0x3] =	wrdreg s25  }
0xf: {  	[dreg:$0x4] =	wrdreg s26;
	s25 =	simm.s32 $0xC800;
	s26 =	simm.s32 $0x1  }
.LBB2_1:
0x10: {  	s7 =	rddreg [dreg:$0x3]  }
0x11: {  	[tilespmem:s3], [sflag:$0xB] =	stream.linear.gather [hbm4b:s7+s3], $0x1388, $0x38;
	[tilespmem:$0xF000] =	vst v63  }
0x12: {  	_ =	swait.ge [sflag:s12], $0x1388  }
0x13: {  	[sflag:s12] =	ssyncset.done $0x0  }
0x14: {  	s8 =	simm.s32 $0x1400;
	s18 =	rddreg [dreg:$0x4];
	[sflag:s12] =	ssyncadd.s32 $0xFFFFEC78  }
0x15: {  	[tilespmem:s8], [sflag:$0xB] =	stream.linear.gather [hbm4b:s18+s3], $0x1388, $0x38;
	[tilespmem:$0xF000] =	vst v63  }
0x16: {  	_ =	swait.ge [sflag:s12], $0x1388  }
0x17: {  	[sflag:s12] =	ssyncset.done $0x0  }
0x18: {  	[sflag:s12] =	ssyncadd.s32 $0xFFFFEC78  }
0x19: {  	[tilespmem:s15], [sflag:$0x1] =	stream.indirect.gather [hbm4b:s2+s14], $0x80, s3, s14, $0xb8;
	[tilespmem:$0xF000] =	vst v63  }
0x1a: {  	s19 =	simm.s32 $0x8C00  }
0x1b: {  	[tilespmem:s19], [sflag:$0x1] =	stream.indirect.gather [hbm4b:s5+s14], $0x80, s8, s14, $0xb8;
	[tilespmem:$0xF000] =	vst v63  }
0x1c: {  	_ = 	snop  }
0x1d: {  	[tilespmem:s17], [sflag:$0x2] =	stream.indirect.gather [hbm4b:s2+s14], $0x80, s14, s14, $0xb8;
	[tilespmem:$0xF000] =	vst v63  }
0x1e: {  	s11 =	simm.s32 $0x1428;
	s13 =	simm.s32 $0xA000  }
0x1f: {  	[tilespmem:s13], [sflag:$0x2] =	stream.indirect.gather [hbm4b:s5+s14], $0x80, s11, s14, $0xb8;
	[tilespmem:$0xF000] =	vst v63  }
0x20: {  	s16 =	simm.s32 $0x50  }
0x21: {  	[tilespmem:s21], [sflag:$0x3] =	stream.indirect.gather [hbm4b:s2+s14], $0x80, s16, s14, $0xb8;
	[tilespmem:$0xF000] =	vst v63  }
0x22: {  	s18 =	simm.s32 $0x1450;
	s19 =	simm.s32 $0xB400;
	s13 =	simm.s32 $0x0  }
0x23: {  	[tilespmem:s19], [sflag:$0x3] =	stream.indirect.gather [hbm4b:s5+s14], $0x80, s18, s14, $0xb8;
	[tilespmem:$0xF000] =	vst v63  }
.LBB2_2:
0x24: {  	p0 =	seq.s32 s13, $0x0  }
0x25: {  	s8 =	simm.s32 @!p0 $0x9  }
0x26: {  	s7 =	smul.u32 $0xC8, s13;
	_ =	swait.ge @!p0 [sflag:s8], $0x1400  }
0x27: {  	[sflag:s8] =	ssyncset.done @!p0 $0x0  }
0x28: {  	s11 =	sadd.s32 $0x78, s7;
	[sflag:s8] =	ssyncadd.s32 @!p0 $0xFFFFEC00  }
0x29: {  	[tilespmem:s24], [sflag:$0x4] =	stream.indirect.gather [hbm4b:s2+s14], $0x80, s11, s14, $0xb8;
	[tilespmem:$0xF000] =	vst v63  }
0x2a: {  	s19 =	sadd.s32 $0x1478, s7  }
0x2b: {  	[tilespmem:s25], [sflag:$0x4] =	stream.indirect.gather [hbm4b:s5+s14], $0x80, s19, s14, $0xb8;
	[tilespmem:$0xF000] =	vst v63  }
0x2c: {  	_ =	swait.ge [sflag:s26], $0x1400  }
0x2d: {  	[sflag:s26] =	ssyncset.done $0x0  }
0x2e: {  	[sflag:s26] =	ssyncadd.s32 $0xFFFFEC00  }
0x2f: {  	_ =	swait.ge [sflag:s26], $0x1400  }
0x30: {  	[sflag:s26] =	ssyncset.done $0x0  }
0x31: {  	s16 =	simm.s32 $0x200;
	s8 =	simm.s32 $0x0;
	[sflag:s26] =	ssyncadd.s32 $0xFFFFEC00  }
.LBB2_3:
0x32: {  	p1 =	sne.s32 s16, $0x4E00;
	v0 =	vld [tilespmem:s8+$0x8C70]  }
0x33: {  	v1 =	vld [tilespmem:s8+$0x8C00]  }
0x34: {  	v2 =	vld [tilespmem:s8+$0x8C10]  }
0x35: {  	v3 =	vld [tilespmem:s8+$0x8C20]  }
0x36: {  	v4 =	vld [tilespmem:s8+$0x8C30]  }
0x37: {  	[tilespmem:s8+$0x2870] =	vst.add.f32.msk $0xffff, v0  }
0x38: {  	v0 =	vld [tilespmem:s8+$0x8C40]  }
0x39: {  	v5 =	vld [tilespmem:s8+$0x8C50]  }
0x3a: {  	v6 =	vld [tilespmem:s8+$0x8C60]  }
0x3b: {  	[tilespmem:s8+$0x2800] =	vst.add.f32.msk $0xffff, v1  }
0x3c: {  	[tilespmem:s8+$0x2810] =	vst.add.f32.msk $0xffff, v2  }
.Ltmp0:
0x3d: {  	[tilespmem:s8+$0x2820] =	vst.add.f32.msk $0xffff, v3;
	(pc) =	sbr.rel @p1 .LBB2_3-.Ltmp0, $4  }
0x3e: {  	[tilespmem:s8+$0x2830] =	vst.add.f32.msk $0xffff, v4  }
0x3f: {  	[tilespmem:s8+$0x2840] =	vst.add.f32.msk $0xffff, v0  }
0x40: {  	[tilespmem:s8+$0x2850] =	vst.add.f32.msk $0xffff, v5  }
0x41: {  	[tilespmem:s8+$0x2860] =	vst.add.f32.msk $0xffff, v6;
	s8 =	sshra.s32 s16, $0x2;
	s16 =	sadd.s32 $0x200, s16  }
0x42: {  	v0 =	vld [tilespmem:s8+$0x8C70]  }
0x43: {  	v1 =	vld [tilespmem:s8+$0x8C00]  }
0x44: {  	v2 =	vld [tilespmem:s8+$0x8C10]  }
0x45: {  	v3 =	vld [tilespmem:s8+$0x8C20]  }
0x46: {  	v4 =	vld [tilespmem:s8+$0x8C30]  }
0x47: {  	v63 =	vld [tilespmem:s8+$0x8C40]  }
0x48: {  	v5 =	vld [tilespmem:s8+$0x8C50]  }
0x49: {  	v6 =	vld [tilespmem:s8+$0x8C60]  }
0x4a: {  	[tilespmem:s8+$0x2870] =	vst.add.f32.msk $0xffff, v0  }
0x4b: {  	[tilespmem:s8+$0x2800] =	vst.add.f32.msk $0xffff, v1  }
0x4c: {  	[tilespmem:s8+$0x2810] =	vst.add.f32.msk $0xffff, v2  }
0x4d: {  	[tilespmem:s8+$0x2820] =	vst.add.f32.msk $0xffff, v3  }
0x4e: {  	[tilespmem:s8+$0x2830] =	vst.add.f32.msk $0xffff, v4  }
0x4f: {  	s16 =	sadd.s32 s4, s7;
	[tilespmem:s8+$0x2840] =	vst.add.f32.msk $0xffff, v63  }
0x50: {  	s16 =	sshll.u32 s16, $0x4;
	[tilespmem:s8+$0x2850] =	vst.add.f32.msk $0xffff, v5  }
0x51: {  	s18 =	sadd.s32 s6, s16;
	[tilespmem:s8+$0x2860] =	vst.add.f32.msk $0xffff, v6;
	s8 =	simm.s32 @!p0 $0xA  }
0x52: {  	[hbm4b:s18+s3] =	stream.linear.scatter [tilespmem:s15], [sflag:$0x6], $0x1400, $0x38;
	[tilespmem:$0xF000] =	vst v63  }
0x53: {  	_ =	swait.ge @!p0 [sflag:s8], $0x1400  }
0x54: {  	[sflag:s8] =	ssyncset.done @!p0 $0x0  }
0x55: {  	[sflag:s8] =	ssyncadd.s32 @!p0 $0xFFFFEC00;
	s8 =	sadd.s32 $0xA0, s7  }
0x56: {  	[tilespmem:s28], [sflag:$0x5] =	stream.indirect.gather [hbm4b:s2+s14], $0x80, s8, s14, $0xb8;
	[tilespmem:$0xF000] =	vst v63  }
0x57: {  	s19 =	sadd.s32 $0x14A0, s7  }
0x58: {  	[tilespmem:s29], [sflag:$0x5] =	stream.indirect.gather [hbm4b:s5+s14], $0x80, s19, s14, $0xb8;
	[tilespmem:$0xF000] =	vst v63  }
0x59: {  	_ =	swait.ge [sflag:s30], $0x1400  }
0x5a: {  	[sflag:s30] =	ssyncset.done $0x0  }
0x5b: {  	[sflag:s30] =	ssyncadd.s32 $0xFFFFEC00  }
0x5c: {  	_ =	swait.ge [sflag:s30], $0x1400  }
0x5d: {  	[sflag:s30] =	ssyncset.done $0x0  }
0x5e: {  	s16 =	simm.s32 $0x0;
	s18 =	simm.s32 $0x200;
	[sflag:s30] =	ssyncadd.s32 $0xFFFFEC00  }
.LBB2_5:
0x5f: {  	p0 =	sne.s32 s18, $0x4E00;
	v0 =	vld [tilespmem:s16+$0xA070]  }
0x60: {  	v1 =	vld [tilespmem:s16+$0xA000]  }
0x61: {  	v2 =	vld [tilespmem:s16+$0xA010]  }
0x62: {  	v3 =	vld [tilespmem:s16+$0xA020]  }
0x63: {  	v4 =	vld [tilespmem:s16+$0xA030]  }
0x64: {  	[tilespmem:s16+$0x3C70] =	vst.add.f32.msk $0xffff, v0  }
0x65: {  	v0 =	vld [tilespmem:s16+$0xA040]  }
0x66: {  	v5 =	vld [tilespmem:s16+$0xA050]  }
0x67: {  	v6 =	vld [tilespmem:s16+$0xA060]  }
0x68: {  	[tilespmem:s16+$0x3C00] =	vst.add.f32.msk $0xffff, v1  }
0x69: {  	[tilespmem:s16+$0x3C10] =	vst.add.f32.msk $0xffff, v2  }
.Ltmp1:
0x6a: {  	[tilespmem:s16+$0x3C20] =	vst.add.f32.msk $0xffff, v3;
	(pc) =	sbr.rel @p0 .LBB2_5-.Ltmp1, $4  }
0x6b: {  	[tilespmem:s16+$0x3C30] =	vst.add.f32.msk $0xffff, v4  }
0x6c: {  	[tilespmem:s16+$0x3C40] =	vst.add.f32.msk $0xffff, v0  }
0x6d: {  	[tilespmem:s16+$0x3C50] =	vst.add.f32.msk $0xffff, v5  }
0x6e: {  	[tilespmem:s16+$0x3C60] =	vst.add.f32.msk $0xffff, v6;
	s16 =	sshra.s32 s18, $0x2;
	s18 =	sadd.s32 $0x200, s18  }
0x6f: {  	v0 =	vld [tilespmem:s16+$0xA070]  }
0x70: {  	v1 =	vld [tilespmem:s16+$0xA000]  }
0x71: {  	v2 =	vld [tilespmem:s16+$0xA010]  }
0x72: {  	v3 =	vld [tilespmem:s16+$0xA020]  }
0x73: {  	v4 =	vld [tilespmem:s16+$0xA030]  }
0x74: {  	v63 =	vld [tilespmem:s16+$0xA040]  }
0x75: {  	v5 =	vld [tilespmem:s16+$0xA050]  }
0x76: {  	v6 =	vld [tilespmem:s16+$0xA060]  }
0x77: {  	[tilespmem:s16+$0x3C70] =	vst.add.f32.msk $0xffff, v0  }
0x78: {  	[tilespmem:s16+$0x3C00] =	vst.add.f32.msk $0xffff, v1  }
0x79: {  	[tilespmem:s16+$0x3C10] =	vst.add.f32.msk $0xffff, v2  }
0x7a: {  	[tilespmem:s16+$0x3C20] =	vst.add.f32.msk $0xffff, v3  }
0x7b: {  	[tilespmem:s16+$0x3C30] =	vst.add.f32.msk $0xffff, v4  }
0x7c: {  	s18 =	sadd.s32 s7, s9;
	[tilespmem:s16+$0x3C40] =	vst.add.f32.msk $0xffff, v63  }
0x7d: {  	p0 =	seq.s32 s13, $0x18;
	s18 =	sshll.u32 s18, $0x4;
	[tilespmem:s16+$0x3C50] =	vst.add.f32.msk $0xffff, v5  }
0x7e: {  	s19 =	sadd.s32 s6, s18;
	[tilespmem:s16+$0x3C60] =	vst.add.f32.msk $0xffff, v6;
	s16 =	simm.s32 @!p0 $0x6  }
0x7f: {  	[hbm4b:s19+s3] =	stream.linear.scatter [tilespmem:s17], [sflag:$0x7], $0x1400, $0x38;
	[tilespmem:$0xF000] =	vst v63  }
0x80: {  	_ =	swait.ge @!p0 [sflag:s16], $0x1400  }
0x81: {  	s18 =	simm.s32 @!p0 $0x28;
	[sflag:s16] =	ssyncset.done @!p0 $0x0  }
0x82: {  	s19 =	simm.s32 @!p0 $0x2800;
	[sflag:s16] =	ssyncadd.s32 @!p0 $0xFFFFEC00;
	s16 =	sadd.s32 @!p0 $0xC8, s7  }
0x83: {  	[tilespmem:s19], [sflag:$0x1] =	stream.indirect.gather @!p0 [hbm4b:s2+s18], $0x80, s16, s18, $0xb8;
	[tilespmem:$0xF000] =	vst v63  }
0x84: {  	s16 =	sadd.s32 @!p0 $0x14C8, s7;
	s19 =	simm.s32 @!p0 $0x8C00  }
0x85: {  	[tilespmem:s19], [sflag:$0x1] =	stream.indirect.gather @!p0 [hbm4b:s5+s18], $0x80, s16, s18, $0xb8;
	[tilespmem:$0xF000] =	vst v63  }
0x86: {  	_ =	swait.ge [sflag:s31], $0x1400  }
0x87: {  	[sflag:s31] =	ssyncset.done $0x0  }
0x88: {  	[sflag:s31] =	ssyncadd.s32 $0xFFFFEC00  }
0x89: {  	_ =	swait.ge [sflag:s31], $0x1400  }
0x8a: {  	[sflag:s31] =	ssyncset.done $0x0  }
0x8b: {  	s16 =	simm.s32 $0x0;
	s18 =	simm.s32 $0x200;
	[sflag:s31] =	ssyncadd.s32 $0xFFFFEC00  }
.LBB2_7:
0x8c: {  	p1 =	sne.s32 s18, $0x4E00;
	v0 =	vld [tilespmem:s16+$0xB470]  }
0x8d: {  	v1 =	vld [tilespmem:s16+$0xB400]  }
0x8e: {  	v2 =	vld [tilespmem:s16+$0xB410]  }
0x8f: {  	v3 =	vld [tilespmem:s16+$0xB420]  }
0x90: {  	v4 =	vld [tilespmem:s16+$0xB430]  }
0x91: {  	[tilespmem:s16+$0x5070] =	vst.add.f32.msk $0xffff, v0  }
0x92: {  	v0 =	vld [tilespmem:s16+$0xB440]  }
0x93: {  	v5 =	vld [tilespmem:s16+$0xB450]  }
0x94: {  	v6 =	vld [tilespmem:s16+$0xB460]  }
0x95: {  	[tilespmem:s16+$0x5000] =	vst.add.f32.msk $0xffff, v1  }
0x96: {  	[tilespmem:s16+$0x5010] =	vst.add.f32.msk $0xffff, v2  }
.Ltmp2:
0x97: {  	[tilespmem:s16+$0x5020] =	vst.add.f32.msk $0xffff, v3;
	(pc) =	sbr.rel @p1 .LBB2_7-.Ltmp2, $4  }
0x98: {  	[tilespmem:s16+$0x5030] =	vst.add.f32.msk $0xffff, v4  }
0x99: {  	[tilespmem:s16+$0x5040] =	vst.add.f32.msk $0xffff, v0  }
0x9a: {  	[tilespmem:s16+$0x5050] =	vst.add.f32.msk $0xffff, v5  }
0x9b: {  	[tilespmem:s16+$0x5060] =	vst.add.f32.msk $0xffff, v6;
	s16 =	sshra.s32 s18, $0x2;
	s18 =	sadd.s32 $0x200, s18  }
0x9c: {  	v0 =	vld [tilespmem:s16+$0xB470]  }
0x9d: {  	v1 =	vld [tilespmem:s16+$0xB400]  }
0x9e: {  	v2 =	vld [tilespmem:s16+$0xB410]  }
0x9f: {  	v3 =	vld [tilespmem:s16+$0xB420]  }
0xa0: {  	v4 =	vld [tilespmem:s16+$0xB430]  }
0xa1: {  	v63 =	vld [tilespmem:s16+$0xB440]  }
0xa2: {  	v5 =	vld [tilespmem:s16+$0xB450]  }
0xa3: {  	v6 =	vld [tilespmem:s16+$0xB460]  }
0xa4: {  	[tilespmem:s16+$0x5070] =	vst.add.f32.msk $0xffff, v0  }
0xa5: {  	[tilespmem:s16+$0x5000] =	vst.add.f32.msk $0xffff, v1  }
0xa6: {  	[tilespmem:s16+$0x5010] =	vst.add.f32.msk $0xffff, v2  }
0xa7: {  	[tilespmem:s16+$0x5020] =	vst.add.f32.msk $0xffff, v3  }
0xa8: {  	[tilespmem:s16+$0x5030] =	vst.add.f32.msk $0xffff, v4  }
0xa9: {  	s18 =	sadd.s32 s7, s10;
	[tilespmem:s16+$0x5040] =	vst.add.f32.msk $0xffff, v63  }
0xaa: {  	s18 =	sshll.u32 s18, $0x4;
	[tilespmem:s16+$0x5050] =	vst.add.f32.msk $0xffff, v5  }
0xab: {  	s19 =	sadd.s32 s6, s18;
	[tilespmem:s16+$0x5060] =	vst.add.f32.msk $0xffff, v6;
	s16 =	simm.s32 @!p0 $0x7  }
0xac: {  	[hbm4b:s19+s3] =	stream.linear.scatter [tilespmem:s21], [sflag:$0x8], $0x1400, $0x38;
	[tilespmem:$0xF000] =	vst v63  }
0xad: {  	_ =	swait.ge @!p0 [sflag:s16], $0x1400  }
0xae: {  	s18 =	simm.s32 @!p0 $0x28;
	[sflag:s16] =	ssyncset.done @!p0 $0x0  }
0xaf: {  	s19 =	simm.s32 @!p0 $0x3C00;
	[sflag:s16] =	ssyncadd.s32 @!p0 $0xFFFFEC00;
	s16 =	sadd.s32 @!p0 $0xF0, s7  }
0xb0: {  	[tilespmem:s19], [sflag:$0x2] =	stream.indirect.gather @!p0 [hbm4b:s2+s18], $0x80, s16, s18, $0xb8;
	[tilespmem:$0xF000] =	vst v63  }
0xb1: {  	s16 =	sadd.s32 @!p0 $0x14F0, s7;
	s19 =	simm.s32 @!p0 $0xA000  }
0xb2: {  	[tilespmem:s19], [sflag:$0x2] =	stream.indirect.gather @!p0 [hbm4b:s5+s18], $0x80, s16, s18, $0xb8;
	[tilespmem:$0xF000] =	vst v63  }
0xb3: {  	_ =	swait.ge [sflag:s1], $0x1400  }
0xb4: {  	[sflag:s1] =	ssyncset.done $0x0  }
0xb5: {  	[sflag:s1] =	ssyncadd.s32 $0xFFFFEC00  }
0xb6: {  	_ =	swait.ge [sflag:s1], $0x1400  }
0xb7: {  	[sflag:s1] =	ssyncset.done $0x0  }
0xb8: {  	s16 =	simm.s32 $0x0;
	s18 =	simm.s32 $0x200;
	[sflag:s1] =	ssyncadd.s32 $0xFFFFEC00  }
.LBB2_9:
0xb9: {  	p1 =	sne.s32 s18, $0x4E00;
	v0 =	vld [tilespmem:s16+$0xC870]  }
0xba: {  	v1 =	vld [tilespmem:s16+$0xC800]  }
0xbb: {  	v2 =	vld [tilespmem:s16+$0xC810]  }
0xbc: {  	v3 =	vld [tilespmem:s16+$0xC820]  }
0xbd: {  	v4 =	vld [tilespmem:s16+$0xC830]  }
0xbe: {  	[tilespmem:s16+$0x6470] =	vst.add.f32.msk $0xffff, v0  }
0xbf: {  	v0 =	vld [tilespmem:s16+$0xC840]  }
0xc0: {  	v5 =	vld [tilespmem:s16+$0xC850]  }
0xc1: {  	v6 =	vld [tilespmem:s16+$0xC860]  }
0xc2: {  	[tilespmem:s16+$0x6400] =	vst.add.f32.msk $0xffff, v1  }
0xc3: {  	[tilespmem:s16+$0x6410] =	vst.add.f32.msk $0xffff, v2  }
.Ltmp3:
0xc4: {  	[tilespmem:s16+$0x6420] =	vst.add.f32.msk $0xffff, v3;
	(pc) =	sbr.rel @p1 .LBB2_9-.Ltmp3, $4  }
0xc5: {  	[tilespmem:s16+$0x6430] =	vst.add.f32.msk $0xffff, v4  }
0xc6: {  	[tilespmem:s16+$0x6440] =	vst.add.f32.msk $0xffff, v0  }
0xc7: {  	[tilespmem:s16+$0x6450] =	vst.add.f32.msk $0xffff, v5  }
0xc8: {  	[tilespmem:s16+$0x6460] =	vst.add.f32.msk $0xffff, v6;
	s16 =	sshra.s32 s18, $0x2;
	s18 =	sadd.s32 $0x200, s18  }
0xc9: {  	v0 =	vld [tilespmem:s16+$0xC870]  }
0xca: {  	v1 =	vld [tilespmem:s16+$0xC800]  }
0xcb: {  	v2 =	vld [tilespmem:s16+$0xC810]  }
0xcc: {  	v3 =	vld [tilespmem:s16+$0xC820]  }
0xcd: {  	v4 =	vld [tilespmem:s16+$0xC830]  }
0xce: {  	v63 =	vld [tilespmem:s16+$0xC840]  }
0xcf: {  	v5 =	vld [tilespmem:s16+$0xC850]  }
0xd0: {  	v6 =	vld [tilespmem:s16+$0xC860]  }
0xd1: {  	[tilespmem:s16+$0x6470] =	vst.add.f32.msk $0xffff, v0  }
0xd2: {  	[tilespmem:s16+$0x6400] =	vst.add.f32.msk $0xffff, v1  }
0xd3: {  	[tilespmem:s16+$0x6410] =	vst.add.f32.msk $0xffff, v2  }
0xd4: {  	[tilespmem:s16+$0x6420] =	vst.add.f32.msk $0xffff, v3  }
0xd5: {  	[tilespmem:s16+$0x6430] =	vst.add.f32.msk $0xffff, v4  }
0xd6: {  	s11 =	sadd.s32 s4, s11;
	[tilespmem:s16+$0x6440] =	vst.add.f32.msk $0xffff, v63  }
0xd7: {  	s11 =	sshll.u32 s11, $0x4;
	[tilespmem:s16+$0x6450] =	vst.add.f32.msk $0xffff, v5  }
0xd8: {  	s11 =	sadd.s32 s6, s11;
	[tilespmem:s16+$0x6460] =	vst.add.f32.msk $0xffff, v6  }
0xd9: {  	[hbm4b:s11+s3] =	stream.linear.scatter [tilespmem:s24], [sflag:$0x9], $0x1400, $0x38;
	[tilespmem:$0xF000] =	vst v63  }
0xda: {  	s11 =	simm.s32 @!p0 $0x8  }
0xdb: {  	_ =	swait.ge @!p0 [sflag:s11], $0x1400  }
0xdc: {  	s18 =	simm.s32 @!p0 $0x5000;
	[sflag:s11] =	ssyncset.done @!p0 $0x0  }
0xdd: {  	s16 =	simm.s32 @!p0 $0x28;
	[sflag:s11] =	ssyncadd.s32 @!p0 $0xFFFFEC00;
	s11 =	sadd.s32 @!p0 $0x118, s7  }
0xde: {  	[tilespmem:s18], [sflag:$0x3] =	stream.indirect.gather @!p0 [hbm4b:s2+s16], $0x80, s11, s16, $0xb8;
	[tilespmem:$0xF000] =	vst v63  }
0xdf: {  	s7 =	sadd.s32 @!p0 $0x1518, s7;
	s11 =	simm.s32 @!p0 $0xB400  }
0xe0: {  	[tilespmem:s11], [sflag:$0x3] =	stream.indirect.gather @!p0 [hbm4b:s5+s16], $0x80, s7, s16, $0xb8;
	[tilespmem:$0xF000] =	vst v63  }
0xe1: {  	_ =	swait.ge [sflag:s0], $0x1400  }
0xe2: {  	[sflag:s0] =	ssyncset.done $0x0  }
0xe3: {  	[sflag:s0] =	ssyncadd.s32 $0xFFFFEC00  }
0xe4: {  	_ =	swait.ge [sflag:s0], $0x1400  }
0xe5: {  	[sflag:s0] =	ssyncset.done $0x0  }
0xe6: {  	s7 =	simm.s32 $0x0;
	s11 =	simm.s32 $0x200;
	[sflag:s0] =	ssyncadd.s32 $0xFFFFEC00  }
.LBB2_11:
0xe7: {  	p0 =	sne.s32 s11, $0x4E00;
	v0 =	vld [tilespmem:s7+$0xDC70]  }
0xe8: {  	v1 =	vld [tilespmem:s7+$0xDC00]  }
0xe9: {  	v2 =	vld [tilespmem:s7+$0xDC10]  }
0xea: {  	v3 =	vld [tilespmem:s7+$0xDC20]  }
0xeb: {  	v4 =	vld [tilespmem:s7+$0xDC30]  }
0xec: {  	[tilespmem:s7+$0x7870] =	vst.add.f32.msk $0xffff, v0  }
0xed: {  	v0 =	vld [tilespmem:s7+$0xDC40]  }
0xee: {  	v5 =	vld [tilespmem:s7+$0xDC50]  }
0xef: {  	v6 =	vld [tilespmem:s7+$0xDC60]  }
0xf0: {  	[tilespmem:s7+$0x7800] =	vst.add.f32.msk $0xffff, v1  }
0xf1: {  	[tilespmem:s7+$0x7810] =	vst.add.f32.msk $0xffff, v2  }
.Ltmp4:
0xf2: {  	[tilespmem:s7+$0x7820] =	vst.add.f32.msk $0xffff, v3;
	(pc) =	sbr.rel @p0 .LBB2_11-.Ltmp4, $4  }
0xf3: {  	[tilespmem:s7+$0x7830] =	vst.add.f32.msk $0xffff, v4  }
0xf4: {  	[tilespmem:s7+$0x7840] =	vst.add.f32.msk $0xffff, v0  }
0xf5: {  	[tilespmem:s7+$0x7850] =	vst.add.f32.msk $0xffff, v5  }
0xf6: {  	[tilespmem:s7+$0x7860] =	vst.add.f32.msk $0xffff, v6;
	s7 =	sshra.s32 s11, $0x2;
	s11 =	sadd.s32 $0x200, s11  }
0xf7: {  	v0 =	vld [tilespmem:s7+$0xDC70]  }
0xf8: {  	v1 =	vld [tilespmem:s7+$0xDC00]  }
0xf9: {  	v2 =	vld [tilespmem:s7+$0xDC10]  }
0xfa: {  	v3 =	vld [tilespmem:s7+$0xDC20]  }
0xfb: {  	v4 =	vld [tilespmem:s7+$0xDC30]  }
0xfc: {  	v63 =	vld [tilespmem:s7+$0xDC40]  }
0xfd: {  	v5 =	vld [tilespmem:s7+$0xDC50]  }
0xfe: {  	v6 =	vld [tilespmem:s7+$0xDC60]  }
0xff: {  	[tilespmem:s7+$0x7870] =	vst.add.f32.msk $0xffff, v0  }
0x100: {  	[tilespmem:s7+$0x7800] =	vst.add.f32.msk $0xffff, v1  }
0x101: {  	s13 =	sadd.s32 $0x1, s13;
	[tilespmem:s7+$0x7810] =	vst.add.f32.msk $0xffff, v2  }
0x102: {  	p0 =	sne.s32 s13, $0x19;
	[tilespmem:s7+$0x7820] =	vst.add.f32.msk $0xffff, v3  }
.Ltmp5:
0x103: {  	[tilespmem:s7+$0x7830] =	vst.add.f32.msk $0xffff, v4;
	(pc) =	sbr.rel @p0 .LBB2_2-.Ltmp5, $4  }
0x104: {  	s8 =	sadd.s32 s4, s8;
	[tilespmem:s7+$0x7840] =	vst.add.f32.msk $0xffff, v63  }
0x105: {  	s8 =	sshll.u32 s8, $0x4;
	[tilespmem:s7+$0x7850] =	vst.add.f32.msk $0xffff, v5  }
0x106: {  	s19 =	sadd.s32 s6, s8;
	[tilespmem:s7+$0x7860] =	vst.add.f32.msk $0xffff, v6  }
0x107: {  	[hbm4b:s19+s3] =	stream.linear.scatter [tilespmem:s28], [sflag:$0xA], $0x1400, $0x38;
	[tilespmem:$0xF000] =	vst v63  }
0x108: {  	s7 =	simm.s32 $0x6  }
0x109: {  	_ =	swait.ge [sflag:s7], $0x1400  }
0x10a: {  	[sflag:s7] =	ssyncset.done $0x0  }
0x10b: {  	s16 =	simm.s32 $0x7;
	[sflag:s7] =	ssyncadd.s32 $0xFFFFEC00  }
0x10c: {  	_ =	swait.ge [sflag:s16], $0x1400  }
0x10d: {  	[sflag:s16] =	ssyncset.done $0x0  }
0x10e: {  	s18 =	simm.s32 $0x8;
	[sflag:s16] =	ssyncadd.s32 $0xFFFFEC00  }
0x10f: {  	_ =	swait.ge [sflag:s18], $0x1400  }
0x110: {  	[sflag:s18] =	ssyncset.done $0x0  }
0x111: {  	[sflag:s18] =	ssyncadd.s32 $0xFFFFEC00  }
0x112: {  	_ =	swait.ge [sflag:s20], $0x1400  }
0x113: {  	[sflag:s20] =	ssyncset.done $0x0  }
0x114: {  	[sflag:s20] =	ssyncadd.s32 $0xFFFFEC00  }
0x115: {  	_ =	swait.ge [sflag:s22], $0x1400  }
0x116: {  	s23 =	sadd.s32 $0x1, s23;
	s19 =	rddreg [dreg:$0x5]  }
0x117: {  	p0 =	sne.s32 s23, s19  }
.Ltmp6:
0x118: {  	_ = 	snop;
	(pc) =	sbr.rel @p0 .LBB2_1-.Ltmp6, $3  }
0x119: {  	_ =	sdelay $0x1  }
0x11a: {  	[sflag:s22] =	ssyncset.done $0x0  }
0x11b: {  	[sflag:s22] =	ssyncadd.s32 $0xFFFFEC00  }
0x11c: {  	_ =	sfence.sel $0x180000  }
0x11d: {  	[bflag:$0x0] =	sbarrier.arrive $0xFFFF  }
0x11e: {  	_ =	strace $0x90000047  }
0x11f: {  	s0 =	stileid.u32;
	[bflag:$0x2] =	sbarrier.arrive $0xFFFF  }
0x120: {  	p0 =	sne.s32 s0, $0x0;
	s0 =	rddreg [dreg:$0x2]  }
0x121: {  	s0 =	sadd.s32 @!p0 $0x100000, s0  }
0x122: {  	[sflag:s0] =	ssyncadd.tile.s32 @!p0 $0x1;
	_ =	shalt  }
.Lfunc_end2:
_tile_overlayer_lowered:
.L_overlay_start_2:
0x123: {  	(tag) =	ssettag $0x2  }
0x124: {  	s0 =	rddreg [dreg:$0x0];
	s2 =	stileid.u32  }
0x125: {  	s1 =	rddreg [dreg:$0x1];
	p0 =	sne.s32 s2, $0x0  }
0x126: {  	s3 =	rddreg [dreg:$0x2];
	[bflag:$0x3] =	sbarrier.arrive $0xFFFF;
	s2 =	simm.s32 @!p0 $0x1C0B  }
0x127: {  	[timem:s3], [sflag:s2] =	dma.local @!p0 [hbm:s0], s1  }
0x128: {  	s0 =	simm.s32 @!p0 $0xB  }
0x129: {  	_ =	swait.ge @!p0 [sflag:s0], s1  }
0x12a: {  	s1 =	ssub.s32 @!p0 $0x0, s1;
	[sflag:s0] =	ssyncset.done @!p0 $0x0  }
0x12b: {  	[sflag:s0] =	ssyncadd.s32 @!p0 s1  }
0x12c: {  	[bflag:$0x3] =	sbarrier.arrive $0xFFFF  }
0x12d: {  	_ =	shalt  }

// kernel: kernel.13.cloned.1.call-start
scs
__scs_entry_jumppad:
0x0: {  	(pc) =	sbr.rel $0x88, $3  }
0x1: {  	(tag) =	ssettag $0x0;
	lr =	simm.s32 $0x1  }
0x2: {  	[smem:$0x3F96] =	sst lr;
	_ =	strace $0xD0000000  }
0x3: {  	_ = 	snop  }
0x4: {  	_ = 	snop  }
0x5: {  	_ = 	snop  }
0x6: {  	_ = 	snop  }
0x7: {  	_ = 	snop  }
__scs_overlays_trampoline_lowered:
0x8: {  	[smem:$0x3FA5] =	sst s0  }
0x9: {  	[smem:$0x3FA6] =	sst s1  }
0xa: {  	[smem:$0x3FA7] =	sst s2  }
0xb: {  	[smem:$0x3FA8] =	sst s3  }
0xc: {  	[smem:$0x3FA9] =	sst s4  }
0xd: {  	[smem:$0x3FAA] =	sst s5  }
0xe: {  	[smem:$0x3FAB] =	sst s6  }
0xf: {  	[smem:$0x3FAC] =	sst s7  }
0x10: {  	[smem:$0x3FAD] =	sst s8  }
0x11: {  	[smem:$0x3FAE] =	sst s9;
	s0 =	simm.s32 @!p0 $0x0  }
0x12: {  	s1 =	sld [smem:$0x3F94];
	s0 =	simm.s32 @p0 $0x1  }
0x13: {  	[smem:$0x3FAF] =	sst s0;
	s0 =	simm.s32 @!p1 $0x0  }
0x14: {  	s2 =	sld [smem:$0x3F93];
	s0 =	simm.s32 @p1 $0x1  }
0x15: {  	[smem:$0x3FB0] =	sst s0;
	s0 =	simm.s32 @!p2 $0x0  }
0x16: {  	s3 =	sld [smem:$0x3FDB];
	s0 =	simm.s32 @p2 $0x1  }
0x17: {  	s4 =	simm.s32 $0x1BF5;
	[smem:$0x3FB2] =	sst s0  }
0x18: {  	s0 =	sld [smem:$0x3F95];
	_ =	swait.ge [sflag:s4], $0x0  }
0x19: {  	s7 =	sld [smem:$0x3F96]  }
0x1a: {  	s8 =	sadd.s32 $0xFFFFE003, lr  }
0x1b: {  	s9 =	sadd.s32 $0xFFFFFEF7, lr;
	s5 =	simm.s32 $0xFFFFFFFF;
	p2 =	slt.u32 s8, $0xFFFFF086  }
0x1c: {  	p1 =	slt.u32 s9, $0xF7A;
	s5 =	simm.s32 @!p2 $0x0  }
0x1d: {  	s5 =	simm.s32 @p1 $0x1;
	p0 =	seq.s32 s7, s2  }
0x1e: {  	s7 =	smul.u32 @!p0 $0xF7A, s2;
	p2 =	seq.s32 @!p0 s5, $0x0  }
0x1f: {  	s9 =	smul.u32 $0xF7A, s1;
	s8 =	simm.s32 @!p0 $0x1BF5;
	p2 =	por !p2, p0  }
0x20: {  	[sflag:s8] =	ssyncset.s32 @!p0 $0xFFFFF086;
	s6 =	sadd.s32 @!p0 s3, s7;
	s7 =	simm.s32 @!p0 $0x108  }
0x21: {  	s3 =	sadd.s32 s3, s9;
	s6 =	sadd.s32 @!p0 $0x88, s6;
	s7 =	simm.s32 @p2 $0x1082  }
0x22: {  	[simem:s7], [sflag:s8] =	dma.local @!p0 [hbm:s6], $0xF7A  }
0x23: {  	s9 =	sor.u32 $0xD0000000, s2;
	s6 =	simm.s32 $0x108;
	_ =	swait.ge @!p0 [sflag:s8], $0x0  }
0x24: {  	s3 =	sadd.s32 $0x88, s3;
	s6 =	simm.s32 @!p1 $0x1082;
	[sflag:s4] =	ssyncset.s32 $0xFFFFF086  }
0x25: {  	[simem:s6], [sflag:s4] =	dma.local [hbm:s3], $0xF7A  }
0x26: {  	[smem:$0x3F96] =	sst s1;
	(tag) =	ssettag s2;
	_ =	strace s9  }
0x27: {  	s1 =	sld [smem:$0x3FA6]  }
0x28: {  	s2 =	sld [smem:$0x3FA7]  }
0x29: {  	s4 =	sld [smem:$0x3FA9]  }
0x2a: {  	p0 =	seq.s32 s5, $0x0;
	s5 =	sld [smem:$0x3FAA]  }
0x2b: {  	s6 =	sld [smem:$0x3FAB]  }
0x2c: {  	s7 =	sld [smem:$0x3FAC]  }
0x2d: {  	s3 =	simm.s32 $0x108;
	s8 =	sld [smem:$0x3FAD]  }
0x2e: {  	s3 =	simm.s32 @!p0 $0x1082;
	s9 =	sld [smem:$0x3FAE]  }
0x2f: {  	lr =	sadd.s32 s0, s3;
	s0 =	sld [smem:$0x3FA5]  }
0x30: {  	s3 =	sld [smem:$0x3FA8]  }
0x31: {  	[smem:$0x3FB1] =	sst s10  }
0x32: {  	s10 =	sld [smem:$0x3FAF];
	_ =	sdelay $0x3  }
0x33: {  	p0 =	seq.s32 s10, $0x1;
	s10 =	sld [smem:$0x3FB1];
	_ =	sdelay $0x3  }
0x34: {  	[smem:$0x3FB1] =	sst s10  }
0x35: {  	s10 =	sld [smem:$0x3FB0];
	_ =	sdelay $0x3  }
0x36: {  	p1 =	seq.s32 s10, $0x1;
	s10 =	sld [smem:$0x3FB1];
	_ =	sdelay $0x3  }
0x37: {  	[smem:$0x3FB1] =	sst s10  }
0x38: {  	s10 =	sld [smem:$0x3FB2]  }
0x39: {  	_ = 	snop;
	(pc) =	sbr.ind lr, $3  }
0x3a: {  	_ = 	snop  }
0x3b: {  	_ = 	snop  }
0x3c: {  	p2 =	seq.s32 s10, $0x1;
	s10 =	sld [smem:$0x3FB1]  }
0x3d: {  	_ =	shalt  }
0x3e: {  	_ =	shalt  }
0x3f: {  	_ =	shalt  }
0x40: {  	_ =	shalt  }
0x41: {  	_ =	shalt  }
0x42: {  	_ =	shalt  }
0x43: {  	_ =	shalt  }
0x44: {  	_ =	shalt  }
0x45: {  	_ =	shalt  }
0x46: {  	_ =	shalt  }
0x47: {  	_ =	shalt  }
0x48: {  	_ =	shalt  }
0x49: {  	_ =	shalt  }
0x4a: {  	_ =	shalt  }
0x4b: {  	_ =	shalt  }
0x4c: {  	_ =	shalt  }
0x4d: {  	_ =	shalt  }
0x4e: {  	_ =	shalt  }
0x4f: {  	_ =	shalt  }
0x50: {  	_ =	shalt  }
0x51: {  	_ =	shalt  }
0x52: {  	_ =	shalt  }
0x53: {  	_ =	shalt  }
0x54: {  	_ =	shalt  }
0x55: {  	_ =	shalt  }
0x56: {  	_ =	shalt  }
0x57: {  	_ =	shalt  }
0x58: {  	_ =	shalt  }
0x59: {  	_ =	shalt  }
0x5a: {  	_ =	shalt  }
0x5b: {  	_ =	shalt  }
0x5c: {  	_ =	shalt  }
0x5d: {  	_ =	shalt  }
0x5e: {  	_ =	shalt  }
0x5f: {  	_ =	shalt  }
0x60: {  	_ =	shalt  }
0x61: {  	_ =	shalt  }
0x62: {  	_ =	shalt  }
0x63: {  	_ =	shalt  }
0x64: {  	_ =	shalt  }
0x65: {  	_ =	shalt  }
0x66: {  	_ =	shalt  }
0x67: {  	_ =	shalt  }
0x68: {  	_ =	shalt  }
0x69: {  	_ =	shalt  }
0x6a: {  	_ =	shalt  }
0x6b: {  	_ =	shalt  }
0x6c: {  	_ =	shalt  }
0x6d: {  	_ =	shalt  }
0x6e: {  	_ =	shalt  }
0x6f: {  	_ =	shalt  }
0x70: {  	_ =	shalt  }
0x71: {  	_ =	shalt  }
0x72: {  	_ =	shalt  }
0x73: {  	_ =	shalt  }
0x74: {  	_ =	shalt  }
0x75: {  	_ =	shalt  }
0x76: {  	_ =	shalt  }
0x77: {  	_ =	shalt  }
0x78: {  	_ =	shalt  }
0x79: {  	_ =	shalt  }
0x7a: {  	_ =	shalt  }
0x7b: {  	_ =	shalt  }
0x7c: {  	_ =	shalt  }
0x7d: {  	_ =	shalt  }
0x7e: {  	_ =	shalt  }
0x7f: {  	_ =	shalt  }
0x80: {  	_ =	shalt  }
0x81: {  	_ =	shalt  }
0x82: {  	_ =	shalt  }
0x83: {  	_ =	shalt  }
0x84: {  	_ =	shalt  }
0x85: {  	_ =	shalt  }
0x86: {  	_ =	shalt  }
0x87: {  	_ =	shalt  }
.Lfunc_end0:
.L_simem_size_0:
called_computation.1_lowered:
.L_overlay_start_0:
0x88: {  	s2 =	sld [smem:$0x3FD9]  }
0x89: {  	s3 =	sld [smem:$0x3FFE];
	_ =	sdelay $0x1  }
0x8a: {  	s1 =	srdreg.scid  }
0x8b: {  	s0 =	sand.u32 $0x1, s1  }
0x8c: {  	s15 =	sshll.u32 s0, $0xA;
	s2 =	sadd.s32 s3, s2  }
0x8d: {  	s2 =	sadd.s32 s2, s15  }
0x8e: {  	[smem:$0x3FBD] =	sst s2  }
0x8f: {  	_ = 	snop  }
0x90: {  	s2 =	sld [smem:$0x3FD0];
	_ =	sdelay $0x2  }
0x91: {  	s16 =	simm.s32 $0xB;
	s4 =	simm.s32 $0x10  }
0x92: {  	[smem:s4], [sflag:s16] =	dma.local [hbm:s2], $0x1  }
0x93: {  	_ =	swait.eq [sflag:s16], $0x1  }
0x94: {  	[sflag:s16] =	ssyncset.done $0x0  }
0x95: {  	[sflag:s16] =	ssyncadd.s32 $0xFFFFFFFF  }
0x96: {  	s17 =	sld [smem:$0x10];
	(tm) =	ssettm $0x1  }
0x97: {  	s18 =	sld [smem:$0x3FFB];
	_ =	sdelay $0x3  }
0x98: {  	_ =	strace s18  }
0x99: {  	s2 =	sld [smem:$0x3FFC];
	_ =	sdelay $0x3  }
0x9a: {  	_ =	strace s2  }
0x9b: {  	s2 =	sld [smem:$0x3FFD];
	_ =	sdelay $0x3  }
0x9c: {  	_ =	strace s2  }
0x9d: {  	_ =	strace $0x8FFFFFFF  }
0x9e: {  	s19 =	sld [smem:$0x3FDB];
	_ =	sdelay $0x1  }
0x9f: {  	s20 =	simm.s32 $_scs_section_size  }
0xa0: {  	s5 =	simm.s32 $_size__tile_overlayer_lowered;
	s6 =	simm.s32 $_tile_overlayer_lowered  }
0xa1: {  	s7 =	simm.s32 $0x1BFF;
	s21 =	sshll.u32 s6, $0x1;
	s4 =	sadd.s32 s20, s19  }
0xa2: {  	s22 =	simm.s32 $0x0;
	s5 =	sshll.u32 s5, $0x1;
	s6 =	sadd.s32 s21, s4  }
0xa3: {  	[timem:s22], [sflag:s7] =	dma.local [hbm:s6], s5  }
0xa4: {  	_ =	swait.ge [sflag:s7], s5  }
0xa5: {  	s5 =	ssub.s32 $0x0, s5;
	[sflag:s7] =	ssyncset.done $0x0  }
0xa6: {  	[sflag:s7] =	ssyncadd.s32 s5;
	_ =	sdelay $0x1  }
0xa7: {  	s23 =	simm.s32 $0x1B8B  }
0xa8: {  	_ =	swait.ge [sflag:s23], $0x1  }
0xa9: {  	[sflag:s23] =	ssyncset.done $0x0  }
0xaa: {  	[sflag:s23] =	ssyncadd.s32 $0xFFFFFFFF  }
0xab: {  	s5 =	sld [smem:$0x0]  }
0xac: {  	s6 =	sand.u32 $0xFFFFFFFE, s1  }
0xad: {  	p0 =	sne.s32 s1, s6  }
0xae: {  	s6 =	sshll.u32 @p0 s6, $0xE  }
0xaf: {  	s6 =	sadd.s32 @p0 $0x11B8D, s6;
	s7 =	sshll.u32 @p0 s5, $0x11  }
0xb0: {  	s6 =	sor.u32 @p0 s7, s6  }
0xb1: {  	[sflag:s6] =	ssyncadd.remote.s32 @p0 $0x1;
	_ =	sdelay $0x1  }
0xb2: {  	s6 =	simm.s32 @p0 $0x1B8D  }
0xb3: {  	_ =	swait.eq @p0 [sflag:s6], $0x1  }
0xb4: {  	[sflag:s6] =	ssyncadd.s32 @p0 $0xFFFFFFFF  }
0xb5: {  	s7 =	sshll.u32 @!p0 s1, $0xE  }
0xb6: {  	s7 =	sor.u32 @!p0 $0x4000, s7;
	s6 =	simm.s32 @!p0 $0x1B8D  }
0xb7: {  	s5 =	sshll.u32 @!p0 s5, $0x11;
	s7 =	sadd.s32 @!p0 $0x11B8D, s7;
	_ =	swait.eq @!p0 [sflag:s6], $0x1  }
0xb8: {  	s5 =	sor.u32 @!p0 s5, s7;
	[sflag:s6] =	ssyncadd.s32 @!p0 $0xFFFFFFFF  }
0xb9: {  	s25 =	simm.s32 $0x1B8E;
	s24 =	sld [smem:$0x3FFE];
	[sflag:s5] =	ssyncadd.remote.s32 @!p0 $0x1  }
0xba: {  	s26 =	simm.s32 $execute0_lowered;
	[smem:$0x3FD2] =	sst s25  }
0xbb: {  	s6 =	sshll.u32 s26, $0x1;
	_ =	strace $0x80000049;
	[dreg:$0x1] =	wrdreg $0xFFFFFFFF  }
0xbc: {  	s28 =	simm.s32 $_size_execute0_lowered;
	s4 =	sadd.s32 s4, s6;
	[dreg:$0x0] =	wrdreg $0x0  }
0xbd: {  	s6 =	sshll.u32 s28, $0x1;
	[dreg:$0x2] =	wrdreg s4  }
0xbe: {  	[dreg:$0x3] =	wrdreg s6  }
0xbf: {  	[dreg:$0x4] =	wrdreg $0xC0  }
0xc0: {  	_ =	task [dreg:s22], $0x5FFFF  }
0xc1: {  	[dreg:$0x1] =	wrdreg $0xFFFFFFFF  }
0xc2: {  	[dreg:$0x0] =	wrdreg $0x60  }
0xc3: {  	[dreg:$0x2] =	wrdreg s17  }
0xc4: {  	[dreg:$0x3] =	wrdreg s24  }
0xc5: {  	[dreg:$0x4] =	wrdreg $0xA  }
0xc6: {  	_ =	task.clear_ibuf [dreg:s22], $0x5FFFF;
	_ =	strace $0x90000049  }
0xc7: {  	s29 =	simm.s32 $0xA;
	_ =	strace $0x8000004B  }
0xc8: {  	_ =	swait.ge [sflag:s29], $0x1  }
0xc9: {  	[sflag:s29] =	ssyncadd.s32 $0xFFFFFFFF  }
0xca: {  	_ =	strace $0x9000004B  }
0xcb: {  	_ =	sfence  }
0xcc: {  	s30 =	sld [smem:$0x0];
	_ =	sdelay $0x2  }
0xcd: {  	s31 =	sshll.u32 s1, $0xD;
	s1 =	sshrl.u32 s1, $0x2  }
0xce: {  	s4 =	sand.u32 $0x4000, s31;
	s1 =	sadd.s32 s1, s30  }
0xcf: {  	s0 =	sor.u32 s4, s0;
	s1 =	sshll.u32 s1, $0x11  }
0xd0: {  	s0 =	sor.u32 s1, s0  }
0xd1: {  	s0 =	sadd.s32 $0x8F2B, s0  }
0xd2: {  	[sflag:s0] =	ssyncadd.remote.s32 $0x1  }
0xd3: {  	_ =	sfence.sel $0xFFFF  }
0xd4: {  	[dreg:$0x0] =	wrdreg $0xFFFFFFFF;
	(pc) =	sbr.abs _section_cstart, $3  }
0xd5: {  	[dreg:$0x1] =	wrdreg $0xFFFFFFFF  }
0xd6: {  	_ =	task.clear_ibuf [dreg:s22], $0x2FFFF;
	_ =	strace $0x9FFFFFFF  }
0xd7: {  	(tm) =	ssettm $0x7FFFFFFF  }
tec
execute0_lowered:
.L_overlay_start_1:
0x0: {  	(tag) =	ssettag $0x1  }
0x1: {  	s2 =	rddreg [dreg:$0x0];
	s0 =	srdreg.scid  }
0x2: {  	s3 =	stileid.u32;
	s1 =	rddreg [dreg:$0x1]  }
0x3: {  	s12 =	simm.s32 $0xB;
	s14 =	simm.s32 $0x28;
	s15 =	simm.s32 $0x2800  }
0x4: {  	s17 =	simm.s32 $0x3C00;
	s21 =	simm.s32 $0x5000;
	s24 =	simm.s32 $0x6400  }
0x5: {  	s25 =	simm.s32 $0xC800;
	s26 =	simm.s32 $0x1;
	s28 =	simm.s32 $0x7800  }
0x6: {  	s29 =	simm.s32 $0xDC00;
	s30 =	simm.s32 $0x2;
	s31 =	simm.s32 $0x3  }
0x7: {  	s20 =	simm.s32 $0x9;
	s0 =	sand.u32 $0x1, s0;
	s4 =	sshll.u32 s3, $0x1  }
0x8: {  	s22 =	simm.s32 $0xA;
	s23 =	simm.s32 $0x0;
	s4 =	sor.u32 s0, s4  }
0x9: {  	s3 =	simm.s32 $0x0;
	s0 =	ssub.s32 $0x2, s0;
	s4 =	smul.u32 $0x1388, s4  }
0xa: {  	s5 =	sadd.s32 $0x16E00, s1;
	s6 =	sadd.s32 $0x2AF000, s1;
	s8 =	sshrl.u32 s0, $0x1  }
0xb: {  	[smem:$0x7FF] =	sst s3;
	s0 =	ssub.s32 s0, s8;
	s7 =	sshrl.u32 s4, $0x3  }
0xc: {  	_ =	strace $0x8000004A;
	s0 =	smax.u32 s0, $0x1;
	s1 =	sadd.s32 s1, s7  }
0xd: {  	s9 =	sadd.s32 $0x28, s4;
	[dreg:$0x5] =	wrdreg s0;
	s7 =	sadd.s32 $0x8020, s1  }
0xe: {  	s10 =	sadd.s32 $0x50, s4;
	s1 =	sadd.s32 $0x11E20, s1;
	[dreg:$0x3] =	wrdreg s7  }
0xf: {  	s0 =	simm.s32 $0x5;
	[dreg:$0x4] =	wrdreg s1;
	s1 =	simm.s32 $0x4  }
.LBB2_1:
0x10: {  	s7 =	rddreg [dreg:$0x3]  }
0x11: {  	[tilespmem:s3], [sflag:$0xB] =	stream.linear.gather [hbm4b:s7+s3], $0x1388, $0x38;
	[tilespmem:$0xF000] =	vst v63  }
0x12: {  	_ =	swait.ge [sflag:s12], $0x1388  }
0x13: {  	[sflag:s12] =	ssyncset.done $0x0  }
0x14: {  	s8 =	simm.s32 $0x1400;
	s18 =	rddreg [dreg:$0x4];
	[sflag:s12] =	ssyncadd.s32 $0xFFFFEC78  }
0x15: {  	[tilespmem:s8], [sflag:$0xB] =	stream.linear.gather [hbm4b:s18+s3], $0x1388, $0x38;
	[tilespmem:$0xF000] =	vst v63  }
0x16: {  	_ =	swait.ge [sflag:s12], $0x1388  }
0x17: {  	[sflag:s12] =	ssyncset.done $0x0  }
0x18: {  	[sflag:s12] =	ssyncadd.s32 $0xFFFFEC78  }
0x19: {  	[tilespmem:s15], [sflag:$0x1] =	stream.indirect.gather [hbm4b:s2+s14], $0x80, s3, s14, $0xb8;
	[tilespmem:$0xF000] =	vst v63  }
0x1a: {  	s19 =	simm.s32 $0x8C00  }
0x1b: {  	[tilespmem:s19], [sflag:$0x1] =	stream.indirect.gather [hbm4b:s5+s14], $0x80, s8, s14, $0xb8;
	[tilespmem:$0xF000] =	vst v63  }
0x1c: {  	_ = 	snop  }
0x1d: {  	[tilespmem:s17], [sflag:$0x2] =	stream.indirect.gather [hbm4b:s2+s14], $0x80, s14, s14, $0xb8;
	[tilespmem:$0xF000] =	vst v63  }
0x1e: {  	s11 =	simm.s32 $0x1428;
	s13 =	simm.s32 $0xA000  }
0x1f: {  	[tilespmem:s13], [sflag:$0x2] =	stream.indirect.gather [hbm4b:s5+s14], $0x80, s11, s14, $0xb8;
	[tilespmem:$0xF000] =	vst v63  }
0x20: {  	s16 =	simm.s32 $0x50  }
0x21: {  	[tilespmem:s21], [sflag:$0x3] =	stream.indirect.gather [hbm4b:s2+s14], $0x80, s16, s14, $0xb8;
	[tilespmem:$0xF000] =	vst v63  }
0x22: {  	s18 =	simm.s32 $0x1450;
	s19 =	simm.s32 $0xB400;
	s13 =	simm.s32 $0x0  }
0x23: {  	[tilespmem:s19], [sflag:$0x3] =	stream.indirect.gather [hbm4b:s5+s14], $0x80, s18, s14, $0xb8;
	[tilespmem:$0xF000] =	vst v63  }
.LBB2_2:
0x24: {  	p0 =	seq.s32 s13, $0x0  }
0x25: {  	s8 =	simm.s32 @!p0 $0x9  }
0x26: {  	s7 =	smul.u32 $0xC8, s13;
	_ =	swait.ge @!p0 [sflag:s8], $0x1400  }
0x27: {  	[sflag:s8] =	ssyncset.done @!p0 $0x0  }
0x28: {  	s11 =	sadd.s32 $0x78, s7;
	[sflag:s8] =	ssyncadd.s32 @!p0 $0xFFFFEC00  }
0x29: {  	[tilespmem:s24], [sflag:$0x4] =	stream.indirect.gather [hbm4b:s2+s14], $0x80, s11, s14, $0xb8;
	[tilespmem:$0xF000] =	vst v63  }
0x2a: {  	s19 =	sadd.s32 $0x1478, s7  }
0x2b: {  	[tilespmem:s25], [sflag:$0x4] =	stream.indirect.gather [hbm4b:s5+s14], $0x80, s19, s14, $0xb8;
	[tilespmem:$0xF000] =	vst v63  }
0x2c: {  	_ =	swait.ge [sflag:s26], $0x1400  }
0x2d: {  	[sflag:s26] =	ssyncset.done $0x0  }
0x2e: {  	[sflag:s26] =	ssyncadd.s32 $0xFFFFEC00  }
0x2f: {  	_ =	swait.ge [sflag:s26], $0x1400  }
0x30: {  	[sflag:s26] =	ssyncset.done $0x0  }
0x31: {  	s16 =	simm.s32 $0x200;
	s8 =	simm.s32 $0x0;
	[sflag:s26] =	ssyncadd.s32 $0xFFFFEC00  }
.LBB2_3:
0x32: {  	p1 =	sne.s32 s16, $0x4E00;
	v0 =	vld [tilespmem:s8+$0x8C70]  }
0x33: {  	v1 =	vld [tilespmem:s8+$0x8C00]  }
0x34: {  	v2 =	vld [tilespmem:s8+$0x8C10]  }
0x35: {  	v3 =	vld [tilespmem:s8+$0x8C20]  }
0x36: {  	v4 =	vld [tilespmem:s8+$0x8C30]  }
0x37: {  	[tilespmem:s8+$0x2870] =	vst.add.f32.msk $0xffff, v0  }
0x38: {  	v0 =	vld [tilespmem:s8+$0x8C40]  }
0x39: {  	v5 =	vld [tilespmem:s8+$0x8C50]  }
0x3a: {  	v6 =	vld [tilespmem:s8+$0x8C60]  }
0x3b: {  	[tilespmem:s8+$0x2800] =	vst.add.f32.msk $0xffff, v1  }
0x3c: {  	[tilespmem:s8+$0x2810] =	vst.add.f32.msk $0xffff, v2  }
.Ltmp0:
0x3d: {  	[tilespmem:s8+$0x2820] =	vst.add.f32.msk $0xffff, v3;
	(pc) =	sbr.rel @p1 .LBB2_3-.Ltmp0, $4  }
0x3e: {  	[tilespmem:s8+$0x2830] =	vst.add.f32.msk $0xffff, v4  }
0x3f: {  	[tilespmem:s8+$0x2840] =	vst.add.f32.msk $0xffff, v0  }
0x40: {  	[tilespmem:s8+$0x2850] =	vst.add.f32.msk $0xffff, v5  }
0x41: {  	[tilespmem:s8+$0x2860] =	vst.add.f32.msk $0xffff, v6;
	s8 =	sshra.s32 s16, $0x2;
	s16 =	sadd.s32 $0x200, s16  }
0x42: {  	v0 =	vld [tilespmem:s8+$0x8C70]  }
0x43: {  	v1 =	vld [tilespmem:s8+$0x8C00]  }
0x44: {  	v2 =	vld [tilespmem:s8+$0x8C10]  }
0x45: {  	v3 =	vld [tilespmem:s8+$0x8C20]  }
0x46: {  	v4 =	vld [tilespmem:s8+$0x8C30]  }
0x47: {  	v63 =	vld [tilespmem:s8+$0x8C40]  }
0x48: {  	v5 =	vld [tilespmem:s8+$0x8C50]  }
0x49: {  	v6 =	vld [tilespmem:s8+$0x8C60]  }
0x4a: {  	[tilespmem:s8+$0x2870] =	vst.add.f32.msk $0xffff, v0  }
0x4b: {  	[tilespmem:s8+$0x2800] =	vst.add.f32.msk $0xffff, v1  }
0x4c: {  	[tilespmem:s8+$0x2810] =	vst.add.f32.msk $0xffff, v2  }
0x4d: {  	[tilespmem:s8+$0x2820] =	vst.add.f32.msk $0xffff, v3  }
0x4e: {  	[tilespmem:s8+$0x2830] =	vst.add.f32.msk $0xffff, v4  }
0x4f: {  	s16 =	sadd.s32 s4, s7;
	[tilespmem:s8+$0x2840] =	vst.add.f32.msk $0xffff, v63  }
0x50: {  	s16 =	sshll.u32 s16, $0x4;
	[tilespmem:s8+$0x2850] =	vst.add.f32.msk $0xffff, v5  }
0x51: {  	s18 =	sadd.s32 s6, s16;
	[tilespmem:s8+$0x2860] =	vst.add.f32.msk $0xffff, v6;
	s8 =	simm.s32 @!p0 $0xA  }
0x52: {  	[hbm4b:s18+s3] =	stream.linear.scatter [tilespmem:s15], [sflag:$0x6], $0x1400, $0x38;
	[tilespmem:$0xF000] =	vst v63  }
0x53: {  	_ =	swait.ge @!p0 [sflag:s8], $0x1400  }
0x54: {  	[sflag:s8] =	ssyncset.done @!p0 $0x0  }
0x55: {  	[sflag:s8] =	ssyncadd.s32 @!p0 $0xFFFFEC00;
	s8 =	sadd.s32 $0xA0, s7  }
0x56: {  	[tilespmem:s28], [sflag:$0x5] =	stream.indirect.gather [hbm4b:s2+s14], $0x80, s8, s14, $0xb8;
	[tilespmem:$0xF000] =	vst v63  }
0x57: {  	s19 =	sadd.s32 $0x14A0, s7  }
0x58: {  	[tilespmem:s29], [sflag:$0x5] =	stream.indirect.gather [hbm4b:s5+s14], $0x80, s19, s14, $0xb8;
	[tilespmem:$0xF000] =	vst v63  }
0x59: {  	_ =	swait.ge [sflag:s30], $0x1400  }
0x5a: {  	[sflag:s30] =	ssyncset.done $0x0  }
0x5b: {  	[sflag:s30] =	ssyncadd.s32 $0xFFFFEC00  }
0x5c: {  	_ =	swait.ge [sflag:s30], $0x1400  }
0x5d: {  	[sflag:s30] =	ssyncset.done $0x0  }
0x5e: {  	s16 =	simm.s32 $0x0;
	s18 =	simm.s32 $0x200;
	[sflag:s30] =	ssyncadd.s32 $0xFFFFEC00  }
.LBB2_5:
0x5f: {  	p0 =	sne.s32 s18, $0x4E00;
	v0 =	vld [tilespmem:s16+$0xA070]  }
0x60: {  	v1 =	vld [tilespmem:s16+$0xA000]  }
0x61: {  	v2 =	vld [tilespmem:s16+$0xA010]  }
0x62: {  	v3 =	vld [tilespmem:s16+$0xA020]  }
0x63: {  	v4 =	vld [tilespmem:s16+$0xA030]  }
0x64: {  	[tilespmem:s16+$0x3C70] =	vst.add.f32.msk $0xffff, v0  }
0x65: {  	v0 =	vld [tilespmem:s16+$0xA040]  }
0x66: {  	v5 =	vld [tilespmem:s16+$0xA050]  }
0x67: {  	v6 =	vld [tilespmem:s16+$0xA060]  }
0x68: {  	[tilespmem:s16+$0x3C00] =	vst.add.f32.msk $0xffff, v1  }
0x69: {  	[tilespmem:s16+$0x3C10] =	vst.add.f32.msk $0xffff, v2  }
.Ltmp1:
0x6a: {  	[tilespmem:s16+$0x3C20] =	vst.add.f32.msk $0xffff, v3;
	(pc) =	sbr.rel @p0 .LBB2_5-.Ltmp1, $4  }
0x6b: {  	[tilespmem:s16+$0x3C30] =	vst.add.f32.msk $0xffff, v4  }
0x6c: {  	[tilespmem:s16+$0x3C40] =	vst.add.f32.msk $0xffff, v0  }
0x6d: {  	[tilespmem:s16+$0x3C50] =	vst.add.f32.msk $0xffff, v5  }
0x6e: {  	[tilespmem:s16+$0x3C60] =	vst.add.f32.msk $0xffff, v6;
	s16 =	sshra.s32 s18, $0x2;
	s18 =	sadd.s32 $0x200, s18  }
0x6f: {  	v0 =	vld [tilespmem:s16+$0xA070]  }
0x70: {  	v1 =	vld [tilespmem:s16+$0xA000]  }
0x71: {  	v2 =	vld [tilespmem:s16+$0xA010]  }
0x72: {  	v3 =	vld [tilespmem:s16+$0xA020]  }
0x73: {  	v4 =	vld [tilespmem:s16+$0xA030]  }
0x74: {  	v63 =	vld [tilespmem:s16+$0xA040]  }
0x75: {  	v5 =	vld [tilespmem:s16+$0xA050]  }
0x76: {  	v6 =	vld [tilespmem:s16+$0xA060]  }
0x77: {  	[tilespmem:s16+$0x3C70] =	vst.add.f32.msk $0xffff, v0  }
0x78: {  	[tilespmem:s16+$0x3C00] =	vst.add.f32.msk $0xffff, v1  }
0x79: {  	[tilespmem:s16+$0x3C10] =	vst.add.f32.msk $0xffff, v2  }
0x7a: {  	[tilespmem:s16+$0x3C20] =	vst.add.f32.msk $0xffff, v3  }
0x7b: {  	[tilespmem:s16+$0x3C30] =	vst.add.f32.msk $0xffff, v4  }
0x7c: {  	s18 =	sadd.s32 s7, s9;
	[tilespmem:s16+$0x3C40] =	vst.add.f32.msk $0xffff, v63  }
0x7d: {  	p0 =	seq.s32 s13, $0x18;
	s18 =	sshll.u32 s18, $0x4;
	[tilespmem:s16+$0x3C50] =	vst.add.f32.msk $0xffff, v5  }
0x7e: {  	s19 =	sadd.s32 s6, s18;
	[tilespmem:s16+$0x3C60] =	vst.add.f32.msk $0xffff, v6;
	s16 =	simm.s32 @!p0 $0x6  }
0x7f: {  	[hbm4b:s19+s3] =	stream.linear.scatter [tilespmem:s17], [sflag:$0x7], $0x1400, $0x38;
	[tilespmem:$0xF000] =	vst v63  }
0x80: {  	_ =	swait.ge @!p0 [sflag:s16], $0x1400  }
0x81: {  	s18 =	simm.s32 @!p0 $0x28;
	[sflag:s16] =	ssyncset.done @!p0 $0x0  }
0x82: {  	s19 =	simm.s32 @!p0 $0x2800;
	[sflag:s16] =	ssyncadd.s32 @!p0 $0xFFFFEC00;
	s16 =	sadd.s32 @!p0 $0xC8, s7  }
0x83: {  	[tilespmem:s19], [sflag:$0x1] =	stream.indirect.gather @!p0 [hbm4b:s2+s18], $0x80, s16, s18, $0xb8;
	[tilespmem:$0xF000] =	vst v63  }
0x84: {  	s16 =	sadd.s32 @!p0 $0x14C8, s7;
	s19 =	simm.s32 @!p0 $0x8C00  }
0x85: {  	[tilespmem:s19], [sflag:$0x1] =	stream.indirect.gather @!p0 [hbm4b:s5+s18], $0x80, s16, s18, $0xb8;
	[tilespmem:$0xF000] =	vst v63  }
0x86: {  	_ =	swait.ge [sflag:s31], $0x1400  }
0x87: {  	[sflag:s31] =	ssyncset.done $0x0  }
0x88: {  	[sflag:s31] =	ssyncadd.s32 $0xFFFFEC00  }
0x89: {  	_ =	swait.ge [sflag:s31], $0x1400  }
0x8a: {  	[sflag:s31] =	ssyncset.done $0x0  }
0x8b: {  	s16 =	simm.s32 $0x0;
	s18 =	simm.s32 $0x200;
	[sflag:s31] =	ssyncadd.s32 $0xFFFFEC00  }
.LBB2_7:
0x8c: {  	p1 =	sne.s32 s18, $0x4E00;
	v0 =	vld [tilespmem:s16+$0xB470]  }
0x8d: {  	v1 =	vld [tilespmem:s16+$0xB400]  }
0x8e: {  	v2 =	vld [tilespmem:s16+$0xB410]  }
0x8f: {  	v3 =	vld [tilespmem:s16+$0xB420]  }
0x90: {  	v4 =	vld [tilespmem:s16+$0xB430]  }
0x91: {  	[tilespmem:s16+$0x5070] =	vst.add.f32.msk $0xffff, v0  }
0x92: {  	v0 =	vld [tilespmem:s16+$0xB440]  }
0x93: {  	v5 =	vld [tilespmem:s16+$0xB450]  }
0x94: {  	v6 =	vld [tilespmem:s16+$0xB460]  }
0x95: {  	[tilespmem:s16+$0x5000] =	vst.add.f32.msk $0xffff, v1  }
0x96: {  	[tilespmem:s16+$0x5010] =	vst.add.f32.msk $0xffff, v2  }
.Ltmp2:
0x97: {  	[tilespmem:s16+$0x5020] =	vst.add.f32.msk $0xffff, v3;
	(pc) =	sbr.rel @p1 .LBB2_7-.Ltmp2, $4  }
0x98: {  	[tilespmem:s16+$0x5030] =	vst.add.f32.msk $0xffff, v4  }
0x99: {  	[tilespmem:s16+$0x5040] =	vst.add.f32.msk $0xffff, v0  }
0x9a: {  	[tilespmem:s16+$0x5050] =	vst.add.f32.msk $0xffff, v5  }
0x9b: {  	[tilespmem:s16+$0x5060] =	vst.add.f32.msk $0xffff, v6;
	s16 =	sshra.s32 s18, $0x2;
	s18 =	sadd.s32 $0x200, s18  }
0x9c: {  	v0 =	vld [tilespmem:s16+$0xB470]  }
0x9d: {  	v1 =	vld [tilespmem:s16+$0xB400]  }
0x9e: {  	v2 =	vld [tilespmem:s16+$0xB410]  }
0x9f: {  	v3 =	vld [tilespmem:s16+$0xB420]  }
0xa0: {  	v4 =	vld [tilespmem:s16+$0xB430]  }
0xa1: {  	v63 =	vld [tilespmem:s16+$0xB440]  }
0xa2: {  	v5 =	vld [tilespmem:s16+$0xB450]  }
0xa3: {  	v6 =	vld [tilespmem:s16+$0xB460]  }
0xa4: {  	[tilespmem:s16+$0x5070] =	vst.add.f32.msk $0xffff, v0  }
0xa5: {  	[tilespmem:s16+$0x5000] =	vst.add.f32.msk $0xffff, v1  }
0xa6: {  	[tilespmem:s16+$0x5010] =	vst.add.f32.msk $0xffff, v2  }
0xa7: {  	[tilespmem:s16+$0x5020] =	vst.add.f32.msk $0xffff, v3  }
0xa8: {  	[tilespmem:s16+$0x5030] =	vst.add.f32.msk $0xffff, v4  }
0xa9: {  	s18 =	sadd.s32 s7, s10;
	[tilespmem:s16+$0x5040] =	vst.add.f32.msk $0xffff, v63  }
0xaa: {  	s18 =	sshll.u32 s18, $0x4;
	[tilespmem:s16+$0x5050] =	vst.add.f32.msk $0xffff, v5  }
0xab: {  	s19 =	sadd.s32 s6, s18;
	[tilespmem:s16+$0x5060] =	vst.add.f32.msk $0xffff, v6;
	s16 =	simm.s32 @!p0 $0x7  }
0xac: {  	[hbm4b:s19+s3] =	stream.linear.scatter [tilespmem:s21], [sflag:$0x8], $0x1400, $0x38;
	[tilespmem:$0xF000] =	vst v63  }
0xad: {  	_ =	swait.ge @!p0 [sflag:s16], $0x1400  }
0xae: {  	s18 =	simm.s32 @!p0 $0x28;
	[sflag:s16] =	ssyncset.done @!p0 $0x0  }
0xaf: {  	s19 =	simm.s32 @!p0 $0x3C00;
	[sflag:s16] =	ssyncadd.s32 @!p0 $0xFFFFEC00;
	s16 =	sadd.s32 @!p0 $0xF0, s7  }
0xb0: {  	[tilespmem:s19], [sflag:$0x2] =	stream.indirect.gather @!p0 [hbm4b:s2+s18], $0x80, s16, s18, $0xb8;
	[tilespmem:$0xF000] =	vst v63  }
0xb1: {  	s16 =	sadd.s32 @!p0 $0x14F0, s7;
	s19 =	simm.s32 @!p0 $0xA000  }
0xb2: {  	[tilespmem:s19], [sflag:$0x2] =	stream.indirect.gather @!p0 [hbm4b:s5+s18], $0x80, s16, s18, $0xb8;
	[tilespmem:$0xF000] =	vst v63  }
0xb3: {  	_ =	swait.ge [sflag:s1], $0x1400  }
0xb4: {  	[sflag:s1] =	ssyncset.done $0x0  }
0xb5: {  	[sflag:s1] =	ssyncadd.s32 $0xFFFFEC00  }
0xb6: {  	_ =	swait.ge [sflag:s1], $0x1400  }
0xb7: {  	[sflag:s1] =	ssyncset.done $0x0  }
0xb8: {  	s16 =	simm.s32 $0x0;
	s18 =	simm.s32 $0x200;
	[sflag:s1] =	ssyncadd.s32 $0xFFFFEC00  }
.LBB2_9:
0xb9: {  	p1 =	sne.s32 s18, $0x4E00;
	v0 =	vld [tilespmem:s16+$0xC870]  }
0xba: {  	v1 =	vld [tilespmem:s16+$0xC800]  }
0xbb: {  	v2 =	vld [tilespmem:s16+$0xC810]  }
0xbc: {  	v3 =	vld [tilespmem:s16+$0xC820]  }
0xbd: {  	v4 =	vld [tilespmem:s16+$0xC830]  }
0xbe: {  	[tilespmem:s16+$0x6470] =	vst.add.f32.msk $0xffff, v0  }
0xbf: {  	v0 =	vld [tilespmem:s16+$0xC840]  }
0xc0: {  	v5 =	vld [tilespmem:s16+$0xC850]  }
0xc1: {  	v6 =	vld [tilespmem:s16+$0xC860]  }
0xc2: {  	[tilespmem:s16+$0x6400] =	vst.add.f32.msk $0xffff, v1  }
0xc3: {  	[tilespmem:s16+$0x6410] =	vst.add.f32.msk $0xffff, v2  }
.Ltmp3:
0xc4: {  	[tilespmem:s16+$0x6420] =	vst.add.f32.msk $0xffff, v3;
	(pc) =	sbr.rel @p1 .LBB2_9-.Ltmp3, $4  }
0xc5: {  	[tilespmem:s16+$0x6430] =	vst.add.f32.msk $0xffff, v4  }
0xc6: {  	[tilespmem:s16+$0x6440] =	vst.add.f32.msk $0xffff, v0  }
0xc7: {  	[tilespmem:s16+$0x6450] =	vst.add.f32.msk $0xffff, v5  }
0xc8: {  	[tilespmem:s16+$0x6460] =	vst.add.f32.msk $0xffff, v6;
	s16 =	sshra.s32 s18, $0x2;
	s18 =	sadd.s32 $0x200, s18  }
0xc9: {  	v0 =	vld [tilespmem:s16+$0xC870]  }
0xca: {  	v1 =	vld [tilespmem:s16+$0xC800]  }
0xcb: {  	v2 =	vld [tilespmem:s16+$0xC810]  }
0xcc: {  	v3 =	vld [tilespmem:s16+$0xC820]  }
0xcd: {  	v4 =	vld [tilespmem:s16+$0xC830]  }
0xce: {  	v63 =	vld [tilespmem:s16+$0xC840]  }
0xcf: {  	v5 =	vld [tilespmem:s16+$0xC850]  }
0xd0: {  	v6 =	vld [tilespmem:s16+$0xC860]  }
0xd1: {  	[tilespmem:s16+$0x6470] =	vst.add.f32.msk $0xffff, v0  }
0xd2: {  	[tilespmem:s16+$0x6400] =	vst.add.f32.msk $0xffff, v1  }
0xd3: {  	[tilespmem:s16+$0x6410] =	vst.add.f32.msk $0xffff, v2  }
0xd4: {  	[tilespmem:s16+$0x6420] =	vst.add.f32.msk $0xffff, v3  }
0xd5: {  	[tilespmem:s16+$0x6430] =	vst.add.f32.msk $0xffff, v4  }
0xd6: {  	s11 =	sadd.s32 s4, s11;
	[tilespmem:s16+$0x6440] =	vst.add.f32.msk $0xffff, v63  }
0xd7: {  	s11 =	sshll.u32 s11, $0x4;
	[tilespmem:s16+$0x6450] =	vst.add.f32.msk $0xffff, v5  }
0xd8: {  	s11 =	sadd.s32 s6, s11;
	[tilespmem:s16+$0x6460] =	vst.add.f32.msk $0xffff, v6  }
0xd9: {  	[hbm4b:s11+s3] =	stream.linear.scatter [tilespmem:s24], [sflag:$0x9], $0x1400, $0x38;
	[tilespmem:$0xF000] =	vst v63  }
0xda: {  	s11 =	simm.s32 @!p0 $0x8  }
0xdb: {  	_ =	swait.ge @!p0 [sflag:s11], $0x1400  }
0xdc: {  	s18 =	simm.s32 @!p0 $0x5000;
	[sflag:s11] =	ssyncset.done @!p0 $0x0  }
0xdd: {  	s16 =	simm.s32 @!p0 $0x28;
	[sflag:s11] =	ssyncadd.s32 @!p0 $0xFFFFEC00;
	s11 =	sadd.s32 @!p0 $0x118, s7  }
0xde: {  	[tilespmem:s18], [sflag:$0x3] =	stream.indirect.gather @!p0 [hbm4b:s2+s16], $0x80, s11, s16, $0xb8;
	[tilespmem:$0xF000] =	vst v63  }
0xdf: {  	s7 =	sadd.s32 @!p0 $0x1518, s7;
	s11 =	simm.s32 @!p0 $0xB400  }
0xe0: {  	[tilespmem:s11], [sflag:$0x3] =	stream.indirect.gather @!p0 [hbm4b:s5+s16], $0x80, s7, s16, $0xb8;
	[tilespmem:$0xF000] =	vst v63  }
0xe1: {  	_ =	swait.ge [sflag:s0], $0x1400  }
0xe2: {  	[sflag:s0] =	ssyncset.done $0x0  }
0xe3: {  	[sflag:s0] =	ssyncadd.s32 $0xFFFFEC00  }
0xe4: {  	_ =	swait.ge [sflag:s0], $0x1400  }
0xe5: {  	[sflag:s0] =	ssyncset.done $0x0  }
0xe6: {  	s7 =	simm.s32 $0x0;
	s11 =	simm.s32 $0x200;
	[sflag:s0] =	ssyncadd.s32 $0xFFFFEC00  }
.LBB2_11:
0xe7: {  	p0 =	sne.s32 s11, $0x4E00;
	v0 =	vld [tilespmem:s7+$0xDC70]  }
0xe8: {  	v1 =	vld [tilespmem:s7+$0xDC00]  }
0xe9: {  	v2 =	vld [tilespmem:s7+$0xDC10]  }
0xea: {  	v3 =	vld [tilespmem:s7+$0xDC20]  }
0xeb: {  	v4 =	vld [tilespmem:s7+$0xDC30]  }
0xec: {  	[tilespmem:s7+$0x7870] =	vst.add.f32.msk $0xffff, v0  }
0xed: {  	v0 =	vld [tilespmem:s7+$0xDC40]  }
0xee: {  	v5 =	vld [tilespmem:s7+$0xDC50]  }
0xef: {  	v6 =	vld [tilespmem:s7+$0xDC60]  }
0xf0: {  	[tilespmem:s7+$0x7800] =	vst.add.f32.msk $0xffff, v1  }
0xf1: {  	[tilespmem:s7+$0x7810] =	vst.add.f32.msk $0xffff, v2  }
.Ltmp4:
0xf2: {  	[tilespmem:s7+$0x7820] =	vst.add.f32.msk $0xffff, v3;
	(pc) =	sbr.rel @p0 .LBB2_11-.Ltmp4, $4  }
0xf3: {  	[tilespmem:s7+$0x7830] =	vst.add.f32.msk $0xffff, v4  }
0xf4: {  	[tilespmem:s7+$0x7840] =	vst.add.f32.msk $0xffff, v0  }
0xf5: {  	[tilespmem:s7+$0x7850] =	vst.add.f32.msk $0xffff, v5  }
0xf6: {  	[tilespmem:s7+$0x7860] =	vst.add.f32.msk $0xffff, v6;
	s7 =	sshra.s32 s11, $0x2;
	s11 =	sadd.s32 $0x200, s11  }
0xf7: {  	v0 =	vld [tilespmem:s7+$0xDC70]  }
0xf8: {  	v1 =	vld [tilespmem:s7+$0xDC00]  }
0xf9: {  	v2 =	vld [tilespmem:s7+$0xDC10]  }
0xfa: {  	v3 =	vld [tilespmem:s7+$0xDC20]  }
0xfb: {  	v4 =	vld [tilespmem:s7+$0xDC30]  }
0xfc: {  	v63 =	vld [tilespmem:s7+$0xDC40]  }
0xfd: {  	v5 =	vld [tilespmem:s7+$0xDC50]  }
0xfe: {  	v6 =	vld [tilespmem:s7+$0xDC60]  }
0xff: {  	[tilespmem:s7+$0x7870] =	vst.add.f32.msk $0xffff, v0  }
0x100: {  	[tilespmem:s7+$0x7800] =	vst.add.f32.msk $0xffff, v1  }
0x101: {  	s13 =	sadd.s32 $0x1, s13;
	[tilespmem:s7+$0x7810] =	vst.add.f32.msk $0xffff, v2  }
0x102: {  	p0 =	sne.s32 s13, $0x19;
	[tilespmem:s7+$0x7820] =	vst.add.f32.msk $0xffff, v3  }
.Ltmp5:
0x103: {  	[tilespmem:s7+$0x7830] =	vst.add.f32.msk $0xffff, v4;
	(pc) =	sbr.rel @p0 .LBB2_2-.Ltmp5, $4  }
0x104: {  	s8 =	sadd.s32 s4, s8;
	[tilespmem:s7+$0x7840] =	vst.add.f32.msk $0xffff, v63  }
0x105: {  	s8 =	sshll.u32 s8, $0x4;
	[tilespmem:s7+$0x7850] =	vst.add.f32.msk $0xffff, v5  }
0x106: {  	s19 =	sadd.s32 s6, s8;
	[tilespmem:s7+$0x7860] =	vst.add.f32.msk $0xffff, v6  }
0x107: {  	[hbm4b:s19+s3] =	stream.linear.scatter [tilespmem:s28], [sflag:$0xA], $0x1400, $0x38;
	[tilespmem:$0xF000] =	vst v63  }
0x108: {  	s7 =	simm.s32 $0x6  }
0x109: {  	_ =	swait.ge [sflag:s7], $0x1400  }
0x10a: {  	[sflag:s7] =	ssyncset.done $0x0  }
0x10b: {  	s16 =	simm.s32 $0x7;
	[sflag:s7] =	ssyncadd.s32 $0xFFFFEC00  }
0x10c: {  	_ =	swait.ge [sflag:s16], $0x1400  }
0x10d: {  	[sflag:s16] =	ssyncset.done $0x0  }
0x10e: {  	s18 =	simm.s32 $0x8;
	[sflag:s16] =	ssyncadd.s32 $0xFFFFEC00  }
0x10f: {  	_ =	swait.ge [sflag:s18], $0x1400  }
0x110: {  	[sflag:s18] =	ssyncset.done $0x0  }
0x111: {  	[sflag:s18] =	ssyncadd.s32 $0xFFFFEC00  }
0x112: {  	_ =	swait.ge [sflag:s20], $0x1400  }
0x113: {  	[sflag:s20] =	ssyncset.done $0x0  }
0x114: {  	[sflag:s20] =	ssyncadd.s32 $0xFFFFEC00  }
0x115: {  	_ =	swait.ge [sflag:s22], $0x1400  }
0x116: {  	s23 =	sadd.s32 $0x1, s23;
	s19 =	rddreg [dreg:$0x5]  }
0x117: {  	p0 =	sne.s32 s23, s19  }
.Ltmp6:
0x118: {  	_ = 	snop;
	(pc) =	sbr.rel @p0 .LBB2_1-.Ltmp6, $3  }
0x119: {  	_ =	sdelay $0x1  }
0x11a: {  	[sflag:s22] =	ssyncset.done $0x0  }
0x11b: {  	[sflag:s22] =	ssyncadd.s32 $0xFFFFEC00  }
0x11c: {  	_ =	sfence.sel $0x180000  }
0x11d: {  	[bflag:$0x0] =	sbarrier.arrive $0xFFFF  }
0x11e: {  	_ =	strace $0x9000004A  }
0x11f: {  	s0 =	stileid.u32;
	[bflag:$0x2] =	sbarrier.arrive $0xFFFF  }
0x120: {  	p0 =	sne.s32 s0, $0x0;
	s0 =	rddreg [dreg:$0x2]  }
0x121: {  	s0 =	sadd.s32 @!p0 $0x100000, s0  }
0x122: {  	[sflag:s0] =	ssyncadd.tile.s32 @!p0 $0x1;
	_ =	shalt  }
.Lfunc_end2:
_tile_overlayer_lowered:
.L_overlay_start_2:
0x123: {  	(tag) =	ssettag $0x2  }
0x124: {  	s0 =	rddreg [dreg:$0x0];
	s2 =	stileid.u32  }
0x125: {  	s1 =	rddreg [dreg:$0x1];
	p0 =	sne.s32 s2, $0x0  }
0x126: {  	s3 =	rddreg [dreg:$0x2];
	[bflag:$0x3] =	sbarrier.arrive $0xFFFF;
	s2 =	simm.s32 @!p0 $0x1C0B  }
0x127: {  	[timem:s3], [sflag:s2] =	dma.local @!p0 [hbm:s0], s1  }
0x128: {  	s0 =	simm.s32 @!p0 $0xB  }
0x129: {  	_ =	swait.ge @!p0 [sflag:s0], s1  }
0x12a: {  	s1 =	ssub.s32 @!p0 $0x0, s1;
	[sflag:s0] =	ssyncset.done @!p0 $0x0  }
0x12b: {  	[sflag:s0] =	ssyncadd.s32 @!p0 s1  }
0x12c: {  	[bflag:$0x3] =	sbarrier.arrive $0xFFFF  }
0x12d: {  	_ =	shalt  }

// kernel: kernel.16.cloned.1.call-start
scs
__scs_entry_jumppad:
0x0: {  	(pc) =	sbr.rel $0x88, $3  }
0x1: {  	(tag) =	ssettag $0x0;
	lr =	simm.s32 $0x1  }
0x2: {  	[smem:$0x3F96] =	sst lr;
	_ =	strace $0xD0000000  }
0x3: {  	_ = 	snop  }
0x4: {  	_ = 	snop  }
0x5: {  	_ = 	snop  }
0x6: {  	_ = 	snop  }
0x7: {  	_ = 	snop  }
__scs_overlays_trampoline_lowered:
0x8: {  	[smem:$0x3FA5] =	sst s0  }
0x9: {  	[smem:$0x3FA6] =	sst s1  }
0xa: {  	[smem:$0x3FA7] =	sst s2  }
0xb: {  	[smem:$0x3FA8] =	sst s3  }
0xc: {  	[smem:$0x3FA9] =	sst s4  }
0xd: {  	[smem:$0x3FAA] =	sst s5  }
0xe: {  	[smem:$0x3FAB] =	sst s6  }
0xf: {  	[smem:$0x3FAC] =	sst s7  }
0x10: {  	[smem:$0x3FAD] =	sst s8  }
0x11: {  	[smem:$0x3FAE] =	sst s9;
	s0 =	simm.s32 @!p0 $0x0  }
0x12: {  	s1 =	sld [smem:$0x3F94];
	s0 =	simm.s32 @p0 $0x1  }
0x13: {  	[smem:$0x3FAF] =	sst s0;
	s0 =	simm.s32 @!p1 $0x0  }
0x14: {  	s2 =	sld [smem:$0x3F93];
	s0 =	simm.s32 @p1 $0x1  }
0x15: {  	[smem:$0x3FB0] =	sst s0;
	s0 =	simm.s32 @!p2 $0x0  }
0x16: {  	s3 =	sld [smem:$0x3FDB];
	s0 =	simm.s32 @p2 $0x1  }
0x17: {  	s4 =	simm.s32 $0x1BF5;
	[smem:$0x3FB2] =	sst s0  }
0x18: {  	s0 =	sld [smem:$0x3F95];
	_ =	swait.ge [sflag:s4], $0x0  }
0x19: {  	s7 =	sld [smem:$0x3F96]  }
0x1a: {  	s8 =	sadd.s32 $0xFFFFE003, lr  }
0x1b: {  	s9 =	sadd.s32 $0xFFFFFEF7, lr;
	s5 =	simm.s32 $0xFFFFFFFF;
	p2 =	slt.u32 s8, $0xFFFFF086  }
0x1c: {  	p1 =	slt.u32 s9, $0xF7A;
	s5 =	simm.s32 @!p2 $0x0  }
0x1d: {  	s5 =	simm.s32 @p1 $0x1;
	p0 =	seq.s32 s7, s2  }
0x1e: {  	s7 =	smul.u32 @!p0 $0xF7A, s2;
	p2 =	seq.s32 @!p0 s5, $0x0  }
0x1f: {  	s9 =	smul.u32 $0xF7A, s1;
	s8 =	simm.s32 @!p0 $0x1BF5;
	p2 =	por !p2, p0  }
0x20: {  	[sflag:s8] =	ssyncset.s32 @!p0 $0xFFFFF086;
	s6 =	sadd.s32 @!p0 s3, s7;
	s7 =	simm.s32 @!p0 $0x108  }
0x21: {  	s3 =	sadd.s32 s3, s9;
	s6 =	sadd.s32 @!p0 $0x88, s6;
	s7 =	simm.s32 @p2 $0x1082  }
0x22: {  	[simem:s7], [sflag:s8] =	dma.local @!p0 [hbm:s6], $0xF7A  }
0x23: {  	s9 =	sor.u32 $0xD0000000, s2;
	s6 =	simm.s32 $0x108;
	_ =	swait.ge @!p0 [sflag:s8], $0x0  }
0x24: {  	s3 =	sadd.s32 $0x88, s3;
	s6 =	simm.s32 @!p1 $0x1082;
	[sflag:s4] =	ssyncset.s32 $0xFFFFF086  }
0x25: {  	[simem:s6], [sflag:s4] =	dma.local [hbm:s3], $0xF7A  }
0x26: {  	[smem:$0x3F96] =	sst s1;
	(tag) =	ssettag s2;
	_ =	strace s9  }
0x27: {  	s1 =	sld [smem:$0x3FA6]  }
0x28: {  	s2 =	sld [smem:$0x3FA7]  }
0x29: {  	s4 =	sld [smem:$0x3FA9]  }
0x2a: {  	p0 =	seq.s32 s5, $0x0;
	s5 =	sld [smem:$0x3FAA]  }
0x2b: {  	s6 =	sld [smem:$0x3FAB]  }
0x2c: {  	s7 =	sld [smem:$0x3FAC]  }
0x2d: {  	s3 =	simm.s32 $0x108;
	s8 =	sld [smem:$0x3FAD]  }
0x2e: {  	s3 =	simm.s32 @!p0 $0x1082;
	s9 =	sld [smem:$0x3FAE]  }
0x2f: {  	lr =	sadd.s32 s0, s3;
	s0 =	sld [smem:$0x3FA5]  }
0x30: {  	s3 =	sld [smem:$0x3FA8]  }
0x31: {  	[smem:$0x3FB1] =	sst s10  }
0x32: {  	s10 =	sld [smem:$0x3FAF];
	_ =	sdelay $0x3  }
0x33: {  	p0 =	seq.s32 s10, $0x1;
	s10 =	sld [smem:$0x3FB1];
	_ =	sdelay $0x3  }
0x34: {  	[smem:$0x3FB1] =	sst s10  }
0x35: {  	s10 =	sld [smem:$0x3FB0];
	_ =	sdelay $0x3  }
0x36: {  	p1 =	seq.s32 s10, $0x1;
	s10 =	sld [smem:$0x3FB1];
	_ =	sdelay $0x3  }
0x37: {  	[smem:$0x3FB1] =	sst s10  }
0x38: {  	s10 =	sld [smem:$0x3FB2]  }
0x39: {  	_ = 	snop;
	(pc) =	sbr.ind lr, $3  }
0x3a: {  	_ = 	snop  }
0x3b: {  	_ = 	snop  }
0x3c: {  	p2 =	seq.s32 s10, $0x1;
	s10 =	sld [smem:$0x3FB1]  }
0x3d: {  	_ =	shalt  }
0x3e: {  	_ =	shalt  }
0x3f: {  	_ =	shalt  }
0x40: {  	_ =	shalt  }
0x41: {  	_ =	shalt  }
0x42: {  	_ =	shalt  }
0x43: {  	_ =	shalt  }
0x44: {  	_ =	shalt  }
0x45: {  	_ =	shalt  }
0x46: {  	_ =	shalt  }
0x47: {  	_ =	shalt  }
0x48: {  	_ =	shalt  }
0x49: {  	_ =	shalt  }
0x4a: {  	_ =	shalt  }
0x4b: {  	_ =	shalt  }
0x4c: {  	_ =	shalt  }
0x4d: {  	_ =	shalt  }
0x4e: {  	_ =	shalt  }
0x4f: {  	_ =	shalt  }
0x50: {  	_ =	shalt  }
0x51: {  	_ =	shalt  }
0x52: {  	_ =	shalt  }
0x53: {  	_ =	shalt  }
0x54: {  	_ =	shalt  }
0x55: {  	_ =	shalt  }
0x56: {  	_ =	shalt  }
0x57: {  	_ =	shalt  }
0x58: {  	_ =	shalt  }
0x59: {  	_ =	shalt  }
0x5a: {  	_ =	shalt  }
0x5b: {  	_ =	shalt  }
0x5c: {  	_ =	shalt  }
0x5d: {  	_ =	shalt  }
0x5e: {  	_ =	shalt  }
0x5f: {  	_ =	shalt  }
0x60: {  	_ =	shalt  }
0x61: {  	_ =	shalt  }
0x62: {  	_ =	shalt  }
0x63: {  	_ =	shalt  }
0x64: {  	_ =	shalt  }
0x65: {  	_ =	shalt  }
0x66: {  	_ =	shalt  }
0x67: {  	_ =	shalt  }
0x68: {  	_ =	shalt  }
0x69: {  	_ =	shalt  }
0x6a: {  	_ =	shalt  }
0x6b: {  	_ =	shalt  }
0x6c: {  	_ =	shalt  }
0x6d: {  	_ =	shalt  }
0x6e: {  	_ =	shalt  }
0x6f: {  	_ =	shalt  }
0x70: {  	_ =	shalt  }
0x71: {  	_ =	shalt  }
0x72: {  	_ =	shalt  }
0x73: {  	_ =	shalt  }
0x74: {  	_ =	shalt  }
0x75: {  	_ =	shalt  }
0x76: {  	_ =	shalt  }
0x77: {  	_ =	shalt  }
0x78: {  	_ =	shalt  }
0x79: {  	_ =	shalt  }
0x7a: {  	_ =	shalt  }
0x7b: {  	_ =	shalt  }
0x7c: {  	_ =	shalt  }
0x7d: {  	_ =	shalt  }
0x7e: {  	_ =	shalt  }
0x7f: {  	_ =	shalt  }
0x80: {  	_ =	shalt  }
0x81: {  	_ =	shalt  }
0x82: {  	_ =	shalt  }
0x83: {  	_ =	shalt  }
0x84: {  	_ =	shalt  }
0x85: {  	_ =	shalt  }
0x86: {  	_ =	shalt  }
0x87: {  	_ =	shalt  }
.Lfunc_end0:
.L_simem_size_0:
called_computation.2_lowered:
.L_overlay_start_0:
0x88: {  	s2 =	sld [smem:$0x3FD9]  }
0x89: {  	s3 =	sld [smem:$0x3FFE];
	_ =	sdelay $0x1  }
0x8a: {  	s1 =	srdreg.scid  }
0x8b: {  	s0 =	sand.u32 $0x1, s1  }
0x8c: {  	s14 =	sshll.u32 s0, $0xA;
	s2 =	sadd.s32 s3, s2  }
0x8d: {  	s2 =	sadd.s32 s2, s14  }
0x8e: {  	[smem:$0x3FBD] =	sst s2  }
0x8f: {  	_ = 	snop  }
0x90: {  	s2 =	sld [smem:$0x3FD0];
	_ =	sdelay $0x2  }
0x91: {  	s15 =	simm.s32 $0xB;
	s4 =	simm.s32 $0x10  }
0x92: {  	[smem:s4], [sflag:s15] =	dma.local [hbm:s2], $0x1  }
0x93: {  	_ =	swait.eq [sflag:s15], $0x1  }
0x94: {  	[sflag:s15] =	ssyncset.done $0x0  }
0x95: {  	[sflag:s15] =	ssyncadd.s32 $0xFFFFFFFF  }
0x96: {  	s16 =	sld [smem:$0x11];
	(tm) =	ssettm $0x1  }
0x97: {  	s17 =	sld [smem:$0x3FFB];
	_ =	sdelay $0x3  }
0x98: {  	_ =	strace s17  }
0x99: {  	s3 =	sld [smem:$0x3FFC];
	_ =	sdelay $0x3  }
0x9a: {  	_ =	strace s3  }
0x9b: {  	s3 =	sld [smem:$0x3FFD];
	_ =	sdelay $0x3  }
0x9c: {  	_ =	strace s3  }
0x9d: {  	_ =	strace $0x8FFFFFFF  }
0x9e: {  	s18 =	sld [smem:$0x3FDB];
	_ =	sdelay $0x1  }
0x9f: {  	s19 =	simm.s32 $_scs_section_size  }
0xa0: {  	s5 =	simm.s32 $_size__tile_overlayer_lowered;
	s6 =	simm.s32 $_tile_overlayer_lowered  }
0xa1: {  	s22 =	simm.s32 $0x1BFF;
	s21 =	sshll.u32 s6, $0x1;
	s3 =	sadd.s32 s19, s18  }
0xa2: {  	s7 =	simm.s32 $0x0;
	s20 =	sshll.u32 s5, $0x1;
	s5 =	sadd.s32 s21, s3  }
0xa3: {  	[timem:s7], [sflag:s22] =	dma.local [hbm:s5], s20  }
0xa4: {  	_ =	swait.ge [sflag:s22], s20  }
0xa5: {  	s4 =	ssub.s32 $0x0, s20;
	[sflag:s22] =	ssyncset.done $0x0  }
0xa6: {  	[sflag:s22] =	ssyncadd.s32 s4;
	_ =	sdelay $0x1  }
0xa7: {  	s23 =	simm.s32 $0x1B8B  }
0xa8: {  	_ =	swait.ge [sflag:s23], $0x1  }
0xa9: {  	[sflag:s23] =	ssyncset.done $0x0  }
0xaa: {  	s25 =	simm.s32 $0x1B8E;
	s24 =	sld [smem:$0x3FFE];
	[sflag:s23] =	ssyncadd.s32 $0xFFFFFFFF  }
0xab: {  	s26 =	simm.s32 $execute0_lowered;
	[smem:$0x3FD2] =	sst s25  }
0xac: {  	s5 =	sshll.u32 s26, $0x1;
	_ =	strace $0x8000004C;
	[dreg:$0x1] =	wrdreg $0xFFFFFFFF  }
0xad: {  	s28 =	simm.s32 $_size_execute0_lowered;
	s3 =	sadd.s32 s3, s5;
	[dreg:$0x0] =	wrdreg $0x0  }
0xae: {  	s5 =	sshll.u32 s28, $0x1;
	[dreg:$0x2] =	wrdreg s3  }
0xaf: {  	[dreg:$0x3] =	wrdreg s5  }
0xb0: {  	[dreg:$0x4] =	wrdreg $0xC0  }
0xb1: {  	_ =	task [dreg:s7], $0x5FFFF  }
0xb2: {  	[dreg:$0x1] =	wrdreg $0xFFFFFFFF  }
0xb3: {  	[dreg:$0x0] =	wrdreg $0x60  }
0xb4: {  	[dreg:$0x2] =	wrdreg s16  }
0xb5: {  	[dreg:$0x3] =	wrdreg s24  }
0xb6: {  	[dreg:$0x4] =	wrdreg $0xA2000  }
0xb7: {  	[dreg:$0x5] =	wrdreg $0x9  }
0xb8: {  	_ =	task.clear_ibuf [dreg:s7], $0x6FFFF;
	_ =	strace $0x9000004C  }
0xb9: {  	s29 =	simm.s32 $0x9;
	_ =	strace $0x8000004E  }
0xba: {  	_ =	swait.ge [sflag:s29], $0x1  }
0xbb: {  	[sflag:s29] =	ssyncadd.s32 $0xFFFFFFFF  }
0xbc: {  	_ =	strace $0x9000004E  }
0xbd: {  	_ =	sfence  }
0xbe: {  	s30 =	sld [smem:$0x0];
	_ =	sdelay $0x2  }
0xbf: {  	s31 =	sshll.u32 s1, $0xD;
	s1 =	sshrl.u32 s1, $0x2  }
0xc0: {  	s3 =	sand.u32 $0x4000, s31;
	s1 =	sadd.s32 s1, s30  }
0xc1: {  	s0 =	sor.u32 s3, s0;
	s1 =	sshll.u32 s1, $0x11  }
0xc2: {  	s0 =	sor.u32 s1, s0  }
0xc3: {  	s0 =	sadd.s32 $0x8F2B, s0  }
0xc4: {  	[sflag:s0] =	ssyncadd.remote.s32 $0x1  }
0xc5: {  	_ =	sfence.sel $0xFFFF  }
0xc6: {  	[dreg:$0x0] =	wrdreg $0xFFFFFFFF;
	(pc) =	sbr.abs _section_cstart, $3  }
0xc7: {  	[dreg:$0x1] =	wrdreg $0xFFFFFFFF  }
0xc8: {  	_ =	task.clear_ibuf [dreg:s7], $0x2FFFF;
	_ =	strace $0x9FFFFFFF  }
0xc9: {  	(tm) =	ssettm $0x7FFFFFFF  }
tec
execute0_lowered:
.L_overlay_start_1:
0x0: {  	(tag) =	ssettag $0x1  }
0x1: {  	s0 =	rddreg [dreg:$0x0];
	s11 =	stileid.u32  }
0x2: {  	s1 =	rddreg [dreg:$0x1];
	s6 =	smul.u32 $0x13C00, s11  }
0x3: {  	s3 =	srdreg.scid;
	s22 =	smul.u32 $0x4F000, s11  }
0x4: {  	s2 =	rddreg [dreg:$0x2];
	s28 =	simm.s32 $0x2A00;
	s26 =	smul.u32 $0x4E200, s11  }
0x5: {  	s29 =	simm.s32 $0x1;
	s5 =	sand.u32 $0x1, s3;
	s13 =	smul.u32 $0x4E20, s11  }
0x6: {  	s30 =	simm.s32 $0x50;
	s3 =	simm.s32 $0x0;
	s4 =	smul.u32 $0x13C000, s5  }
0x7: {  	s7 =	sshll.u32 s11, $0x1;
	[smem:$0x7FF] =	sst s3;
	s16 =	smul.u32 $0x2710, s5  }
0x8: {  	s17 =	sor.u32 s5, s7;
	s8 =	ssub.s32 $0x2, s5;
	s5 =	smul.u32 $0x27100, s5  }
0x9: {  	s31 =	simm.s32 $0x100;
	_ =	strace $0x8000004D;
	s9 =	smul.u32 $0x2710, s17  }
0xa: {  	s19 =	sshrl.u32 s8, $0x1;
	s25 =	sshrl.u32 s22, $0x2;
	s4 =	sadd.s32 s6, s4  }
0xb: {  	s7 =	ssub.s32 s8, s19;
	s6 =	smul.u32 $0x27100, s17;
	s10 =	sadd.s32 s25, s2  }
0xc: {  	s20 =	sshrl.u32 s9, $0x3;
	s21 =	sadd.s32 $0x50, s9;
	s9 =	smax.u32 s7, $0x1  }
0xd: {  	s18 =	sshrl.u32 s4, $0x3;
	s12 =	sadd.s32 $0x2800, s10;
	[dreg:$0x9] =	wrdreg s9  }
0xe: {  	s4 =	sadd.s32 $0x3200, s1;
	s14 =	sadd.s32 $0x5000, s10;
	[dreg:$0xa] =	wrdreg s12  }
0xf: {  	s15 =	sadd.s32 $0x7800, s10;
	s17 =	sadd.s32 $0xA000, s10;
	[dreg:$0xb] =	wrdreg s14  }
0x10: {  	s19 =	sadd.s32 $0xF000, s10;
	s7 =	simm.s32 $0x3;
	[dreg:$0xc] =	wrdreg s15  }
0x11: {  	s1 =	sadd.s32 s18, s1;
	s8 =	sadd.s32 s4, s20;
	[dreg:$0xd] =	wrdreg s17  }
0x12: {  	s6 =	sadd.s32 s0, s6;
	s23 =	sshrl.u32 s21, $0x3;
	[dreg:$0xf] =	wrdreg s19  }
0x13: {  	s18 =	sadd.s32 $0xC800, s10;
	s20 =	sadd.s32 s16, s13;
	[dreg:$0x4] =	wrdreg s8  }
0x14: {  	s9 =	simm.s32 $0x4;
	s14 =	simm.s32 $0x0;
	[dreg:$0x5] =	wrdreg s6  }
0x15: {  	s8 =	sshll.u32 s21, $0x4;
	s6 =	sadd.s32 s4, s23;
	[dreg:$0xe] =	wrdreg s18  }
0x16: {  	s1 =	sadd.s32 $0xD000, s1;
	s21 =	sadd.s32 $0x11400, s10;
	[dreg:$0x6] =	wrdreg s6  }
0x17: {  	s22 =	sadd.s32 $0x190, s20;
	s23 =	sadd.s32 $0xF0, s20;
	[dreg:$0x8] =	wrdreg s1  }
0x18: {  	s24 =	sadd.s32 s0, s8;
	s0 =	sadd.s32 s26, s0;
	[dreg:$0x10] =	wrdreg s21  }
0x19: {  	s25 =	sshrl.u32 s23, $0x3;
	s1 =	sadd.s32 $0x140, s20;
	s6 =	simm.s32 $0x7A00  }
0x1a: {  	s8 =	simm.s32 $0x5;
	[dreg:$0x7] =	wrdreg s24;
	s19 =	sadd.s32 s5, s0  }
0x1b: {  	s0 =	sshrl.u32 s22, $0x3;
	s24 =	sadd.s32 $0xA0, s20;
	[dreg:$0x12] =	wrdreg s1  }
0x1c: {  	s1 =	simm.s32 $0x2;
	s5 =	simm.s32 $0x180;
	s0 =	sadd.s32 s0, s4  }
0x1d: {  	s26 =	sshrl.u32 s24, $0x3;
	s24 =	simm.s32 $0x200;
	[dreg:$0x11] =	wrdreg s0  }
0x1e: {  	s0 =	sadd.s32 s25, s4;
	s23 =	sadd.s32 s26, s4;
	s25 =	simm.s32 $0x9  }
0x1f: {  	v0 =	vimm.f32 $0.0e+00;
	s26 =	simm.s32 $0x80;
	[dreg:$0x13] =	wrdreg s0;
	s0 =	simm.s32 $0x5200  }
.LBB2_1:
0x20: {  	s11 =	simm.s32 $0x0;
	s12 =	simm.s32 $0x200  }
.LBB2_2:
0x21: {  	p0 =	sne.s32 s12, $0x9E00;
	[tilespmem:s11+$0x270] =	vst v0  }
0x22: {  	[tilespmem:s11+$0x200] =	vst v0  }
0x23: {  	[tilespmem:s11+$0x210] =	vst v0  }
.Ltmp0:
0x24: {  	[tilespmem:s11+$0x220] =	vst v0;
	(pc) =	sbr.rel @p0 .LBB2_2-.Ltmp0, $4  }
0x25: {  	[tilespmem:s11+$0x230] =	vst v0  }
0x26: {  	[tilespmem:s11+$0x240] =	vst v0  }
0x27: {  	[tilespmem:s11+$0x250] =	vst v0  }
0x28: {  	[tilespmem:s11+$0x260] =	vst v0;
	s11 =	sshra.s32 s12, $0x2;
	s12 =	sadd.s32 $0x200, s12  }
0x29: {  	[tilespmem:s11+$0x270] =	vst v0  }
0x2a: {  	[tilespmem:s11+$0x200] =	vst v0  }
0x2b: {  	[tilespmem:s11+$0x210] =	vst v0  }
0x2c: {  	[tilespmem:s11+$0x220] =	vst v0  }
0x2d: {  	[tilespmem:s11+$0x230] =	vst v0  }
0x2e: {  	[tilespmem:s11+$0x240] =	vst v0  }
0x2f: {  	[tilespmem:s11+$0x250] =	vst v0  }
0x30: {  	[tilespmem:s11+$0x260] =	vst v0  }
0x31: {  	[spmem:s10] =	stream.linear.scatter [tilespmem:s24], [sflag:$0x9], $0x2800, $0x38;
	[tilespmem:$0x1DE00] =	vst v63  }
0x32: {  	_ =	swait.ge [sflag:s25], $0x2800  }
0x33: {  	[sflag:s25] =	ssyncset.done $0x0  }
0x34: {  	s12 =	rddreg [dreg:$0xa];
	[sflag:s25] =	ssyncadd.s32 $0xFFFFD800  }
0x35: {  	[spmem:s12] =	stream.linear.scatter [tilespmem:s24], [sflag:$0x9], $0x2800, $0x38;
	[tilespmem:$0x1DE00] =	vst v63  }
0x36: {  	_ =	swait.ge [sflag:s25], $0x2800  }
0x37: {  	[sflag:s25] =	ssyncset.done $0x0  }
0x38: {  	s13 =	rddreg [dreg:$0xb];
	[sflag:s25] =	ssyncadd.s32 $0xFFFFD800  }
0x39: {  	[spmem:s13] =	stream.linear.scatter [tilespmem:s24], [sflag:$0x9], $0x2800, $0x38;
	[tilespmem:$0x1DE00] =	vst v63  }
0x3a: {  	_ =	swait.ge [sflag:s25], $0x2800  }
0x3b: {  	[sflag:s25] =	ssyncset.done $0x0  }
0x3c: {  	s15 =	rddreg [dreg:$0xc];
	[sflag:s25] =	ssyncadd.s32 $0xFFFFD800  }
0x3d: {  	[spmem:s15] =	stream.linear.scatter [tilespmem:s24], [sflag:$0x9], $0x2800, $0x38;
	[tilespmem:$0x1DE00] =	vst v63  }
0x3e: {  	_ =	swait.ge [sflag:s25], $0x2800  }
0x3f: {  	[sflag:s25] =	ssyncset.done $0x0  }
0x40: {  	s16 =	rddreg [dreg:$0xd];
	[sflag:s25] =	ssyncadd.s32 $0xFFFFD800  }
0x41: {  	[spmem:s16] =	stream.linear.scatter [tilespmem:s24], [sflag:$0x9], $0x2800, $0x38;
	[tilespmem:$0x1DE00] =	vst v63  }
0x42: {  	_ =	swait.ge [sflag:s25], $0x2800  }
0x43: {  	[sflag:s25] =	ssyncset.done $0x0  }
0x44: {  	s17 =	rddreg [dreg:$0xe];
	[sflag:s25] =	ssyncadd.s32 $0xFFFFD800  }
0x45: {  	[spmem:s17] =	stream.linear.scatter [tilespmem:s24], [sflag:$0x9], $0x2800, $0x38;
	[tilespmem:$0x1DE00] =	vst v63  }
0x46: {  	_ =	swait.ge [sflag:s25], $0x2800  }
0x47: {  	[sflag:s25] =	ssyncset.done $0x0  }
0x48: {  	s18 =	rddreg [dreg:$0xf];
	[sflag:s25] =	ssyncadd.s32 $0xFFFFD800  }
0x49: {  	[spmem:s18] =	stream.linear.scatter [tilespmem:s24], [sflag:$0x9], $0x2800, $0x38;
	[tilespmem:$0x1DE00] =	vst v63  }
0x4a: {  	_ =	swait.ge [sflag:s25], $0x2800  }
0x4b: {  	[sflag:s25] =	ssyncset.done $0x0  }
0x4c: {  	s20 =	rddreg [dreg:$0x10];
	[sflag:s25] =	ssyncadd.s32 $0xFFFFD800  }
0x4d: {  	[spmem:s20] =	stream.linear.scatter [tilespmem:s24], [sflag:$0x9], $0x2800, $0x38;
	[tilespmem:$0x1DE00] =	vst v63  }
0x4e: {  	_ =	swait.ge [sflag:s25], $0x2800  }
0x4f: {  	[sflag:s25] =	ssyncset.done $0x0  }
0x50: {  	[sflag:s25] =	ssyncadd.s32 $0xFFFFD800  }
0x51: {  	[bflag:$0x0] =	sbarrier.arrive $0xFFFF  }
0x52: {  	s21 =	simm.s32 $0x0;
	s12 =	rddreg [dreg:$0x4]  }
0x53: {  	[tilespmem:s21], [sflag:$0x1] =	stream.linear.gather [hbm4b:s12+s21], $0x50, $0x38;
	[tilespmem:$0x1DE00] =	vst v63  }
0x54: {  	s22 =	rddreg [dreg:$0x5]  }
0x55: {  	[tilespmem:s24], [sflag:$0x1] =	stream.linear.gather [hbm4b:s22+s21], $0x2800, $0x38;
	[tilespmem:$0x1DE00] =	vst v63  }
0x56: {  	s13 =	rddreg [dreg:$0x6]  }
0x57: {  	[tilespmem:s26], [sflag:$0x2] =	stream.linear.gather [hbm4b:s13+s21], $0x50, $0x38;
	[tilespmem:$0x1DE00] =	vst v63  }
0x58: {  	s15 =	rddreg [dreg:$0x7]  }
0x59: {  	[tilespmem:s28], [sflag:$0x2] =	stream.linear.gather [hbm4b:s15+s21], $0x2800, $0x38;
	[tilespmem:$0x1DE00] =	vst v63  }
0x5a: {  	_ =	swait.ge [sflag:s29], $0x50  }
0x5b: {  	[sflag:s29] =	ssyncset.done $0x0  }
0x5c: {  	[sflag:s29] =	ssyncadd.s32 $0xFFFFFFB0  }
0x5d: {  	p0 =	por $0x1, $0x1;
	_ =	swait.ge [sflag:s29], $0x2800  }
0x5e: {  	p0 =	por p0, p0;
	[sflag:s29] =	ssyncset.done $0x0  }
0x5f: {  	s11 =	simm.s32 @!p0 $0x7;
	[sflag:s29] =	ssyncadd.s32 $0xFFFFD800  }
0x60: {  	[spmem:s2] =	stream.indirect.scatter.add.f32 [tilespmem:s24], [sflag:$0x5], $0x80, s21, s30, $0xb8;
	[tilespmem:$0x1DE00] =	vst v63  }
0x61: {  	_ =	swait.ge @!p0 [sflag:s11], $0x2800  }
0x62: {  	[sflag:s11] =	ssyncset.done @!p0 $0x0  }
0x63: {  	s16 =	sadd.s32 $0x0, s19;
	[sflag:s11] =	ssyncadd.s32 @!p0 $0xFFFFD800  }
0x64: {  	[tilespmem:s31], [sflag:$0x3] =	stream.linear.gather [hbm4b:s23+s3], $0x50, $0x38;
	[tilespmem:$0x1DE00] =	vst v63  }
0x65: {  	s20 =	sadd.s32 $0xA00, s16  }
0x66: {  	[tilespmem:s0], [sflag:$0x3] =	stream.linear.gather [hbm4b:s20+s3], $0x2800, $0x38;
	[tilespmem:$0x1DE00] =	vst v63  }
0x67: {  	_ =	swait.ge [sflag:s1], $0x50  }
0x68: {  	[sflag:s1] =	ssyncset.done $0x0  }
0x69: {  	[sflag:s1] =	ssyncadd.s32 $0xFFFFFFB0  }
0x6a: {  	_ =	swait.ge [sflag:s1], $0x2800  }
0x6b: {  	[sflag:s1] =	ssyncset.done $0x0  }
0x6c: {  	s12 =	simm.s32 @!p0 $0x8;
	[sflag:s1] =	ssyncadd.s32 $0xFFFFD800  }
0x6d: {  	[spmem:s2] =	stream.indirect.scatter.add.f32 [tilespmem:s28], [sflag:$0x6], $0x80, s26, s30, $0xb8;
	[tilespmem:$0x1DE00] =	vst v63  }
0x6e: {  	_ =	swait.ge @!p0 [sflag:s12], $0x2800  }
0x6f: {  	[sflag:s12] =	ssyncset.done @!p0 $0x0  }
0x70: {  	s18 =	rddreg [dreg:$0x13];
	[sflag:s12] =	ssyncadd.s32 @!p0 $0xFFFFD800  }
0x71: {  	[tilespmem:s5], [sflag:$0x4] =	stream.linear.gather [hbm4b:s18+s3], $0x50, $0x38;
	[tilespmem:$0x1DE00] =	vst v63  }
0x72: {  	s21 =	sadd.s32 $0xF00, s16  }
0x73: {  	[tilespmem:s6], [sflag:$0x4] =	stream.linear.gather [hbm4b:s21+s3], $0x2800, $0x38;
	[tilespmem:$0x1DE00] =	vst v63  }
0x74: {  	_ =	swait.ge [sflag:s7], $0x50  }
0x75: {  	[sflag:s7] =	ssyncset.done $0x0  }
0x76: {  	[sflag:s7] =	ssyncadd.s32 $0xFFFFFFB0  }
0x77: {  	_ =	swait.ge [sflag:s7], $0x2800  }
0x78: {  	[sflag:s7] =	ssyncset.done $0x0  }
0x79: {  	[sflag:s7] =	ssyncadd.s32 $0xFFFFD800  }
0x7a: {  	[spmem:s2] =	stream.indirect.scatter.add.f32 [tilespmem:s0], [sflag:$0x7], $0x80, s31, s30, $0xb8;
	[tilespmem:$0x1DE00] =	vst v63  }
0x7b: {  	_ =	swait.ge [sflag:s8], $0x2800  }
0x7c: {  	s17 =	rddreg [dreg:$0x12]  }
0x7d: {  	[sflag:s8] =	ssyncset.done $0x0;
	s22 =	sshrl.u32 s17, $0x3  }
0x7e: {  	[sflag:s8] =	ssyncadd.s32 $0xFFFFD800;
	s12 =	sadd.s32 s4, s22  }
0x7f: {  	[tilespmem:s3], [sflag:$0x1] =	stream.linear.gather [hbm4b:s12+s3], $0x50, $0x38;
	[tilespmem:$0x1DE00] =	vst v63  }
0x80: {  	s11 =	sadd.s32 $0x1400, s16  }
0x81: {  	[tilespmem:s24], [sflag:$0x1] =	stream.linear.gather [hbm4b:s11+s3], $0x2800, $0x38;
	[tilespmem:$0x1DE00] =	vst v63  }
0x82: {  	_ =	swait.ge [sflag:s9], $0x50  }
0x83: {  	[sflag:s9] =	ssyncset.done $0x0  }
0x84: {  	[sflag:s9] =	ssyncadd.s32 $0xFFFFFFB0  }
0x85: {  	_ =	swait.ge [sflag:s9], $0x2800  }
0x86: {  	p0 =	por $0x0, $0x0;
	[sflag:s9] =	ssyncset.done $0x0  }
0x87: {  	s11 =	simm.s32 @!p0 $0x6;
	[sflag:s9] =	ssyncadd.s32 $0xFFFFD800  }
0x88: {  	[spmem:s2] =	stream.indirect.scatter.add.f32 [tilespmem:s6], [sflag:$0x8], $0x80, s5, s30, $0xb8;
	[tilespmem:$0x1DE00] =	vst v63  }
0x89: {  	_ =	swait.ge @!p0 [sflag:s11], $0x2800  }
0x8a: {  	s13 =	simm.s32 @!p0 $0x0;
	s15 =	simm.s32 @!p0 $0x80;
	[sflag:s11] =	ssyncset.done @!p0 $0x0  }
0x8b: {  	s12 =	sadd.s32 @!p0 $0x0, s19;
	s16 =	rddreg [dreg:$0x11];
	[sflag:s11] =	ssyncadd.s32 @!p0 $0xFFFFD800  }
0x8c: {  	[tilespmem:s15], [sflag:$0x2] =	stream.linear.gather @!p0 [hbm4b:s16+s13], $0x50, $0x38;
	[tilespmem:$0x1DE00] =	vst v63  }
0x8d: {  	s11 =	sadd.s32 @!p0 $0x1900, s12;
	s12 =	simm.s32 @!p0 $0x2A00  }
0x8e: {  	[tilespmem:s12], [sflag:$0x2] =	stream.linear.gather @!p0 [hbm4b:s11+s13], $0x2800, $0x38;
	[tilespmem:$0x1DE00] =	vst v63  }
0x8f: {  	_ =	swait.ge [sflag:s29], $0x50  }
0x90: {  	p6 =	por $0x0, $0x0;
	s18 =	sadd.s32 $0x28, s18;
	[sflag:s29] =	ssyncset.done $0x0  }
0x91: {  	s17 =	sadd.s32 $0x140, s17;
	s15 =	simm.s32 $0x1400;
	[sflag:s29] =	ssyncadd.s32 $0xFFFFFFB0  }
0x92: {  	s16 =	sadd.s32 $0x28, s16;
	s12 =	simm.s32 $0x2800;
	_ =	swait.ge [sflag:s29], $0x2800  }
0x93: {  	p0 =	por p6, p6;
	s11 =	sadd.s32 $0x28, s23;
	[sflag:s29] =	ssyncset.done $0x0  }
.LBB2_4:
0x94: {  	p2 =	seq.s32 s12, $0x0;
	s20 =	simm.s32 @!p0 $0x7;
	[sflag:s29] =	ssyncadd.s32 $0xFFFFD800  }
0x95: {  	[spmem:s2] =	stream.indirect.scatter.add.f32 [tilespmem:s24], [sflag:$0x5], $0x80, s3, s30, $0xb8;
	[tilespmem:$0x1DE00] =	vst v63  }
0x96: {  	s13 =	smov.u32 s12;
	s12 =	sadd.s32 $0x1400, s12;
	_ =	swait.ge @!p0 [sflag:s20], $0x2800  }
0x97: {  	p1 =	sne.s32 s12, $0x26C00;
	[sflag:s20] =	ssyncset.done @!p0 $0x0  }
0x98: {  	[sflag:s20] =	ssyncadd.s32 @!p0 $0xFFFFD800;
	s20 =	sadd.s32 s15, s19  }
0x99: {  	[tilespmem:s31], [sflag:$0x3] =	stream.linear.gather [hbm4b:s11+s3], $0x50, $0x38;
	[tilespmem:$0x1DE00] =	vst v63  }
0x9a: {  	s21 =	sadd.s32 $0xA00, s20  }
0x9b: {  	[tilespmem:s0], [sflag:$0x3] =	stream.linear.gather [hbm4b:s21+s3], $0x2800, $0x38;
	[tilespmem:$0x1DE00] =	vst v63  }
0x9c: {  	_ =	swait.ge [sflag:s1], $0x50  }
0x9d: {  	[sflag:s1] =	ssyncset.done $0x0  }
0x9e: {  	[sflag:s1] =	ssyncadd.s32 $0xFFFFFFB0  }
0x9f: {  	_ =	swait.ge [sflag:s1], $0x2800  }
0xa0: {  	[sflag:s1] =	ssyncset.done $0x0  }
0xa1: {  	s21 =	simm.s32 @!p0 $0x8;
	[sflag:s1] =	ssyncadd.s32 $0xFFFFD800  }
0xa2: {  	[spmem:s2] =	stream.indirect.scatter.add.f32 [tilespmem:s28], [sflag:$0x6], $0x80, s26, s30, $0xb8;
	[tilespmem:$0x1DE00] =	vst v63  }
0xa3: {  	_ =	swait.ge @!p0 [sflag:s21], $0x2800  }
0xa4: {  	[sflag:s21] =	ssyncset.done @!p0 $0x0  }
0xa5: {  	[sflag:s21] =	ssyncadd.s32 @!p0 $0xFFFFD800;
	p0 =	por p2, p2  }
0xa6: {  	[tilespmem:s5], [sflag:$0x4] =	stream.linear.gather [hbm4b:s18+s3], $0x50, $0x38;
	[tilespmem:$0x1DE00] =	vst v63  }
0xa7: {  	s21 =	sadd.s32 $0xF00, s20  }
0xa8: {  	[tilespmem:s6], [sflag:$0x4] =	stream.linear.gather [hbm4b:s21+s3], $0x2800, $0x38;
	[tilespmem:$0x1DE00] =	vst v63  }
0xa9: {  	_ =	swait.ge [sflag:s7], $0x50  }
0xaa: {  	[sflag:s7] =	ssyncset.done $0x0  }
0xab: {  	[sflag:s7] =	ssyncadd.s32 $0xFFFFFFB0  }
0xac: {  	_ =	swait.ge [sflag:s7], $0x2800  }
0xad: {  	[sflag:s7] =	ssyncset.done $0x0  }
0xae: {  	[sflag:s7] =	ssyncadd.s32 $0xFFFFD800  }
0xaf: {  	[spmem:s2] =	stream.indirect.scatter.add.f32 [tilespmem:s0], [sflag:$0x7], $0x80, s31, s30, $0xb8;
	[tilespmem:$0x1DE00] =	vst v63  }
0xb0: {  	_ =	swait.ge [sflag:s8], $0x2800  }
0xb1: {  	s21 =	sshrl.u32 s17, $0x3;
	[sflag:s8] =	ssyncset.done $0x0  }
0xb2: {  	s21 =	sadd.s32 s4, s21;
	[sflag:s8] =	ssyncadd.s32 $0xFFFFD800  }
0xb3: {  	[tilespmem:s3], [sflag:$0x1] =	stream.linear.gather [hbm4b:s21+s3], $0x50, $0x38;
	[tilespmem:$0x1DE00] =	vst v63  }
0xb4: {  	s20 =	sadd.s32 $0x1400, s20  }
0xb5: {  	[tilespmem:s24], [sflag:$0x1] =	stream.linear.gather [hbm4b:s20+s3], $0x2800, $0x38;
	[tilespmem:$0x1DE00] =	vst v63  }
0xb6: {  	_ =	swait.ge [sflag:s9], $0x50  }
0xb7: {  	[sflag:s9] =	ssyncset.done $0x0  }
0xb8: {  	[sflag:s9] =	ssyncadd.s32 $0xFFFFFFB0  }
0xb9: {  	_ =	swait.ge [sflag:s9], $0x2800  }
0xba: {  	[sflag:s9] =	ssyncset.done $0x0  }
0xbb: {  	p2 =	seq.s32 s15, $0x25800;
	[sflag:s9] =	ssyncadd.s32 $0xFFFFD800  }
0xbc: {  	[spmem:s2] =	stream.indirect.scatter.add.f32 [tilespmem:s6], [sflag:$0x8], $0x80, s5, s30, $0xb8;
	[tilespmem:$0x1DE00] =	vst v63  }
0xbd: {  	s21 =	sadd.s32 @!p2 s15, s19;
	s15 =	smov.u32 s13;
	s20 =	simm.s32 @!p2 $0x6  }
0xbe: {  	s13 =	sadd.s32 @!p2 $0x1900, s21;
	_ =	swait.ge @!p2 [sflag:s20], $0x2800  }
0xbf: {  	s22 =	simm.s32 @!p2 $0x80;
	s21 =	simm.s32 @!p2 $0x0;
	[sflag:s20] =	ssyncset.done @!p2 $0x0  }
0xc0: {  	[sflag:s20] =	ssyncadd.s32 @!p2 $0xFFFFD800;
	s20 =	simm.s32 @!p2 $0x2A00  }
0xc1: {  	[tilespmem:s22], [sflag:$0x2] =	stream.linear.gather @!p2 [hbm4b:s16+s21], $0x50, $0x38;
	[tilespmem:$0x1DE00] =	vst v63  }
0xc2: {  	_ = 	snop  }
0xc3: {  	[tilespmem:s20], [sflag:$0x2] =	stream.linear.gather @!p2 [hbm4b:s13+s21], $0x2800, $0x38;
	[tilespmem:$0x1DE00] =	vst v63  }
.Ltmp1:
0xc4: {  	_ =	swait.ge [sflag:s29], $0x50;
	(pc) =	sbr.rel @p1 .LBB2_4-.Ltmp1, $4  }
0xc5: {  	[sflag:s29] =	ssyncset.done $0x0  }
0xc6: {  	[sflag:s29] =	ssyncadd.s32 $0xFFFFFFB0  }
0xc7: {  	s11 =	sadd.s32 $0x28, s11;
	s18 =	sadd.s32 $0x28, s18;
	_ =	swait.ge [sflag:s29], $0x2800  }
0xc8: {  	s17 =	sadd.s32 $0x140, s17;
	s16 =	sadd.s32 $0x28, s16;
	[sflag:s29] =	ssyncset.done $0x0  }
0xc9: {  	s12 =	simm.s32 @!p0 $0x7;
	[sflag:s29] =	ssyncadd.s32 $0xFFFFD800  }
0xca: {  	[spmem:s2] =	stream.indirect.scatter.add.f32 [tilespmem:s24], [sflag:$0x5], $0x80, s3, s30, $0xb8;
	[tilespmem:$0x1DE00] =	vst v63  }
0xcb: {  	_ =	swait.ge @!p0 [sflag:s12], $0x2800  }
0xcc: {  	[sflag:s12] =	ssyncset.done @!p0 $0x0  }
0xcd: {  	s13 =	sadd.s32 s15, s19;
	[sflag:s12] =	ssyncadd.s32 @!p0 $0xFFFFD800  }
0xce: {  	[tilespmem:s31], [sflag:$0x3] =	stream.linear.gather [hbm4b:s11+s3], $0x50, $0x38;
	[tilespmem:$0x1DE00] =	vst v63  }
0xcf: {  	s20 =	sadd.s32 $0xA00, s13  }
0xd0: {  	[tilespmem:s0], [sflag:$0x3] =	stream.linear.gather [hbm4b:s20+s3], $0x2800, $0x38;
	[tilespmem:$0x1DE00] =	vst v63  }
0xd1: {  	_ =	swait.ge [sflag:s1], $0x50  }
0xd2: {  	[sflag:s1] =	ssyncset.done $0x0  }
0xd3: {  	[sflag:s1] =	ssyncadd.s32 $0xFFFFFFB0  }
0xd4: {  	_ =	swait.ge [sflag:s1], $0x2800  }
0xd5: {  	[sflag:s1] =	ssyncset.done $0x0  }
0xd6: {  	s11 =	simm.s32 @!p0 $0x8;
	[sflag:s1] =	ssyncadd.s32 $0xFFFFD800  }
0xd7: {  	[spmem:s2] =	stream.indirect.scatter.add.f32 [tilespmem:s28], [sflag:$0x6], $0x80, s26, s30, $0xb8;
	[tilespmem:$0x1DE00] =	vst v63  }
0xd8: {  	_ =	swait.ge @!p0 [sflag:s11], $0x2800  }
0xd9: {  	[sflag:s11] =	ssyncset.done @!p0 $0x0  }
0xda: {  	[sflag:s11] =	ssyncadd.s32 @!p0 $0xFFFFD800  }
0xdb: {  	[tilespmem:s5], [sflag:$0x4] =	stream.linear.gather [hbm4b:s18+s3], $0x50, $0x38;
	[tilespmem:$0x1DE00] =	vst v63  }
0xdc: {  	s21 =	sadd.s32 $0xF00, s13  }
0xdd: {  	[tilespmem:s6], [sflag:$0x4] =	stream.linear.gather [hbm4b:s21+s3], $0x2800, $0x38;
	[tilespmem:$0x1DE00] =	vst v63  }
0xde: {  	_ =	swait.ge [sflag:s7], $0x50  }
0xdf: {  	[sflag:s7] =	ssyncset.done $0x0  }
0xe0: {  	[sflag:s7] =	ssyncadd.s32 $0xFFFFFFB0  }
0xe1: {  	_ =	swait.ge [sflag:s7], $0x2800  }
0xe2: {  	[sflag:s7] =	ssyncset.done $0x0  }
0xe3: {  	[sflag:s7] =	ssyncadd.s32 $0xFFFFD800  }
0xe4: {  	[spmem:s2] =	stream.indirect.scatter.add.f32 [tilespmem:s0], [sflag:$0x7], $0x80, s31, s30, $0xb8;
	[tilespmem:$0x1DE00] =	vst v63  }
0xe5: {  	_ =	swait.ge [sflag:s8], $0x2800  }
0xe6: {  	s22 =	sshrl.u32 s17, $0x3;
	[sflag:s8] =	ssyncset.done $0x0  }
0xe7: {  	s11 =	sadd.s32 s4, s22;
	[sflag:s8] =	ssyncadd.s32 $0xFFFFD800  }
0xe8: {  	[tilespmem:s3], [sflag:$0x1] =	stream.linear.gather [hbm4b:s11+s3], $0x50, $0x38;
	[tilespmem:$0x1DE00] =	vst v63  }
0xe9: {  	s13 =	sadd.s32 $0x1400, s13  }
0xea: {  	[tilespmem:s24], [sflag:$0x1] =	stream.linear.gather [hbm4b:s13+s3], $0x2800, $0x38;
	[tilespmem:$0x1DE00] =	vst v63  }
0xeb: {  	_ =	swait.ge [sflag:s9], $0x50  }
0xec: {  	[sflag:s9] =	ssyncset.done $0x0  }
0xed: {  	[sflag:s9] =	ssyncadd.s32 $0xFFFFFFB0  }
0xee: {  	_ =	swait.ge [sflag:s9], $0x2800  }
0xef: {  	p0 =	seq.s32 s15, $0x25800;
	[sflag:s9] =	ssyncset.done $0x0  }
0xf0: {  	s11 =	simm.s32 @!p0 $0x6;
	[sflag:s9] =	ssyncadd.s32 $0xFFFFD800  }
0xf1: {  	[spmem:s2] =	stream.indirect.scatter.add.f32 [tilespmem:s6], [sflag:$0x8], $0x80, s5, s30, $0xb8;
	[tilespmem:$0x1DE00] =	vst v63  }
0xf2: {  	_ =	swait.ge @!p0 [sflag:s11], $0x2800  }
0xf3: {  	[sflag:s11] =	ssyncset.done @!p0 $0x0  }
0xf4: {  	s12 =	simm.s32 @!p0 $0x0;
	[sflag:s11] =	ssyncadd.s32 @!p0 $0xFFFFD800;
	s11 =	simm.s32 @!p0 $0x80  }
0xf5: {  	[tilespmem:s11], [sflag:$0x2] =	stream.linear.gather @!p0 [hbm4b:s16+s12], $0x50, $0x38;
	[tilespmem:$0x1DE00] =	vst v63  }
0xf6: {  	s11 =	sadd.s32 @!p0 s15, s19  }
0xf7: {  	s13 =	simm.s32 @!p0 $0x2A00;
	s11 =	sadd.s32 @!p0 $0x1900, s11  }
0xf8: {  	[tilespmem:s13], [sflag:$0x2] =	stream.linear.gather @!p0 [hbm4b:s11+s12], $0x2800, $0x38;
	[tilespmem:$0x1DE00] =	vst v63  }
0xf9: {  	_ =	swait.ge [sflag:s29], $0x50  }
0xfa: {  	[sflag:s29] =	ssyncset.done $0x0  }
0xfb: {  	[sflag:s29] =	ssyncadd.s32 $0xFFFFFFB0  }
0xfc: {  	_ =	swait.ge [sflag:s29], $0x2800  }
0xfd: {  	[sflag:s29] =	ssyncset.done $0x0  }
0xfe: {  	[sflag:s29] =	ssyncadd.s32 $0xFFFFD800  }
0xff: {  	[spmem:s2] =	stream.indirect.scatter.add.f32 [tilespmem:s24], [sflag:$0x5], $0x80, s3, s30, $0xb8;
	[tilespmem:$0x1DE00] =	vst v63  }
0x100: {  	_ =	swait.ge [sflag:s8], $0x2800  }
0x101: {  	[sflag:s8] =	ssyncset.done $0x0  }
0x102: {  	s15 =	simm.s32 $0x6;
	[sflag:s8] =	ssyncadd.s32 $0xFFFFD800  }
0x103: {  	_ =	swait.ge [sflag:s15], $0x2800  }
0x104: {  	[sflag:s15] =	ssyncset.done $0x0  }
0x105: {  	s16 =	simm.s32 $0x7;
	[sflag:s15] =	ssyncadd.s32 $0xFFFFD800  }
0x106: {  	_ =	swait.ge [sflag:s16], $0x2800  }
0x107: {  	[sflag:s16] =	ssyncset.done $0x0  }
0x108: {  	s17 =	simm.s32 $0x8;
	[sflag:s16] =	ssyncadd.s32 $0xFFFFD800  }
0x109: {  	_ =	swait.ge [sflag:s17], $0x2800  }
0x10a: {  	[sflag:s17] =	ssyncset.done $0x0  }
0x10b: {  	s18 =	stileid.u32;
	[sflag:s17] =	ssyncadd.s32 $0xFFFFD800  }
0x10c: {  	s11 =	sshll.u32 s18, $0x6;
	[bflag:$0x0] =	sbarrier.arrive $0xFFFF  }
0x10d: {  	s20 =	sshrl.u32 s10, $0x3;
	s11 =	sor.u32 $0x1C09, s11;
	s21 =	rddreg [dreg:$0x8]  }
0x10e: {  	[hbm:s21], [sflag:s11] =	dma.local [spmem:s20], $0x2780  }
0x10f: {  	_ =	swait.ge [sflag:s25], $0x2780  }
0x110: {  	s14 =	sadd.s32 $0x1, s14;
	s22 =	rddreg [dreg:$0x9]  }
0x111: {  	p0 =	sne.s32 s14, s22  }
.Ltmp2:
0x112: {  	_ = 	snop;
	(pc) =	sbr.rel @p0 .LBB2_1-.Ltmp2, $3  }
0x113: {  	_ =	sdelay $0x1  }
0x114: {  	[sflag:s25] =	ssyncset.done $0x0  }
0x115: {  	[sflag:s25] =	ssyncadd.s32 $0xFFFFD880  }
0x116: {  	_ =	sfence.sel $0x180000  }
0x117: {  	[bflag:$0x0] =	sbarrier.arrive $0xFFFF  }
0x118: {  	_ =	strace $0x9000004D  }
0x119: {  	s0 =	stileid.u32;
	[bflag:$0x2] =	sbarrier.arrive $0xFFFF  }
0x11a: {  	p0 =	sne.s32 s0, $0x0;
	s0 =	rddreg [dreg:$0x3]  }
0x11b: {  	s0 =	sadd.s32 @!p0 $0x100000, s0  }
0x11c: {  	[sflag:s0] =	ssyncadd.tile.s32 @!p0 $0x1;
	_ =	shalt  }
.Lfunc_end2:
_tile_overlayer_lowered:
.L_overlay_start_2:
0x11d: {  	(tag) =	ssettag $0x2  }
0x11e: {  	s0 =	rddreg [dreg:$0x0];
	s2 =	stileid.u32  }
0x11f: {  	s1 =	rddreg [dreg:$0x1];
	p0 =	sne.s32 s2, $0x0  }
0x120: {  	s3 =	rddreg [dreg:$0x2];
	[bflag:$0x3] =	sbarrier.arrive $0xFFFF;
	s2 =	simm.s32 @!p0 $0x1C09  }
0x121: {  	[timem:s3], [sflag:s2] =	dma.local @!p0 [hbm:s0], s1  }
0x122: {  	s0 =	simm.s32 @!p0 $0x9  }
0x123: {  	_ =	swait.ge @!p0 [sflag:s0], s1  }
0x124: {  	s1 =	ssub.s32 @!p0 $0x0, s1;
	[sflag:s0] =	ssyncset.done @!p0 $0x0  }
0x125: {  	[sflag:s0] =	ssyncadd.s32 @!p0 s1  }
0x126: {  	[bflag:$0x3] =	sbarrier.arrive $0xFFFF  }
0x127: {  	_ =	shalt  }

</sc_bundles>
